<compile_context>
chip_gen: v7x
topology: tpu7x:2x2x1
jax: 0.10.2.dev20260603
libtpu: 0.0.44.dev20260713+nightly
codegen_flags: <defaults>
</compile_context>

<pallas_src>
import functools

import jax
import jax.numpy as jnp
from jax import lax
from jax.experimental import pallas as pl
from jax.experimental.pallas import tpu as pltpu
from jax.experimental.pallas import tpu_sc as plsc

_K = 65536
_DIM = 128
_B = 16384
_PTR = 60000
_SIZE = 0
_TAIL = _K - _PTR
_WRAP = _B - _TAIL
_MID = _PTR - _WRAP

_NC = 1
_NS = 16
_NW = _NC * _NS
_PIECE = 8192


def _build_small_tasks():
    segs = []
    for i in range(3):
        segs += [
            (i, _TAIL, i, 0, _WRAP),
            (i + 3, _WRAP, i, _WRAP, _MID),
            (i, 0, i, _PTR, _TAIL),
        ]
    pieces = []
    for src, so, dst, do, n in segs:
        while n > 0:
            take = min(n, _PIECE)
            pieces.append((src, so, dst, do, take))
            so += take
            do += take
            n -= take
    tasks = [[] for _ in range(_NW)]
    for i, p in enumerate(pieces):
        tasks[i % _NW].append(p)
    return tasks

_SMALL_TASKS = _build_small_tasks()


_ZCHUNK = 2048


def _z_chunks():
    segs = [
        (0, _TAIL, 0, _WRAP),
        (1, _WRAP, _WRAP, _MID),
        (0, 0, _PTR, _TAIL),
    ]
    chunks = []
    for src, so, do, n in segs:
        while n > 0:
            take = min(n, _ZCHUNK)
            chunks.append((src, so, do, take))
            so += take
            do += take
            n -= take
    return chunks

_Z_CHUNKS = _z_chunks()


_ZBUFS = 10


def _z_body(z_new, z_buf, z_out, *rest):
    bufs, (in_sems, out_sems) = rest[:_ZBUFS], rest[_ZBUFS:]
    srcs = (z_new, z_buf)
    cps = []
    for i, (src, so, do, n) in enumerate(_Z_CHUNKS):
        buf = bufs[i % _ZBUFS].at[pl.ds(0, n), :]
        cps.append((
            pltpu.make_async_copy(
                srcs[src].at[pl.ds(so, n), :], buf, in_sems.at[i % _ZBUFS]),
            pltpu.make_async_copy(
                buf, z_out.at[pl.ds(do, n), :], out_sems.at[i % _ZBUFS]),
        ))
    nch = len(cps)
    for i in range(min(_ZBUFS - 1, nch)):
        cps[i][0].start()
    out_waited = set()
    for i in range(nch):
        cin, cout = cps[i]
        cin.wait()
        cout.start()
        j = i + _ZBUFS - 1
        if j < nch:
            if i >= 1:
                cps[i - 1][1].wait()
                out_waited.add(i - 1)
            cps[j][0].start()
    for i in range(nch):
        if i not in out_waited:
            cps[i][1].wait()


def _teb_body(t_new, e_new, b_new, t_buf, e_buf, b_buf,
              t_out, e_out, b_out, vf, vi, sem):
    wid = lax.axis_index("s") * _NC + lax.axis_index("c")
    srcs = (t_new, e_new, b_new, t_buf, e_buf, b_buf)
    dsts = (t_out, e_out, b_out)
    for w, tasks in enumerate(_SMALL_TASKS):
        if not tasks:
            continue
        @pl.when(wid == w)
        def _(tasks=tasks):
            for src, so, dst, do, n in tasks:
                buf = (vi if dst == 2 else vf).at[pl.ds(0, n)]
                cin = pltpu.make_async_copy(
                    srcs[src].at[pl.ds(so, n)], buf, sem)
                cin.start()
                cin.wait()
                cout = pltpu.make_async_copy(
                    buf, dsts[dst].at[pl.ds(do, n)], sem)
                cout.start()
                cout.wait()


@functools.cache
def _make_teb():
    return pl.kernel(
        _teb_body,
        out_type=(
            jax.ShapeDtypeStruct((_K,), jnp.float32),
            jax.ShapeDtypeStruct((_K,), jnp.float32),
            jax.ShapeDtypeStruct((_K,), jnp.int32),
        ),
        mesh=plsc.VectorSubcoreMesh(
            core_axis_name="c", subcore_axis_name="s",
            num_cores=_NC, num_subcores=_NS),
        scratch_types=[
            pltpu.VMEM((_PIECE,), jnp.float32),
            pltpu.VMEM((_PIECE,), jnp.int32),
            pltpu.SemaphoreType.DMA,
        ],
    )


def kernel(z_new, t_new, e_new, b_new, z_buf, t_buf, e_buf, b_buf):
    t, e, b = _make_teb()(t_new, e_new, b_new, t_buf, e_buf, b_buf)
    z = pl.pallas_call(
        _z_body,
        out_shape=jax.ShapeDtypeStruct((_K, _DIM), jnp.float32),
        in_specs=[pl.BlockSpec(memory_space=pltpu.MemorySpace.HBM)] * 2,
        out_specs=pl.BlockSpec(memory_space=pltpu.MemorySpace.HBM),
        scratch_shapes=(
            [pltpu.VMEM((_ZCHUNK, _DIM), jnp.float32)] * _ZBUFS
            + [pltpu.SemaphoreType.DMA((_ZBUFS,))] * 2),
    )(z_new, z_buf)
    new_ptr = jnp.asarray((_PTR + _B) % _K, dtype=jnp.int32)
    new_size = jnp.asarray(min(_SIZE + _B, _K), dtype=jnp.int32)
    return (z, t, e, b, new_ptr, new_size)

# --- scband reference (transcript-rebuilt; emitter-appended) ---
"""Pipeline reference for scband-survival-queue-5282809774104 (READ-ONLY COPY).

The authoritative reference and input builder live on the scoring server;
editing this copy changes nothing except your own understanding.
"""

import jax, jax.numpy as jnp
import numpy as np

K = 65536
DIM = 128
B = 16384
PTR = 60000  # forces wrap-around: PTR + B > K
SIZE = 0


def setup_inputs(seed: int = 0) -> dict:
    key = jax.random.key(seed)
    ks = jax.random.split(key, 4)
    return {
        "z_new": jax.random.normal(ks[0], (B, DIM), dtype=jnp.float32),
        "t_new": jax.random.uniform(ks[1], (B,), dtype=jnp.float32),
        "e_new": jax.random.uniform(ks[2], (B,), dtype=jnp.float32),
        "b_new": jax.random.randint(ks[3], (B,), 0, 1000, dtype=jnp.int32),
        # queue state buffers (registered buffers in the torch module)
        "z_buf": jnp.zeros((K, DIM), dtype=jnp.float32),
        "t_buf": jnp.zeros((K,), dtype=jnp.float32),
        "e_buf": jnp.zeros((K,), dtype=jnp.float32),
        "b_buf": jnp.zeros((K,), dtype=jnp.int32),
    }


def reference(z_new, t_new, e_new, b_new, z_buf, t_buf, e_buf, b_buf):
    # FIFO enqueue with wrap-around, expressed as a modular scatter-overwrite.
    # Equivalent to the torch `place` helper: buf[p:end]=src with wrap.
    Bn = z_new.shape[0]
    idx = (PTR + jnp.arange(Bn, dtype=jnp.int32)) % K
    z = z_buf.at[idx].set(z_new)
    t = t_buf.at[idx].set(t_new)
    e = e_buf.at[idx].set(e_new)
    b = b_buf.at[idx].set(b_new)
    new_ptr = jnp.asarray((PTR + Bn) % K, dtype=jnp.int32)
    new_size = jnp.asarray(min(SIZE + Bn, K), dtype=jnp.int32)
    return (z, t, e, b, new_ptr, new_size)

if __name__ == "__main__":
    import jax
    _d = setup_inputs()
    print(jax.jit(kernel)(*tuple(_d.values())))

</pallas_src>

<mosaic_0001>
#map = affine_map<(d0, d1) -> (0)>
module attributes {stable_mosaic.version = 14 : i64} {
  func.func @_teb_body(%arg0: i32, %arg1: i32, %arg2: memref<16384xf32, #tpu.memory_space<hbm>>, %arg3: memref<16384xf32, #tpu.memory_space<hbm>>, %arg4: memref<16384xi32, #tpu.memory_space<hbm>>, %arg5: memref<65536xf32, #tpu.memory_space<hbm>>, %arg6: memref<65536xf32, #tpu.memory_space<hbm>>, %arg7: memref<65536xi32, #tpu.memory_space<hbm>>, %arg8: memref<65536xf32, #tpu.memory_space<hbm>>, %arg9: memref<65536xf32, #tpu.memory_space<hbm>>, %arg10: memref<65536xi32, #tpu.memory_space<hbm>>, %arg11: memref<8192xf32, #tpu.memory_space<vmem>>, %arg12: memref<8192xi32, #tpu.memory_space<vmem>>, %arg13: memref<!tpu.dma_semaphore, #tpu.memory_space<semaphore_mem>>) attributes {dimension_semantics = [#tpu.dimension_semantics<core_parallel>, #tpu.dimension_semantics<subcore_parallel>], iteration_bounds = array<i64: 1, 16>, scalar_prefetch = 0 : i64, scratch_operands = 3 : i64, tpu.core_type = #tpu.core_type<sc_vector_subcore>, window_params = [{transform_indices = #map}, {transform_indices = #map}, {transform_indices = #map}, {transform_indices = #map}, {transform_indices = #map}, {transform_indices = #map}, {transform_indices = #map}, {transform_indices = #map}, {transform_indices = #map}]} {
    %mul3A = arith.constant 1 : i32
    %mul3A_0 = arith.muli %arg1, %mul3A : i32
    %add3A = arith.addi %mul3A_0, %arg0 : i32
    %eq3A = arith.constant 0 : i32
    %eq3A_1 = arith.cmpi eq, %add3A, %eq3A : i32
    %convert_element_type3A = arith.extui %eq3A_1 : i1 to i32
    %cond3A = arith.constant 0 : i32
    %cond3A_2 = arith.cmpi ne, %convert_element_type3A, %cond3A : i32
    scf.if %cond3A_2 {
      %dma_start3A = arith.constant 0 : i32
      %dma_start3A_78 = tpu.memref_slice %arg11[%dma_start3A] : memref<8192xf32, #tpu.memory_space<vmem>> -> memref<8192xf32, #tpu.memory_space<vmem>>
      %dma_start3A_79 = arith.constant 5536 : i32
      %dma_start3A_80 = tpu.memref_slice %arg2[%dma_start3A_79] : memref<16384xf32, #tpu.memory_space<hbm>> -> memref<8192xf32, #tpu.memory_space<hbm>>
      %dma_start3A_81 = arith.constant 0 : i32
      %dma_start3A_82 = tpu.memref_slice %arg11[%dma_start3A_81] : memref<8192xf32, #tpu.memory_space<vmem>> -> memref<8192xf32, #tpu.memory_space<vmem>>
      %dma_start3A_83 = arith.constant 5536 : i32
      %dma_start3A_84 = tpu.memref_slice %arg2[%dma_start3A_83] : memref<16384xf32, #tpu.memory_space<hbm>> -> memref<8192xf32, #tpu.memory_space<hbm>>
      tpu.enqueue_dma source(%dma_start3A_84 : memref<8192xf32, #tpu.memory_space<hbm>>) target(%dma_start3A_82 : memref<8192xf32, #tpu.memory_space<vmem>>) target_semaphore(%arg13 : memref<!tpu.dma_semaphore, #tpu.memory_space<semaphore_mem>>)
      %dma_wait3A = arith.constant 0 : i32
      %dma_wait3A_85 = tpu.memref_slice %arg11[%dma_wait3A] : memref<8192xf32, #tpu.memory_space<vmem>> -> memref<8192xf32, #tpu.memory_space<vmem>>
      %dma_wait3A_86 = arith.constant 5536 : i32
      %dma_wait3A_87 = tpu.memref_slice %arg2[%dma_wait3A_86] : memref<16384xf32, #tpu.memory_space<hbm>> -> memref<8192xf32, #tpu.memory_space<hbm>>
      %dma_wait3A_88 = arith.constant 0 : i32
      %dma_wait3A_89 = tpu.memref_slice %arg11[%dma_wait3A_88] : memref<8192xf32, #tpu.memory_space<vmem>> -> memref<8192xf32, #tpu.memory_space<vmem>>
      %dma_wait3A_90 = arith.constant 5536 : i32
      %dma_wait3A_91 = tpu.memref_slice %arg2[%dma_wait3A_90] : memref<16384xf32, #tpu.memory_space<hbm>> -> memref<8192xf32, #tpu.memory_space<hbm>>
      tpu.wait_dma2 semaphore(%arg13 : memref<!tpu.dma_semaphore, #tpu.memory_space<semaphore_mem>>) src(%dma_wait3A_91 : memref<8192xf32, #tpu.memory_space<hbm>>) dst(%dma_wait3A_89 : memref<8192xf32, #tpu.memory_space<vmem>>)
      %dma_start3A_92 = arith.constant 0 : i32
      %dma_start3A_93 = tpu.memref_slice %arg11[%dma_start3A_92] : memref<8192xf32, #tpu.memory_space<vmem>> -> memref<8192xf32, #tpu.memory_space<vmem>>
      %dma_start3A_94 = arith.constant 0 : i32
      %dma_start3A_95 = tpu.memref_slice %arg8[%dma_start3A_94] : memref<65536xf32, #tpu.memory_space<hbm>> -> memref<8192xf32, #tpu.memory_space<hbm>>
      %dma_start3A_96 = arith.constant 0 : i32
      %dma_start3A_97 = tpu.memref_slice %arg8[%dma_start3A_96] : memref<65536xf32, #tpu.memory_space<hbm>> -> memref<8192xf32, #tpu.memory_space<hbm>>
      %dma_start3A_98 = arith.constant 0 : i32
      %dma_start3A_99 = tpu.memref_slice %arg11[%dma_start3A_98] : memref<8192xf32, #tpu.memory_space<vmem>> -> memref<8192xf32, #tpu.memory_space<vmem>>
      tpu.enqueue_dma source(%dma_start3A_99 : memref<8192xf32, #tpu.memory_space<vmem>>) target(%dma_start3A_97 : memref<8192xf32, #tpu.memory_space<hbm>>) target_semaphore(%arg13 : memref<!tpu.dma_semaphore, #tpu.memory_space<semaphore_mem>>)
      %dma_wait3A_100 = arith.constant 0 : i32
      %dma_wait3A_101 = tpu.memref_slice %arg11[%dma_wait3A_100] : memref<8192xf32, #tpu.memory_space<vmem>> -> memref<8192xf32, #tpu.memory_space<vmem>>
      %dma_wait3A_102 = arith.constant 0 : i32
      %dma_wait3A_103 = tpu.memref_slice %arg8[%dma_wait3A_102] : memref<65536xf32, #tpu.memory_space<hbm>> -> memref<8192xf32, #tpu.memory_space<hbm>>
      %dma_wait3A_104 = arith.constant 0 : i32
      %dma_wait3A_105 = tpu.memref_slice %arg8[%dma_wait3A_104] : memref<65536xf32, #tpu.memory_space<hbm>> -> memref<8192xf32, #tpu.memory_space<hbm>>
      %dma_wait3A_106 = arith.constant 0 : i32
      %dma_wait3A_107 = tpu.memref_slice %arg11[%dma_wait3A_106] : memref<8192xf32, #tpu.memory_space<vmem>> -> memref<8192xf32, #tpu.memory_space<vmem>>
      tpu.wait_dma2 semaphore(%arg13 : memref<!tpu.dma_semaphore, #tpu.memory_space<semaphore_mem>>) src(%dma_wait3A_107 : memref<8192xf32, #tpu.memory_space<vmem>>) dst(%dma_wait3A_105 : memref<8192xf32, #tpu.memory_space<hbm>>)
      %dma_start3A_108 = arith.constant 0 : i32
      %dma_start3A_109 = tpu.memref_slice %arg11[%dma_start3A_108] : memref<8192xf32, #tpu.memory_space<vmem>> -> memref<8192xf32, #tpu.memory_space<vmem>>
      %dma_start3A_110 = arith.constant 51808 : i32
      %dma_start3A_111 = tpu.memref_slice %arg6[%dma_start3A_110] : memref<65536xf32, #tpu.memory_space<hbm>> -> memref<8192xf32, #tpu.memory_space<hbm>>
      %dma_start3A_112 = arith.constant 0 : i32
      %dma_start3A_113 = tpu.memref_slice %arg11[%dma_start3A_112] : memref<8192xf32, #tpu.memory_space<vmem>> -> memref<8192xf32, #tpu.memory_space<vmem>>
      %dma_start3A_114 = arith.constant 51808 : i32
      %dma_start3A_115 = tpu.memref_slice %arg6[%dma_start3A_114] : memref<65536xf32, #tpu.memory_space<hbm>> -> memref<8192xf32, #tpu.memory_space<hbm>>
      tpu.enqueue_dma source(%dma_start3A_115 : memref<8192xf32, #tpu.memory_space<hbm>>) target(%dma_start3A_113 : memref<8192xf32, #tpu.memory_space<vmem>>) target_semaphore(%arg13 : memref<!tpu.dma_semaphore, #tpu.memory_space<semaphore_mem>>)
      %dma_wait3A_116 = arith.constant 0 : i32
      %dma_wait3A_117 = tpu.memref_slice %arg11[%dma_wait3A_116] : memref<8192xf32, #tpu.memory_space<vmem>> -> memref<8192xf32, #tpu.memory_space<vmem>>
      %dma_wait3A_118 = arith.constant 51808 : i32
      %dma_wait3A_119 = tpu.memref_slice %arg6[%dma_wait3A_118] : memref<65536xf32, #tpu.memory_space<hbm>> -> memref<8192xf32, #tpu.memory_space<hbm>>
      %dma_wait3A_120 = arith.constant 0 : i32
      %dma_wait3A_121 = tpu.memref_slice %arg11[%dma_wait3A_120] : memref<8192xf32, #tpu.memory_space<vmem>> -> memref<8192xf32, #tpu.memory_space<vmem>>
      %dma_wait3A_122 = arith.constant 51808 : i32
      %dma_wait3A_123 = tpu.memref_slice %arg6[%dma_wait3A_122] : memref<65536xf32, #tpu.memory_space<hbm>> -> memref<8192xf32, #tpu.memory_space<hbm>>
      tpu.wait_dma2 semaphore(%arg13 : memref<!tpu.dma_semaphore, #tpu.memory_space<semaphore_mem>>) src(%dma_wait3A_123 : memref<8192xf32, #tpu.memory_space<hbm>>) dst(%dma_wait3A_121 : memref<8192xf32, #tpu.memory_space<vmem>>)
      %dma_start3A_124 = arith.constant 0 : i32
      %dma_start3A_125 = tpu.memref_slice %arg11[%dma_start3A_124] : memref<8192xf32, #tpu.memory_space<vmem>> -> memref<8192xf32, #tpu.memory_space<vmem>>
      %dma_start3A_126 = arith.constant 51808 : i32
      %dma_start3A_127 = tpu.memref_slice %arg9[%dma_start3A_126] : memref<65536xf32, #tpu.memory_space<hbm>> -> memref<8192xf32, #tpu.memory_space<hbm>>
      %dma_start3A_128 = arith.constant 51808 : i32
      %dma_start3A_129 = tpu.memref_slice %arg9[%dma_start3A_128] : memref<65536xf32, #tpu.memory_space<hbm>> -> memref<8192xf32, #tpu.memory_space<hbm>>
      %dma_start3A_130 = arith.constant 0 : i32
      %dma_start3A_131 = tpu.memref_slice %arg11[%dma_start3A_130] : memref<8192xf32, #tpu.memory_space<vmem>> -> memref<8192xf32, #tpu.memory_space<vmem>>
      tpu.enqueue_dma source(%dma_start3A_131 : memref<8192xf32, #tpu.memory_space<vmem>>) target(%dma_start3A_129 : memref<8192xf32, #tpu.memory_space<hbm>>) target_semaphore(%arg13 : memref<!tpu.dma_semaphore, #tpu.memory_space<semaphore_mem>>)
      %dma_wait3A_132 = arith.constant 0 : i32
      %dma_wait3A_133 = tpu.memref_slice %arg11[%dma_wait3A_132] : memref<8192xf32, #tpu.memory_space<vmem>> -> memref<8192xf32, #tpu.memory_space<vmem>>
      %dma_wait3A_134 = arith.constant 51808 : i32
      %dma_wait3A_135 = tpu.memref_slice %arg9[%dma_wait3A_134] : memref<65536xf32, #tpu.memory_space<hbm>> -> memref<8192xf32, #tpu.memory_space<hbm>>
      %dma_wait3A_136 = arith.constant 51808 : i32
      %dma_wait3A_137 = tpu.memref_slice %arg9[%dma_wait3A_136] : memref<65536xf32, #tpu.memory_space<hbm>> -> memref<8192xf32, #tpu.memory_space<hbm>>
      %dma_wait3A_138 = arith.constant 0 : i32
      %dma_wait3A_139 = tpu.memref_slice %arg11[%dma_wait3A_138] : memref<8192xf32, #tpu.memory_space<vmem>> -> memref<8192xf32, #tpu.memory_space<vmem>>
      tpu.wait_dma2 semaphore(%arg13 : memref<!tpu.dma_semaphore, #tpu.memory_space<semaphore_mem>>) src(%dma_wait3A_139 : memref<8192xf32, #tpu.memory_space<vmem>>) dst(%dma_wait3A_137 : memref<8192xf32, #tpu.memory_space<hbm>>)
    } else {
    }
    %eq3A_3 = arith.constant 1 : i32
    %eq3A_4 = arith.cmpi eq, %add3A, %eq3A_3 : i32
    %convert_element_type3A_5 = arith.extui %eq3A_4 : i1 to i32
    %cond3A_6 = arith.constant 0 : i32
    %cond3A_7 = arith.cmpi ne, %convert_element_type3A_5, %cond3A_6 : i32
    scf.if %cond3A_7 {
      %dma_start3A = arith.constant 0 : i32
      %dma_start3A_78 = tpu.memref_slice %arg11[%dma_start3A] : memref<8192xf32, #tpu.memory_space<vmem>> -> memref<2656xf32, #tpu.memory_space<vmem>>
      %dma_start3A_79 = arith.constant 13728 : i32
      %dma_start3A_80 = tpu.memref_slice %arg2[%dma_start3A_79] : memref<16384xf32, #tpu.memory_space<hbm>> -> memref<2656xf32, #tpu.memory_space<hbm>>
      %dma_start3A_81 = arith.constant 0 : i32
      %dma_start3A_82 = tpu.memref_slice %arg11[%dma_start3A_81] : memref<8192xf32, #tpu.memory_space<vmem>> -> memref<2656xf32, #tpu.memory_space<vmem>>
      %dma_start3A_83 = arith.constant 13728 : i32
      %dma_start3A_84 = tpu.memref_slice %arg2[%dma_start3A_83] : memref<16384xf32, #tpu.memory_space<hbm>> -> memref<2656xf32, #tpu.memory_space<hbm>>
      tpu.enqueue_dma source(%dma_start3A_84 : memref<2656xf32, #tpu.memory_space<hbm>>) target(%dma_start3A_82 : memref<2656xf32, #tpu.memory_space<vmem>>) target_semaphore(%arg13 : memref<!tpu.dma_semaphore, #tpu.memory_space<semaphore_mem>>)
      %dma_wait3A = arith.constant 0 : i32
      %dma_wait3A_85 = tpu.memref_slice %arg11[%dma_wait3A] : memref<8192xf32, #tpu.memory_space<vmem>> -> memref<2656xf32, #tpu.memory_space<vmem>>
      %dma_wait3A_86 = arith.constant 13728 : i32
      %dma_wait3A_87 = tpu.memref_slice %arg2[%dma_wait3A_86] : memref<16384xf32, #tpu.memory_space<hbm>> -> memref<2656xf32, #tpu.memory_space<hbm>>
      %dma_wait3A_88 = arith.constant 0 : i32
      %dma_wait3A_89 = tpu.memref_slice %arg11[%dma_wait3A_88] : memref<8192xf32, #tpu.memory_space<vmem>> -> memref<2656xf32, #tpu.memory_space<vmem>>
      %dma_wait3A_90 = arith.constant 13728 : i32
      %dma_wait3A_91 = tpu.memref_slice %arg2[%dma_wait3A_90] : memref<16384xf32, #tpu.memory_space<hbm>> -> memref<2656xf32, #tpu.memory_space<hbm>>
      tpu.wait_dma2 semaphore(%arg13 : memref<!tpu.dma_semaphore, #tpu.memory_space<semaphore_mem>>) src(%dma_wait3A_91 : memref<2656xf32, #tpu.memory_space<hbm>>) dst(%dma_wait3A_89 : memref<2656xf32, #tpu.memory_space<vmem>>)
      %dma_start3A_92 = arith.constant 0 : i32
      %dma_start3A_93 = tpu.memref_slice %arg11[%dma_start3A_92] : memref<8192xf32, #tpu.memory_space<vmem>> -> memref<2656xf32, #tpu.memory_space<vmem>>
      %dma_start3A_94 = arith.constant 8192 : i32
      %dma_start3A_95 = tpu.memref_slice %arg8[%dma_start3A_94] : memref<65536xf32, #tpu.memory_space<hbm>> -> memref<2656xf32, #tpu.memory_space<hbm>>
      %dma_start3A_96 = arith.constant 8192 : i32
      %dma_start3A_97 = tpu.memref_slice %arg8[%dma_start3A_96] : memref<65536xf32, #tpu.memory_space<hbm>> -> memref<2656xf32, #tpu.memory_space<hbm>>
      %dma_start3A_98 = arith.constant 0 : i32
      %dma_start3A_99 = tpu.memref_slice %arg11[%dma_start3A_98] : memref<8192xf32, #tpu.memory_space<vmem>> -> memref<2656xf32, #tpu.memory_space<vmem>>
      tpu.enqueue_dma source(%dma_start3A_99 : memref<2656xf32, #tpu.memory_space<vmem>>) target(%dma_start3A_97 : memref<2656xf32, #tpu.memory_space<hbm>>) target_semaphore(%arg13 : memref<!tpu.dma_semaphore, #tpu.memory_space<semaphore_mem>>)
      %dma_wait3A_100 = arith.constant 0 : i32
      %dma_wait3A_101 = tpu.memref_slice %arg11[%dma_wait3A_100] : memref<8192xf32, #tpu.memory_space<vmem>> -> memref<2656xf32, #tpu.memory_space<vmem>>
      %dma_wait3A_102 = arith.constant 8192 : i32
      %dma_wait3A_103 = tpu.memref_slice %arg8[%dma_wait3A_102] : memref<65536xf32, #tpu.memory_space<hbm>> -> memref<2656xf32, #tpu.memory_space<hbm>>
      %dma_wait3A_104 = arith.constant 8192 : i32
      %dma_wait3A_105 = tpu.memref_slice %arg8[%dma_wait3A_104] : memref<65536xf32, #tpu.memory_space<hbm>> -> memref<2656xf32, #tpu.memory_space<hbm>>
      %dma_wait3A_106 = arith.constant 0 : i32
      %dma_wait3A_107 = tpu.memref_slice %arg11[%dma_wait3A_106] : memref<8192xf32, #tpu.memory_space<vmem>> -> memref<2656xf32, #tpu.memory_space<vmem>>
      tpu.wait_dma2 semaphore(%arg13 : memref<!tpu.dma_semaphore, #tpu.memory_space<semaphore_mem>>) src(%dma_wait3A_107 : memref<2656xf32, #tpu.memory_space<vmem>>) dst(%dma_wait3A_105 : memref<2656xf32, #tpu.memory_space<hbm>>)
      %dma_start3A_108 = arith.constant 0 : i32
      %dma_start3A_109 = tpu.memref_slice %arg11[%dma_start3A_108] : memref<8192xf32, #tpu.memory_space<vmem>> -> memref<5536xf32, #tpu.memory_space<vmem>>
      %dma_start3A_110 = arith.constant 0 : i32
      %dma_start3A_111 = tpu.memref_slice %arg3[%dma_start3A_110] : memref<16384xf32, #tpu.memory_space<hbm>> -> memref<5536xf32, #tpu.memory_space<hbm>>
      %dma_start3A_112 = arith.constant 0 : i32
      %dma_start3A_113 = tpu.memref_slice %arg11[%dma_start3A_112] : memref<8192xf32, #tpu.memory_space<vmem>> -> memref<5536xf32, #tpu.memory_space<vmem>>
      %dma_start3A_114 = arith.constant 0 : i32
      %dma_start3A_115 = tpu.memref_slice %arg3[%dma_start3A_114] : memref<16384xf32, #tpu.memory_space<hbm>> -> memref<5536xf32, #tpu.memory_space<hbm>>
      tpu.enqueue_dma source(%dma_start3A_115 : memref<5536xf32, #tpu.memory_space<hbm>>) target(%dma_start3A_113 : memref<5536xf32, #tpu.memory_space<vmem>>) target_semaphore(%arg13 : memref<!tpu.dma_semaphore, #tpu.memory_space<semaphore_mem>>)
      %dma_wait3A_116 = arith.constant 0 : i32
      %dma_wait3A_117 = tpu.memref_slice %arg11[%dma_wait3A_116] : memref<8192xf32, #tpu.memory_space<vmem>> -> memref<5536xf32, #tpu.memory_space<vmem>>
      %dma_wait3A_118 = arith.constant 0 : i32
      %dma_wait3A_119 = tpu.memref_slice %arg3[%dma_wait3A_118] : memref<16384xf32, #tpu.memory_space<hbm>> -> memref<5536xf32, #tpu.memory_space<hbm>>
      %dma_wait3A_120 = arith.constant 0 : i32
      %dma_wait3A_121 = tpu.memref_slice %arg11[%dma_wait3A_120] : memref<8192xf32, #tpu.memory_space<vmem>> -> memref<5536xf32, #tpu.memory_space<vmem>>
      %dma_wait3A_122 = arith.constant 0 : i32
      %dma_wait3A_123 = tpu.memref_slice %arg3[%dma_wait3A_122] : memref<16384xf32, #tpu.memory_space<hbm>> -> memref<5536xf32, #tpu.memory_space<hbm>>
      tpu.wait_dma2 semaphore(%arg13 : memref<!tpu.dma_semaphore, #tpu.memory_space<semaphore_mem>>) src(%dma_wait3A_123 : memref<5536xf32, #tpu.memory_space<hbm>>) dst(%dma_wait3A_121 : memref<5536xf32, #tpu.memory_space<vmem>>)
      %dma_start3A_124 = arith.constant 0 : i32
      %dma_start3A_125 = tpu.memref_slice %arg11[%dma_start3A_124] : memref<8192xf32, #tpu.memory_space<vmem>> -> memref<5536xf32, #tpu.memory_space<vmem>>
      %dma_start3A_126 = arith.constant 60000 : i32
      %dma_start3A_127 = tpu.memref_slice %arg9[%dma_start3A_126] : memref<65536xf32, #tpu.memory_space<hbm>> -> memref<5536xf32, #tpu.memory_space<hbm>>
      %dma_start3A_128 = arith.constant 60000 : i32
      %dma_start3A_129 = tpu.memref_slice %arg9[%dma_start3A_128] : memref<65536xf32, #tpu.memory_space<hbm>> -> memref<5536xf32, #tpu.memory_space<hbm>>
      %dma_start3A_130 = arith.constant 0 : i32
      %dma_start3A_131 = tpu.memref_slice %arg11[%dma_start3A_130] : memref<8192xf32, #tpu.memory_space<vmem>> -> memref<5536xf32, #tpu.memory_space<vmem>>
      tpu.enqueue_dma source(%dma_start3A_131 : memref<5536xf32, #tpu.memory_space<vmem>>) target(%dma_start3A_129 : memref<5536xf32, #tpu.memory_space<hbm>>) target_semaphore(%arg13 : memref<!tpu.dma_semaphore, #tpu.memory_space<semaphore_mem>>)
      %dma_wait3A_132 = arith.constant 0 : i32
      %dma_wait3A_133 = tpu.memref_slice %arg11[%dma_wait3A_132] : memref<8192xf32, #tpu.memory_space<vmem>> -> memref<5536xf32, #tpu.memory_space<vmem>>
      %dma_wait3A_134 = arith.constant 60000 : i32
      %dma_wait3A_135 = tpu.memref_slice %arg9[%dma_wait3A_134] : memref<65536xf32, #tpu.memory_space<hbm>> -> memref<5536xf32, #tpu.memory_space<hbm>>
      %dma_wait3A_136 = arith.constant 60000 : i32
      %dma_wait3A_137 = tpu.memref_slice %arg9[%dma_wait3A_136] : memref<65536xf32, #tpu.memory_space<hbm>> -> memref<5536xf32, #tpu.memory_space<hbm>>
      %dma_wait3A_138 = arith.constant 0 : i32
      %dma_wait3A_139 = tpu.memref_slice %arg11[%dma_wait3A_138] : memref<8192xf32, #tpu.memory_space<vmem>> -> memref<5536xf32, #tpu.memory_space<vmem>>
      tpu.wait_dma2 semaphore(%arg13 : memref<!tpu.dma_semaphore, #tpu.memory_space<semaphore_mem>>) src(%dma_wait3A_139 : memref<5536xf32, #tpu.memory_space<vmem>>) dst(%dma_wait3A_137 : memref<5536xf32, #tpu.memory_space<hbm>>)
    } else {
    }
    %eq3A_8 = arith.constant 2 : i32
    %eq3A_9 = arith.cmpi eq, %add3A, %eq3A_8 : i32
    %convert_element_type3A_10 = arith.extui %eq3A_9 : i1 to i32
    %cond3A_11 = arith.constant 0 : i32
    %cond3A_12 = arith.cmpi ne, %convert_element_type3A_10, %cond3A_11 : i32
    scf.if %cond3A_12 {
      %dma_start3A = arith.constant 0 : i32
      %dma_start3A_78 = tpu.memref_slice %arg11[%dma_start3A] : memref<8192xf32, #tpu.memory_space<vmem>> -> memref<8192xf32, #tpu.memory_space<vmem>>
      %dma_start3A_79 = arith.constant 10848 : i32
      %dma_start3A_80 = tpu.memref_slice %arg5[%dma_start3A_79] : memref<65536xf32, #tpu.memory_space<hbm>> -> memref<8192xf32, #tpu.memory_space<hbm>>
      %dma_start3A_81 = arith.constant 0 : i32
      %dma_start3A_82 = tpu.memref_slice %arg11[%dma_start3A_81] : memref<8192xf32, #tpu.memory_space<vmem>> -> memref<8192xf32, #tpu.memory_space<vmem>>
      %dma_start3A_83 = arith.constant 10848 : i32
      %dma_start3A_84 = tpu.memref_slice %arg5[%dma_start3A_83] : memref<65536xf32, #tpu.memory_space<hbm>> -> memref<8192xf32, #tpu.memory_space<hbm>>
      tpu.enqueue_dma source(%dma_start3A_84 : memref<8192xf32, #tpu.memory_space<hbm>>) target(%dma_start3A_82 : memref<8192xf32, #tpu.memory_space<vmem>>) target_semaphore(%arg13 : memref<!tpu.dma_semaphore, #tpu.memory_space<semaphore_mem>>)
      %dma_wait3A = arith.constant 0 : i32
      %dma_wait3A_85 = tpu.memref_slice %arg11[%dma_wait3A] : memref<8192xf32, #tpu.memory_space<vmem>> -> memref<8192xf32, #tpu.memory_space<vmem>>
      %dma_wait3A_86 = arith.constant 10848 : i32
      %dma_wait3A_87 = tpu.memref_slice %arg5[%dma_wait3A_86] : memref<65536xf32, #tpu.memory_space<hbm>> -> memref<8192xf32, #tpu.memory_space<hbm>>
      %dma_wait3A_88 = arith.constant 0 : i32
      %dma_wait3A_89 = tpu.memref_slice %arg11[%dma_wait3A_88] : memref<8192xf32, #tpu.memory_space<vmem>> -> memref<8192xf32, #tpu.memory_space<vmem>>
      %dma_wait3A_90 = arith.constant 10848 : i32
      %dma_wait3A_91 = tpu.memref_slice %arg5[%dma_wait3A_90] : memref<65536xf32, #tpu.memory_space<hbm>> -> memref<8192xf32, #tpu.memory_space<hbm>>
      tpu.wait_dma2 semaphore(%arg13 : memref<!tpu.dma_semaphore, #tpu.memory_space<semaphore_mem>>) src(%dma_wait3A_91 : memref<8192xf32, #tpu.memory_space<hbm>>) dst(%dma_wait3A_89 : memref<8192xf32, #tpu.memory_space<vmem>>)
      %dma_start3A_92 = arith.constant 0 : i32
      %dma_start3A_93 = tpu.memref_slice %arg11[%dma_start3A_92] : memref<8192xf32, #tpu.memory_space<vmem>> -> memref<8192xf32, #tpu.memory_space<vmem>>
      %dma_start3A_94 = arith.constant 10848 : i32
      %dma_start3A_95 = tpu.memref_slice %arg8[%dma_start3A_94] : memref<65536xf32, #tpu.memory_space<hbm>> -> memref<8192xf32, #tpu.memory_space<hbm>>
      %dma_start3A_96 = arith.constant 10848 : i32
      %dma_start3A_97 = tpu.memref_slice %arg8[%dma_start3A_96] : memref<65536xf32, #tpu.memory_space<hbm>> -> memref<8192xf32, #tpu.memory_space<hbm>>
      %dma_start3A_98 = arith.constant 0 : i32
      %dma_start3A_99 = tpu.memref_slice %arg11[%dma_start3A_98] : memref<8192xf32, #tpu.memory_space<vmem>> -> memref<8192xf32, #tpu.memory_space<vmem>>
      tpu.enqueue_dma source(%dma_start3A_99 : memref<8192xf32, #tpu.memory_space<vmem>>) target(%dma_start3A_97 : memref<8192xf32, #tpu.memory_space<hbm>>) target_semaphore(%arg13 : memref<!tpu.dma_semaphore, #tpu.memory_space<semaphore_mem>>)
      %dma_wait3A_100 = arith.constant 0 : i32
      %dma_wait3A_101 = tpu.memref_slice %arg11[%dma_wait3A_100] : memref<8192xf32, #tpu.memory_space<vmem>> -> memref<8192xf32, #tpu.memory_space<vmem>>
      %dma_wait3A_102 = arith.constant 10848 : i32
      %dma_wait3A_103 = tpu.memref_slice %arg8[%dma_wait3A_102] : memref<65536xf32, #tpu.memory_space<hbm>> -> memref<8192xf32, #tpu.memory_space<hbm>>
      %dma_wait3A_104 = arith.constant 10848 : i32
      %dma_wait3A_105 = tpu.memref_slice %arg8[%dma_wait3A_104] : memref<65536xf32, #tpu.memory_space<hbm>> -> memref<8192xf32, #tpu.memory_space<hbm>>
      %dma_wait3A_106 = arith.constant 0 : i32
      %dma_wait3A_107 = tpu.memref_slice %arg11[%dma_wait3A_106] : memref<8192xf32, #tpu.memory_space<vmem>> -> memref<8192xf32, #tpu.memory_space<vmem>>
      tpu.wait_dma2 semaphore(%arg13 : memref<!tpu.dma_semaphore, #tpu.memory_space<semaphore_mem>>) src(%dma_wait3A_107 : memref<8192xf32, #tpu.memory_space<vmem>>) dst(%dma_wait3A_105 : memref<8192xf32, #tpu.memory_space<hbm>>)
      %dma_start3A_108 = arith.constant 0 : i32
      %dma_start3A_109 = tpu.memref_slice %arg12[%dma_start3A_108] : memref<8192xi32, #tpu.memory_space<vmem>> -> memref<8192xi32, #tpu.memory_space<vmem>>
      %dma_start3A_110 = arith.constant 5536 : i32
      %dma_start3A_111 = tpu.memref_slice %arg4[%dma_start3A_110] : memref<16384xi32, #tpu.memory_space<hbm>> -> memref<8192xi32, #tpu.memory_space<hbm>>
      %dma_start3A_112 = arith.constant 0 : i32
      %dma_start3A_113 = tpu.memref_slice %arg12[%dma_start3A_112] : memref<8192xi32, #tpu.memory_space<vmem>> -> memref<8192xi32, #tpu.memory_space<vmem>>
      %dma_start3A_114 = arith.constant 5536 : i32
      %dma_start3A_115 = tpu.memref_slice %arg4[%dma_start3A_114] : memref<16384xi32, #tpu.memory_space<hbm>> -> memref<8192xi32, #tpu.memory_space<hbm>>
      tpu.enqueue_dma source(%dma_start3A_115 : memref<8192xi32, #tpu.memory_space<hbm>>) target(%dma_start3A_113 : memref<8192xi32, #tpu.memory_space<vmem>>) target_semaphore(%arg13 : memref<!tpu.dma_semaphore, #tpu.memory_space<semaphore_mem>>)
      %dma_wait3A_116 = arith.constant 0 : i32
      %dma_wait3A_117 = tpu.memref_slice %arg12[%dma_wait3A_116] : memref<8192xi32, #tpu.memory_space<vmem>> -> memref<8192xi32, #tpu.memory_space<vmem>>
      %dma_wait3A_118 = arith.constant 5536 : i32
      %dma_wait3A_119 = tpu.memref_slice %arg4[%dma_wait3A_118] : memref<16384xi32, #tpu.memory_space<hbm>> -> memref<8192xi32, #tpu.memory_space<hbm>>
      %dma_wait3A_120 = arith.constant 0 : i32
      %dma_wait3A_121 = tpu.memref_slice %arg12[%dma_wait3A_120] : memref<8192xi32, #tpu.memory_space<vmem>> -> memref<8192xi32, #tpu.memory_space<vmem>>
      %dma_wait3A_122 = arith.constant 5536 : i32
      %dma_wait3A_123 = tpu.memref_slice %arg4[%dma_wait3A_122] : memref<16384xi32, #tpu.memory_space<hbm>> -> memref<8192xi32, #tpu.memory_space<hbm>>
      tpu.wait_dma2 semaphore(%arg13 : memref<!tpu.dma_semaphore, #tpu.memory_space<semaphore_mem>>) src(%dma_wait3A_123 : memref<8192xi32, #tpu.memory_space<hbm>>) dst(%dma_wait3A_121 : memref<8192xi32, #tpu.memory_space<vmem>>)
      %dma_start3A_124 = arith.constant 0 : i32
      %dma_start3A_125 = tpu.memref_slice %arg12[%dma_start3A_124] : memref<8192xi32, #tpu.memory_space<vmem>> -> memref<8192xi32, #tpu.memory_space<vmem>>
      %dma_start3A_126 = arith.constant 0 : i32
      %dma_start3A_127 = tpu.memref_slice %arg10[%dma_start3A_126] : memref<65536xi32, #tpu.memory_space<hbm>> -> memref<8192xi32, #tpu.memory_space<hbm>>
      %dma_start3A_128 = arith.constant 0 : i32
      %dma_start3A_129 = tpu.memref_slice %arg10[%dma_start3A_128] : memref<65536xi32, #tpu.memory_space<hbm>> -> memref<8192xi32, #tpu.memory_space<hbm>>
      %dma_start3A_130 = arith.constant 0 : i32
      %dma_start3A_131 = tpu.memref_slice %arg12[%dma_start3A_130] : memref<8192xi32, #tpu.memory_space<vmem>> -> memref<8192xi32, #tpu.memory_space<vmem>>
      tpu.enqueue_dma source(%dma_start3A_131 : memref<8192xi32, #tpu.memory_space<vmem>>) target(%dma_start3A_129 : memref<8192xi32, #tpu.memory_space<hbm>>) target_semaphore(%arg13 : memref<!tpu.dma_semaphore, #tpu.memory_space<semaphore_mem>>)
      %dma_wait3A_132 = arith.constant 0 : i32
      %dma_wait3A_133 = tpu.memref_slice %arg12[%dma_wait3A_132] : memref<8192xi32, #tpu.memory_space<vmem>> -> memref<8192xi32, #tpu.memory_space<vmem>>
      %dma_wait3A_134 = arith.constant 0 : i32
      %dma_wait3A_135 = tpu.memref_slice %arg10[%dma_wait3A_134] : memref<65536xi32, #tpu.memory_space<hbm>> -> memref<8192xi32, #tpu.memory_space<hbm>>
      %dma_wait3A_136 = arith.constant 0 : i32
      %dma_wait3A_137 = tpu.memref_slice %arg10[%dma_wait3A_136] : memref<65536xi32, #tpu.memory_space<hbm>> -> memref<8192xi32, #tpu.memory_space<hbm>>
      %dma_wait3A_138 = arith.constant 0 : i32
      %dma_wait3A_139 = tpu.memref_slice %arg12[%dma_wait3A_138] : memref<8192xi32, #tpu.memory_space<vmem>> -> memref<8192xi32, #tpu.memory_space<vmem>>
      tpu.wait_dma2 semaphore(%arg13 : memref<!tpu.dma_semaphore, #tpu.memory_space<semaphore_mem>>) src(%dma_wait3A_139 : memref<8192xi32, #tpu.memory_space<vmem>>) dst(%dma_wait3A_137 : memref<8192xi32, #tpu.memory_space<hbm>>)
    } else {
    }
    %eq3A_13 = arith.constant 3 : i32
    %eq3A_14 = arith.cmpi eq, %add3A, %eq3A_13 : i32
    %convert_element_type3A_15 = arith.extui %eq3A_14 : i1 to i32
    %cond3A_16 = arith.constant 0 : i32
    %cond3A_17 = arith.cmpi ne, %convert_element_type3A_15, %cond3A_16 : i32
    scf.if %cond3A_17 {
      %dma_start3A = arith.constant 0 : i32
      %dma_start3A_78 = tpu.memref_slice %arg11[%dma_start3A] : memref<8192xf32, #tpu.memory_space<vmem>> -> memref<8192xf32, #tpu.memory_space<vmem>>
      %dma_start3A_79 = arith.constant 19040 : i32
      %dma_start3A_80 = tpu.memref_slice %arg5[%dma_start3A_79] : memref<65536xf32, #tpu.memory_space<hbm>> -> memref<8192xf32, #tpu.memory_space<hbm>>
      %dma_start3A_81 = arith.constant 0 : i32
      %dma_start3A_82 = tpu.memref_slice %arg11[%dma_start3A_81] : memref<8192xf32, #tpu.memory_space<vmem>> -> memref<8192xf32, #tpu.memory_space<vmem>>
      %dma_start3A_83 = arith.constant 19040 : i32
      %dma_start3A_84 = tpu.memref_slice %arg5[%dma_start3A_83] : memref<65536xf32, #tpu.memory_space<hbm>> -> memref<8192xf32, #tpu.memory_space<hbm>>
      tpu.enqueue_dma source(%dma_start3A_84 : memref<8192xf32, #tpu.memory_space<hbm>>) target(%dma_start3A_82 : memref<8192xf32, #tpu.memory_space<vmem>>) target_semaphore(%arg13 : memref<!tpu.dma_semaphore, #tpu.memory_space<semaphore_mem>>)
      %dma_wait3A = arith.constant 0 : i32
      %dma_wait3A_85 = tpu.memref_slice %arg11[%dma_wait3A] : memref<8192xf32, #tpu.memory_space<vmem>> -> memref<8192xf32, #tpu.memory_space<vmem>>
      %dma_wait3A_86 = arith.constant 19040 : i32
      %dma_wait3A_87 = tpu.memref_slice %arg5[%dma_wait3A_86] : memref<65536xf32, #tpu.memory_space<hbm>> -> memref<8192xf32, #tpu.memory_space<hbm>>
      %dma_wait3A_88 = arith.constant 0 : i32
      %dma_wait3A_89 = tpu.memref_slice %arg11[%dma_wait3A_88] : memref<8192xf32, #tpu.memory_space<vmem>> -> memref<8192xf32, #tpu.memory_space<vmem>>
      %dma_wait3A_90 = arith.constant 19040 : i32
      %dma_wait3A_91 = tpu.memref_slice %arg5[%dma_wait3A_90] : memref<65536xf32, #tpu.memory_space<hbm>> -> memref<8192xf32, #tpu.memory_space<hbm>>
      tpu.wait_dma2 semaphore(%arg13 : memref<!tpu.dma_semaphore, #tpu.memory_space<semaphore_mem>>) src(%dma_wait3A_91 : memref<8192xf32, #tpu.memory_space<hbm>>) dst(%dma_wait3A_89 : memref<8192xf32, #tpu.memory_space<vmem>>)
      %dma_start3A_92 = arith.constant 0 : i32
      %dma_start3A_93 = tpu.memref_slice %arg11[%dma_start3A_92] : memref<8192xf32, #tpu.memory_space<vmem>> -> memref<8192xf32, #tpu.memory_space<vmem>>
      %dma_start3A_94 = arith.constant 19040 : i32
      %dma_start3A_95 = tpu.memref_slice %arg8[%dma_start3A_94] : memref<65536xf32, #tpu.memory_space<hbm>> -> memref<8192xf32, #tpu.memory_space<hbm>>
      %dma_start3A_96 = arith.constant 19040 : i32
      %dma_start3A_97 = tpu.memref_slice %arg8[%dma_start3A_96] : memref<65536xf32, #tpu.memory_space<hbm>> -> memref<8192xf32, #tpu.memory_space<hbm>>
      %dma_start3A_98 = arith.constant 0 : i32
      %dma_start3A_99 = tpu.memref_slice %arg11[%dma_start3A_98] : memref<8192xf32, #tpu.memory_space<vmem>> -> memref<8192xf32, #tpu.memory_space<vmem>>
      tpu.enqueue_dma source(%dma_start3A_99 : memref<8192xf32, #tpu.memory_space<vmem>>) target(%dma_start3A_97 : memref<8192xf32, #tpu.memory_space<hbm>>) target_semaphore(%arg13 : memref<!tpu.dma_semaphore, #tpu.memory_space<semaphore_mem>>)
      %dma_wait3A_100 = arith.constant 0 : i32
      %dma_wait3A_101 = tpu.memref_slice %arg11[%dma_wait3A_100] : memref<8192xf32, #tpu.memory_space<vmem>> -> memref<8192xf32, #tpu.memory_space<vmem>>
      %dma_wait3A_102 = arith.constant 19040 : i32
      %dma_wait3A_103 = tpu.memref_slice %arg8[%dma_wait3A_102] : memref<65536xf32, #tpu.memory_space<hbm>> -> memref<8192xf32, #tpu.memory_space<hbm>>
      %dma_wait3A_104 = arith.constant 19040 : i32
      %dma_wait3A_105 = tpu.memref_slice %arg8[%dma_wait3A_104] : memref<65536xf32, #tpu.memory_space<hbm>> -> memref<8192xf32, #tpu.memory_space<hbm>>
      %dma_wait3A_106 = arith.constant 0 : i32
      %dma_wait3A_107 = tpu.memref_slice %arg11[%dma_wait3A_106] : memref<8192xf32, #tpu.memory_space<vmem>> -> memref<8192xf32, #tpu.memory_space<vmem>>
      tpu.wait_dma2 semaphore(%arg13 : memref<!tpu.dma_semaphore, #tpu.memory_space<semaphore_mem>>) src(%dma_wait3A_107 : memref<8192xf32, #tpu.memory_space<vmem>>) dst(%dma_wait3A_105 : memref<8192xf32, #tpu.memory_space<hbm>>)
      %dma_start3A_108 = arith.constant 0 : i32
      %dma_start3A_109 = tpu.memref_slice %arg12[%dma_start3A_108] : memref<8192xi32, #tpu.memory_space<vmem>> -> memref<2656xi32, #tpu.memory_space<vmem>>
      %dma_start3A_110 = arith.constant 13728 : i32
      %dma_start3A_111 = tpu.memref_slice %arg4[%dma_start3A_110] : memref<16384xi32, #tpu.memory_space<hbm>> -> memref<2656xi32, #tpu.memory_space<hbm>>
      %dma_start3A_112 = arith.constant 0 : i32
      %dma_start3A_113 = tpu.memref_slice %arg12[%dma_start3A_112] : memref<8192xi32, #tpu.memory_space<vmem>> -> memref<2656xi32, #tpu.memory_space<vmem>>
      %dma_start3A_114 = arith.constant 13728 : i32
      %dma_start3A_115 = tpu.memref_slice %arg4[%dma_start3A_114] : memref<16384xi32, #tpu.memory_space<hbm>> -> memref<2656xi32, #tpu.memory_space<hbm>>
      tpu.enqueue_dma source(%dma_start3A_115 : memref<2656xi32, #tpu.memory_space<hbm>>) target(%dma_start3A_113 : memref<2656xi32, #tpu.memory_space<vmem>>) target_semaphore(%arg13 : memref<!tpu.dma_semaphore, #tpu.memory_space<semaphore_mem>>)
      %dma_wait3A_116 = arith.constant 0 : i32
      %dma_wait3A_117 = tpu.memref_slice %arg12[%dma_wait3A_116] : memref<8192xi32, #tpu.memory_space<vmem>> -> memref<2656xi32, #tpu.memory_space<vmem>>
      %dma_wait3A_118 = arith.constant 13728 : i32
      %dma_wait3A_119 = tpu.memref_slice %arg4[%dma_wait3A_118] : memref<16384xi32, #tpu.memory_space<hbm>> -> memref<2656xi32, #tpu.memory_space<hbm>>
      %dma_wait3A_120 = arith.constant 0 : i32
      %dma_wait3A_121 = tpu.memref_slice %arg12[%dma_wait3A_120] : memref<8192xi32, #tpu.memory_space<vmem>> -> memref<2656xi32, #tpu.memory_space<vmem>>
      %dma_wait3A_122 = arith.constant 13728 : i32
      %dma_wait3A_123 = tpu.memref_slice %arg4[%dma_wait3A_122] : memref<16384xi32, #tpu.memory_space<hbm>> -> memref<2656xi32, #tpu.memory_space<hbm>>
      tpu.wait_dma2 semaphore(%arg13 : memref<!tpu.dma_semaphore, #tpu.memory_space<semaphore_mem>>) src(%dma_wait3A_123 : memref<2656xi32, #tpu.memory_space<hbm>>) dst(%dma_wait3A_121 : memref<2656xi32, #tpu.memory_space<vmem>>)
      %dma_start3A_124 = arith.constant 0 : i32
      %dma_start3A_125 = tpu.memref_slice %arg12[%dma_start3A_124] : memref<8192xi32, #tpu.memory_space<vmem>> -> memref<2656xi32, #tpu.memory_space<vmem>>
      %dma_start3A_126 = arith.constant 8192 : i32
      %dma_start3A_127 = tpu.memref_slice %arg10[%dma_start3A_126] : memref<65536xi32, #tpu.memory_space<hbm>> -> memref<2656xi32, #tpu.memory_space<hbm>>
      %dma_start3A_128 = arith.constant 8192 : i32
      %dma_start3A_129 = tpu.memref_slice %arg10[%dma_start3A_128] : memref<65536xi32, #tpu.memory_space<hbm>> -> memref<2656xi32, #tpu.memory_space<hbm>>
      %dma_start3A_130 = arith.constant 0 : i32
      %dma_start3A_131 = tpu.memref_slice %arg12[%dma_start3A_130] : memref<8192xi32, #tpu.memory_space<vmem>> -> memref<2656xi32, #tpu.memory_space<vmem>>
      tpu.enqueue_dma source(%dma_start3A_131 : memref<2656xi32, #tpu.memory_space<vmem>>) target(%dma_start3A_129 : memref<2656xi32, #tpu.memory_space<hbm>>) target_semaphore(%arg13 : memref<!tpu.dma_semaphore, #tpu.memory_space<semaphore_mem>>)
      %dma_wait3A_132 = arith.constant 0 : i32
      %dma_wait3A_133 = tpu.memref_slice %arg12[%dma_wait3A_132] : memref<8192xi32, #tpu.memory_space<vmem>> -> memref<2656xi32, #tpu.memory_space<vmem>>
      %dma_wait3A_134 = arith.constant 8192 : i32
      %dma_wait3A_135 = tpu.memref_slice %arg10[%dma_wait3A_134] : memref<65536xi32, #tpu.memory_space<hbm>> -> memref<2656xi32, #tpu.memory_space<hbm>>
      %dma_wait3A_136 = arith.constant 8192 : i32
      %dma_wait3A_137 = tpu.memref_slice %arg10[%dma_wait3A_136] : memref<65536xi32, #tpu.memory_space<hbm>> -> memref<2656xi32, #tpu.memory_space<hbm>>
      %dma_wait3A_138 = arith.constant 0 : i32
      %dma_wait3A_139 = tpu.memref_slice %arg12[%dma_wait3A_138] : memref<8192xi32, #tpu.memory_space<vmem>> -> memref<2656xi32, #tpu.memory_space<vmem>>
      tpu.wait_dma2 semaphore(%arg13 : memref<!tpu.dma_semaphore, #tpu.memory_space<semaphore_mem>>) src(%dma_wait3A_139 : memref<2656xi32, #tpu.memory_space<vmem>>) dst(%dma_wait3A_137 : memref<2656xi32, #tpu.memory_space<hbm>>)
    } else {
    }
    %eq3A_18 = arith.constant 4 : i32
    %eq3A_19 = arith.cmpi eq, %add3A, %eq3A_18 : i32
    %convert_element_type3A_20 = arith.extui %eq3A_19 : i1 to i32
    %cond3A_21 = arith.constant 0 : i32
    %cond3A_22 = arith.cmpi ne, %convert_element_type3A_20, %cond3A_21 : i32
    scf.if %cond3A_22 {
      %dma_start3A = arith.constant 0 : i32
      %dma_start3A_78 = tpu.memref_slice %arg11[%dma_start3A] : memref<8192xf32, #tpu.memory_space<vmem>> -> memref<8192xf32, #tpu.memory_space<vmem>>
      %dma_start3A_79 = arith.constant 27232 : i32
      %dma_start3A_80 = tpu.memref_slice %arg5[%dma_start3A_79] : memref<65536xf32, #tpu.memory_space<hbm>> -> memref<8192xf32, #tpu.memory_space<hbm>>
      %dma_start3A_81 = arith.constant 0 : i32
      %dma_start3A_82 = tpu.memref_slice %arg11[%dma_start3A_81] : memref<8192xf32, #tpu.memory_space<vmem>> -> memref<8192xf32, #tpu.memory_space<vmem>>
      %dma_start3A_83 = arith.constant 27232 : i32
      %dma_start3A_84 = tpu.memref_slice %arg5[%dma_start3A_83] : memref<65536xf32, #tpu.memory_space<hbm>> -> memref<8192xf32, #tpu.memory_space<hbm>>
      tpu.enqueue_dma source(%dma_start3A_84 : memref<8192xf32, #tpu.memory_space<hbm>>) target(%dma_start3A_82 : memref<8192xf32, #tpu.memory_space<vmem>>) target_semaphore(%arg13 : memref<!tpu.dma_semaphore, #tpu.memory_space<semaphore_mem>>)
      %dma_wait3A = arith.constant 0 : i32
      %dma_wait3A_85 = tpu.memref_slice %arg11[%dma_wait3A] : memref<8192xf32, #tpu.memory_space<vmem>> -> memref<8192xf32, #tpu.memory_space<vmem>>
      %dma_wait3A_86 = arith.constant 27232 : i32
      %dma_wait3A_87 = tpu.memref_slice %arg5[%dma_wait3A_86] : memref<65536xf32, #tpu.memory_space<hbm>> -> memref<8192xf32, #tpu.memory_space<hbm>>
      %dma_wait3A_88 = arith.constant 0 : i32
      %dma_wait3A_89 = tpu.memref_slice %arg11[%dma_wait3A_88] : memref<8192xf32, #tpu.memory_space<vmem>> -> memref<8192xf32, #tpu.memory_space<vmem>>
      %dma_wait3A_90 = arith.constant 27232 : i32
      %dma_wait3A_91 = tpu.memref_slice %arg5[%dma_wait3A_90] : memref<65536xf32, #tpu.memory_space<hbm>> -> memref<8192xf32, #tpu.memory_space<hbm>>
      tpu.wait_dma2 semaphore(%arg13 : memref<!tpu.dma_semaphore, #tpu.memory_space<semaphore_mem>>) src(%dma_wait3A_91 : memref<8192xf32, #tpu.memory_space<hbm>>) dst(%dma_wait3A_89 : memref<8192xf32, #tpu.memory_space<vmem>>)
      %dma_start3A_92 = arith.constant 0 : i32
      %dma_start3A_93 = tpu.memref_slice %arg11[%dma_start3A_92] : memref<8192xf32, #tpu.memory_space<vmem>> -> memref<8192xf32, #tpu.memory_space<vmem>>
      %dma_start3A_94 = arith.constant 27232 : i32
      %dma_start3A_95 = tpu.memref_slice %arg8[%dma_start3A_94] : memref<65536xf32, #tpu.memory_space<hbm>> -> memref<8192xf32, #tpu.memory_space<hbm>>
      %dma_start3A_96 = arith.constant 27232 : i32
      %dma_start3A_97 = tpu.memref_slice %arg8[%dma_start3A_96] : memref<65536xf32, #tpu.memory_space<hbm>> -> memref<8192xf32, #tpu.memory_space<hbm>>
      %dma_start3A_98 = arith.constant 0 : i32
      %dma_start3A_99 = tpu.memref_slice %arg11[%dma_start3A_98] : memref<8192xf32, #tpu.memory_space<vmem>> -> memref<8192xf32, #tpu.memory_space<vmem>>
      tpu.enqueue_dma source(%dma_start3A_99 : memref<8192xf32, #tpu.memory_space<vmem>>) target(%dma_start3A_97 : memref<8192xf32, #tpu.memory_space<hbm>>) target_semaphore(%arg13 : memref<!tpu.dma_semaphore, #tpu.memory_space<semaphore_mem>>)
      %dma_wait3A_100 = arith.constant 0 : i32
      %dma_wait3A_101 = tpu.memref_slice %arg11[%dma_wait3A_100] : memref<8192xf32, #tpu.memory_space<vmem>> -> memref<8192xf32, #tpu.memory_space<vmem>>
      %dma_wait3A_102 = arith.constant 27232 : i32
      %dma_wait3A_103 = tpu.memref_slice %arg8[%dma_wait3A_102] : memref<65536xf32, #tpu.memory_space<hbm>> -> memref<8192xf32, #tpu.memory_space<hbm>>
      %dma_wait3A_104 = arith.constant 27232 : i32
      %dma_wait3A_105 = tpu.memref_slice %arg8[%dma_wait3A_104] : memref<65536xf32, #tpu.memory_space<hbm>> -> memref<8192xf32, #tpu.memory_space<hbm>>
      %dma_wait3A_106 = arith.constant 0 : i32
      %dma_wait3A_107 = tpu.memref_slice %arg11[%dma_wait3A_106] : memref<8192xf32, #tpu.memory_space<vmem>> -> memref<8192xf32, #tpu.memory_space<vmem>>
      tpu.wait_dma2 semaphore(%arg13 : memref<!tpu.dma_semaphore, #tpu.memory_space<semaphore_mem>>) src(%dma_wait3A_107 : memref<8192xf32, #tpu.memory_space<vmem>>) dst(%dma_wait3A_105 : memref<8192xf32, #tpu.memory_space<hbm>>)
      %dma_start3A_108 = arith.constant 0 : i32
      %dma_start3A_109 = tpu.memref_slice %arg12[%dma_start3A_108] : memref<8192xi32, #tpu.memory_space<vmem>> -> memref<8192xi32, #tpu.memory_space<vmem>>
      %dma_start3A_110 = arith.constant 10848 : i32
      %dma_start3A_111 = tpu.memref_slice %arg7[%dma_start3A_110] : memref<65536xi32, #tpu.memory_space<hbm>> -> memref<8192xi32, #tpu.memory_space<hbm>>
      %dma_start3A_112 = arith.constant 0 : i32
      %dma_start3A_113 = tpu.memref_slice %arg12[%dma_start3A_112] : memref<8192xi32, #tpu.memory_space<vmem>> -> memref<8192xi32, #tpu.memory_space<vmem>>
      %dma_start3A_114 = arith.constant 10848 : i32
      %dma_start3A_115 = tpu.memref_slice %arg7[%dma_start3A_114] : memref<65536xi32, #tpu.memory_space<hbm>> -> memref<8192xi32, #tpu.memory_space<hbm>>
      tpu.enqueue_dma source(%dma_start3A_115 : memref<8192xi32, #tpu.memory_space<hbm>>) target(%dma_start3A_113 : memref<8192xi32, #tpu.memory_space<vmem>>) target_semaphore(%arg13 : memref<!tpu.dma_semaphore, #tpu.memory_space<semaphore_mem>>)
      %dma_wait3A_116 = arith.constant 0 : i32
      %dma_wait3A_117 = tpu.memref_slice %arg12[%dma_wait3A_116] : memref<8192xi32, #tpu.memory_space<vmem>> -> memref<8192xi32, #tpu.memory_space<vmem>>
      %dma_wait3A_118 = arith.constant 10848 : i32
      %dma_wait3A_119 = tpu.memref_slice %arg7[%dma_wait3A_118] : memref<65536xi32, #tpu.memory_space<hbm>> -> memref<8192xi32, #tpu.memory_space<hbm>>
      %dma_wait3A_120 = arith.constant 0 : i32
      %dma_wait3A_121 = tpu.memref_slice %arg12[%dma_wait3A_120] : memref<8192xi32, #tpu.memory_space<vmem>> -> memref<8192xi32, #tpu.memory_space<vmem>>
      %dma_wait3A_122 = arith.constant 10848 : i32
      %dma_wait3A_123 = tpu.memref_slice %arg7[%dma_wait3A_122] : memref<65536xi32, #tpu.memory_space<hbm>> -> memref<8192xi32, #tpu.memory_space<hbm>>
      tpu.wait_dma2 semaphore(%arg13 : memref<!tpu.dma_semaphore, #tpu.memory_space<semaphore_mem>>) src(%dma_wait3A_123 : memref<8192xi32, #tpu.memory_space<hbm>>) dst(%dma_wait3A_121 : memref<8192xi32, #tpu.memory_space<vmem>>)
      %dma_start3A_124 = arith.constant 0 : i32
      %dma_start3A_125 = tpu.memref_slice %arg12[%dma_start3A_124] : memref<8192xi32, #tpu.memory_space<vmem>> -> memref<8192xi32, #tpu.memory_space<vmem>>
      %dma_start3A_126 = arith.constant 10848 : i32
      %dma_start3A_127 = tpu.memref_slice %arg10[%dma_start3A_126] : memref<65536xi32, #tpu.memory_space<hbm>> -> memref<8192xi32, #tpu.memory_space<hbm>>
      %dma_start3A_128 = arith.constant 10848 : i32
      %dma_start3A_129 = tpu.memref_slice %arg10[%dma_start3A_128] : memref<65536xi32, #tpu.memory_space<hbm>> -> memref<8192xi32, #tpu.memory_space<hbm>>
      %dma_start3A_130 = arith.constant 0 : i32
      %dma_start3A_131 = tpu.memref_slice %arg12[%dma_start3A_130] : memref<8192xi32, #tpu.memory_space<vmem>> -> memref<8192xi32, #tpu.memory_space<vmem>>
      tpu.enqueue_dma source(%dma_start3A_131 : memref<8192xi32, #tpu.memory_space<vmem>>) target(%dma_start3A_129 : memref<8192xi32, #tpu.memory_space<hbm>>) target_semaphore(%arg13 : memref<!tpu.dma_semaphore, #tpu.memory_space<semaphore_mem>>)
      %dma_wait3A_132 = arith.constant 0 : i32
      %dma_wait3A_133 = tpu.memref_slice %arg12[%dma_wait3A_132] : memref<8192xi32, #tpu.memory_space<vmem>> -> memref<8192xi32, #tpu.memory_space<vmem>>
      %dma_wait3A_134 = arith.constant 10848 : i32
      %dma_wait3A_135 = tpu.memref_slice %arg10[%dma_wait3A_134] : memref<65536xi32, #tpu.memory_space<hbm>> -> memref<8192xi32, #tpu.memory_space<hbm>>
      %dma_wait3A_136 = arith.constant 10848 : i32
      %dma_wait3A_137 = tpu.memref_slice %arg10[%dma_wait3A_136] : memref<65536xi32, #tpu.memory_space<hbm>> -> memref<8192xi32, #tpu.memory_space<hbm>>
      %dma_wait3A_138 = arith.constant 0 : i32
      %dma_wait3A_139 = tpu.memref_slice %arg12[%dma_wait3A_138] : memref<8192xi32, #tpu.memory_space<vmem>> -> memref<8192xi32, #tpu.memory_space<vmem>>
      tpu.wait_dma2 semaphore(%arg13 : memref<!tpu.dma_semaphore, #tpu.memory_space<semaphore_mem>>) src(%dma_wait3A_139 : memref<8192xi32, #tpu.memory_space<vmem>>) dst(%dma_wait3A_137 : memref<8192xi32, #tpu.memory_space<hbm>>)
    } else {
    }
    %eq3A_23 = arith.constant 5 : i32
    %eq3A_24 = arith.cmpi eq, %add3A, %eq3A_23 : i32
    %convert_element_type3A_25 = arith.extui %eq3A_24 : i1 to i32
    %cond3A_26 = arith.constant 0 : i32
    %cond3A_27 = arith.cmpi ne, %convert_element_type3A_25, %cond3A_26 : i32
    scf.if %cond3A_27 {
      %dma_start3A = arith.constant 0 : i32
      %dma_start3A_78 = tpu.memref_slice %arg11[%dma_start3A] : memref<8192xf32, #tpu.memory_space<vmem>> -> memref<8192xf32, #tpu.memory_space<vmem>>
      %dma_start3A_79 = arith.constant 35424 : i32
      %dma_start3A_80 = tpu.memref_slice %arg5[%dma_start3A_79] : memref<65536xf32, #tpu.memory_space<hbm>> -> memref<8192xf32, #tpu.memory_space<hbm>>
      %dma_start3A_81 = arith.constant 0 : i32
      %dma_start3A_82 = tpu.memref_slice %arg11[%dma_start3A_81] : memref<8192xf32, #tpu.memory_space<vmem>> -> memref<8192xf32, #tpu.memory_space<vmem>>
      %dma_start3A_83 = arith.constant 35424 : i32
      %dma_start3A_84 = tpu.memref_slice %arg5[%dma_start3A_83] : memref<65536xf32, #tpu.memory_space<hbm>> -> memref<8192xf32, #tpu.memory_space<hbm>>
      tpu.enqueue_dma source(%dma_start3A_84 : memref<8192xf32, #tpu.memory_space<hbm>>) target(%dma_start3A_82 : memref<8192xf32, #tpu.memory_space<vmem>>) target_semaphore(%arg13 : memref<!tpu.dma_semaphore, #tpu.memory_space<semaphore_mem>>)
      %dma_wait3A = arith.constant 0 : i32
      %dma_wait3A_85 = tpu.memref_slice %arg11[%dma_wait3A] : memref<8192xf32, #tpu.memory_space<vmem>> -> memref<8192xf32, #tpu.memory_space<vmem>>
      %dma_wait3A_86 = arith.constant 35424 : i32
      %dma_wait3A_87 = tpu.memref_slice %arg5[%dma_wait3A_86] : memref<65536xf32, #tpu.memory_space<hbm>> -> memref<8192xf32, #tpu.memory_space<hbm>>
      %dma_wait3A_88 = arith.constant 0 : i32
      %dma_wait3A_89 = tpu.memref_slice %arg11[%dma_wait3A_88] : memref<8192xf32, #tpu.memory_space<vmem>> -> memref<8192xf32, #tpu.memory_space<vmem>>
      %dma_wait3A_90 = arith.constant 35424 : i32
      %dma_wait3A_91 = tpu.memref_slice %arg5[%dma_wait3A_90] : memref<65536xf32, #tpu.memory_space<hbm>> -> memref<8192xf32, #tpu.memory_space<hbm>>
      tpu.wait_dma2 semaphore(%arg13 : memref<!tpu.dma_semaphore, #tpu.memory_space<semaphore_mem>>) src(%dma_wait3A_91 : memref<8192xf32, #tpu.memory_space<hbm>>) dst(%dma_wait3A_89 : memref<8192xf32, #tpu.memory_space<vmem>>)
      %dma_start3A_92 = arith.constant 0 : i32
      %dma_start3A_93 = tpu.memref_slice %arg11[%dma_start3A_92] : memref<8192xf32, #tpu.memory_space<vmem>> -> memref<8192xf32, #tpu.memory_space<vmem>>
      %dma_start3A_94 = arith.constant 35424 : i32
      %dma_start3A_95 = tpu.memref_slice %arg8[%dma_start3A_94] : memref<65536xf32, #tpu.memory_space<hbm>> -> memref<8192xf32, #tpu.memory_space<hbm>>
      %dma_start3A_96 = arith.constant 35424 : i32
      %dma_start3A_97 = tpu.memref_slice %arg8[%dma_start3A_96] : memref<65536xf32, #tpu.memory_space<hbm>> -> memref<8192xf32, #tpu.memory_space<hbm>>
      %dma_start3A_98 = arith.constant 0 : i32
      %dma_start3A_99 = tpu.memref_slice %arg11[%dma_start3A_98] : memref<8192xf32, #tpu.memory_space<vmem>> -> memref<8192xf32, #tpu.memory_space<vmem>>
      tpu.enqueue_dma source(%dma_start3A_99 : memref<8192xf32, #tpu.memory_space<vmem>>) target(%dma_start3A_97 : memref<8192xf32, #tpu.memory_space<hbm>>) target_semaphore(%arg13 : memref<!tpu.dma_semaphore, #tpu.memory_space<semaphore_mem>>)
      %dma_wait3A_100 = arith.constant 0 : i32
      %dma_wait3A_101 = tpu.memref_slice %arg11[%dma_wait3A_100] : memref<8192xf32, #tpu.memory_space<vmem>> -> memref<8192xf32, #tpu.memory_space<vmem>>
      %dma_wait3A_102 = arith.constant 35424 : i32
      %dma_wait3A_103 = tpu.memref_slice %arg8[%dma_wait3A_102] : memref<65536xf32, #tpu.memory_space<hbm>> -> memref<8192xf32, #tpu.memory_space<hbm>>
      %dma_wait3A_104 = arith.constant 35424 : i32
      %dma_wait3A_105 = tpu.memref_slice %arg8[%dma_wait3A_104] : memref<65536xf32, #tpu.memory_space<hbm>> -> memref<8192xf32, #tpu.memory_space<hbm>>
      %dma_wait3A_106 = arith.constant 0 : i32
      %dma_wait3A_107 = tpu.memref_slice %arg11[%dma_wait3A_106] : memref<8192xf32, #tpu.memory_space<vmem>> -> memref<8192xf32, #tpu.memory_space<vmem>>
      tpu.wait_dma2 semaphore(%arg13 : memref<!tpu.dma_semaphore, #tpu.memory_space<semaphore_mem>>) src(%dma_wait3A_107 : memref<8192xf32, #tpu.memory_space<vmem>>) dst(%dma_wait3A_105 : memref<8192xf32, #tpu.memory_space<hbm>>)
      %dma_start3A_108 = arith.constant 0 : i32
      %dma_start3A_109 = tpu.memref_slice %arg12[%dma_start3A_108] : memref<8192xi32, #tpu.memory_space<vmem>> -> memref<8192xi32, #tpu.memory_space<vmem>>
      %dma_start3A_110 = arith.constant 19040 : i32
      %dma_start3A_111 = tpu.memref_slice %arg7[%dma_start3A_110] : memref<65536xi32, #tpu.memory_space<hbm>> -> memref<8192xi32, #tpu.memory_space<hbm>>
      %dma_start3A_112 = arith.constant 0 : i32
      %dma_start3A_113 = tpu.memref_slice %arg12[%dma_start3A_112] : memref<8192xi32, #tpu.memory_space<vmem>> -> memref<8192xi32, #tpu.memory_space<vmem>>
      %dma_start3A_114 = arith.constant 19040 : i32
      %dma_start3A_115 = tpu.memref_slice %arg7[%dma_start3A_114] : memref<65536xi32, #tpu.memory_space<hbm>> -> memref<8192xi32, #tpu.memory_space<hbm>>
      tpu.enqueue_dma source(%dma_start3A_115 : memref<8192xi32, #tpu.memory_space<hbm>>) target(%dma_start3A_113 : memref<8192xi32, #tpu.memory_space<vmem>>) target_semaphore(%arg13 : memref<!tpu.dma_semaphore, #tpu.memory_space<semaphore_mem>>)
      %dma_wait3A_116 = arith.constant 0 : i32
      %dma_wait3A_117 = tpu.memref_slice %arg12[%dma_wait3A_116] : memref<8192xi32, #tpu.memory_space<vmem>> -> memref<8192xi32, #tpu.memory_space<vmem>>
      %dma_wait3A_118 = arith.constant 19040 : i32
      %dma_wait3A_119 = tpu.memref_slice %arg7[%dma_wait3A_118] : memref<65536xi32, #tpu.memory_space<hbm>> -> memref<8192xi32, #tpu.memory_space<hbm>>
      %dma_wait3A_120 = arith.constant 0 : i32
      %dma_wait3A_121 = tpu.memref_slice %arg12[%dma_wait3A_120] : memref<8192xi32, #tpu.memory_space<vmem>> -> memref<8192xi32, #tpu.memory_space<vmem>>
      %dma_wait3A_122 = arith.constant 19040 : i32
      %dma_wait3A_123 = tpu.memref_slice %arg7[%dma_wait3A_122] : memref<65536xi32, #tpu.memory_space<hbm>> -> memref<8192xi32, #tpu.memory_space<hbm>>
      tpu.wait_dma2 semaphore(%arg13 : memref<!tpu.dma_semaphore, #tpu.memory_space<semaphore_mem>>) src(%dma_wait3A_123 : memref<8192xi32, #tpu.memory_space<hbm>>) dst(%dma_wait3A_121 : memref<8192xi32, #tpu.memory_space<vmem>>)
      %dma_start3A_124 = arith.constant 0 : i32
      %dma_start3A_125 = tpu.memref_slice %arg12[%dma_start3A_124] : memref<8192xi32, #tpu.memory_space<vmem>> -> memref<8192xi32, #tpu.memory_space<vmem>>
      %dma_start3A_126 = arith.constant 19040 : i32
      %dma_start3A_127 = tpu.memref_slice %arg10[%dma_start3A_126] : memref<65536xi32, #tpu.memory_space<hbm>> -> memref<8192xi32, #tpu.memory_space<hbm>>
      %dma_start3A_128 = arith.constant 19040 : i32
      %dma_start3A_129 = tpu.memref_slice %arg10[%dma_start3A_128] : memref<65536xi32, #tpu.memory_space<hbm>> -> memref<8192xi32, #tpu.memory_space<hbm>>
      %dma_start3A_130 = arith.constant 0 : i32
      %dma_start3A_131 = tpu.memref_slice %arg12[%dma_start3A_130] : memref<8192xi32, #tpu.memory_space<vmem>> -> memref<8192xi32, #tpu.memory_space<vmem>>
      tpu.enqueue_dma source(%dma_start3A_131 : memref<8192xi32, #tpu.memory_space<vmem>>) target(%dma_start3A_129 : memref<8192xi32, #tpu.memory_space<hbm>>) target_semaphore(%arg13 : memref<!tpu.dma_semaphore, #tpu.memory_space<semaphore_mem>>)
      %dma_wait3A_132 = arith.constant 0 : i32
      %dma_wait3A_133 = tpu.memref_slice %arg12[%dma_wait3A_132] : memref<8192xi32, #tpu.memory_space<vmem>> -> memref<8192xi32, #tpu.memory_space<vmem>>
      %dma_wait3A_134 = arith.constant 19040 : i32
      %dma_wait3A_135 = tpu.memref_slice %arg10[%dma_wait3A_134] : memref<65536xi32, #tpu.memory_space<hbm>> -> memref<8192xi32, #tpu.memory_space<hbm>>
      %dma_wait3A_136 = arith.constant 19040 : i32
      %dma_wait3A_137 = tpu.memref_slice %arg10[%dma_wait3A_136] : memref<65536xi32, #tpu.memory_space<hbm>> -> memref<8192xi32, #tpu.memory_space<hbm>>
      %dma_wait3A_138 = arith.constant 0 : i32
      %dma_wait3A_139 = tpu.memref_slice %arg12[%dma_wait3A_138] : memref<8192xi32, #tpu.memory_space<vmem>> -> memref<8192xi32, #tpu.memory_space<vmem>>
      tpu.wait_dma2 semaphore(%arg13 : memref<!tpu.dma_semaphore, #tpu.memory_space<semaphore_mem>>) src(%dma_wait3A_139 : memref<8192xi32, #tpu.memory_space<vmem>>) dst(%dma_wait3A_137 : memref<8192xi32, #tpu.memory_space<hbm>>)
    } else {
    }
    %eq3A_28 = arith.constant 6 : i32
    %eq3A_29 = arith.cmpi eq, %add3A, %eq3A_28 : i32
    %convert_element_type3A_30 = arith.extui %eq3A_29 : i1 to i32
    %cond3A_31 = arith.constant 0 : i32
    %cond3A_32 = arith.cmpi ne, %convert_element_type3A_30, %cond3A_31 : i32
    scf.if %cond3A_32 {
      %dma_start3A = arith.constant 0 : i32
      %dma_start3A_78 = tpu.memref_slice %arg11[%dma_start3A] : memref<8192xf32, #tpu.memory_space<vmem>> -> memref<8192xf32, #tpu.memory_space<vmem>>
      %dma_start3A_79 = arith.constant 43616 : i32
      %dma_start3A_80 = tpu.memref_slice %arg5[%dma_start3A_79] : memref<65536xf32, #tpu.memory_space<hbm>> -> memref<8192xf32, #tpu.memory_space<hbm>>
      %dma_start3A_81 = arith.constant 0 : i32
      %dma_start3A_82 = tpu.memref_slice %arg11[%dma_start3A_81] : memref<8192xf32, #tpu.memory_space<vmem>> -> memref<8192xf32, #tpu.memory_space<vmem>>
      %dma_start3A_83 = arith.constant 43616 : i32
      %dma_start3A_84 = tpu.memref_slice %arg5[%dma_start3A_83] : memref<65536xf32, #tpu.memory_space<hbm>> -> memref<8192xf32, #tpu.memory_space<hbm>>
      tpu.enqueue_dma source(%dma_start3A_84 : memref<8192xf32, #tpu.memory_space<hbm>>) target(%dma_start3A_82 : memref<8192xf32, #tpu.memory_space<vmem>>) target_semaphore(%arg13 : memref<!tpu.dma_semaphore, #tpu.memory_space<semaphore_mem>>)
      %dma_wait3A = arith.constant 0 : i32
      %dma_wait3A_85 = tpu.memref_slice %arg11[%dma_wait3A] : memref<8192xf32, #tpu.memory_space<vmem>> -> memref<8192xf32, #tpu.memory_space<vmem>>
      %dma_wait3A_86 = arith.constant 43616 : i32
      %dma_wait3A_87 = tpu.memref_slice %arg5[%dma_wait3A_86] : memref<65536xf32, #tpu.memory_space<hbm>> -> memref<8192xf32, #tpu.memory_space<hbm>>
      %dma_wait3A_88 = arith.constant 0 : i32
      %dma_wait3A_89 = tpu.memref_slice %arg11[%dma_wait3A_88] : memref<8192xf32, #tpu.memory_space<vmem>> -> memref<8192xf32, #tpu.memory_space<vmem>>
      %dma_wait3A_90 = arith.constant 43616 : i32
      %dma_wait3A_91 = tpu.memref_slice %arg5[%dma_wait3A_90] : memref<65536xf32, #tpu.memory_space<hbm>> -> memref<8192xf32, #tpu.memory_space<hbm>>
      tpu.wait_dma2 semaphore(%arg13 : memref<!tpu.dma_semaphore, #tpu.memory_space<semaphore_mem>>) src(%dma_wait3A_91 : memref<8192xf32, #tpu.memory_space<hbm>>) dst(%dma_wait3A_89 : memref<8192xf32, #tpu.memory_space<vmem>>)
      %dma_start3A_92 = arith.constant 0 : i32
      %dma_start3A_93 = tpu.memref_slice %arg11[%dma_start3A_92] : memref<8192xf32, #tpu.memory_space<vmem>> -> memref<8192xf32, #tpu.memory_space<vmem>>
      %dma_start3A_94 = arith.constant 43616 : i32
      %dma_start3A_95 = tpu.memref_slice %arg8[%dma_start3A_94] : memref<65536xf32, #tpu.memory_space<hbm>> -> memref<8192xf32, #tpu.memory_space<hbm>>
      %dma_start3A_96 = arith.constant 43616 : i32
      %dma_start3A_97 = tpu.memref_slice %arg8[%dma_start3A_96] : memref<65536xf32, #tpu.memory_space<hbm>> -> memref<8192xf32, #tpu.memory_space<hbm>>
      %dma_start3A_98 = arith.constant 0 : i32
      %dma_start3A_99 = tpu.memref_slice %arg11[%dma_start3A_98] : memref<8192xf32, #tpu.memory_space<vmem>> -> memref<8192xf32, #tpu.memory_space<vmem>>
      tpu.enqueue_dma source(%dma_start3A_99 : memref<8192xf32, #tpu.memory_space<vmem>>) target(%dma_start3A_97 : memref<8192xf32, #tpu.memory_space<hbm>>) target_semaphore(%arg13 : memref<!tpu.dma_semaphore, #tpu.memory_space<semaphore_mem>>)
      %dma_wait3A_100 = arith.constant 0 : i32
      %dma_wait3A_101 = tpu.memref_slice %arg11[%dma_wait3A_100] : memref<8192xf32, #tpu.memory_space<vmem>> -> memref<8192xf32, #tpu.memory_space<vmem>>
      %dma_wait3A_102 = arith.constant 43616 : i32
      %dma_wait3A_103 = tpu.memref_slice %arg8[%dma_wait3A_102] : memref<65536xf32, #tpu.memory_space<hbm>> -> memref<8192xf32, #tpu.memory_space<hbm>>
      %dma_wait3A_104 = arith.constant 43616 : i32
      %dma_wait3A_105 = tpu.memref_slice %arg8[%dma_wait3A_104] : memref<65536xf32, #tpu.memory_space<hbm>> -> memref<8192xf32, #tpu.memory_space<hbm>>
      %dma_wait3A_106 = arith.constant 0 : i32
      %dma_wait3A_107 = tpu.memref_slice %arg11[%dma_wait3A_106] : memref<8192xf32, #tpu.memory_space<vmem>> -> memref<8192xf32, #tpu.memory_space<vmem>>
      tpu.wait_dma2 semaphore(%arg13 : memref<!tpu.dma_semaphore, #tpu.memory_space<semaphore_mem>>) src(%dma_wait3A_107 : memref<8192xf32, #tpu.memory_space<vmem>>) dst(%dma_wait3A_105 : memref<8192xf32, #tpu.memory_space<hbm>>)
      %dma_start3A_108 = arith.constant 0 : i32
      %dma_start3A_109 = tpu.memref_slice %arg12[%dma_start3A_108] : memref<8192xi32, #tpu.memory_space<vmem>> -> memref<8192xi32, #tpu.memory_space<vmem>>
      %dma_start3A_110 = arith.constant 27232 : i32
      %dma_start3A_111 = tpu.memref_slice %arg7[%dma_start3A_110] : memref<65536xi32, #tpu.memory_space<hbm>> -> memref<8192xi32, #tpu.memory_space<hbm>>
      %dma_start3A_112 = arith.constant 0 : i32
      %dma_start3A_113 = tpu.memref_slice %arg12[%dma_start3A_112] : memref<8192xi32, #tpu.memory_space<vmem>> -> memref<8192xi32, #tpu.memory_space<vmem>>
      %dma_start3A_114 = arith.constant 27232 : i32
      %dma_start3A_115 = tpu.memref_slice %arg7[%dma_start3A_114] : memref<65536xi32, #tpu.memory_space<hbm>> -> memref<8192xi32, #tpu.memory_space<hbm>>
      tpu.enqueue_dma source(%dma_start3A_115 : memref<8192xi32, #tpu.memory_space<hbm>>) target(%dma_start3A_113 : memref<8192xi32, #tpu.memory_space<vmem>>) target_semaphore(%arg13 : memref<!tpu.dma_semaphore, #tpu.memory_space<semaphore_mem>>)
      %dma_wait3A_116 = arith.constant 0 : i32
      %dma_wait3A_117 = tpu.memref_slice %arg12[%dma_wait3A_116] : memref<8192xi32, #tpu.memory_space<vmem>> -> memref<8192xi32, #tpu.memory_space<vmem>>
      %dma_wait3A_118 = arith.constant 27232 : i32
      %dma_wait3A_119 = tpu.memref_slice %arg7[%dma_wait3A_118] : memref<65536xi32, #tpu.memory_space<hbm>> -> memref<8192xi32, #tpu.memory_space<hbm>>
      %dma_wait3A_120 = arith.constant 0 : i32
      %dma_wait3A_121 = tpu.memref_slice %arg12[%dma_wait3A_120] : memref<8192xi32, #tpu.memory_space<vmem>> -> memref<8192xi32, #tpu.memory_space<vmem>>
      %dma_wait3A_122 = arith.constant 27232 : i32
      %dma_wait3A_123 = tpu.memref_slice %arg7[%dma_wait3A_122] : memref<65536xi32, #tpu.memory_space<hbm>> -> memref<8192xi32, #tpu.memory_space<hbm>>
      tpu.wait_dma2 semaphore(%arg13 : memref<!tpu.dma_semaphore, #tpu.memory_space<semaphore_mem>>) src(%dma_wait3A_123 : memref<8192xi32, #tpu.memory_space<hbm>>) dst(%dma_wait3A_121 : memref<8192xi32, #tpu.memory_space<vmem>>)
      %dma_start3A_124 = arith.constant 0 : i32
      %dma_start3A_125 = tpu.memref_slice %arg12[%dma_start3A_124] : memref<8192xi32, #tpu.memory_space<vmem>> -> memref<8192xi32, #tpu.memory_space<vmem>>
      %dma_start3A_126 = arith.constant 27232 : i32
      %dma_start3A_127 = tpu.memref_slice %arg10[%dma_start3A_126] : memref<65536xi32, #tpu.memory_space<hbm>> -> memref<8192xi32, #tpu.memory_space<hbm>>
      %dma_start3A_128 = arith.constant 27232 : i32
      %dma_start3A_129 = tpu.memref_slice %arg10[%dma_start3A_128] : memref<65536xi32, #tpu.memory_space<hbm>> -> memref<8192xi32, #tpu.memory_space<hbm>>
      %dma_start3A_130 = arith.constant 0 : i32
      %dma_start3A_131 = tpu.memref_slice %arg12[%dma_start3A_130] : memref<8192xi32, #tpu.memory_space<vmem>> -> memref<8192xi32, #tpu.memory_space<vmem>>
      tpu.enqueue_dma source(%dma_start3A_131 : memref<8192xi32, #tpu.memory_space<vmem>>) target(%dma_start3A_129 : memref<8192xi32, #tpu.memory_space<hbm>>) target_semaphore(%arg13 : memref<!tpu.dma_semaphore, #tpu.memory_space<semaphore_mem>>)
      %dma_wait3A_132 = arith.constant 0 : i32
      %dma_wait3A_133 = tpu.memref_slice %arg12[%dma_wait3A_132] : memref<8192xi32, #tpu.memory_space<vmem>> -> memref<8192xi32, #tpu.memory_space<vmem>>
      %dma_wait3A_134 = arith.constant 27232 : i32
      %dma_wait3A_135 = tpu.memref_slice %arg10[%dma_wait3A_134] : memref<65536xi32, #tpu.memory_space<hbm>> -> memref<8192xi32, #tpu.memory_space<hbm>>
      %dma_wait3A_136 = arith.constant 27232 : i32
      %dma_wait3A_137 = tpu.memref_slice %arg10[%dma_wait3A_136] : memref<65536xi32, #tpu.memory_space<hbm>> -> memref<8192xi32, #tpu.memory_space<hbm>>
      %dma_wait3A_138 = arith.constant 0 : i32
      %dma_wait3A_139 = tpu.memref_slice %arg12[%dma_wait3A_138] : memref<8192xi32, #tpu.memory_space<vmem>> -> memref<8192xi32, #tpu.memory_space<vmem>>
      tpu.wait_dma2 semaphore(%arg13 : memref<!tpu.dma_semaphore, #tpu.memory_space<semaphore_mem>>) src(%dma_wait3A_139 : memref<8192xi32, #tpu.memory_space<vmem>>) dst(%dma_wait3A_137 : memref<8192xi32, #tpu.memory_space<hbm>>)
    } else {
    }
    %eq3A_33 = arith.constant 7 : i32
    %eq3A_34 = arith.cmpi eq, %add3A, %eq3A_33 : i32
    %convert_element_type3A_35 = arith.extui %eq3A_34 : i1 to i32
    %cond3A_36 = arith.constant 0 : i32
    %cond3A_37 = arith.cmpi ne, %convert_element_type3A_35, %cond3A_36 : i32
    scf.if %cond3A_37 {
      %dma_start3A = arith.constant 0 : i32
      %dma_start3A_78 = tpu.memref_slice %arg11[%dma_start3A] : memref<8192xf32, #tpu.memory_space<vmem>> -> memref<8192xf32, #tpu.memory_space<vmem>>
      %dma_start3A_79 = arith.constant 51808 : i32
      %dma_start3A_80 = tpu.memref_slice %arg5[%dma_start3A_79] : memref<65536xf32, #tpu.memory_space<hbm>> -> memref<8192xf32, #tpu.memory_space<hbm>>
      %dma_start3A_81 = arith.constant 0 : i32
      %dma_start3A_82 = tpu.memref_slice %arg11[%dma_start3A_81] : memref<8192xf32, #tpu.memory_space<vmem>> -> memref<8192xf32, #tpu.memory_space<vmem>>
      %dma_start3A_83 = arith.constant 51808 : i32
      %dma_start3A_84 = tpu.memref_slice %arg5[%dma_start3A_83] : memref<65536xf32, #tpu.memory_space<hbm>> -> memref<8192xf32, #tpu.memory_space<hbm>>
      tpu.enqueue_dma source(%dma_start3A_84 : memref<8192xf32, #tpu.memory_space<hbm>>) target(%dma_start3A_82 : memref<8192xf32, #tpu.memory_space<vmem>>) target_semaphore(%arg13 : memref<!tpu.dma_semaphore, #tpu.memory_space<semaphore_mem>>)
      %dma_wait3A = arith.constant 0 : i32
      %dma_wait3A_85 = tpu.memref_slice %arg11[%dma_wait3A] : memref<8192xf32, #tpu.memory_space<vmem>> -> memref<8192xf32, #tpu.memory_space<vmem>>
      %dma_wait3A_86 = arith.constant 51808 : i32
      %dma_wait3A_87 = tpu.memref_slice %arg5[%dma_wait3A_86] : memref<65536xf32, #tpu.memory_space<hbm>> -> memref<8192xf32, #tpu.memory_space<hbm>>
      %dma_wait3A_88 = arith.constant 0 : i32
      %dma_wait3A_89 = tpu.memref_slice %arg11[%dma_wait3A_88] : memref<8192xf32, #tpu.memory_space<vmem>> -> memref<8192xf32, #tpu.memory_space<vmem>>
      %dma_wait3A_90 = arith.constant 51808 : i32
      %dma_wait3A_91 = tpu.memref_slice %arg5[%dma_wait3A_90] : memref<65536xf32, #tpu.memory_space<hbm>> -> memref<8192xf32, #tpu.memory_space<hbm>>
      tpu.wait_dma2 semaphore(%arg13 : memref<!tpu.dma_semaphore, #tpu.memory_space<semaphore_mem>>) src(%dma_wait3A_91 : memref<8192xf32, #tpu.memory_space<hbm>>) dst(%dma_wait3A_89 : memref<8192xf32, #tpu.memory_space<vmem>>)
      %dma_start3A_92 = arith.constant 0 : i32
      %dma_start3A_93 = tpu.memref_slice %arg11[%dma_start3A_92] : memref<8192xf32, #tpu.memory_space<vmem>> -> memref<8192xf32, #tpu.memory_space<vmem>>
      %dma_start3A_94 = arith.constant 51808 : i32
      %dma_start3A_95 = tpu.memref_slice %arg8[%dma_start3A_94] : memref<65536xf32, #tpu.memory_space<hbm>> -> memref<8192xf32, #tpu.memory_space<hbm>>
      %dma_start3A_96 = arith.constant 51808 : i32
      %dma_start3A_97 = tpu.memref_slice %arg8[%dma_start3A_96] : memref<65536xf32, #tpu.memory_space<hbm>> -> memref<8192xf32, #tpu.memory_space<hbm>>
      %dma_start3A_98 = arith.constant 0 : i32
      %dma_start3A_99 = tpu.memref_slice %arg11[%dma_start3A_98] : memref<8192xf32, #tpu.memory_space<vmem>> -> memref<8192xf32, #tpu.memory_space<vmem>>
      tpu.enqueue_dma source(%dma_start3A_99 : memref<8192xf32, #tpu.memory_space<vmem>>) target(%dma_start3A_97 : memref<8192xf32, #tpu.memory_space<hbm>>) target_semaphore(%arg13 : memref<!tpu.dma_semaphore, #tpu.memory_space<semaphore_mem>>)
      %dma_wait3A_100 = arith.constant 0 : i32
      %dma_wait3A_101 = tpu.memref_slice %arg11[%dma_wait3A_100] : memref<8192xf32, #tpu.memory_space<vmem>> -> memref<8192xf32, #tpu.memory_space<vmem>>
      %dma_wait3A_102 = arith.constant 51808 : i32
      %dma_wait3A_103 = tpu.memref_slice %arg8[%dma_wait3A_102] : memref<65536xf32, #tpu.memory_space<hbm>> -> memref<8192xf32, #tpu.memory_space<hbm>>
      %dma_wait3A_104 = arith.constant 51808 : i32
      %dma_wait3A_105 = tpu.memref_slice %arg8[%dma_wait3A_104] : memref<65536xf32, #tpu.memory_space<hbm>> -> memref<8192xf32, #tpu.memory_space<hbm>>
      %dma_wait3A_106 = arith.constant 0 : i32
      %dma_wait3A_107 = tpu.memref_slice %arg11[%dma_wait3A_106] : memref<8192xf32, #tpu.memory_space<vmem>> -> memref<8192xf32, #tpu.memory_space<vmem>>
      tpu.wait_dma2 semaphore(%arg13 : memref<!tpu.dma_semaphore, #tpu.memory_space<semaphore_mem>>) src(%dma_wait3A_107 : memref<8192xf32, #tpu.memory_space<vmem>>) dst(%dma_wait3A_105 : memref<8192xf32, #tpu.memory_space<hbm>>)
      %dma_start3A_108 = arith.constant 0 : i32
      %dma_start3A_109 = tpu.memref_slice %arg12[%dma_start3A_108] : memref<8192xi32, #tpu.memory_space<vmem>> -> memref<8192xi32, #tpu.memory_space<vmem>>
      %dma_start3A_110 = arith.constant 35424 : i32
      %dma_start3A_111 = tpu.memref_slice %arg7[%dma_start3A_110] : memref<65536xi32, #tpu.memory_space<hbm>> -> memref<8192xi32, #tpu.memory_space<hbm>>
      %dma_start3A_112 = arith.constant 0 : i32
      %dma_start3A_113 = tpu.memref_slice %arg12[%dma_start3A_112] : memref<8192xi32, #tpu.memory_space<vmem>> -> memref<8192xi32, #tpu.memory_space<vmem>>
      %dma_start3A_114 = arith.constant 35424 : i32
      %dma_start3A_115 = tpu.memref_slice %arg7[%dma_start3A_114] : memref<65536xi32, #tpu.memory_space<hbm>> -> memref<8192xi32, #tpu.memory_space<hbm>>
      tpu.enqueue_dma source(%dma_start3A_115 : memref<8192xi32, #tpu.memory_space<hbm>>) target(%dma_start3A_113 : memref<8192xi32, #tpu.memory_space<vmem>>) target_semaphore(%arg13 : memref<!tpu.dma_semaphore, #tpu.memory_space<semaphore_mem>>)
      %dma_wait3A_116 = arith.constant 0 : i32
      %dma_wait3A_117 = tpu.memref_slice %arg12[%dma_wait3A_116] : memref<8192xi32, #tpu.memory_space<vmem>> -> memref<8192xi32, #tpu.memory_space<vmem>>
      %dma_wait3A_118 = arith.constant 35424 : i32
      %dma_wait3A_119 = tpu.memref_slice %arg7[%dma_wait3A_118] : memref<65536xi32, #tpu.memory_space<hbm>> -> memref<8192xi32, #tpu.memory_space<hbm>>
      %dma_wait3A_120 = arith.constant 0 : i32
      %dma_wait3A_121 = tpu.memref_slice %arg12[%dma_wait3A_120] : memref<8192xi32, #tpu.memory_space<vmem>> -> memref<8192xi32, #tpu.memory_space<vmem>>
      %dma_wait3A_122 = arith.constant 35424 : i32
      %dma_wait3A_123 = tpu.memref_slice %arg7[%dma_wait3A_122] : memref<65536xi32, #tpu.memory_space<hbm>> -> memref<8192xi32, #tpu.memory_space<hbm>>
      tpu.wait_dma2 semaphore(%arg13 : memref<!tpu.dma_semaphore, #tpu.memory_space<semaphore_mem>>) src(%dma_wait3A_123 : memref<8192xi32, #tpu.memory_space<hbm>>) dst(%dma_wait3A_121 : memref<8192xi32, #tpu.memory_space<vmem>>)
      %dma_start3A_124 = arith.constant 0 : i32
      %dma_start3A_125 = tpu.memref_slice %arg12[%dma_start3A_124] : memref<8192xi32, #tpu.memory_space<vmem>> -> memref<8192xi32, #tpu.memory_space<vmem>>
      %dma_start3A_126 = arith.constant 35424 : i32
      %dma_start3A_127 = tpu.memref_slice %arg10[%dma_start3A_126] : memref<65536xi32, #tpu.memory_space<hbm>> -> memref<8192xi32, #tpu.memory_space<hbm>>
      %dma_start3A_128 = arith.constant 35424 : i32
      %dma_start3A_129 = tpu.memref_slice %arg10[%dma_start3A_128] : memref<65536xi32, #tpu.memory_space<hbm>> -> memref<8192xi32, #tpu.memory_space<hbm>>
      %dma_start3A_130 = arith.constant 0 : i32
      %dma_start3A_131 = tpu.memref_slice %arg12[%dma_start3A_130] : memref<8192xi32, #tpu.memory_space<vmem>> -> memref<8192xi32, #tpu.memory_space<vmem>>
      tpu.enqueue_dma source(%dma_start3A_131 : memref<8192xi32, #tpu.memory_space<vmem>>) target(%dma_start3A_129 : memref<8192xi32, #tpu.memory_space<hbm>>) target_semaphore(%arg13 : memref<!tpu.dma_semaphore, #tpu.memory_space<semaphore_mem>>)
      %dma_wait3A_132 = arith.constant 0 : i32
      %dma_wait3A_133 = tpu.memref_slice %arg12[%dma_wait3A_132] : memref<8192xi32, #tpu.memory_space<vmem>> -> memref<8192xi32, #tpu.memory_space<vmem>>
      %dma_wait3A_134 = arith.constant 35424 : i32
      %dma_wait3A_135 = tpu.memref_slice %arg10[%dma_wait3A_134] : memref<65536xi32, #tpu.memory_space<hbm>> -> memref<8192xi32, #tpu.memory_space<hbm>>
      %dma_wait3A_136 = arith.constant 35424 : i32
      %dma_wait3A_137 = tpu.memref_slice %arg10[%dma_wait3A_136] : memref<65536xi32, #tpu.memory_space<hbm>> -> memref<8192xi32, #tpu.memory_space<hbm>>
      %dma_wait3A_138 = arith.constant 0 : i32
      %dma_wait3A_139 = tpu.memref_slice %arg12[%dma_wait3A_138] : memref<8192xi32, #tpu.memory_space<vmem>> -> memref<8192xi32, #tpu.memory_space<vmem>>
      tpu.wait_dma2 semaphore(%arg13 : memref<!tpu.dma_semaphore, #tpu.memory_space<semaphore_mem>>) src(%dma_wait3A_139 : memref<8192xi32, #tpu.memory_space<vmem>>) dst(%dma_wait3A_137 : memref<8192xi32, #tpu.memory_space<hbm>>)
    } else {
    }
    %eq3A_38 = arith.constant 8 : i32
    %eq3A_39 = arith.cmpi eq, %add3A, %eq3A_38 : i32
    %convert_element_type3A_40 = arith.extui %eq3A_39 : i1 to i32
    %cond3A_41 = arith.constant 0 : i32
    %cond3A_42 = arith.cmpi ne, %convert_element_type3A_40, %cond3A_41 : i32
    scf.if %cond3A_42 {
      %dma_start3A = arith.constant 0 : i32
      %dma_start3A_78 = tpu.memref_slice %arg11[%dma_start3A] : memref<8192xf32, #tpu.memory_space<vmem>> -> memref<5536xf32, #tpu.memory_space<vmem>>
      %dma_start3A_79 = arith.constant 0 : i32
      %dma_start3A_80 = tpu.memref_slice %arg2[%dma_start3A_79] : memref<16384xf32, #tpu.memory_space<hbm>> -> memref<5536xf32, #tpu.memory_space<hbm>>
      %dma_start3A_81 = arith.constant 0 : i32
      %dma_start3A_82 = tpu.memref_slice %arg11[%dma_start3A_81] : memref<8192xf32, #tpu.memory_space<vmem>> -> memref<5536xf32, #tpu.memory_space<vmem>>
      %dma_start3A_83 = arith.constant 0 : i32
      %dma_start3A_84 = tpu.memref_slice %arg2[%dma_start3A_83] : memref<16384xf32, #tpu.memory_space<hbm>> -> memref<5536xf32, #tpu.memory_space<hbm>>
      tpu.enqueue_dma source(%dma_start3A_84 : memref<5536xf32, #tpu.memory_space<hbm>>) target(%dma_start3A_82 : memref<5536xf32, #tpu.memory_space<vmem>>) target_semaphore(%arg13 : memref<!tpu.dma_semaphore, #tpu.memory_space<semaphore_mem>>)
      %dma_wait3A = arith.constant 0 : i32
      %dma_wait3A_85 = tpu.memref_slice %arg11[%dma_wait3A] : memref<8192xf32, #tpu.memory_space<vmem>> -> memref<5536xf32, #tpu.memory_space<vmem>>
      %dma_wait3A_86 = arith.constant 0 : i32
      %dma_wait3A_87 = tpu.memref_slice %arg2[%dma_wait3A_86] : memref<16384xf32, #tpu.memory_space<hbm>> -> memref<5536xf32, #tpu.memory_space<hbm>>
      %dma_wait3A_88 = arith.constant 0 : i32
      %dma_wait3A_89 = tpu.memref_slice %arg11[%dma_wait3A_88] : memref<8192xf32, #tpu.memory_space<vmem>> -> memref<5536xf32, #tpu.memory_space<vmem>>
      %dma_wait3A_90 = arith.constant 0 : i32
      %dma_wait3A_91 = tpu.memref_slice %arg2[%dma_wait3A_90] : memref<16384xf32, #tpu.memory_space<hbm>> -> memref<5536xf32, #tpu.memory_space<hbm>>
      tpu.wait_dma2 semaphore(%arg13 : memref<!tpu.dma_semaphore, #tpu.memory_space<semaphore_mem>>) src(%dma_wait3A_91 : memref<5536xf32, #tpu.memory_space<hbm>>) dst(%dma_wait3A_89 : memref<5536xf32, #tpu.memory_space<vmem>>)
      %dma_start3A_92 = arith.constant 0 : i32
      %dma_start3A_93 = tpu.memref_slice %arg11[%dma_start3A_92] : memref<8192xf32, #tpu.memory_space<vmem>> -> memref<5536xf32, #tpu.memory_space<vmem>>
      %dma_start3A_94 = arith.constant 60000 : i32
      %dma_start3A_95 = tpu.memref_slice %arg8[%dma_start3A_94] : memref<65536xf32, #tpu.memory_space<hbm>> -> memref<5536xf32, #tpu.memory_space<hbm>>
      %dma_start3A_96 = arith.constant 60000 : i32
      %dma_start3A_97 = tpu.memref_slice %arg8[%dma_start3A_96] : memref<65536xf32, #tpu.memory_space<hbm>> -> memref<5536xf32, #tpu.memory_space<hbm>>
      %dma_start3A_98 = arith.constant 0 : i32
      %dma_start3A_99 = tpu.memref_slice %arg11[%dma_start3A_98] : memref<8192xf32, #tpu.memory_space<vmem>> -> memref<5536xf32, #tpu.memory_space<vmem>>
      tpu.enqueue_dma source(%dma_start3A_99 : memref<5536xf32, #tpu.memory_space<vmem>>) target(%dma_start3A_97 : memref<5536xf32, #tpu.memory_space<hbm>>) target_semaphore(%arg13 : memref<!tpu.dma_semaphore, #tpu.memory_space<semaphore_mem>>)
      %dma_wait3A_100 = arith.constant 0 : i32
      %dma_wait3A_101 = tpu.memref_slice %arg11[%dma_wait3A_100] : memref<8192xf32, #tpu.memory_space<vmem>> -> memref<5536xf32, #tpu.memory_space<vmem>>
      %dma_wait3A_102 = arith.constant 60000 : i32
      %dma_wait3A_103 = tpu.memref_slice %arg8[%dma_wait3A_102] : memref<65536xf32, #tpu.memory_space<hbm>> -> memref<5536xf32, #tpu.memory_space<hbm>>
      %dma_wait3A_104 = arith.constant 60000 : i32
      %dma_wait3A_105 = tpu.memref_slice %arg8[%dma_wait3A_104] : memref<65536xf32, #tpu.memory_space<hbm>> -> memref<5536xf32, #tpu.memory_space<hbm>>
      %dma_wait3A_106 = arith.constant 0 : i32
      %dma_wait3A_107 = tpu.memref_slice %arg11[%dma_wait3A_106] : memref<8192xf32, #tpu.memory_space<vmem>> -> memref<5536xf32, #tpu.memory_space<vmem>>
      tpu.wait_dma2 semaphore(%arg13 : memref<!tpu.dma_semaphore, #tpu.memory_space<semaphore_mem>>) src(%dma_wait3A_107 : memref<5536xf32, #tpu.memory_space<vmem>>) dst(%dma_wait3A_105 : memref<5536xf32, #tpu.memory_space<hbm>>)
      %dma_start3A_108 = arith.constant 0 : i32
      %dma_start3A_109 = tpu.memref_slice %arg12[%dma_start3A_108] : memref<8192xi32, #tpu.memory_space<vmem>> -> memref<8192xi32, #tpu.memory_space<vmem>>
      %dma_start3A_110 = arith.constant 43616 : i32
      %dma_start3A_111 = tpu.memref_slice %arg7[%dma_start3A_110] : memref<65536xi32, #tpu.memory_space<hbm>> -> memref<8192xi32, #tpu.memory_space<hbm>>
      %dma_start3A_112 = arith.constant 0 : i32
      %dma_start3A_113 = tpu.memref_slice %arg12[%dma_start3A_112] : memref<8192xi32, #tpu.memory_space<vmem>> -> memref<8192xi32, #tpu.memory_space<vmem>>
      %dma_start3A_114 = arith.constant 43616 : i32
      %dma_start3A_115 = tpu.memref_slice %arg7[%dma_start3A_114] : memref<65536xi32, #tpu.memory_space<hbm>> -> memref<8192xi32, #tpu.memory_space<hbm>>
      tpu.enqueue_dma source(%dma_start3A_115 : memref<8192xi32, #tpu.memory_space<hbm>>) target(%dma_start3A_113 : memref<8192xi32, #tpu.memory_space<vmem>>) target_semaphore(%arg13 : memref<!tpu.dma_semaphore, #tpu.memory_space<semaphore_mem>>)
      %dma_wait3A_116 = arith.constant 0 : i32
      %dma_wait3A_117 = tpu.memref_slice %arg12[%dma_wait3A_116] : memref<8192xi32, #tpu.memory_space<vmem>> -> memref<8192xi32, #tpu.memory_space<vmem>>
      %dma_wait3A_118 = arith.constant 43616 : i32
      %dma_wait3A_119 = tpu.memref_slice %arg7[%dma_wait3A_118] : memref<65536xi32, #tpu.memory_space<hbm>> -> memref<8192xi32, #tpu.memory_space<hbm>>
      %dma_wait3A_120 = arith.constant 0 : i32
      %dma_wait3A_121 = tpu.memref_slice %arg12[%dma_wait3A_120] : memref<8192xi32, #tpu.memory_space<vmem>> -> memref<8192xi32, #tpu.memory_space<vmem>>
      %dma_wait3A_122 = arith.constant 43616 : i32
      %dma_wait3A_123 = tpu.memref_slice %arg7[%dma_wait3A_122] : memref<65536xi32, #tpu.memory_space<hbm>> -> memref<8192xi32, #tpu.memory_space<hbm>>
      tpu.wait_dma2 semaphore(%arg13 : memref<!tpu.dma_semaphore, #tpu.memory_space<semaphore_mem>>) src(%dma_wait3A_123 : memref<8192xi32, #tpu.memory_space<hbm>>) dst(%dma_wait3A_121 : memref<8192xi32, #tpu.memory_space<vmem>>)
      %dma_start3A_124 = arith.constant 0 : i32
      %dma_start3A_125 = tpu.memref_slice %arg12[%dma_start3A_124] : memref<8192xi32, #tpu.memory_space<vmem>> -> memref<8192xi32, #tpu.memory_space<vmem>>
      %dma_start3A_126 = arith.constant 43616 : i32
      %dma_start3A_127 = tpu.memref_slice %arg10[%dma_start3A_126] : memref<65536xi32, #tpu.memory_space<hbm>> -> memref<8192xi32, #tpu.memory_space<hbm>>
      %dma_start3A_128 = arith.constant 43616 : i32
      %dma_start3A_129 = tpu.memref_slice %arg10[%dma_start3A_128] : memref<65536xi32, #tpu.memory_space<hbm>> -> memref<8192xi32, #tpu.memory_space<hbm>>
      %dma_start3A_130 = arith.constant 0 : i32
      %dma_start3A_131 = tpu.memref_slice %arg12[%dma_start3A_130] : memref<8192xi32, #tpu.memory_space<vmem>> -> memref<8192xi32, #tpu.memory_space<vmem>>
      tpu.enqueue_dma source(%dma_start3A_131 : memref<8192xi32, #tpu.memory_space<vmem>>) target(%dma_start3A_129 : memref<8192xi32, #tpu.memory_space<hbm>>) target_semaphore(%arg13 : memref<!tpu.dma_semaphore, #tpu.memory_space<semaphore_mem>>)
      %dma_wait3A_132 = arith.constant 0 : i32
      %dma_wait3A_133 = tpu.memref_slice %arg12[%dma_wait3A_132] : memref<8192xi32, #tpu.memory_space<vmem>> -> memref<8192xi32, #tpu.memory_space<vmem>>
      %dma_wait3A_134 = arith.constant 43616 : i32
      %dma_wait3A_135 = tpu.memref_slice %arg10[%dma_wait3A_134] : memref<65536xi32, #tpu.memory_space<hbm>> -> memref<8192xi32, #tpu.memory_space<hbm>>
      %dma_wait3A_136 = arith.constant 43616 : i32
      %dma_wait3A_137 = tpu.memref_slice %arg10[%dma_wait3A_136] : memref<65536xi32, #tpu.memory_space<hbm>> -> memref<8192xi32, #tpu.memory_space<hbm>>
      %dma_wait3A_138 = arith.constant 0 : i32
      %dma_wait3A_139 = tpu.memref_slice %arg12[%dma_wait3A_138] : memref<8192xi32, #tpu.memory_space<vmem>> -> memref<8192xi32, #tpu.memory_space<vmem>>
      tpu.wait_dma2 semaphore(%arg13 : memref<!tpu.dma_semaphore, #tpu.memory_space<semaphore_mem>>) src(%dma_wait3A_139 : memref<8192xi32, #tpu.memory_space<vmem>>) dst(%dma_wait3A_137 : memref<8192xi32, #tpu.memory_space<hbm>>)
    } else {
    }
    %eq3A_43 = arith.constant 9 : i32
    %eq3A_44 = arith.cmpi eq, %add3A, %eq3A_43 : i32
    %convert_element_type3A_45 = arith.extui %eq3A_44 : i1 to i32
    %cond3A_46 = arith.constant 0 : i32
    %cond3A_47 = arith.cmpi ne, %convert_element_type3A_45, %cond3A_46 : i32
    scf.if %cond3A_47 {
      %dma_start3A = arith.constant 0 : i32
      %dma_start3A_78 = tpu.memref_slice %arg11[%dma_start3A] : memref<8192xf32, #tpu.memory_space<vmem>> -> memref<8192xf32, #tpu.memory_space<vmem>>
      %dma_start3A_79 = arith.constant 5536 : i32
      %dma_start3A_80 = tpu.memref_slice %arg3[%dma_start3A_79] : memref<16384xf32, #tpu.memory_space<hbm>> -> memref<8192xf32, #tpu.memory_space<hbm>>
      %dma_start3A_81 = arith.constant 0 : i32
      %dma_start3A_82 = tpu.memref_slice %arg11[%dma_start3A_81] : memref<8192xf32, #tpu.memory_space<vmem>> -> memref<8192xf32, #tpu.memory_space<vmem>>
      %dma_start3A_83 = arith.constant 5536 : i32
      %dma_start3A_84 = tpu.memref_slice %arg3[%dma_start3A_83] : memref<16384xf32, #tpu.memory_space<hbm>> -> memref<8192xf32, #tpu.memory_space<hbm>>
      tpu.enqueue_dma source(%dma_start3A_84 : memref<8192xf32, #tpu.memory_space<hbm>>) target(%dma_start3A_82 : memref<8192xf32, #tpu.memory_space<vmem>>) target_semaphore(%arg13 : memref<!tpu.dma_semaphore, #tpu.memory_space<semaphore_mem>>)
      %dma_wait3A = arith.constant 0 : i32
      %dma_wait3A_85 = tpu.memref_slice %arg11[%dma_wait3A] : memref<8192xf32, #tpu.memory_space<vmem>> -> memref<8192xf32, #tpu.memory_space<vmem>>
      %dma_wait3A_86 = arith.constant 5536 : i32
      %dma_wait3A_87 = tpu.memref_slice %arg3[%dma_wait3A_86] : memref<16384xf32, #tpu.memory_space<hbm>> -> memref<8192xf32, #tpu.memory_space<hbm>>
      %dma_wait3A_88 = arith.constant 0 : i32
      %dma_wait3A_89 = tpu.memref_slice %arg11[%dma_wait3A_88] : memref<8192xf32, #tpu.memory_space<vmem>> -> memref<8192xf32, #tpu.memory_space<vmem>>
      %dma_wait3A_90 = arith.constant 5536 : i32
      %dma_wait3A_91 = tpu.memref_slice %arg3[%dma_wait3A_90] : memref<16384xf32, #tpu.memory_space<hbm>> -> memref<8192xf32, #tpu.memory_space<hbm>>
      tpu.wait_dma2 semaphore(%arg13 : memref<!tpu.dma_semaphore, #tpu.memory_space<semaphore_mem>>) src(%dma_wait3A_91 : memref<8192xf32, #tpu.memory_space<hbm>>) dst(%dma_wait3A_89 : memref<8192xf32, #tpu.memory_space<vmem>>)
      %dma_start3A_92 = arith.constant 0 : i32
      %dma_start3A_93 = tpu.memref_slice %arg11[%dma_start3A_92] : memref<8192xf32, #tpu.memory_space<vmem>> -> memref<8192xf32, #tpu.memory_space<vmem>>
      %dma_start3A_94 = arith.constant 0 : i32
      %dma_start3A_95 = tpu.memref_slice %arg9[%dma_start3A_94] : memref<65536xf32, #tpu.memory_space<hbm>> -> memref<8192xf32, #tpu.memory_space<hbm>>
      %dma_start3A_96 = arith.constant 0 : i32
      %dma_start3A_97 = tpu.memref_slice %arg9[%dma_start3A_96] : memref<65536xf32, #tpu.memory_space<hbm>> -> memref<8192xf32, #tpu.memory_space<hbm>>
      %dma_start3A_98 = arith.constant 0 : i32
      %dma_start3A_99 = tpu.memref_slice %arg11[%dma_start3A_98] : memref<8192xf32, #tpu.memory_space<vmem>> -> memref<8192xf32, #tpu.memory_space<vmem>>
      tpu.enqueue_dma source(%dma_start3A_99 : memref<8192xf32, #tpu.memory_space<vmem>>) target(%dma_start3A_97 : memref<8192xf32, #tpu.memory_space<hbm>>) target_semaphore(%arg13 : memref<!tpu.dma_semaphore, #tpu.memory_space<semaphore_mem>>)
      %dma_wait3A_100 = arith.constant 0 : i32
      %dma_wait3A_101 = tpu.memref_slice %arg11[%dma_wait3A_100] : memref<8192xf32, #tpu.memory_space<vmem>> -> memref<8192xf32, #tpu.memory_space<vmem>>
      %dma_wait3A_102 = arith.constant 0 : i32
      %dma_wait3A_103 = tpu.memref_slice %arg9[%dma_wait3A_102] : memref<65536xf32, #tpu.memory_space<hbm>> -> memref<8192xf32, #tpu.memory_space<hbm>>
      %dma_wait3A_104 = arith.constant 0 : i32
      %dma_wait3A_105 = tpu.memref_slice %arg9[%dma_wait3A_104] : memref<65536xf32, #tpu.memory_space<hbm>> -> memref<8192xf32, #tpu.memory_space<hbm>>
      %dma_wait3A_106 = arith.constant 0 : i32
      %dma_wait3A_107 = tpu.memref_slice %arg11[%dma_wait3A_106] : memref<8192xf32, #tpu.memory_space<vmem>> -> memref<8192xf32, #tpu.memory_space<vmem>>
      tpu.wait_dma2 semaphore(%arg13 : memref<!tpu.dma_semaphore, #tpu.memory_space<semaphore_mem>>) src(%dma_wait3A_107 : memref<8192xf32, #tpu.memory_space<vmem>>) dst(%dma_wait3A_105 : memref<8192xf32, #tpu.memory_space<hbm>>)
      %dma_start3A_108 = arith.constant 0 : i32
      %dma_start3A_109 = tpu.memref_slice %arg12[%dma_start3A_108] : memref<8192xi32, #tpu.memory_space<vmem>> -> memref<8192xi32, #tpu.memory_space<vmem>>
      %dma_start3A_110 = arith.constant 51808 : i32
      %dma_start3A_111 = tpu.memref_slice %arg7[%dma_start3A_110] : memref<65536xi32, #tpu.memory_space<hbm>> -> memref<8192xi32, #tpu.memory_space<hbm>>
      %dma_start3A_112 = arith.constant 0 : i32
      %dma_start3A_113 = tpu.memref_slice %arg12[%dma_start3A_112] : memref<8192xi32, #tpu.memory_space<vmem>> -> memref<8192xi32, #tpu.memory_space<vmem>>
      %dma_start3A_114 = arith.constant 51808 : i32
      %dma_start3A_115 = tpu.memref_slice %arg7[%dma_start3A_114] : memref<65536xi32, #tpu.memory_space<hbm>> -> memref<8192xi32, #tpu.memory_space<hbm>>
      tpu.enqueue_dma source(%dma_start3A_115 : memref<8192xi32, #tpu.memory_space<hbm>>) target(%dma_start3A_113 : memref<8192xi32, #tpu.memory_space<vmem>>) target_semaphore(%arg13 : memref<!tpu.dma_semaphore, #tpu.memory_space<semaphore_mem>>)
      %dma_wait3A_116 = arith.constant 0 : i32
      %dma_wait3A_117 = tpu.memref_slice %arg12[%dma_wait3A_116] : memref<8192xi32, #tpu.memory_space<vmem>> -> memref<8192xi32, #tpu.memory_space<vmem>>
      %dma_wait3A_118 = arith.constant 51808 : i32
      %dma_wait3A_119 = tpu.memref_slice %arg7[%dma_wait3A_118] : memref<65536xi32, #tpu.memory_space<hbm>> -> memref<8192xi32, #tpu.memory_space<hbm>>
      %dma_wait3A_120 = arith.constant 0 : i32
      %dma_wait3A_121 = tpu.memref_slice %arg12[%dma_wait3A_120] : memref<8192xi32, #tpu.memory_space<vmem>> -> memref<8192xi32, #tpu.memory_space<vmem>>
      %dma_wait3A_122 = arith.constant 51808 : i32
      %dma_wait3A_123 = tpu.memref_slice %arg7[%dma_wait3A_122] : memref<65536xi32, #tpu.memory_space<hbm>> -> memref<8192xi32, #tpu.memory_space<hbm>>
      tpu.wait_dma2 semaphore(%arg13 : memref<!tpu.dma_semaphore, #tpu.memory_space<semaphore_mem>>) src(%dma_wait3A_123 : memref<8192xi32, #tpu.memory_space<hbm>>) dst(%dma_wait3A_121 : memref<8192xi32, #tpu.memory_space<vmem>>)
      %dma_start3A_124 = arith.constant 0 : i32
      %dma_start3A_125 = tpu.memref_slice %arg12[%dma_start3A_124] : memref<8192xi32, #tpu.memory_space<vmem>> -> memref<8192xi32, #tpu.memory_space<vmem>>
      %dma_start3A_126 = arith.constant 51808 : i32
      %dma_start3A_127 = tpu.memref_slice %arg10[%dma_start3A_126] : memref<65536xi32, #tpu.memory_space<hbm>> -> memref<8192xi32, #tpu.memory_space<hbm>>
      %dma_start3A_128 = arith.constant 51808 : i32
      %dma_start3A_129 = tpu.memref_slice %arg10[%dma_start3A_128] : memref<65536xi32, #tpu.memory_space<hbm>> -> memref<8192xi32, #tpu.memory_space<hbm>>
      %dma_start3A_130 = arith.constant 0 : i32
      %dma_start3A_131 = tpu.memref_slice %arg12[%dma_start3A_130] : memref<8192xi32, #tpu.memory_space<vmem>> -> memref<8192xi32, #tpu.memory_space<vmem>>
      tpu.enqueue_dma source(%dma_start3A_131 : memref<8192xi32, #tpu.memory_space<vmem>>) target(%dma_start3A_129 : memref<8192xi32, #tpu.memory_space<hbm>>) target_semaphore(%arg13 : memref<!tpu.dma_semaphore, #tpu.memory_space<semaphore_mem>>)
      %dma_wait3A_132 = arith.constant 0 : i32
      %dma_wait3A_133 = tpu.memref_slice %arg12[%dma_wait3A_132] : memref<8192xi32, #tpu.memory_space<vmem>> -> memref<8192xi32, #tpu.memory_space<vmem>>
      %dma_wait3A_134 = arith.constant 51808 : i32
      %dma_wait3A_135 = tpu.memref_slice %arg10[%dma_wait3A_134] : memref<65536xi32, #tpu.memory_space<hbm>> -> memref<8192xi32, #tpu.memory_space<hbm>>
      %dma_wait3A_136 = arith.constant 51808 : i32
      %dma_wait3A_137 = tpu.memref_slice %arg10[%dma_wait3A_136] : memref<65536xi32, #tpu.memory_space<hbm>> -> memref<8192xi32, #tpu.memory_space<hbm>>
      %dma_wait3A_138 = arith.constant 0 : i32
      %dma_wait3A_139 = tpu.memref_slice %arg12[%dma_wait3A_138] : memref<8192xi32, #tpu.memory_space<vmem>> -> memref<8192xi32, #tpu.memory_space<vmem>>
      tpu.wait_dma2 semaphore(%arg13 : memref<!tpu.dma_semaphore, #tpu.memory_space<semaphore_mem>>) src(%dma_wait3A_139 : memref<8192xi32, #tpu.memory_space<vmem>>) dst(%dma_wait3A_137 : memref<8192xi32, #tpu.memory_space<hbm>>)
    } else {
    }
    %eq3A_48 = arith.constant 10 : i32
    %eq3A_49 = arith.cmpi eq, %add3A, %eq3A_48 : i32
    %convert_element_type3A_50 = arith.extui %eq3A_49 : i1 to i32
    %cond3A_51 = arith.constant 0 : i32
    %cond3A_52 = arith.cmpi ne, %convert_element_type3A_50, %cond3A_51 : i32
    scf.if %cond3A_52 {
      %dma_start3A = arith.constant 0 : i32
      %dma_start3A_78 = tpu.memref_slice %arg11[%dma_start3A] : memref<8192xf32, #tpu.memory_space<vmem>> -> memref<2656xf32, #tpu.memory_space<vmem>>
      %dma_start3A_79 = arith.constant 13728 : i32
      %dma_start3A_80 = tpu.memref_slice %arg3[%dma_start3A_79] : memref<16384xf32, #tpu.memory_space<hbm>> -> memref<2656xf32, #tpu.memory_space<hbm>>
      %dma_start3A_81 = arith.constant 0 : i32
      %dma_start3A_82 = tpu.memref_slice %arg11[%dma_start3A_81] : memref<8192xf32, #tpu.memory_space<vmem>> -> memref<2656xf32, #tpu.memory_space<vmem>>
      %dma_start3A_83 = arith.constant 13728 : i32
      %dma_start3A_84 = tpu.memref_slice %arg3[%dma_start3A_83] : memref<16384xf32, #tpu.memory_space<hbm>> -> memref<2656xf32, #tpu.memory_space<hbm>>
      tpu.enqueue_dma source(%dma_start3A_84 : memref<2656xf32, #tpu.memory_space<hbm>>) target(%dma_start3A_82 : memref<2656xf32, #tpu.memory_space<vmem>>) target_semaphore(%arg13 : memref<!tpu.dma_semaphore, #tpu.memory_space<semaphore_mem>>)
      %dma_wait3A = arith.constant 0 : i32
      %dma_wait3A_85 = tpu.memref_slice %arg11[%dma_wait3A] : memref<8192xf32, #tpu.memory_space<vmem>> -> memref<2656xf32, #tpu.memory_space<vmem>>
      %dma_wait3A_86 = arith.constant 13728 : i32
      %dma_wait3A_87 = tpu.memref_slice %arg3[%dma_wait3A_86] : memref<16384xf32, #tpu.memory_space<hbm>> -> memref<2656xf32, #tpu.memory_space<hbm>>
      %dma_wait3A_88 = arith.constant 0 : i32
      %dma_wait3A_89 = tpu.memref_slice %arg11[%dma_wait3A_88] : memref<8192xf32, #tpu.memory_space<vmem>> -> memref<2656xf32, #tpu.memory_space<vmem>>
      %dma_wait3A_90 = arith.constant 13728 : i32
      %dma_wait3A_91 = tpu.memref_slice %arg3[%dma_wait3A_90] : memref<16384xf32, #tpu.memory_space<hbm>> -> memref<2656xf32, #tpu.memory_space<hbm>>
      tpu.wait_dma2 semaphore(%arg13 : memref<!tpu.dma_semaphore, #tpu.memory_space<semaphore_mem>>) src(%dma_wait3A_91 : memref<2656xf32, #tpu.memory_space<hbm>>) dst(%dma_wait3A_89 : memref<2656xf32, #tpu.memory_space<vmem>>)
      %dma_start3A_92 = arith.constant 0 : i32
      %dma_start3A_93 = tpu.memref_slice %arg11[%dma_start3A_92] : memref<8192xf32, #tpu.memory_space<vmem>> -> memref<2656xf32, #tpu.memory_space<vmem>>
      %dma_start3A_94 = arith.constant 8192 : i32
      %dma_start3A_95 = tpu.memref_slice %arg9[%dma_start3A_94] : memref<65536xf32, #tpu.memory_space<hbm>> -> memref<2656xf32, #tpu.memory_space<hbm>>
      %dma_start3A_96 = arith.constant 8192 : i32
      %dma_start3A_97 = tpu.memref_slice %arg9[%dma_start3A_96] : memref<65536xf32, #tpu.memory_space<hbm>> -> memref<2656xf32, #tpu.memory_space<hbm>>
      %dma_start3A_98 = arith.constant 0 : i32
      %dma_start3A_99 = tpu.memref_slice %arg11[%dma_start3A_98] : memref<8192xf32, #tpu.memory_space<vmem>> -> memref<2656xf32, #tpu.memory_space<vmem>>
      tpu.enqueue_dma source(%dma_start3A_99 : memref<2656xf32, #tpu.memory_space<vmem>>) target(%dma_start3A_97 : memref<2656xf32, #tpu.memory_space<hbm>>) target_semaphore(%arg13 : memref<!tpu.dma_semaphore, #tpu.memory_space<semaphore_mem>>)
      %dma_wait3A_100 = arith.constant 0 : i32
      %dma_wait3A_101 = tpu.memref_slice %arg11[%dma_wait3A_100] : memref<8192xf32, #tpu.memory_space<vmem>> -> memref<2656xf32, #tpu.memory_space<vmem>>
      %dma_wait3A_102 = arith.constant 8192 : i32
      %dma_wait3A_103 = tpu.memref_slice %arg9[%dma_wait3A_102] : memref<65536xf32, #tpu.memory_space<hbm>> -> memref<2656xf32, #tpu.memory_space<hbm>>
      %dma_wait3A_104 = arith.constant 8192 : i32
      %dma_wait3A_105 = tpu.memref_slice %arg9[%dma_wait3A_104] : memref<65536xf32, #tpu.memory_space<hbm>> -> memref<2656xf32, #tpu.memory_space<hbm>>
      %dma_wait3A_106 = arith.constant 0 : i32
      %dma_wait3A_107 = tpu.memref_slice %arg11[%dma_wait3A_106] : memref<8192xf32, #tpu.memory_space<vmem>> -> memref<2656xf32, #tpu.memory_space<vmem>>
      tpu.wait_dma2 semaphore(%arg13 : memref<!tpu.dma_semaphore, #tpu.memory_space<semaphore_mem>>) src(%dma_wait3A_107 : memref<2656xf32, #tpu.memory_space<vmem>>) dst(%dma_wait3A_105 : memref<2656xf32, #tpu.memory_space<hbm>>)
      %dma_start3A_108 = arith.constant 0 : i32
      %dma_start3A_109 = tpu.memref_slice %arg12[%dma_start3A_108] : memref<8192xi32, #tpu.memory_space<vmem>> -> memref<5536xi32, #tpu.memory_space<vmem>>
      %dma_start3A_110 = arith.constant 0 : i32
      %dma_start3A_111 = tpu.memref_slice %arg4[%dma_start3A_110] : memref<16384xi32, #tpu.memory_space<hbm>> -> memref<5536xi32, #tpu.memory_space<hbm>>
      %dma_start3A_112 = arith.constant 0 : i32
      %dma_start3A_113 = tpu.memref_slice %arg12[%dma_start3A_112] : memref<8192xi32, #tpu.memory_space<vmem>> -> memref<5536xi32, #tpu.memory_space<vmem>>
      %dma_start3A_114 = arith.constant 0 : i32
      %dma_start3A_115 = tpu.memref_slice %arg4[%dma_start3A_114] : memref<16384xi32, #tpu.memory_space<hbm>> -> memref<5536xi32, #tpu.memory_space<hbm>>
      tpu.enqueue_dma source(%dma_start3A_115 : memref<5536xi32, #tpu.memory_space<hbm>>) target(%dma_start3A_113 : memref<5536xi32, #tpu.memory_space<vmem>>) target_semaphore(%arg13 : memref<!tpu.dma_semaphore, #tpu.memory_space<semaphore_mem>>)
      %dma_wait3A_116 = arith.constant 0 : i32
      %dma_wait3A_117 = tpu.memref_slice %arg12[%dma_wait3A_116] : memref<8192xi32, #tpu.memory_space<vmem>> -> memref<5536xi32, #tpu.memory_space<vmem>>
      %dma_wait3A_118 = arith.constant 0 : i32
      %dma_wait3A_119 = tpu.memref_slice %arg4[%dma_wait3A_118] : memref<16384xi32, #tpu.memory_space<hbm>> -> memref<5536xi32, #tpu.memory_space<hbm>>
      %dma_wait3A_120 = arith.constant 0 : i32
      %dma_wait3A_121 = tpu.memref_slice %arg12[%dma_wait3A_120] : memref<8192xi32, #tpu.memory_space<vmem>> -> memref<5536xi32, #tpu.memory_space<vmem>>
      %dma_wait3A_122 = arith.constant 0 : i32
      %dma_wait3A_123 = tpu.memref_slice %arg4[%dma_wait3A_122] : memref<16384xi32, #tpu.memory_space<hbm>> -> memref<5536xi32, #tpu.memory_space<hbm>>
      tpu.wait_dma2 semaphore(%arg13 : memref<!tpu.dma_semaphore, #tpu.memory_space<semaphore_mem>>) src(%dma_wait3A_123 : memref<5536xi32, #tpu.memory_space<hbm>>) dst(%dma_wait3A_121 : memref<5536xi32, #tpu.memory_space<vmem>>)
      %dma_start3A_124 = arith.constant 0 : i32
      %dma_start3A_125 = tpu.memref_slice %arg12[%dma_start3A_124] : memref<8192xi32, #tpu.memory_space<vmem>> -> memref<5536xi32, #tpu.memory_space<vmem>>
      %dma_start3A_126 = arith.constant 60000 : i32
      %dma_start3A_127 = tpu.memref_slice %arg10[%dma_start3A_126] : memref<65536xi32, #tpu.memory_space<hbm>> -> memref<5536xi32, #tpu.memory_space<hbm>>
      %dma_start3A_128 = arith.constant 60000 : i32
      %dma_start3A_129 = tpu.memref_slice %arg10[%dma_start3A_128] : memref<65536xi32, #tpu.memory_space<hbm>> -> memref<5536xi32, #tpu.memory_space<hbm>>
      %dma_start3A_130 = arith.constant 0 : i32
      %dma_start3A_131 = tpu.memref_slice %arg12[%dma_start3A_130] : memref<8192xi32, #tpu.memory_space<vmem>> -> memref<5536xi32, #tpu.memory_space<vmem>>
      tpu.enqueue_dma source(%dma_start3A_131 : memref<5536xi32, #tpu.memory_space<vmem>>) target(%dma_start3A_129 : memref<5536xi32, #tpu.memory_space<hbm>>) target_semaphore(%arg13 : memref<!tpu.dma_semaphore, #tpu.memory_space<semaphore_mem>>)
      %dma_wait3A_132 = arith.constant 0 : i32
      %dma_wait3A_133 = tpu.memref_slice %arg12[%dma_wait3A_132] : memref<8192xi32, #tpu.memory_space<vmem>> -> memref<5536xi32, #tpu.memory_space<vmem>>
      %dma_wait3A_134 = arith.constant 60000 : i32
      %dma_wait3A_135 = tpu.memref_slice %arg10[%dma_wait3A_134] : memref<65536xi32, #tpu.memory_space<hbm>> -> memref<5536xi32, #tpu.memory_space<hbm>>
      %dma_wait3A_136 = arith.constant 60000 : i32
      %dma_wait3A_137 = tpu.memref_slice %arg10[%dma_wait3A_136] : memref<65536xi32, #tpu.memory_space<hbm>> -> memref<5536xi32, #tpu.memory_space<hbm>>
      %dma_wait3A_138 = arith.constant 0 : i32
      %dma_wait3A_139 = tpu.memref_slice %arg12[%dma_wait3A_138] : memref<8192xi32, #tpu.memory_space<vmem>> -> memref<5536xi32, #tpu.memory_space<vmem>>
      tpu.wait_dma2 semaphore(%arg13 : memref<!tpu.dma_semaphore, #tpu.memory_space<semaphore_mem>>) src(%dma_wait3A_139 : memref<5536xi32, #tpu.memory_space<vmem>>) dst(%dma_wait3A_137 : memref<5536xi32, #tpu.memory_space<hbm>>)
    } else {
    }
    %eq3A_53 = arith.constant 11 : i32
    %eq3A_54 = arith.cmpi eq, %add3A, %eq3A_53 : i32
    %convert_element_type3A_55 = arith.extui %eq3A_54 : i1 to i32
    %cond3A_56 = arith.constant 0 : i32
    %cond3A_57 = arith.cmpi ne, %convert_element_type3A_55, %cond3A_56 : i32
    scf.if %cond3A_57 {
      %dma_start3A = arith.constant 0 : i32
      %dma_start3A_78 = tpu.memref_slice %arg11[%dma_start3A] : memref<8192xf32, #tpu.memory_space<vmem>> -> memref<8192xf32, #tpu.memory_space<vmem>>
      %dma_start3A_79 = arith.constant 10848 : i32
      %dma_start3A_80 = tpu.memref_slice %arg6[%dma_start3A_79] : memref<65536xf32, #tpu.memory_space<hbm>> -> memref<8192xf32, #tpu.memory_space<hbm>>
      %dma_start3A_81 = arith.constant 0 : i32
      %dma_start3A_82 = tpu.memref_slice %arg11[%dma_start3A_81] : memref<8192xf32, #tpu.memory_space<vmem>> -> memref<8192xf32, #tpu.memory_space<vmem>>
      %dma_start3A_83 = arith.constant 10848 : i32
      %dma_start3A_84 = tpu.memref_slice %arg6[%dma_start3A_83] : memref<65536xf32, #tpu.memory_space<hbm>> -> memref<8192xf32, #tpu.memory_space<hbm>>
      tpu.enqueue_dma source(%dma_start3A_84 : memref<8192xf32, #tpu.memory_space<hbm>>) target(%dma_start3A_82 : memref<8192xf32, #tpu.memory_space<vmem>>) target_semaphore(%arg13 : memref<!tpu.dma_semaphore, #tpu.memory_space<semaphore_mem>>)
      %dma_wait3A = arith.constant 0 : i32
      %dma_wait3A_85 = tpu.memref_slice %arg11[%dma_wait3A] : memref<8192xf32, #tpu.memory_space<vmem>> -> memref<8192xf32, #tpu.memory_space<vmem>>
      %dma_wait3A_86 = arith.constant 10848 : i32
      %dma_wait3A_87 = tpu.memref_slice %arg6[%dma_wait3A_86] : memref<65536xf32, #tpu.memory_space<hbm>> -> memref<8192xf32, #tpu.memory_space<hbm>>
      %dma_wait3A_88 = arith.constant 0 : i32
      %dma_wait3A_89 = tpu.memref_slice %arg11[%dma_wait3A_88] : memref<8192xf32, #tpu.memory_space<vmem>> -> memref<8192xf32, #tpu.memory_space<vmem>>
      %dma_wait3A_90 = arith.constant 10848 : i32
      %dma_wait3A_91 = tpu.memref_slice %arg6[%dma_wait3A_90] : memref<65536xf32, #tpu.memory_space<hbm>> -> memref<8192xf32, #tpu.memory_space<hbm>>
      tpu.wait_dma2 semaphore(%arg13 : memref<!tpu.dma_semaphore, #tpu.memory_space<semaphore_mem>>) src(%dma_wait3A_91 : memref<8192xf32, #tpu.memory_space<hbm>>) dst(%dma_wait3A_89 : memref<8192xf32, #tpu.memory_space<vmem>>)
      %dma_start3A_92 = arith.constant 0 : i32
      %dma_start3A_93 = tpu.memref_slice %arg11[%dma_start3A_92] : memref<8192xf32, #tpu.memory_space<vmem>> -> memref<8192xf32, #tpu.memory_space<vmem>>
      %dma_start3A_94 = arith.constant 10848 : i32
      %dma_start3A_95 = tpu.memref_slice %arg9[%dma_start3A_94] : memref<65536xf32, #tpu.memory_space<hbm>> -> memref<8192xf32, #tpu.memory_space<hbm>>
      %dma_start3A_96 = arith.constant 10848 : i32
      %dma_start3A_97 = tpu.memref_slice %arg9[%dma_start3A_96] : memref<65536xf32, #tpu.memory_space<hbm>> -> memref<8192xf32, #tpu.memory_space<hbm>>
      %dma_start3A_98 = arith.constant 0 : i32
      %dma_start3A_99 = tpu.memref_slice %arg11[%dma_start3A_98] : memref<8192xf32, #tpu.memory_space<vmem>> -> memref<8192xf32, #tpu.memory_space<vmem>>
      tpu.enqueue_dma source(%dma_start3A_99 : memref<8192xf32, #tpu.memory_space<vmem>>) target(%dma_start3A_97 : memref<8192xf32, #tpu.memory_space<hbm>>) target_semaphore(%arg13 : memref<!tpu.dma_semaphore, #tpu.memory_space<semaphore_mem>>)
      %dma_wait3A_100 = arith.constant 0 : i32
      %dma_wait3A_101 = tpu.memref_slice %arg11[%dma_wait3A_100] : memref<8192xf32, #tpu.memory_space<vmem>> -> memref<8192xf32, #tpu.memory_space<vmem>>
      %dma_wait3A_102 = arith.constant 10848 : i32
      %dma_wait3A_103 = tpu.memref_slice %arg9[%dma_wait3A_102] : memref<65536xf32, #tpu.memory_space<hbm>> -> memref<8192xf32, #tpu.memory_space<hbm>>
      %dma_wait3A_104 = arith.constant 10848 : i32
      %dma_wait3A_105 = tpu.memref_slice %arg9[%dma_wait3A_104] : memref<65536xf32, #tpu.memory_space<hbm>> -> memref<8192xf32, #tpu.memory_space<hbm>>
      %dma_wait3A_106 = arith.constant 0 : i32
      %dma_wait3A_107 = tpu.memref_slice %arg11[%dma_wait3A_106] : memref<8192xf32, #tpu.memory_space<vmem>> -> memref<8192xf32, #tpu.memory_space<vmem>>
      tpu.wait_dma2 semaphore(%arg13 : memref<!tpu.dma_semaphore, #tpu.memory_space<semaphore_mem>>) src(%dma_wait3A_107 : memref<8192xf32, #tpu.memory_space<vmem>>) dst(%dma_wait3A_105 : memref<8192xf32, #tpu.memory_space<hbm>>)
    } else {
    }
    %eq3A_58 = arith.constant 12 : i32
    %eq3A_59 = arith.cmpi eq, %add3A, %eq3A_58 : i32
    %convert_element_type3A_60 = arith.extui %eq3A_59 : i1 to i32
    %cond3A_61 = arith.constant 0 : i32
    %cond3A_62 = arith.cmpi ne, %convert_element_type3A_60, %cond3A_61 : i32
    scf.if %cond3A_62 {
      %dma_start3A = arith.constant 0 : i32
      %dma_start3A_78 = tpu.memref_slice %arg11[%dma_start3A] : memref<8192xf32, #tpu.memory_space<vmem>> -> memref<8192xf32, #tpu.memory_space<vmem>>
      %dma_start3A_79 = arith.constant 19040 : i32
      %dma_start3A_80 = tpu.memref_slice %arg6[%dma_start3A_79] : memref<65536xf32, #tpu.memory_space<hbm>> -> memref<8192xf32, #tpu.memory_space<hbm>>
      %dma_start3A_81 = arith.constant 0 : i32
      %dma_start3A_82 = tpu.memref_slice %arg11[%dma_start3A_81] : memref<8192xf32, #tpu.memory_space<vmem>> -> memref<8192xf32, #tpu.memory_space<vmem>>
      %dma_start3A_83 = arith.constant 19040 : i32
      %dma_start3A_84 = tpu.memref_slice %arg6[%dma_start3A_83] : memref<65536xf32, #tpu.memory_space<hbm>> -> memref<8192xf32, #tpu.memory_space<hbm>>
      tpu.enqueue_dma source(%dma_start3A_84 : memref<8192xf32, #tpu.memory_space<hbm>>) target(%dma_start3A_82 : memref<8192xf32, #tpu.memory_space<vmem>>) target_semaphore(%arg13 : memref<!tpu.dma_semaphore, #tpu.memory_space<semaphore_mem>>)
      %dma_wait3A = arith.constant 0 : i32
      %dma_wait3A_85 = tpu.memref_slice %arg11[%dma_wait3A] : memref<8192xf32, #tpu.memory_space<vmem>> -> memref<8192xf32, #tpu.memory_space<vmem>>
      %dma_wait3A_86 = arith.constant 19040 : i32
      %dma_wait3A_87 = tpu.memref_slice %arg6[%dma_wait3A_86] : memref<65536xf32, #tpu.memory_space<hbm>> -> memref<8192xf32, #tpu.memory_space<hbm>>
      %dma_wait3A_88 = arith.constant 0 : i32
      %dma_wait3A_89 = tpu.memref_slice %arg11[%dma_wait3A_88] : memref<8192xf32, #tpu.memory_space<vmem>> -> memref<8192xf32, #tpu.memory_space<vmem>>
      %dma_wait3A_90 = arith.constant 19040 : i32
      %dma_wait3A_91 = tpu.memref_slice %arg6[%dma_wait3A_90] : memref<65536xf32, #tpu.memory_space<hbm>> -> memref<8192xf32, #tpu.memory_space<hbm>>
      tpu.wait_dma2 semaphore(%arg13 : memref<!tpu.dma_semaphore, #tpu.memory_space<semaphore_mem>>) src(%dma_wait3A_91 : memref<8192xf32, #tpu.memory_space<hbm>>) dst(%dma_wait3A_89 : memref<8192xf32, #tpu.memory_space<vmem>>)
      %dma_start3A_92 = arith.constant 0 : i32
      %dma_start3A_93 = tpu.memref_slice %arg11[%dma_start3A_92] : memref<8192xf32, #tpu.memory_space<vmem>> -> memref<8192xf32, #tpu.memory_space<vmem>>
      %dma_start3A_94 = arith.constant 19040 : i32
      %dma_start3A_95 = tpu.memref_slice %arg9[%dma_start3A_94] : memref<65536xf32, #tpu.memory_space<hbm>> -> memref<8192xf32, #tpu.memory_space<hbm>>
      %dma_start3A_96 = arith.constant 19040 : i32
      %dma_start3A_97 = tpu.memref_slice %arg9[%dma_start3A_96] : memref<65536xf32, #tpu.memory_space<hbm>> -> memref<8192xf32, #tpu.memory_space<hbm>>
      %dma_start3A_98 = arith.constant 0 : i32
      %dma_start3A_99 = tpu.memref_slice %arg11[%dma_start3A_98] : memref<8192xf32, #tpu.memory_space<vmem>> -> memref<8192xf32, #tpu.memory_space<vmem>>
      tpu.enqueue_dma source(%dma_start3A_99 : memref<8192xf32, #tpu.memory_space<vmem>>) target(%dma_start3A_97 : memref<8192xf32, #tpu.memory_space<hbm>>) target_semaphore(%arg13 : memref<!tpu.dma_semaphore, #tpu.memory_space<semaphore_mem>>)
      %dma_wait3A_100 = arith.constant 0 : i32
      %dma_wait3A_101 = tpu.memref_slice %arg11[%dma_wait3A_100] : memref<8192xf32, #tpu.memory_space<vmem>> -> memref<8192xf32, #tpu.memory_space<vmem>>
      %dma_wait3A_102 = arith.constant 19040 : i32
      %dma_wait3A_103 = tpu.memref_slice %arg9[%dma_wait3A_102] : memref<65536xf32, #tpu.memory_space<hbm>> -> memref<8192xf32, #tpu.memory_space<hbm>>
      %dma_wait3A_104 = arith.constant 19040 : i32
      %dma_wait3A_105 = tpu.memref_slice %arg9[%dma_wait3A_104] : memref<65536xf32, #tpu.memory_space<hbm>> -> memref<8192xf32, #tpu.memory_space<hbm>>
      %dma_wait3A_106 = arith.constant 0 : i32
      %dma_wait3A_107 = tpu.memref_slice %arg11[%dma_wait3A_106] : memref<8192xf32, #tpu.memory_space<vmem>> -> memref<8192xf32, #tpu.memory_space<vmem>>
      tpu.wait_dma2 semaphore(%arg13 : memref<!tpu.dma_semaphore, #tpu.memory_space<semaphore_mem>>) src(%dma_wait3A_107 : memref<8192xf32, #tpu.memory_space<vmem>>) dst(%dma_wait3A_105 : memref<8192xf32, #tpu.memory_space<hbm>>)
    } else {
    }
    %eq3A_63 = arith.constant 13 : i32
    %eq3A_64 = arith.cmpi eq, %add3A, %eq3A_63 : i32
    %convert_element_type3A_65 = arith.extui %eq3A_64 : i1 to i32
    %cond3A_66 = arith.constant 0 : i32
    %cond3A_67 = arith.cmpi ne, %convert_element_type3A_65, %cond3A_66 : i32
    scf.if %cond3A_67 {
      %dma_start3A = arith.constant 0 : i32
      %dma_start3A_78 = tpu.memref_slice %arg11[%dma_start3A] : memref<8192xf32, #tpu.memory_space<vmem>> -> memref<8192xf32, #tpu.memory_space<vmem>>
      %dma_start3A_79 = arith.constant 27232 : i32
      %dma_start3A_80 = tpu.memref_slice %arg6[%dma_start3A_79] : memref<65536xf32, #tpu.memory_space<hbm>> -> memref<8192xf32, #tpu.memory_space<hbm>>
      %dma_start3A_81 = arith.constant 0 : i32
      %dma_start3A_82 = tpu.memref_slice %arg11[%dma_start3A_81] : memref<8192xf32, #tpu.memory_space<vmem>> -> memref<8192xf32, #tpu.memory_space<vmem>>
      %dma_start3A_83 = arith.constant 27232 : i32
      %dma_start3A_84 = tpu.memref_slice %arg6[%dma_start3A_83] : memref<65536xf32, #tpu.memory_space<hbm>> -> memref<8192xf32, #tpu.memory_space<hbm>>
      tpu.enqueue_dma source(%dma_start3A_84 : memref<8192xf32, #tpu.memory_space<hbm>>) target(%dma_start3A_82 : memref<8192xf32, #tpu.memory_space<vmem>>) target_semaphore(%arg13 : memref<!tpu.dma_semaphore, #tpu.memory_space<semaphore_mem>>)
      %dma_wait3A = arith.constant 0 : i32
      %dma_wait3A_85 = tpu.memref_slice %arg11[%dma_wait3A] : memref<8192xf32, #tpu.memory_space<vmem>> -> memref<8192xf32, #tpu.memory_space<vmem>>
      %dma_wait3A_86 = arith.constant 27232 : i32
      %dma_wait3A_87 = tpu.memref_slice %arg6[%dma_wait3A_86] : memref<65536xf32, #tpu.memory_space<hbm>> -> memref<8192xf32, #tpu.memory_space<hbm>>
      %dma_wait3A_88 = arith.constant 0 : i32
      %dma_wait3A_89 = tpu.memref_slice %arg11[%dma_wait3A_88] : memref<8192xf32, #tpu.memory_space<vmem>> -> memref<8192xf32, #tpu.memory_space<vmem>>
      %dma_wait3A_90 = arith.constant 27232 : i32
      %dma_wait3A_91 = tpu.memref_slice %arg6[%dma_wait3A_90] : memref<65536xf32, #tpu.memory_space<hbm>> -> memref<8192xf32, #tpu.memory_space<hbm>>
      tpu.wait_dma2 semaphore(%arg13 : memref<!tpu.dma_semaphore, #tpu.memory_space<semaphore_mem>>) src(%dma_wait3A_91 : memref<8192xf32, #tpu.memory_space<hbm>>) dst(%dma_wait3A_89 : memref<8192xf32, #tpu.memory_space<vmem>>)
      %dma_start3A_92 = arith.constant 0 : i32
      %dma_start3A_93 = tpu.memref_slice %arg11[%dma_start3A_92] : memref<8192xf32, #tpu.memory_space<vmem>> -> memref<8192xf32, #tpu.memory_space<vmem>>
      %dma_start3A_94 = arith.constant 27232 : i32
      %dma_start3A_95 = tpu.memref_slice %arg9[%dma_start3A_94] : memref<65536xf32, #tpu.memory_space<hbm>> -> memref<8192xf32, #tpu.memory_space<hbm>>
      %dma_start3A_96 = arith.constant 27232 : i32
      %dma_start3A_97 = tpu.memref_slice %arg9[%dma_start3A_96] : memref<65536xf32, #tpu.memory_space<hbm>> -> memref<8192xf32, #tpu.memory_space<hbm>>
      %dma_start3A_98 = arith.constant 0 : i32
      %dma_start3A_99 = tpu.memref_slice %arg11[%dma_start3A_98] : memref<8192xf32, #tpu.memory_space<vmem>> -> memref<8192xf32, #tpu.memory_space<vmem>>
      tpu.enqueue_dma source(%dma_start3A_99 : memref<8192xf32, #tpu.memory_space<vmem>>) target(%dma_start3A_97 : memref<8192xf32, #tpu.memory_space<hbm>>) target_semaphore(%arg13 : memref<!tpu.dma_semaphore, #tpu.memory_space<semaphore_mem>>)
      %dma_wait3A_100 = arith.constant 0 : i32
      %dma_wait3A_101 = tpu.memref_slice %arg11[%dma_wait3A_100] : memref<8192xf32, #tpu.memory_space<vmem>> -> memref<8192xf32, #tpu.memory_space<vmem>>
      %dma_wait3A_102 = arith.constant 27232 : i32
      %dma_wait3A_103 = tpu.memref_slice %arg9[%dma_wait3A_102] : memref<65536xf32, #tpu.memory_space<hbm>> -> memref<8192xf32, #tpu.memory_space<hbm>>
      %dma_wait3A_104 = arith.constant 27232 : i32
      %dma_wait3A_105 = tpu.memref_slice %arg9[%dma_wait3A_104] : memref<65536xf32, #tpu.memory_space<hbm>> -> memref<8192xf32, #tpu.memory_space<hbm>>
      %dma_wait3A_106 = arith.constant 0 : i32
      %dma_wait3A_107 = tpu.memref_slice %arg11[%dma_wait3A_106] : memref<8192xf32, #tpu.memory_space<vmem>> -> memref<8192xf32, #tpu.memory_space<vmem>>
      tpu.wait_dma2 semaphore(%arg13 : memref<!tpu.dma_semaphore, #tpu.memory_space<semaphore_mem>>) src(%dma_wait3A_107 : memref<8192xf32, #tpu.memory_space<vmem>>) dst(%dma_wait3A_105 : memref<8192xf32, #tpu.memory_space<hbm>>)
    } else {
    }
    %eq3A_68 = arith.constant 14 : i32
    %eq3A_69 = arith.cmpi eq, %add3A, %eq3A_68 : i32
    %convert_element_type3A_70 = arith.extui %eq3A_69 : i1 to i32
    %cond3A_71 = arith.constant 0 : i32
    %cond3A_72 = arith.cmpi ne, %convert_element_type3A_70, %cond3A_71 : i32
    scf.if %cond3A_72 {
      %dma_start3A = arith.constant 0 : i32
      %dma_start3A_78 = tpu.memref_slice %arg11[%dma_start3A] : memref<8192xf32, #tpu.memory_space<vmem>> -> memref<8192xf32, #tpu.memory_space<vmem>>
      %dma_start3A_79 = arith.constant 35424 : i32
      %dma_start3A_80 = tpu.memref_slice %arg6[%dma_start3A_79] : memref<65536xf32, #tpu.memory_space<hbm>> -> memref<8192xf32, #tpu.memory_space<hbm>>
      %dma_start3A_81 = arith.constant 0 : i32
      %dma_start3A_82 = tpu.memref_slice %arg11[%dma_start3A_81] : memref<8192xf32, #tpu.memory_space<vmem>> -> memref<8192xf32, #tpu.memory_space<vmem>>
      %dma_start3A_83 = arith.constant 35424 : i32
      %dma_start3A_84 = tpu.memref_slice %arg6[%dma_start3A_83] : memref<65536xf32, #tpu.memory_space<hbm>> -> memref<8192xf32, #tpu.memory_space<hbm>>
      tpu.enqueue_dma source(%dma_start3A_84 : memref<8192xf32, #tpu.memory_space<hbm>>) target(%dma_start3A_82 : memref<8192xf32, #tpu.memory_space<vmem>>) target_semaphore(%arg13 : memref<!tpu.dma_semaphore, #tpu.memory_space<semaphore_mem>>)
      %dma_wait3A = arith.constant 0 : i32
      %dma_wait3A_85 = tpu.memref_slice %arg11[%dma_wait3A] : memref<8192xf32, #tpu.memory_space<vmem>> -> memref<8192xf32, #tpu.memory_space<vmem>>
      %dma_wait3A_86 = arith.constant 35424 : i32
      %dma_wait3A_87 = tpu.memref_slice %arg6[%dma_wait3A_86] : memref<65536xf32, #tpu.memory_space<hbm>> -> memref<8192xf32, #tpu.memory_space<hbm>>
      %dma_wait3A_88 = arith.constant 0 : i32
      %dma_wait3A_89 = tpu.memref_slice %arg11[%dma_wait3A_88] : memref<8192xf32, #tpu.memory_space<vmem>> -> memref<8192xf32, #tpu.memory_space<vmem>>
      %dma_wait3A_90 = arith.constant 35424 : i32
      %dma_wait3A_91 = tpu.memref_slice %arg6[%dma_wait3A_90] : memref<65536xf32, #tpu.memory_space<hbm>> -> memref<8192xf32, #tpu.memory_space<hbm>>
      tpu.wait_dma2 semaphore(%arg13 : memref<!tpu.dma_semaphore, #tpu.memory_space<semaphore_mem>>) src(%dma_wait3A_91 : memref<8192xf32, #tpu.memory_space<hbm>>) dst(%dma_wait3A_89 : memref<8192xf32, #tpu.memory_space<vmem>>)
      %dma_start3A_92 = arith.constant 0 : i32
      %dma_start3A_93 = tpu.memref_slice %arg11[%dma_start3A_92] : memref<8192xf32, #tpu.memory_space<vmem>> -> memref<8192xf32, #tpu.memory_space<vmem>>
      %dma_start3A_94 = arith.constant 35424 : i32
      %dma_start3A_95 = tpu.memref_slice %arg9[%dma_start3A_94] : memref<65536xf32, #tpu.memory_space<hbm>> -> memref<8192xf32, #tpu.memory_space<hbm>>
      %dma_start3A_96 = arith.constant 35424 : i32
      %dma_start3A_97 = tpu.memref_slice %arg9[%dma_start3A_96] : memref<65536xf32, #tpu.memory_space<hbm>> -> memref<8192xf32, #tpu.memory_space<hbm>>
      %dma_start3A_98 = arith.constant 0 : i32
      %dma_start3A_99 = tpu.memref_slice %arg11[%dma_start3A_98] : memref<8192xf32, #tpu.memory_space<vmem>> -> memref<8192xf32, #tpu.memory_space<vmem>>
      tpu.enqueue_dma source(%dma_start3A_99 : memref<8192xf32, #tpu.memory_space<vmem>>) target(%dma_start3A_97 : memref<8192xf32, #tpu.memory_space<hbm>>) target_semaphore(%arg13 : memref<!tpu.dma_semaphore, #tpu.memory_space<semaphore_mem>>)
      %dma_wait3A_100 = arith.constant 0 : i32
      %dma_wait3A_101 = tpu.memref_slice %arg11[%dma_wait3A_100] : memref<8192xf32, #tpu.memory_space<vmem>> -> memref<8192xf32, #tpu.memory_space<vmem>>
      %dma_wait3A_102 = arith.constant 35424 : i32
      %dma_wait3A_103 = tpu.memref_slice %arg9[%dma_wait3A_102] : memref<65536xf32, #tpu.memory_space<hbm>> -> memref<8192xf32, #tpu.memory_space<hbm>>
      %dma_wait3A_104 = arith.constant 35424 : i32
      %dma_wait3A_105 = tpu.memref_slice %arg9[%dma_wait3A_104] : memref<65536xf32, #tpu.memory_space<hbm>> -> memref<8192xf32, #tpu.memory_space<hbm>>
      %dma_wait3A_106 = arith.constant 0 : i32
      %dma_wait3A_107 = tpu.memref_slice %arg11[%dma_wait3A_106] : memref<8192xf32, #tpu.memory_space<vmem>> -> memref<8192xf32, #tpu.memory_space<vmem>>
      tpu.wait_dma2 semaphore(%arg13 : memref<!tpu.dma_semaphore, #tpu.memory_space<semaphore_mem>>) src(%dma_wait3A_107 : memref<8192xf32, #tpu.memory_space<vmem>>) dst(%dma_wait3A_105 : memref<8192xf32, #tpu.memory_space<hbm>>)
    } else {
    }
    %eq3A_73 = arith.constant 15 : i32
    %eq3A_74 = arith.cmpi eq, %add3A, %eq3A_73 : i32
    %convert_element_type3A_75 = arith.extui %eq3A_74 : i1 to i32
    %cond3A_76 = arith.constant 0 : i32
    %cond3A_77 = arith.cmpi ne, %convert_element_type3A_75, %cond3A_76 : i32
    scf.if %cond3A_77 {
      %dma_start3A = arith.constant 0 : i32
      %dma_start3A_78 = tpu.memref_slice %arg11[%dma_start3A] : memref<8192xf32, #tpu.memory_space<vmem>> -> memref<8192xf32, #tpu.memory_space<vmem>>
      %dma_start3A_79 = arith.constant 43616 : i32
      %dma_start3A_80 = tpu.memref_slice %arg6[%dma_start3A_79] : memref<65536xf32, #tpu.memory_space<hbm>> -> memref<8192xf32, #tpu.memory_space<hbm>>
      %dma_start3A_81 = arith.constant 0 : i32
      %dma_start3A_82 = tpu.memref_slice %arg11[%dma_start3A_81] : memref<8192xf32, #tpu.memory_space<vmem>> -> memref<8192xf32, #tpu.memory_space<vmem>>
      %dma_start3A_83 = arith.constant 43616 : i32
      %dma_start3A_84 = tpu.memref_slice %arg6[%dma_start3A_83] : memref<65536xf32, #tpu.memory_space<hbm>> -> memref<8192xf32, #tpu.memory_space<hbm>>
      tpu.enqueue_dma source(%dma_start3A_84 : memref<8192xf32, #tpu.memory_space<hbm>>) target(%dma_start3A_82 : memref<8192xf32, #tpu.memory_space<vmem>>) target_semaphore(%arg13 : memref<!tpu.dma_semaphore, #tpu.memory_space<semaphore_mem>>)
      %dma_wait3A = arith.constant 0 : i32
      %dma_wait3A_85 = tpu.memref_slice %arg11[%dma_wait3A] : memref<8192xf32, #tpu.memory_space<vmem>> -> memref<8192xf32, #tpu.memory_space<vmem>>
      %dma_wait3A_86 = arith.constant 43616 : i32
      %dma_wait3A_87 = tpu.memref_slice %arg6[%dma_wait3A_86] : memref<65536xf32, #tpu.memory_space<hbm>> -> memref<8192xf32, #tpu.memory_space<hbm>>
      %dma_wait3A_88 = arith.constant 0 : i32
      %dma_wait3A_89 = tpu.memref_slice %arg11[%dma_wait3A_88] : memref<8192xf32, #tpu.memory_space<vmem>> -> memref<8192xf32, #tpu.memory_space<vmem>>
      %dma_wait3A_90 = arith.constant 43616 : i32
      %dma_wait3A_91 = tpu.memref_slice %arg6[%dma_wait3A_90] : memref<65536xf32, #tpu.memory_space<hbm>> -> memref<8192xf32, #tpu.memory_space<hbm>>
      tpu.wait_dma2 semaphore(%arg13 : memref<!tpu.dma_semaphore, #tpu.memory_space<semaphore_mem>>) src(%dma_wait3A_91 : memref<8192xf32, #tpu.memory_space<hbm>>) dst(%dma_wait3A_89 : memref<8192xf32, #tpu.memory_space<vmem>>)
      %dma_start3A_92 = arith.constant 0 : i32
      %dma_start3A_93 = tpu.memref_slice %arg11[%dma_start3A_92] : memref<8192xf32, #tpu.memory_space<vmem>> -> memref<8192xf32, #tpu.memory_space<vmem>>
      %dma_start3A_94 = arith.constant 43616 : i32
      %dma_start3A_95 = tpu.memref_slice %arg9[%dma_start3A_94] : memref<65536xf32, #tpu.memory_space<hbm>> -> memref<8192xf32, #tpu.memory_space<hbm>>
      %dma_start3A_96 = arith.constant 43616 : i32
      %dma_start3A_97 = tpu.memref_slice %arg9[%dma_start3A_96] : memref<65536xf32, #tpu.memory_space<hbm>> -> memref<8192xf32, #tpu.memory_space<hbm>>
      %dma_start3A_98 = arith.constant 0 : i32
      %dma_start3A_99 = tpu.memref_slice %arg11[%dma_start3A_98] : memref<8192xf32, #tpu.memory_space<vmem>> -> memref<8192xf32, #tpu.memory_space<vmem>>
      tpu.enqueue_dma source(%dma_start3A_99 : memref<8192xf32, #tpu.memory_space<vmem>>) target(%dma_start3A_97 : memref<8192xf32, #tpu.memory_space<hbm>>) target_semaphore(%arg13 : memref<!tpu.dma_semaphore, #tpu.memory_space<semaphore_mem>>)
      %dma_wait3A_100 = arith.constant 0 : i32
      %dma_wait3A_101 = tpu.memref_slice %arg11[%dma_wait3A_100] : memref<8192xf32, #tpu.memory_space<vmem>> -> memref<8192xf32, #tpu.memory_space<vmem>>
      %dma_wait3A_102 = arith.constant 43616 : i32
      %dma_wait3A_103 = tpu.memref_slice %arg9[%dma_wait3A_102] : memref<65536xf32, #tpu.memory_space<hbm>> -> memref<8192xf32, #tpu.memory_space<hbm>>
      %dma_wait3A_104 = arith.constant 43616 : i32
      %dma_wait3A_105 = tpu.memref_slice %arg9[%dma_wait3A_104] : memref<65536xf32, #tpu.memory_space<hbm>> -> memref<8192xf32, #tpu.memory_space<hbm>>
      %dma_wait3A_106 = arith.constant 0 : i32
      %dma_wait3A_107 = tpu.memref_slice %arg11[%dma_wait3A_106] : memref<8192xf32, #tpu.memory_space<vmem>> -> memref<8192xf32, #tpu.memory_space<vmem>>
      tpu.wait_dma2 semaphore(%arg13 : memref<!tpu.dma_semaphore, #tpu.memory_space<semaphore_mem>>) src(%dma_wait3A_107 : memref<8192xf32, #tpu.memory_space<vmem>>) dst(%dma_wait3A_105 : memref<8192xf32, #tpu.memory_space<hbm>>)
    } else {
    }
    return
  }
}

module attributes {stable_mosaic.version = 14 : i64} {
  func.func @_z_body(%arg0: memref<16384x128xf32, #tpu.memory_space<hbm>>, %arg1: memref<65536x128xf32, #tpu.memory_space<hbm>>, %arg2: memref<65536x128xf32, #tpu.memory_space<hbm>>, %arg3: memref<2048x128xf32, #tpu.memory_space<vmem>>, %arg4: memref<2048x128xf32, #tpu.memory_space<vmem>>, %arg5: memref<2048x128xf32, #tpu.memory_space<vmem>>, %arg6: memref<2048x128xf32, #tpu.memory_space<vmem>>, %arg7: memref<2048x128xf32, #tpu.memory_space<vmem>>, %arg8: memref<2048x128xf32, #tpu.memory_space<vmem>>, %arg9: memref<2048x128xf32, #tpu.memory_space<vmem>>, %arg10: memref<2048x128xf32, #tpu.memory_space<vmem>>, %arg11: memref<2048x128xf32, #tpu.memory_space<vmem>>, %arg12: memref<2048x128xf32, #tpu.memory_space<vmem>>, %arg13: memref<10x!tpu.dma_semaphore, #tpu.memory_space<semaphore_mem>>, %arg14: memref<10x!tpu.dma_semaphore, #tpu.memory_space<semaphore_mem>>) attributes {dimension_semantics = [], scalar_prefetch = 0 : i64, scratch_operands = 12 : i64, tpu.core_type = #tpu.core_type<tc>} {
    %dma_start3A = arith.constant 0 : i32
    %dma_start3A_0 = tpu.memref_slice %arg13[%dma_start3A] : memref<10x!tpu.dma_semaphore, #tpu.memory_space<semaphore_mem>> -> memref<1x!tpu.dma_semaphore, #tpu.memory_space<semaphore_mem>>
    %dma_start3A_1 = tpu.memref_squeeze %dma_start3A_0 : memref<1x!tpu.dma_semaphore, #tpu.memory_space<semaphore_mem>> -> memref<!tpu.dma_semaphore, #tpu.memory_space<semaphore_mem>>
    %dma_start3A_2 = arith.constant 0 : i32
    %dma_start3A_3 = arith.constant 0 : i32
    %dma_start3A_4 = tpu.memref_slice %arg3[%dma_start3A_2, %dma_start3A_3] : memref<2048x128xf32, #tpu.memory_space<vmem>> -> memref<2048x128xf32, #tpu.memory_space<vmem>>
    %dma_start3A_5 = arith.constant 5536 : i32
    %dma_start3A_6 = arith.constant 0 : i32
    %dma_start3A_7 = tpu.memref_slice %arg0[%dma_start3A_5, %dma_start3A_6] : memref<16384x128xf32, #tpu.memory_space<hbm>> -> memref<2048x128xf32, #tpu.memory_space<hbm>>
    tpu.enqueue_dma source(%dma_start3A_7 : memref<2048x128xf32, #tpu.memory_space<hbm>>) target(%dma_start3A_4 : memref<2048x128xf32, #tpu.memory_space<vmem>>) target_semaphore(%dma_start3A_1 : memref<!tpu.dma_semaphore, #tpu.memory_space<semaphore_mem>>)
    %dma_start3A_8 = arith.constant 1 : i32
    %dma_start3A_9 = tpu.memref_slice %arg13[%dma_start3A_8] : memref<10x!tpu.dma_semaphore, #tpu.memory_space<semaphore_mem>> -> memref<1x!tpu.dma_semaphore, #tpu.memory_space<semaphore_mem>>
    %dma_start3A_10 = tpu.memref_squeeze %dma_start3A_9 : memref<1x!tpu.dma_semaphore, #tpu.memory_space<semaphore_mem>> -> memref<!tpu.dma_semaphore, #tpu.memory_space<semaphore_mem>>
    %dma_start3A_11 = arith.constant 0 : i32
    %dma_start3A_12 = arith.constant 0 : i32
    %dma_start3A_13 = tpu.memref_slice %arg4[%dma_start3A_11, %dma_start3A_12] : memref<2048x128xf32, #tpu.memory_space<vmem>> -> memref<2048x128xf32, #tpu.memory_space<vmem>>
    %dma_start3A_14 = arith.constant 7584 : i32
    %dma_start3A_15 = arith.constant 0 : i32
    %dma_start3A_16 = tpu.memref_slice %arg0[%dma_start3A_14, %dma_start3A_15] : memref<16384x128xf32, #tpu.memory_space<hbm>> -> memref<2048x128xf32, #tpu.memory_space<hbm>>
    tpu.enqueue_dma source(%dma_start3A_16 : memref<2048x128xf32, #tpu.memory_space<hbm>>) target(%dma_start3A_13 : memref<2048x128xf32, #tpu.memory_space<vmem>>) target_semaphore(%dma_start3A_10 : memref<!tpu.dma_semaphore, #tpu.memory_space<semaphore_mem>>)
    %dma_start3A_17 = arith.constant 2 : i32
    %dma_start3A_18 = tpu.memref_slice %arg13[%dma_start3A_17] : memref<10x!tpu.dma_semaphore, #tpu.memory_space<semaphore_mem>> -> memref<1x!tpu.dma_semaphore, #tpu.memory_space<semaphore_mem>>
    %dma_start3A_19 = tpu.memref_squeeze %dma_start3A_18 : memref<1x!tpu.dma_semaphore, #tpu.memory_space<semaphore_mem>> -> memref<!tpu.dma_semaphore, #tpu.memory_space<semaphore_mem>>
    %dma_start3A_20 = arith.constant 0 : i32
    %dma_start3A_21 = arith.constant 0 : i32
    %dma_start3A_22 = tpu.memref_slice %arg5[%dma_start3A_20, %dma_start3A_21] : memref<2048x128xf32, #tpu.memory_space<vmem>> -> memref<2048x128xf32, #tpu.memory_space<vmem>>
    %dma_start3A_23 = arith.constant 9632 : i32
    %dma_start3A_24 = arith.constant 0 : i32
    %dma_start3A_25 = tpu.memref_slice %arg0[%dma_start3A_23, %dma_start3A_24] : memref<16384x128xf32, #tpu.memory_space<hbm>> -> memref<2048x128xf32, #tpu.memory_space<hbm>>
    tpu.enqueue_dma source(%dma_start3A_25 : memref<2048x128xf32, #tpu.memory_space<hbm>>) target(%dma_start3A_22 : memref<2048x128xf32, #tpu.memory_space<vmem>>) target_semaphore(%dma_start3A_19 : memref<!tpu.dma_semaphore, #tpu.memory_space<semaphore_mem>>)
    %dma_start3A_26 = arith.constant 3 : i32
    %dma_start3A_27 = tpu.memref_slice %arg13[%dma_start3A_26] : memref<10x!tpu.dma_semaphore, #tpu.memory_space<semaphore_mem>> -> memref<1x!tpu.dma_semaphore, #tpu.memory_space<semaphore_mem>>
    %dma_start3A_28 = tpu.memref_squeeze %dma_start3A_27 : memref<1x!tpu.dma_semaphore, #tpu.memory_space<semaphore_mem>> -> memref<!tpu.dma_semaphore, #tpu.memory_space<semaphore_mem>>
    %dma_start3A_29 = arith.constant 0 : i32
    %dma_start3A_30 = arith.constant 0 : i32
    %dma_start3A_31 = tpu.memref_slice %arg6[%dma_start3A_29, %dma_start3A_30] : memref<2048x128xf32, #tpu.memory_space<vmem>> -> memref<2048x128xf32, #tpu.memory_space<vmem>>
    %dma_start3A_32 = arith.constant 11680 : i32
    %dma_start3A_33 = arith.constant 0 : i32
    %dma_start3A_34 = tpu.memref_slice %arg0[%dma_start3A_32, %dma_start3A_33] : memref<16384x128xf32, #tpu.memory_space<hbm>> -> memref<2048x128xf32, #tpu.memory_space<hbm>>
    tpu.enqueue_dma source(%dma_start3A_34 : memref<2048x128xf32, #tpu.memory_space<hbm>>) target(%dma_start3A_31 : memref<2048x128xf32, #tpu.memory_space<vmem>>) target_semaphore(%dma_start3A_28 : memref<!tpu.dma_semaphore, #tpu.memory_space<semaphore_mem>>)
    %dma_start3A_35 = arith.constant 4 : i32
    %dma_start3A_36 = tpu.memref_slice %arg13[%dma_start3A_35] : memref<10x!tpu.dma_semaphore, #tpu.memory_space<semaphore_mem>> -> memref<1x!tpu.dma_semaphore, #tpu.memory_space<semaphore_mem>>
    %dma_start3A_37 = tpu.memref_squeeze %dma_start3A_36 : memref<1x!tpu.dma_semaphore, #tpu.memory_space<semaphore_mem>> -> memref<!tpu.dma_semaphore, #tpu.memory_space<semaphore_mem>>
    %dma_start3A_38 = arith.constant 0 : i32
    %dma_start3A_39 = arith.constant 0 : i32
    %dma_start3A_40 = tpu.memref_slice %arg7[%dma_start3A_38, %dma_start3A_39] : memref<2048x128xf32, #tpu.memory_space<vmem>> -> memref<2048x128xf32, #tpu.memory_space<vmem>>
    %dma_start3A_41 = arith.constant 13728 : i32
    %dma_start3A_42 = arith.constant 0 : i32
    %dma_start3A_43 = tpu.memref_slice %arg0[%dma_start3A_41, %dma_start3A_42] : memref<16384x128xf32, #tpu.memory_space<hbm>> -> memref<2048x128xf32, #tpu.memory_space<hbm>>
    tpu.enqueue_dma source(%dma_start3A_43 : memref<2048x128xf32, #tpu.memory_space<hbm>>) target(%dma_start3A_40 : memref<2048x128xf32, #tpu.memory_space<vmem>>) target_semaphore(%dma_start3A_37 : memref<!tpu.dma_semaphore, #tpu.memory_space<semaphore_mem>>)
    %dma_start3A_44 = arith.constant 5 : i32
    %dma_start3A_45 = tpu.memref_slice %arg13[%dma_start3A_44] : memref<10x!tpu.dma_semaphore, #tpu.memory_space<semaphore_mem>> -> memref<1x!tpu.dma_semaphore, #tpu.memory_space<semaphore_mem>>
    %dma_start3A_46 = tpu.memref_squeeze %dma_start3A_45 : memref<1x!tpu.dma_semaphore, #tpu.memory_space<semaphore_mem>> -> memref<!tpu.dma_semaphore, #tpu.memory_space<semaphore_mem>>
    %dma_start3A_47 = arith.constant 0 : i32
    %dma_start3A_48 = arith.constant 0 : i32
    %dma_start3A_49 = tpu.memref_slice %arg8[%dma_start3A_47, %dma_start3A_48] : memref<2048x128xf32, #tpu.memory_space<vmem>> -> memref<608x128xf32, #tpu.memory_space<vmem>>
    %dma_start3A_50 = arith.constant 15776 : i32
    %dma_start3A_51 = arith.constant 0 : i32
    %dma_start3A_52 = tpu.memref_slice %arg0[%dma_start3A_50, %dma_start3A_51] : memref<16384x128xf32, #tpu.memory_space<hbm>> -> memref<608x128xf32, #tpu.memory_space<hbm>>
    tpu.enqueue_dma source(%dma_start3A_52 : memref<608x128xf32, #tpu.memory_space<hbm>>) target(%dma_start3A_49 : memref<608x128xf32, #tpu.memory_space<vmem>>) target_semaphore(%dma_start3A_46 : memref<!tpu.dma_semaphore, #tpu.memory_space<semaphore_mem>>)
    %dma_start3A_53 = arith.constant 6 : i32
    %dma_start3A_54 = tpu.memref_slice %arg13[%dma_start3A_53] : memref<10x!tpu.dma_semaphore, #tpu.memory_space<semaphore_mem>> -> memref<1x!tpu.dma_semaphore, #tpu.memory_space<semaphore_mem>>
    %dma_start3A_55 = tpu.memref_squeeze %dma_start3A_54 : memref<1x!tpu.dma_semaphore, #tpu.memory_space<semaphore_mem>> -> memref<!tpu.dma_semaphore, #tpu.memory_space<semaphore_mem>>
    %dma_start3A_56 = arith.constant 0 : i32
    %dma_start3A_57 = arith.constant 0 : i32
    %dma_start3A_58 = tpu.memref_slice %arg9[%dma_start3A_56, %dma_start3A_57] : memref<2048x128xf32, #tpu.memory_space<vmem>> -> memref<2048x128xf32, #tpu.memory_space<vmem>>
    %dma_start3A_59 = arith.constant 10848 : i32
    %dma_start3A_60 = arith.constant 0 : i32
    %dma_start3A_61 = tpu.memref_slice %arg1[%dma_start3A_59, %dma_start3A_60] : memref<65536x128xf32, #tpu.memory_space<hbm>> -> memref<2048x128xf32, #tpu.memory_space<hbm>>
    tpu.enqueue_dma source(%dma_start3A_61 : memref<2048x128xf32, #tpu.memory_space<hbm>>) target(%dma_start3A_58 : memref<2048x128xf32, #tpu.memory_space<vmem>>) target_semaphore(%dma_start3A_55 : memref<!tpu.dma_semaphore, #tpu.memory_space<semaphore_mem>>)
    %dma_start3A_62 = arith.constant 7 : i32
    %dma_start3A_63 = tpu.memref_slice %arg13[%dma_start3A_62] : memref<10x!tpu.dma_semaphore, #tpu.memory_space<semaphore_mem>> -> memref<1x!tpu.dma_semaphore, #tpu.memory_space<semaphore_mem>>
    %dma_start3A_64 = tpu.memref_squeeze %dma_start3A_63 : memref<1x!tpu.dma_semaphore, #tpu.memory_space<semaphore_mem>> -> memref<!tpu.dma_semaphore, #tpu.memory_space<semaphore_mem>>
    %dma_start3A_65 = arith.constant 0 : i32
    %dma_start3A_66 = arith.constant 0 : i32
    %dma_start3A_67 = tpu.memref_slice %arg10[%dma_start3A_65, %dma_start3A_66] : memref<2048x128xf32, #tpu.memory_space<vmem>> -> memref<2048x128xf32, #tpu.memory_space<vmem>>
    %dma_start3A_68 = arith.constant 12896 : i32
    %dma_start3A_69 = arith.constant 0 : i32
    %dma_start3A_70 = tpu.memref_slice %arg1[%dma_start3A_68, %dma_start3A_69] : memref<65536x128xf32, #tpu.memory_space<hbm>> -> memref<2048x128xf32, #tpu.memory_space<hbm>>
    tpu.enqueue_dma source(%dma_start3A_70 : memref<2048x128xf32, #tpu.memory_space<hbm>>) target(%dma_start3A_67 : memref<2048x128xf32, #tpu.memory_space<vmem>>) target_semaphore(%dma_start3A_64 : memref<!tpu.dma_semaphore, #tpu.memory_space<semaphore_mem>>)
    %dma_start3A_71 = arith.constant 8 : i32
    %dma_start3A_72 = tpu.memref_slice %arg13[%dma_start3A_71] : memref<10x!tpu.dma_semaphore, #tpu.memory_space<semaphore_mem>> -> memref<1x!tpu.dma_semaphore, #tpu.memory_space<semaphore_mem>>
    %dma_start3A_73 = tpu.memref_squeeze %dma_start3A_72 : memref<1x!tpu.dma_semaphore, #tpu.memory_space<semaphore_mem>> -> memref<!tpu.dma_semaphore, #tpu.memory_space<semaphore_mem>>
    %dma_start3A_74 = arith.constant 0 : i32
    %dma_start3A_75 = arith.constant 0 : i32
    %dma_start3A_76 = tpu.memref_slice %arg11[%dma_start3A_74, %dma_start3A_75] : memref<2048x128xf32, #tpu.memory_space<vmem>> -> memref<2048x128xf32, #tpu.memory_space<vmem>>
    %dma_start3A_77 = arith.constant 14944 : i32
    %dma_start3A_78 = arith.constant 0 : i32
    %dma_start3A_79 = tpu.memref_slice %arg1[%dma_start3A_77, %dma_start3A_78] : memref<65536x128xf32, #tpu.memory_space<hbm>> -> memref<2048x128xf32, #tpu.memory_space<hbm>>
    tpu.enqueue_dma source(%dma_start3A_79 : memref<2048x128xf32, #tpu.memory_space<hbm>>) target(%dma_start3A_76 : memref<2048x128xf32, #tpu.memory_space<vmem>>) target_semaphore(%dma_start3A_73 : memref<!tpu.dma_semaphore, #tpu.memory_space<semaphore_mem>>)
    %dma_wait3A = arith.constant 0 : i32
    %dma_wait3A_80 = tpu.memref_slice %arg13[%dma_wait3A] : memref<10x!tpu.dma_semaphore, #tpu.memory_space<semaphore_mem>> -> memref<1x!tpu.dma_semaphore, #tpu.memory_space<semaphore_mem>>
    %dma_wait3A_81 = tpu.memref_squeeze %dma_wait3A_80 : memref<1x!tpu.dma_semaphore, #tpu.memory_space<semaphore_mem>> -> memref<!tpu.dma_semaphore, #tpu.memory_space<semaphore_mem>>
    %dma_wait3A_82 = arith.constant 0 : i32
    %dma_wait3A_83 = arith.constant 0 : i32
    %dma_wait3A_84 = tpu.memref_slice %arg3[%dma_wait3A_82, %dma_wait3A_83] : memref<2048x128xf32, #tpu.memory_space<vmem>> -> memref<2048x128xf32, #tpu.memory_space<vmem>>
    %dma_wait3A_85 = arith.constant 5536 : i32
    %dma_wait3A_86 = arith.constant 0 : i32
    %dma_wait3A_87 = tpu.memref_slice %arg0[%dma_wait3A_85, %dma_wait3A_86] : memref<16384x128xf32, #tpu.memory_space<hbm>> -> memref<2048x128xf32, #tpu.memory_space<hbm>>
    tpu.wait_dma2 semaphore(%dma_wait3A_81 : memref<!tpu.dma_semaphore, #tpu.memory_space<semaphore_mem>>) src(%dma_wait3A_87 : memref<2048x128xf32, #tpu.memory_space<hbm>>) dst(%dma_wait3A_84 : memref<2048x128xf32, #tpu.memory_space<vmem>>)
    %dma_start3A_88 = arith.constant 0 : i32
    %dma_start3A_89 = tpu.memref_slice %arg14[%dma_start3A_88] : memref<10x!tpu.dma_semaphore, #tpu.memory_space<semaphore_mem>> -> memref<1x!tpu.dma_semaphore, #tpu.memory_space<semaphore_mem>>
    %dma_start3A_90 = tpu.memref_squeeze %dma_start3A_89 : memref<1x!tpu.dma_semaphore, #tpu.memory_space<semaphore_mem>> -> memref<!tpu.dma_semaphore, #tpu.memory_space<semaphore_mem>>
    %dma_start3A_91 = arith.constant 0 : i32
    %dma_start3A_92 = arith.constant 0 : i32
    %dma_start3A_93 = tpu.memref_slice %arg2[%dma_start3A_91, %dma_start3A_92] : memref<65536x128xf32, #tpu.memory_space<hbm>> -> memref<2048x128xf32, #tpu.memory_space<hbm>>
    %dma_start3A_94 = arith.constant 0 : i32
    %dma_start3A_95 = arith.constant 0 : i32
    %dma_start3A_96 = tpu.memref_slice %arg3[%dma_start3A_94, %dma_start3A_95] : memref<2048x128xf32, #tpu.memory_space<vmem>> -> memref<2048x128xf32, #tpu.memory_space<vmem>>
    tpu.enqueue_dma source(%dma_start3A_96 : memref<2048x128xf32, #tpu.memory_space<vmem>>) target(%dma_start3A_93 : memref<2048x128xf32, #tpu.memory_space<hbm>>) target_semaphore(%dma_start3A_90 : memref<!tpu.dma_semaphore, #tpu.memory_space<semaphore_mem>>)
    %dma_start3A_97 = arith.constant 9 : i32
    %dma_start3A_98 = tpu.memref_slice %arg13[%dma_start3A_97] : memref<10x!tpu.dma_semaphore, #tpu.memory_space<semaphore_mem>> -> memref<1x!tpu.dma_semaphore, #tpu.memory_space<semaphore_mem>>
    %dma_start3A_99 = tpu.memref_squeeze %dma_start3A_98 : memref<1x!tpu.dma_semaphore, #tpu.memory_space<semaphore_mem>> -> memref<!tpu.dma_semaphore, #tpu.memory_space<semaphore_mem>>
    %dma_start3A_100 = arith.constant 0 : i32
    %dma_start3A_101 = arith.constant 0 : i32
    %dma_start3A_102 = tpu.memref_slice %arg12[%dma_start3A_100, %dma_start3A_101] : memref<2048x128xf32, #tpu.memory_space<vmem>> -> memref<2048x128xf32, #tpu.memory_space<vmem>>
    %dma_start3A_103 = arith.constant 16992 : i32
    %dma_start3A_104 = arith.constant 0 : i32
    %dma_start3A_105 = tpu.memref_slice %arg1[%dma_start3A_103, %dma_start3A_104] : memref<65536x128xf32, #tpu.memory_space<hbm>> -> memref<2048x128xf32, #tpu.memory_space<hbm>>
    tpu.enqueue_dma source(%dma_start3A_105 : memref<2048x128xf32, #tpu.memory_space<hbm>>) target(%dma_start3A_102 : memref<2048x128xf32, #tpu.memory_space<vmem>>) target_semaphore(%dma_start3A_99 : memref<!tpu.dma_semaphore, #tpu.memory_space<semaphore_mem>>)
    %dma_wait3A_106 = arith.constant 1 : i32
    %dma_wait3A_107 = tpu.memref_slice %arg13[%dma_wait3A_106] : memref<10x!tpu.dma_semaphore, #tpu.memory_space<semaphore_mem>> -> memref<1x!tpu.dma_semaphore, #tpu.memory_space<semaphore_mem>>
    %dma_wait3A_108 = tpu.memref_squeeze %dma_wait3A_107 : memref<1x!tpu.dma_semaphore, #tpu.memory_space<semaphore_mem>> -> memref<!tpu.dma_semaphore, #tpu.memory_space<semaphore_mem>>
    %dma_wait3A_109 = arith.constant 0 : i32
    %dma_wait3A_110 = arith.constant 0 : i32
    %dma_wait3A_111 = tpu.memref_slice %arg4[%dma_wait3A_109, %dma_wait3A_110] : memref<2048x128xf32, #tpu.memory_space<vmem>> -> memref<2048x128xf32, #tpu.memory_space<vmem>>
    %dma_wait3A_112 = arith.constant 7584 : i32
    %dma_wait3A_113 = arith.constant 0 : i32
    %dma_wait3A_114 = tpu.memref_slice %arg0[%dma_wait3A_112, %dma_wait3A_113] : memref<16384x128xf32, #tpu.memory_space<hbm>> -> memref<2048x128xf32, #tpu.memory_space<hbm>>
    tpu.wait_dma2 semaphore(%dma_wait3A_108 : memref<!tpu.dma_semaphore, #tpu.memory_space<semaphore_mem>>) src(%dma_wait3A_114 : memref<2048x128xf32, #tpu.memory_space<hbm>>) dst(%dma_wait3A_111 : memref<2048x128xf32, #tpu.memory_space<vmem>>)
    %dma_start3A_115 = arith.constant 1 : i32
    %dma_start3A_116 = tpu.memref_slice %arg14[%dma_start3A_115] : memref<10x!tpu.dma_semaphore, #tpu.memory_space<semaphore_mem>> -> memref<1x!tpu.dma_semaphore, #tpu.memory_space<semaphore_mem>>
    %dma_start3A_117 = tpu.memref_squeeze %dma_start3A_116 : memref<1x!tpu.dma_semaphore, #tpu.memory_space<semaphore_mem>> -> memref<!tpu.dma_semaphore, #tpu.memory_space<semaphore_mem>>
    %dma_start3A_118 = arith.constant 2048 : i32
    %dma_start3A_119 = arith.constant 0 : i32
    %dma_start3A_120 = tpu.memref_slice %arg2[%dma_start3A_118, %dma_start3A_119] : memref<65536x128xf32, #tpu.memory_space<hbm>> -> memref<2048x128xf32, #tpu.memory_space<hbm>>
    %dma_start3A_121 = arith.constant 0 : i32
    %dma_start3A_122 = arith.constant 0 : i32
    %dma_start3A_123 = tpu.memref_slice %arg4[%dma_start3A_121, %dma_start3A_122] : memref<2048x128xf32, #tpu.memory_space<vmem>> -> memref<2048x128xf32, #tpu.memory_space<vmem>>
    tpu.enqueue_dma source(%dma_start3A_123 : memref<2048x128xf32, #tpu.memory_space<vmem>>) target(%dma_start3A_120 : memref<2048x128xf32, #tpu.memory_space<hbm>>) target_semaphore(%dma_start3A_117 : memref<!tpu.dma_semaphore, #tpu.memory_space<semaphore_mem>>)
    %dma_wait3A_124 = arith.constant 0 : i32
    %dma_wait3A_125 = tpu.memref_slice %arg14[%dma_wait3A_124] : memref<10x!tpu.dma_semaphore, #tpu.memory_space<semaphore_mem>> -> memref<1x!tpu.dma_semaphore, #tpu.memory_space<semaphore_mem>>
    %dma_wait3A_126 = tpu.memref_squeeze %dma_wait3A_125 : memref<1x!tpu.dma_semaphore, #tpu.memory_space<semaphore_mem>> -> memref<!tpu.dma_semaphore, #tpu.memory_space<semaphore_mem>>
    %dma_wait3A_127 = arith.constant 0 : i32
    %dma_wait3A_128 = arith.constant 0 : i32
    %dma_wait3A_129 = tpu.memref_slice %arg2[%dma_wait3A_127, %dma_wait3A_128] : memref<65536x128xf32, #tpu.memory_space<hbm>> -> memref<2048x128xf32, #tpu.memory_space<hbm>>
    %dma_wait3A_130 = arith.constant 0 : i32
    %dma_wait3A_131 = arith.constant 0 : i32
    %dma_wait3A_132 = tpu.memref_slice %arg3[%dma_wait3A_130, %dma_wait3A_131] : memref<2048x128xf32, #tpu.memory_space<vmem>> -> memref<2048x128xf32, #tpu.memory_space<vmem>>
    tpu.wait_dma2 semaphore(%dma_wait3A_126 : memref<!tpu.dma_semaphore, #tpu.memory_space<semaphore_mem>>) src(%dma_wait3A_132 : memref<2048x128xf32, #tpu.memory_space<vmem>>) dst(%dma_wait3A_129 : memref<2048x128xf32, #tpu.memory_space<hbm>>)
    %dma_start3A_133 = arith.constant 0 : i32
    %dma_start3A_134 = tpu.memref_slice %arg13[%dma_start3A_133] : memref<10x!tpu.dma_semaphore, #tpu.memory_space<semaphore_mem>> -> memref<1x!tpu.dma_semaphore, #tpu.memory_space<semaphore_mem>>
    %dma_start3A_135 = tpu.memref_squeeze %dma_start3A_134 : memref<1x!tpu.dma_semaphore, #tpu.memory_space<semaphore_mem>> -> memref<!tpu.dma_semaphore, #tpu.memory_space<semaphore_mem>>
    %dma_start3A_136 = arith.constant 0 : i32
    %dma_start3A_137 = arith.constant 0 : i32
    %dma_start3A_138 = tpu.memref_slice %arg3[%dma_start3A_136, %dma_start3A_137] : memref<2048x128xf32, #tpu.memory_space<vmem>> -> memref<2048x128xf32, #tpu.memory_space<vmem>>
    %dma_start3A_139 = arith.constant 19040 : i32
    %dma_start3A_140 = arith.constant 0 : i32
    %dma_start3A_141 = tpu.memref_slice %arg1[%dma_start3A_139, %dma_start3A_140] : memref<65536x128xf32, #tpu.memory_space<hbm>> -> memref<2048x128xf32, #tpu.memory_space<hbm>>
    tpu.enqueue_dma source(%dma_start3A_141 : memref<2048x128xf32, #tpu.memory_space<hbm>>) target(%dma_start3A_138 : memref<2048x128xf32, #tpu.memory_space<vmem>>) target_semaphore(%dma_start3A_135 : memref<!tpu.dma_semaphore, #tpu.memory_space<semaphore_mem>>)
    %dma_wait3A_142 = arith.constant 2 : i32
    %dma_wait3A_143 = tpu.memref_slice %arg13[%dma_wait3A_142] : memref<10x!tpu.dma_semaphore, #tpu.memory_space<semaphore_mem>> -> memref<1x!tpu.dma_semaphore, #tpu.memory_space<semaphore_mem>>
    %dma_wait3A_144 = tpu.memref_squeeze %dma_wait3A_143 : memref<1x!tpu.dma_semaphore, #tpu.memory_space<semaphore_mem>> -> memref<!tpu.dma_semaphore, #tpu.memory_space<semaphore_mem>>
    %dma_wait3A_145 = arith.constant 0 : i32
    %dma_wait3A_146 = arith.constant 0 : i32
    %dma_wait3A_147 = tpu.memref_slice %arg5[%dma_wait3A_145, %dma_wait3A_146] : memref<2048x128xf32, #tpu.memory_space<vmem>> -> memref<2048x128xf32, #tpu.memory_space<vmem>>
    %dma_wait3A_148 = arith.constant 9632 : i32
    %dma_wait3A_149 = arith.constant 0 : i32
    %dma_wait3A_150 = tpu.memref_slice %arg0[%dma_wait3A_148, %dma_wait3A_149] : memref<16384x128xf32, #tpu.memory_space<hbm>> -> memref<2048x128xf32, #tpu.memory_space<hbm>>
    tpu.wait_dma2 semaphore(%dma_wait3A_144 : memref<!tpu.dma_semaphore, #tpu.memory_space<semaphore_mem>>) src(%dma_wait3A_150 : memref<2048x128xf32, #tpu.memory_space<hbm>>) dst(%dma_wait3A_147 : memref<2048x128xf32, #tpu.memory_space<vmem>>)
    %dma_start3A_151 = arith.constant 2 : i32
    %dma_start3A_152 = tpu.memref_slice %arg14[%dma_start3A_151] : memref<10x!tpu.dma_semaphore, #tpu.memory_space<semaphore_mem>> -> memref<1x!tpu.dma_semaphore, #tpu.memory_space<semaphore_mem>>
    %dma_start3A_153 = tpu.memref_squeeze %dma_start3A_152 : memref<1x!tpu.dma_semaphore, #tpu.memory_space<semaphore_mem>> -> memref<!tpu.dma_semaphore, #tpu.memory_space<semaphore_mem>>
    %dma_start3A_154 = arith.constant 4096 : i32
    %dma_start3A_155 = arith.constant 0 : i32
    %dma_start3A_156 = tpu.memref_slice %arg2[%dma_start3A_154, %dma_start3A_155] : memref<65536x128xf32, #tpu.memory_space<hbm>> -> memref<2048x128xf32, #tpu.memory_space<hbm>>
    %dma_start3A_157 = arith.constant 0 : i32
    %dma_start3A_158 = arith.constant 0 : i32
    %dma_start3A_159 = tpu.memref_slice %arg5[%dma_start3A_157, %dma_start3A_158] : memref<2048x128xf32, #tpu.memory_space<vmem>> -> memref<2048x128xf32, #tpu.memory_space<vmem>>
    tpu.enqueue_dma source(%dma_start3A_159 : memref<2048x128xf32, #tpu.memory_space<vmem>>) target(%dma_start3A_156 : memref<2048x128xf32, #tpu.memory_space<hbm>>) target_semaphore(%dma_start3A_153 : memref<!tpu.dma_semaphore, #tpu.memory_space<semaphore_mem>>)
    %dma_wait3A_160 = arith.constant 1 : i32
    %dma_wait3A_161 = tpu.memref_slice %arg14[%dma_wait3A_160] : memref<10x!tpu.dma_semaphore, #tpu.memory_space<semaphore_mem>> -> memref<1x!tpu.dma_semaphore, #tpu.memory_space<semaphore_mem>>
    %dma_wait3A_162 = tpu.memref_squeeze %dma_wait3A_161 : memref<1x!tpu.dma_semaphore, #tpu.memory_space<semaphore_mem>> -> memref<!tpu.dma_semaphore, #tpu.memory_space<semaphore_mem>>
    %dma_wait3A_163 = arith.constant 2048 : i32
    %dma_wait3A_164 = arith.constant 0 : i32
    %dma_wait3A_165 = tpu.memref_slice %arg2[%dma_wait3A_163, %dma_wait3A_164] : memref<65536x128xf32, #tpu.memory_space<hbm>> -> memref<2048x128xf32, #tpu.memory_space<hbm>>
    %dma_wait3A_166 = arith.constant 0 : i32
    %dma_wait3A_167 = arith.constant 0 : i32
    %dma_wait3A_168 = tpu.memref_slice %arg4[%dma_wait3A_166, %dma_wait3A_167] : memref<2048x128xf32, #tpu.memory_space<vmem>> -> memref<2048x128xf32, #tpu.memory_space<vmem>>
    tpu.wait_dma2 semaphore(%dma_wait3A_162 : memref<!tpu.dma_semaphore, #tpu.memory_space<semaphore_mem>>) src(%dma_wait3A_168 : memref<2048x128xf32, #tpu.memory_space<vmem>>) dst(%dma_wait3A_165 : memref<2048x128xf32, #tpu.memory_space<hbm>>)
    %dma_start3A_169 = arith.constant 1 : i32
    %dma_start3A_170 = tpu.memref_slice %arg13[%dma_start3A_169] : memref<10x!tpu.dma_semaphore, #tpu.memory_space<semaphore_mem>> -> memref<1x!tpu.dma_semaphore, #tpu.memory_space<semaphore_mem>>
    %dma_start3A_171 = tpu.memref_squeeze %dma_start3A_170 : memref<1x!tpu.dma_semaphore, #tpu.memory_space<semaphore_mem>> -> memref<!tpu.dma_semaphore, #tpu.memory_space<semaphore_mem>>
    %dma_start3A_172 = arith.constant 0 : i32
    %dma_start3A_173 = arith.constant 0 : i32
    %dma_start3A_174 = tpu.memref_slice %arg4[%dma_start3A_172, %dma_start3A_173] : memref<2048x128xf32, #tpu.memory_space<vmem>> -> memref<2048x128xf32, #tpu.memory_space<vmem>>
    %dma_start3A_175 = arith.constant 21088 : i32
    %dma_start3A_176 = arith.constant 0 : i32
    %dma_start3A_177 = tpu.memref_slice %arg1[%dma_start3A_175, %dma_start3A_176] : memref<65536x128xf32, #tpu.memory_space<hbm>> -> memref<2048x128xf32, #tpu.memory_space<hbm>>
    tpu.enqueue_dma source(%dma_start3A_177 : memref<2048x128xf32, #tpu.memory_space<hbm>>) target(%dma_start3A_174 : memref<2048x128xf32, #tpu.memory_space<vmem>>) target_semaphore(%dma_start3A_171 : memref<!tpu.dma_semaphore, #tpu.memory_space<semaphore_mem>>)
    %dma_wait3A_178 = arith.constant 3 : i32
    %dma_wait3A_179 = tpu.memref_slice %arg13[%dma_wait3A_178] : memref<10x!tpu.dma_semaphore, #tpu.memory_space<semaphore_mem>> -> memref<1x!tpu.dma_semaphore, #tpu.memory_space<semaphore_mem>>
    %dma_wait3A_180 = tpu.memref_squeeze %dma_wait3A_179 : memref<1x!tpu.dma_semaphore, #tpu.memory_space<semaphore_mem>> -> memref<!tpu.dma_semaphore, #tpu.memory_space<semaphore_mem>>
    %dma_wait3A_181 = arith.constant 0 : i32
    %dma_wait3A_182 = arith.constant 0 : i32
    %dma_wait3A_183 = tpu.memref_slice %arg6[%dma_wait3A_181, %dma_wait3A_182] : memref<2048x128xf32, #tpu.memory_space<vmem>> -> memref<2048x128xf32, #tpu.memory_space<vmem>>
    %dma_wait3A_184 = arith.constant 11680 : i32
    %dma_wait3A_185 = arith.constant 0 : i32
    %dma_wait3A_186 = tpu.memref_slice %arg0[%dma_wait3A_184, %dma_wait3A_185] : memref<16384x128xf32, #tpu.memory_space<hbm>> -> memref<2048x128xf32, #tpu.memory_space<hbm>>
    tpu.wait_dma2 semaphore(%dma_wait3A_180 : memref<!tpu.dma_semaphore, #tpu.memory_space<semaphore_mem>>) src(%dma_wait3A_186 : memref<2048x128xf32, #tpu.memory_space<hbm>>) dst(%dma_wait3A_183 : memref<2048x128xf32, #tpu.memory_space<vmem>>)
    %dma_start3A_187 = arith.constant 3 : i32
    %dma_start3A_188 = tpu.memref_slice %arg14[%dma_start3A_187] : memref<10x!tpu.dma_semaphore, #tpu.memory_space<semaphore_mem>> -> memref<1x!tpu.dma_semaphore, #tpu.memory_space<semaphore_mem>>
    %dma_start3A_189 = tpu.memref_squeeze %dma_start3A_188 : memref<1x!tpu.dma_semaphore, #tpu.memory_space<semaphore_mem>> -> memref<!tpu.dma_semaphore, #tpu.memory_space<semaphore_mem>>
    %dma_start3A_190 = arith.constant 6144 : i32
    %dma_start3A_191 = arith.constant 0 : i32
    %dma_start3A_192 = tpu.memref_slice %arg2[%dma_start3A_190, %dma_start3A_191] : memref<65536x128xf32, #tpu.memory_space<hbm>> -> memref<2048x128xf32, #tpu.memory_space<hbm>>
    %dma_start3A_193 = arith.constant 0 : i32
    %dma_start3A_194 = arith.constant 0 : i32
    %dma_start3A_195 = tpu.memref_slice %arg6[%dma_start3A_193, %dma_start3A_194] : memref<2048x128xf32, #tpu.memory_space<vmem>> -> memref<2048x128xf32, #tpu.memory_space<vmem>>
    tpu.enqueue_dma source(%dma_start3A_195 : memref<2048x128xf32, #tpu.memory_space<vmem>>) target(%dma_start3A_192 : memref<2048x128xf32, #tpu.memory_space<hbm>>) target_semaphore(%dma_start3A_189 : memref<!tpu.dma_semaphore, #tpu.memory_space<semaphore_mem>>)
    %dma_wait3A_196 = arith.constant 2 : i32
    %dma_wait3A_197 = tpu.memref_slice %arg14[%dma_wait3A_196] : memref<10x!tpu.dma_semaphore, #tpu.memory_space<semaphore_mem>> -> memref<1x!tpu.dma_semaphore, #tpu.memory_space<semaphore_mem>>
    %dma_wait3A_198 = tpu.memref_squeeze %dma_wait3A_197 : memref<1x!tpu.dma_semaphore, #tpu.memory_space<semaphore_mem>> -> memref<!tpu.dma_semaphore, #tpu.memory_space<semaphore_mem>>
    %dma_wait3A_199 = arith.constant 4096 : i32
    %dma_wait3A_200 = arith.constant 0 : i32
    %dma_wait3A_201 = tpu.memref_slice %arg2[%dma_wait3A_199, %dma_wait3A_200] : memref<65536x128xf32, #tpu.memory_space<hbm>> -> memref<2048x128xf32, #tpu.memory_space<hbm>>
    %dma_wait3A_202 = arith.constant 0 : i32
    %dma_wait3A_203 = arith.constant 0 : i32
    %dma_wait3A_204 = tpu.memref_slice %arg5[%dma_wait3A_202, %dma_wait3A_203] : memref<2048x128xf32, #tpu.memory_space<vmem>> -> memref<2048x128xf32, #tpu.memory_space<vmem>>
    tpu.wait_dma2 semaphore(%dma_wait3A_198 : memref<!tpu.dma_semaphore, #tpu.memory_space<semaphore_mem>>) src(%dma_wait3A_204 : memref<2048x128xf32, #tpu.memory_space<vmem>>) dst(%dma_wait3A_201 : memref<2048x128xf32, #tpu.memory_space<hbm>>)
    %dma_start3A_205 = arith.constant 2 : i32
    %dma_start3A_206 = tpu.memref_slice %arg13[%dma_start3A_205] : memref<10x!tpu.dma_semaphore, #tpu.memory_space<semaphore_mem>> -> memref<1x!tpu.dma_semaphore, #tpu.memory_space<semaphore_mem>>
    %dma_start3A_207 = tpu.memref_squeeze %dma_start3A_206 : memref<1x!tpu.dma_semaphore, #tpu.memory_space<semaphore_mem>> -> memref<!tpu.dma_semaphore, #tpu.memory_space<semaphore_mem>>
    %dma_start3A_208 = arith.constant 0 : i32
    %dma_start3A_209 = arith.constant 0 : i32
    %dma_start3A_210 = tpu.memref_slice %arg5[%dma_start3A_208, %dma_start3A_209] : memref<2048x128xf32, #tpu.memory_space<vmem>> -> memref<2048x128xf32, #tpu.memory_space<vmem>>
    %dma_start3A_211 = arith.constant 23136 : i32
    %dma_start3A_212 = arith.constant 0 : i32
    %dma_start3A_213 = tpu.memref_slice %arg1[%dma_start3A_211, %dma_start3A_212] : memref<65536x128xf32, #tpu.memory_space<hbm>> -> memref<2048x128xf32, #tpu.memory_space<hbm>>
    tpu.enqueue_dma source(%dma_start3A_213 : memref<2048x128xf32, #tpu.memory_space<hbm>>) target(%dma_start3A_210 : memref<2048x128xf32, #tpu.memory_space<vmem>>) target_semaphore(%dma_start3A_207 : memref<!tpu.dma_semaphore, #tpu.memory_space<semaphore_mem>>)
    %dma_wait3A_214 = arith.constant 4 : i32
    %dma_wait3A_215 = tpu.memref_slice %arg13[%dma_wait3A_214] : memref<10x!tpu.dma_semaphore, #tpu.memory_space<semaphore_mem>> -> memref<1x!tpu.dma_semaphore, #tpu.memory_space<semaphore_mem>>
    %dma_wait3A_216 = tpu.memref_squeeze %dma_wait3A_215 : memref<1x!tpu.dma_semaphore, #tpu.memory_space<semaphore_mem>> -> memref<!tpu.dma_semaphore, #tpu.memory_space<semaphore_mem>>
    %dma_wait3A_217 = arith.constant 0 : i32
    %dma_wait3A_218 = arith.constant 0 : i32
    %dma_wait3A_219 = tpu.memref_slice %arg7[%dma_wait3A_217, %dma_wait3A_218] : memref<2048x128xf32, #tpu.memory_space<vmem>> -> memref<2048x128xf32, #tpu.memory_space<vmem>>
    %dma_wait3A_220 = arith.constant 13728 : i32
    %dma_wait3A_221 = arith.constant 0 : i32
    %dma_wait3A_222 = tpu.memref_slice %arg0[%dma_wait3A_220, %dma_wait3A_221] : memref<16384x128xf32, #tpu.memory_space<hbm>> -> memref<2048x128xf32, #tpu.memory_space<hbm>>
    tpu.wait_dma2 semaphore(%dma_wait3A_216 : memref<!tpu.dma_semaphore, #tpu.memory_space<semaphore_mem>>) src(%dma_wait3A_222 : memref<2048x128xf32, #tpu.memory_space<hbm>>) dst(%dma_wait3A_219 : memref<2048x128xf32, #tpu.memory_space<vmem>>)
    %dma_start3A_223 = arith.constant 4 : i32
    %dma_start3A_224 = tpu.memref_slice %arg14[%dma_start3A_223] : memref<10x!tpu.dma_semaphore, #tpu.memory_space<semaphore_mem>> -> memref<1x!tpu.dma_semaphore, #tpu.memory_space<semaphore_mem>>
    %dma_start3A_225 = tpu.memref_squeeze %dma_start3A_224 : memref<1x!tpu.dma_semaphore, #tpu.memory_space<semaphore_mem>> -> memref<!tpu.dma_semaphore, #tpu.memory_space<semaphore_mem>>
    %dma_start3A_226 = arith.constant 8192 : i32
    %dma_start3A_227 = arith.constant 0 : i32
    %dma_start3A_228 = tpu.memref_slice %arg2[%dma_start3A_226, %dma_start3A_227] : memref<65536x128xf32, #tpu.memory_space<hbm>> -> memref<2048x128xf32, #tpu.memory_space<hbm>>
    %dma_start3A_229 = arith.constant 0 : i32
    %dma_start3A_230 = arith.constant 0 : i32
    %dma_start3A_231 = tpu.memref_slice %arg7[%dma_start3A_229, %dma_start3A_230] : memref<2048x128xf32, #tpu.memory_space<vmem>> -> memref<2048x128xf32, #tpu.memory_space<vmem>>
    tpu.enqueue_dma source(%dma_start3A_231 : memref<2048x128xf32, #tpu.memory_space<vmem>>) target(%dma_start3A_228 : memref<2048x128xf32, #tpu.memory_space<hbm>>) target_semaphore(%dma_start3A_225 : memref<!tpu.dma_semaphore, #tpu.memory_space<semaphore_mem>>)
    %dma_wait3A_232 = arith.constant 3 : i32
    %dma_wait3A_233 = tpu.memref_slice %arg14[%dma_wait3A_232] : memref<10x!tpu.dma_semaphore, #tpu.memory_space<semaphore_mem>> -> memref<1x!tpu.dma_semaphore, #tpu.memory_space<semaphore_mem>>
    %dma_wait3A_234 = tpu.memref_squeeze %dma_wait3A_233 : memref<1x!tpu.dma_semaphore, #tpu.memory_space<semaphore_mem>> -> memref<!tpu.dma_semaphore, #tpu.memory_space<semaphore_mem>>
    %dma_wait3A_235 = arith.constant 6144 : i32
    %dma_wait3A_236 = arith.constant 0 : i32
    %dma_wait3A_237 = tpu.memref_slice %arg2[%dma_wait3A_235, %dma_wait3A_236] : memref<65536x128xf32, #tpu.memory_space<hbm>> -> memref<2048x128xf32, #tpu.memory_space<hbm>>
    %dma_wait3A_238 = arith.constant 0 : i32
    %dma_wait3A_239 = arith.constant 0 : i32
    %dma_wait3A_240 = tpu.memref_slice %arg6[%dma_wait3A_238, %dma_wait3A_239] : memref<2048x128xf32, #tpu.memory_space<vmem>> -> memref<2048x128xf32, #tpu.memory_space<vmem>>
    tpu.wait_dma2 semaphore(%dma_wait3A_234 : memref<!tpu.dma_semaphore, #tpu.memory_space<semaphore_mem>>) src(%dma_wait3A_240 : memref<2048x128xf32, #tpu.memory_space<vmem>>) dst(%dma_wait3A_237 : memref<2048x128xf32, #tpu.memory_space<hbm>>)
    %dma_start3A_241 = arith.constant 3 : i32
    %dma_start3A_242 = tpu.memref_slice %arg13[%dma_start3A_241] : memref<10x!tpu.dma_semaphore, #tpu.memory_space<semaphore_mem>> -> memref<1x!tpu.dma_semaphore, #tpu.memory_space<semaphore_mem>>
    %dma_start3A_243 = tpu.memref_squeeze %dma_start3A_242 : memref<1x!tpu.dma_semaphore, #tpu.memory_space<semaphore_mem>> -> memref<!tpu.dma_semaphore, #tpu.memory_space<semaphore_mem>>
    %dma_start3A_244 = arith.constant 0 : i32
    %dma_start3A_245 = arith.constant 0 : i32
    %dma_start3A_246 = tpu.memref_slice %arg6[%dma_start3A_244, %dma_start3A_245] : memref<2048x128xf32, #tpu.memory_space<vmem>> -> memref<2048x128xf32, #tpu.memory_space<vmem>>
    %dma_start3A_247 = arith.constant 25184 : i32
    %dma_start3A_248 = arith.constant 0 : i32
    %dma_start3A_249 = tpu.memref_slice %arg1[%dma_start3A_247, %dma_start3A_248] : memref<65536x128xf32, #tpu.memory_space<hbm>> -> memref<2048x128xf32, #tpu.memory_space<hbm>>
    tpu.enqueue_dma source(%dma_start3A_249 : memref<2048x128xf32, #tpu.memory_space<hbm>>) target(%dma_start3A_246 : memref<2048x128xf32, #tpu.memory_space<vmem>>) target_semaphore(%dma_start3A_243 : memref<!tpu.dma_semaphore, #tpu.memory_space<semaphore_mem>>)
    %dma_wait3A_250 = arith.constant 5 : i32
    %dma_wait3A_251 = tpu.memref_slice %arg13[%dma_wait3A_250] : memref<10x!tpu.dma_semaphore, #tpu.memory_space<semaphore_mem>> -> memref<1x!tpu.dma_semaphore, #tpu.memory_space<semaphore_mem>>
    %dma_wait3A_252 = tpu.memref_squeeze %dma_wait3A_251 : memref<1x!tpu.dma_semaphore, #tpu.memory_space<semaphore_mem>> -> memref<!tpu.dma_semaphore, #tpu.memory_space<semaphore_mem>>
    %dma_wait3A_253 = arith.constant 0 : i32
    %dma_wait3A_254 = arith.constant 0 : i32
    %dma_wait3A_255 = tpu.memref_slice %arg8[%dma_wait3A_253, %dma_wait3A_254] : memref<2048x128xf32, #tpu.memory_space<vmem>> -> memref<608x128xf32, #tpu.memory_space<vmem>>
    %dma_wait3A_256 = arith.constant 15776 : i32
    %dma_wait3A_257 = arith.constant 0 : i32
    %dma_wait3A_258 = tpu.memref_slice %arg0[%dma_wait3A_256, %dma_wait3A_257] : memref<16384x128xf32, #tpu.memory_space<hbm>> -> memref<608x128xf32, #tpu.memory_space<hbm>>
    tpu.wait_dma2 semaphore(%dma_wait3A_252 : memref<!tpu.dma_semaphore, #tpu.memory_space<semaphore_mem>>) src(%dma_wait3A_258 : memref<608x128xf32, #tpu.memory_space<hbm>>) dst(%dma_wait3A_255 : memref<608x128xf32, #tpu.memory_space<vmem>>)
    %dma_start3A_259 = arith.constant 5 : i32
    %dma_start3A_260 = tpu.memref_slice %arg14[%dma_start3A_259] : memref<10x!tpu.dma_semaphore, #tpu.memory_space<semaphore_mem>> -> memref<1x!tpu.dma_semaphore, #tpu.memory_space<semaphore_mem>>
    %dma_start3A_261 = tpu.memref_squeeze %dma_start3A_260 : memref<1x!tpu.dma_semaphore, #tpu.memory_space<semaphore_mem>> -> memref<!tpu.dma_semaphore, #tpu.memory_space<semaphore_mem>>
    %dma_start3A_262 = arith.constant 10240 : i32
    %dma_start3A_263 = arith.constant 0 : i32
    %dma_start3A_264 = tpu.memref_slice %arg2[%dma_start3A_262, %dma_start3A_263] : memref<65536x128xf32, #tpu.memory_space<hbm>> -> memref<608x128xf32, #tpu.memory_space<hbm>>
    %dma_start3A_265 = arith.constant 0 : i32
    %dma_start3A_266 = arith.constant 0 : i32
    %dma_start3A_267 = tpu.memref_slice %arg8[%dma_start3A_265, %dma_start3A_266] : memref<2048x128xf32, #tpu.memory_space<vmem>> -> memref<608x128xf32, #tpu.memory_space<vmem>>
    tpu.enqueue_dma source(%dma_start3A_267 : memref<608x128xf32, #tpu.memory_space<vmem>>) target(%dma_start3A_264 : memref<608x128xf32, #tpu.memory_space<hbm>>) target_semaphore(%dma_start3A_261 : memref<!tpu.dma_semaphore, #tpu.memory_space<semaphore_mem>>)
    %dma_wait3A_268 = arith.constant 4 : i32
    %dma_wait3A_269 = tpu.memref_slice %arg14[%dma_wait3A_268] : memref<10x!tpu.dma_semaphore, #tpu.memory_space<semaphore_mem>> -> memref<1x!tpu.dma_semaphore, #tpu.memory_space<semaphore_mem>>
    %dma_wait3A_270 = tpu.memref_squeeze %dma_wait3A_269 : memref<1x!tpu.dma_semaphore, #tpu.memory_space<semaphore_mem>> -> memref<!tpu.dma_semaphore, #tpu.memory_space<semaphore_mem>>
    %dma_wait3A_271 = arith.constant 8192 : i32
    %dma_wait3A_272 = arith.constant 0 : i32
    %dma_wait3A_273 = tpu.memref_slice %arg2[%dma_wait3A_271, %dma_wait3A_272] : memref<65536x128xf32, #tpu.memory_space<hbm>> -> memref<2048x128xf32, #tpu.memory_space<hbm>>
    %dma_wait3A_274 = arith.constant 0 : i32
    %dma_wait3A_275 = arith.constant 0 : i32
    %dma_wait3A_276 = tpu.memref_slice %arg7[%dma_wait3A_274, %dma_wait3A_275] : memref<2048x128xf32, #tpu.memory_space<vmem>> -> memref<2048x128xf32, #tpu.memory_space<vmem>>
    tpu.wait_dma2 semaphore(%dma_wait3A_270 : memref<!tpu.dma_semaphore, #tpu.memory_space<semaphore_mem>>) src(%dma_wait3A_276 : memref<2048x128xf32, #tpu.memory_space<vmem>>) dst(%dma_wait3A_273 : memref<2048x128xf32, #tpu.memory_space<hbm>>)
    %dma_start3A_277 = arith.constant 4 : i32
    %dma_start3A_278 = tpu.memref_slice %arg13[%dma_start3A_277] : memref<10x!tpu.dma_semaphore, #tpu.memory_space<semaphore_mem>> -> memref<1x!tpu.dma_semaphore, #tpu.memory_space<semaphore_mem>>
    %dma_start3A_279 = tpu.memref_squeeze %dma_start3A_278 : memref<1x!tpu.dma_semaphore, #tpu.memory_space<semaphore_mem>> -> memref<!tpu.dma_semaphore, #tpu.memory_space<semaphore_mem>>
    %dma_start3A_280 = arith.constant 0 : i32
    %dma_start3A_281 = arith.constant 0 : i32
    %dma_start3A_282 = tpu.memref_slice %arg7[%dma_start3A_280, %dma_start3A_281] : memref<2048x128xf32, #tpu.memory_space<vmem>> -> memref<2048x128xf32, #tpu.memory_space<vmem>>
    %dma_start3A_283 = arith.constant 27232 : i32
    %dma_start3A_284 = arith.constant 0 : i32
    %dma_start3A_285 = tpu.memref_slice %arg1[%dma_start3A_283, %dma_start3A_284] : memref<65536x128xf32, #tpu.memory_space<hbm>> -> memref<2048x128xf32, #tpu.memory_space<hbm>>
    tpu.enqueue_dma source(%dma_start3A_285 : memref<2048x128xf32, #tpu.memory_space<hbm>>) target(%dma_start3A_282 : memref<2048x128xf32, #tpu.memory_space<vmem>>) target_semaphore(%dma_start3A_279 : memref<!tpu.dma_semaphore, #tpu.memory_space<semaphore_mem>>)
    %dma_wait3A_286 = arith.constant 6 : i32
    %dma_wait3A_287 = tpu.memref_slice %arg13[%dma_wait3A_286] : memref<10x!tpu.dma_semaphore, #tpu.memory_space<semaphore_mem>> -> memref<1x!tpu.dma_semaphore, #tpu.memory_space<semaphore_mem>>
    %dma_wait3A_288 = tpu.memref_squeeze %dma_wait3A_287 : memref<1x!tpu.dma_semaphore, #tpu.memory_space<semaphore_mem>> -> memref<!tpu.dma_semaphore, #tpu.memory_space<semaphore_mem>>
    %dma_wait3A_289 = arith.constant 0 : i32
    %dma_wait3A_290 = arith.constant 0 : i32
    %dma_wait3A_291 = tpu.memref_slice %arg9[%dma_wait3A_289, %dma_wait3A_290] : memref<2048x128xf32, #tpu.memory_space<vmem>> -> memref<2048x128xf32, #tpu.memory_space<vmem>>
    %dma_wait3A_292 = arith.constant 10848 : i32
    %dma_wait3A_293 = arith.constant 0 : i32
    %dma_wait3A_294 = tpu.memref_slice %arg1[%dma_wait3A_292, %dma_wait3A_293] : memref<65536x128xf32, #tpu.memory_space<hbm>> -> memref<2048x128xf32, #tpu.memory_space<hbm>>
    tpu.wait_dma2 semaphore(%dma_wait3A_288 : memref<!tpu.dma_semaphore, #tpu.memory_space<semaphore_mem>>) src(%dma_wait3A_294 : memref<2048x128xf32, #tpu.memory_space<hbm>>) dst(%dma_wait3A_291 : memref<2048x128xf32, #tpu.memory_space<vmem>>)
    %dma_start3A_295 = arith.constant 6 : i32
    %dma_start3A_296 = tpu.memref_slice %arg14[%dma_start3A_295] : memref<10x!tpu.dma_semaphore, #tpu.memory_space<semaphore_mem>> -> memref<1x!tpu.dma_semaphore, #tpu.memory_space<semaphore_mem>>
    %dma_start3A_297 = tpu.memref_squeeze %dma_start3A_296 : memref<1x!tpu.dma_semaphore, #tpu.memory_space<semaphore_mem>> -> memref<!tpu.dma_semaphore, #tpu.memory_space<semaphore_mem>>
    %dma_start3A_298 = arith.constant 10848 : i32
    %dma_start3A_299 = arith.constant 0 : i32
    %dma_start3A_300 = tpu.memref_slice %arg2[%dma_start3A_298, %dma_start3A_299] : memref<65536x128xf32, #tpu.memory_space<hbm>> -> memref<2048x128xf32, #tpu.memory_space<hbm>>
    %dma_start3A_301 = arith.constant 0 : i32
    %dma_start3A_302 = arith.constant 0 : i32
    %dma_start3A_303 = tpu.memref_slice %arg9[%dma_start3A_301, %dma_start3A_302] : memref<2048x128xf32, #tpu.memory_space<vmem>> -> memref<2048x128xf32, #tpu.memory_space<vmem>>
    tpu.enqueue_dma source(%dma_start3A_303 : memref<2048x128xf32, #tpu.memory_space<vmem>>) target(%dma_start3A_300 : memref<2048x128xf32, #tpu.memory_space<hbm>>) target_semaphore(%dma_start3A_297 : memref<!tpu.dma_semaphore, #tpu.memory_space<semaphore_mem>>)
    %dma_wait3A_304 = arith.constant 5 : i32
    %dma_wait3A_305 = tpu.memref_slice %arg14[%dma_wait3A_304] : memref<10x!tpu.dma_semaphore, #tpu.memory_space<semaphore_mem>> -> memref<1x!tpu.dma_semaphore, #tpu.memory_space<semaphore_mem>>
    %dma_wait3A_306 = tpu.memref_squeeze %dma_wait3A_305 : memref<1x!tpu.dma_semaphore, #tpu.memory_space<semaphore_mem>> -> memref<!tpu.dma_semaphore, #tpu.memory_space<semaphore_mem>>
    %dma_wait3A_307 = arith.constant 10240 : i32
    %dma_wait3A_308 = arith.constant 0 : i32
    %dma_wait3A_309 = tpu.memref_slice %arg2[%dma_wait3A_307, %dma_wait3A_308] : memref<65536x128xf32, #tpu.memory_space<hbm>> -> memref<608x128xf32, #tpu.memory_space<hbm>>
    %dma_wait3A_310 = arith.constant 0 : i32
    %dma_wait3A_311 = arith.constant 0 : i32
    %dma_wait3A_312 = tpu.memref_slice %arg8[%dma_wait3A_310, %dma_wait3A_311] : memref<2048x128xf32, #tpu.memory_space<vmem>> -> memref<608x128xf32, #tpu.memory_space<vmem>>
    tpu.wait_dma2 semaphore(%dma_wait3A_306 : memref<!tpu.dma_semaphore, #tpu.memory_space<semaphore_mem>>) src(%dma_wait3A_312 : memref<608x128xf32, #tpu.memory_space<vmem>>) dst(%dma_wait3A_309 : memref<608x128xf32, #tpu.memory_space<hbm>>)
    %dma_start3A_313 = arith.constant 5 : i32
    %dma_start3A_314 = tpu.memref_slice %arg13[%dma_start3A_313] : memref<10x!tpu.dma_semaphore, #tpu.memory_space<semaphore_mem>> -> memref<1x!tpu.dma_semaphore, #tpu.memory_space<semaphore_mem>>
    %dma_start3A_315 = tpu.memref_squeeze %dma_start3A_314 : memref<1x!tpu.dma_semaphore, #tpu.memory_space<semaphore_mem>> -> memref<!tpu.dma_semaphore, #tpu.memory_space<semaphore_mem>>
    %dma_start3A_316 = arith.constant 0 : i32
    %dma_start3A_317 = arith.constant 0 : i32
    %dma_start3A_318 = tpu.memref_slice %arg8[%dma_start3A_316, %dma_start3A_317] : memref<2048x128xf32, #tpu.memory_space<vmem>> -> memref<2048x128xf32, #tpu.memory_space<vmem>>
    %dma_start3A_319 = arith.constant 29280 : i32
    %dma_start3A_320 = arith.constant 0 : i32
    %dma_start3A_321 = tpu.memref_slice %arg1[%dma_start3A_319, %dma_start3A_320] : memref<65536x128xf32, #tpu.memory_space<hbm>> -> memref<2048x128xf32, #tpu.memory_space<hbm>>
    tpu.enqueue_dma source(%dma_start3A_321 : memref<2048x128xf32, #tpu.memory_space<hbm>>) target(%dma_start3A_318 : memref<2048x128xf32, #tpu.memory_space<vmem>>) target_semaphore(%dma_start3A_315 : memref<!tpu.dma_semaphore, #tpu.memory_space<semaphore_mem>>)
    %dma_wait3A_322 = arith.constant 7 : i32
    %dma_wait3A_323 = tpu.memref_slice %arg13[%dma_wait3A_322] : memref<10x!tpu.dma_semaphore, #tpu.memory_space<semaphore_mem>> -> memref<1x!tpu.dma_semaphore, #tpu.memory_space<semaphore_mem>>
    %dma_wait3A_324 = tpu.memref_squeeze %dma_wait3A_323 : memref<1x!tpu.dma_semaphore, #tpu.memory_space<semaphore_mem>> -> memref<!tpu.dma_semaphore, #tpu.memory_space<semaphore_mem>>
    %dma_wait3A_325 = arith.constant 0 : i32
    %dma_wait3A_326 = arith.constant 0 : i32
    %dma_wait3A_327 = tpu.memref_slice %arg10[%dma_wait3A_325, %dma_wait3A_326] : memref<2048x128xf32, #tpu.memory_space<vmem>> -> memref<2048x128xf32, #tpu.memory_space<vmem>>
    %dma_wait3A_328 = arith.constant 12896 : i32
    %dma_wait3A_329 = arith.constant 0 : i32
    %dma_wait3A_330 = tpu.memref_slice %arg1[%dma_wait3A_328, %dma_wait3A_329] : memref<65536x128xf32, #tpu.memory_space<hbm>> -> memref<2048x128xf32, #tpu.memory_space<hbm>>
    tpu.wait_dma2 semaphore(%dma_wait3A_324 : memref<!tpu.dma_semaphore, #tpu.memory_space<semaphore_mem>>) src(%dma_wait3A_330 : memref<2048x128xf32, #tpu.memory_space<hbm>>) dst(%dma_wait3A_327 : memref<2048x128xf32, #tpu.memory_space<vmem>>)
    %dma_start3A_331 = arith.constant 7 : i32
    %dma_start3A_332 = tpu.memref_slice %arg14[%dma_start3A_331] : memref<10x!tpu.dma_semaphore, #tpu.memory_space<semaphore_mem>> -> memref<1x!tpu.dma_semaphore, #tpu.memory_space<semaphore_mem>>
    %dma_start3A_333 = tpu.memref_squeeze %dma_start3A_332 : memref<1x!tpu.dma_semaphore, #tpu.memory_space<semaphore_mem>> -> memref<!tpu.dma_semaphore, #tpu.memory_space<semaphore_mem>>
    %dma_start3A_334 = arith.constant 12896 : i32
    %dma_start3A_335 = arith.constant 0 : i32
    %dma_start3A_336 = tpu.memref_slice %arg2[%dma_start3A_334, %dma_start3A_335] : memref<65536x128xf32, #tpu.memory_space<hbm>> -> memref<2048x128xf32, #tpu.memory_space<hbm>>
    %dma_start3A_337 = arith.constant 0 : i32
    %dma_start3A_338 = arith.constant 0 : i32
    %dma_start3A_339 = tpu.memref_slice %arg10[%dma_start3A_337, %dma_start3A_338] : memref<2048x128xf32, #tpu.memory_space<vmem>> -> memref<2048x128xf32, #tpu.memory_space<vmem>>
    tpu.enqueue_dma source(%dma_start3A_339 : memref<2048x128xf32, #tpu.memory_space<vmem>>) target(%dma_start3A_336 : memref<2048x128xf32, #tpu.memory_space<hbm>>) target_semaphore(%dma_start3A_333 : memref<!tpu.dma_semaphore, #tpu.memory_space<semaphore_mem>>)
    %dma_wait3A_340 = arith.constant 6 : i32
    %dma_wait3A_341 = tpu.memref_slice %arg14[%dma_wait3A_340] : memref<10x!tpu.dma_semaphore, #tpu.memory_space<semaphore_mem>> -> memref<1x!tpu.dma_semaphore, #tpu.memory_space<semaphore_mem>>
    %dma_wait3A_342 = tpu.memref_squeeze %dma_wait3A_341 : memref<1x!tpu.dma_semaphore, #tpu.memory_space<semaphore_mem>> -> memref<!tpu.dma_semaphore, #tpu.memory_space<semaphore_mem>>
    %dma_wait3A_343 = arith.constant 10848 : i32
    %dma_wait3A_344 = arith.constant 0 : i32
    %dma_wait3A_345 = tpu.memref_slice %arg2[%dma_wait3A_343, %dma_wait3A_344] : memref<65536x128xf32, #tpu.memory_space<hbm>> -> memref<2048x128xf32, #tpu.memory_space<hbm>>
    %dma_wait3A_346 = arith.constant 0 : i32
    %dma_wait3A_347 = arith.constant 0 : i32
    %dma_wait3A_348 = tpu.memref_slice %arg9[%dma_wait3A_346, %dma_wait3A_347] : memref<2048x128xf32, #tpu.memory_space<vmem>> -> memref<2048x128xf32, #tpu.memory_space<vmem>>
    tpu.wait_dma2 semaphore(%dma_wait3A_342 : memref<!tpu.dma_semaphore, #tpu.memory_space<semaphore_mem>>) src(%dma_wait3A_348 : memref<2048x128xf32, #tpu.memory_space<vmem>>) dst(%dma_wait3A_345 : memref<2048x128xf32, #tpu.memory_space<hbm>>)
    %dma_start3A_349 = arith.constant 6 : i32
    %dma_start3A_350 = tpu.memref_slice %arg13[%dma_start3A_349] : memref<10x!tpu.dma_semaphore, #tpu.memory_space<semaphore_mem>> -> memref<1x!tpu.dma_semaphore, #tpu.memory_space<semaphore_mem>>
    %dma_start3A_351 = tpu.memref_squeeze %dma_start3A_350 : memref<1x!tpu.dma_semaphore, #tpu.memory_space<semaphore_mem>> -> memref<!tpu.dma_semaphore, #tpu.memory_space<semaphore_mem>>
    %dma_start3A_352 = arith.constant 0 : i32
    %dma_start3A_353 = arith.constant 0 : i32
    %dma_start3A_354 = tpu.memref_slice %arg9[%dma_start3A_352, %dma_start3A_353] : memref<2048x128xf32, #tpu.memory_space<vmem>> -> memref<2048x128xf32, #tpu.memory_space<vmem>>
    %dma_start3A_355 = arith.constant 31328 : i32
    %dma_start3A_356 = arith.constant 0 : i32
    %dma_start3A_357 = tpu.memref_slice %arg1[%dma_start3A_355, %dma_start3A_356] : memref<65536x128xf32, #tpu.memory_space<hbm>> -> memref<2048x128xf32, #tpu.memory_space<hbm>>
    tpu.enqueue_dma source(%dma_start3A_357 : memref<2048x128xf32, #tpu.memory_space<hbm>>) target(%dma_start3A_354 : memref<2048x128xf32, #tpu.memory_space<vmem>>) target_semaphore(%dma_start3A_351 : memref<!tpu.dma_semaphore, #tpu.memory_space<semaphore_mem>>)
    %dma_wait3A_358 = arith.constant 8 : i32
    %dma_wait3A_359 = tpu.memref_slice %arg13[%dma_wait3A_358] : memref<10x!tpu.dma_semaphore, #tpu.memory_space<semaphore_mem>> -> memref<1x!tpu.dma_semaphore, #tpu.memory_space<semaphore_mem>>
    %dma_wait3A_360 = tpu.memref_squeeze %dma_wait3A_359 : memref<1x!tpu.dma_semaphore, #tpu.memory_space<semaphore_mem>> -> memref<!tpu.dma_semaphore, #tpu.memory_space<semaphore_mem>>
    %dma_wait3A_361 = arith.constant 0 : i32
    %dma_wait3A_362 = arith.constant 0 : i32
    %dma_wait3A_363 = tpu.memref_slice %arg11[%dma_wait3A_361, %dma_wait3A_362] : memref<2048x128xf32, #tpu.memory_space<vmem>> -> memref<2048x128xf32, #tpu.memory_space<vmem>>
    %dma_wait3A_364 = arith.constant 14944 : i32
    %dma_wait3A_365 = arith.constant 0 : i32
    %dma_wait3A_366 = tpu.memref_slice %arg1[%dma_wait3A_364, %dma_wait3A_365] : memref<65536x128xf32, #tpu.memory_space<hbm>> -> memref<2048x128xf32, #tpu.memory_space<hbm>>
    tpu.wait_dma2 semaphore(%dma_wait3A_360 : memref<!tpu.dma_semaphore, #tpu.memory_space<semaphore_mem>>) src(%dma_wait3A_366 : memref<2048x128xf32, #tpu.memory_space<hbm>>) dst(%dma_wait3A_363 : memref<2048x128xf32, #tpu.memory_space<vmem>>)
    %dma_start3A_367 = arith.constant 8 : i32
    %dma_start3A_368 = tpu.memref_slice %arg14[%dma_start3A_367] : memref<10x!tpu.dma_semaphore, #tpu.memory_space<semaphore_mem>> -> memref<1x!tpu.dma_semaphore, #tpu.memory_space<semaphore_mem>>
    %dma_start3A_369 = tpu.memref_squeeze %dma_start3A_368 : memref<1x!tpu.dma_semaphore, #tpu.memory_space<semaphore_mem>> -> memref<!tpu.dma_semaphore, #tpu.memory_space<semaphore_mem>>
    %dma_start3A_370 = arith.constant 14944 : i32
    %dma_start3A_371 = arith.constant 0 : i32
    %dma_start3A_372 = tpu.memref_slice %arg2[%dma_start3A_370, %dma_start3A_371] : memref<65536x128xf32, #tpu.memory_space<hbm>> -> memref<2048x128xf32, #tpu.memory_space<hbm>>
    %dma_start3A_373 = arith.constant 0 : i32
    %dma_start3A_374 = arith.constant 0 : i32
    %dma_start3A_375 = tpu.memref_slice %arg11[%dma_start3A_373, %dma_start3A_374] : memref<2048x128xf32, #tpu.memory_space<vmem>> -> memref<2048x128xf32, #tpu.memory_space<vmem>>
    tpu.enqueue_dma source(%dma_start3A_375 : memref<2048x128xf32, #tpu.memory_space<vmem>>) target(%dma_start3A_372 : memref<2048x128xf32, #tpu.memory_space<hbm>>) target_semaphore(%dma_start3A_369 : memref<!tpu.dma_semaphore, #tpu.memory_space<semaphore_mem>>)
    %dma_wait3A_376 = arith.constant 7 : i32
    %dma_wait3A_377 = tpu.memref_slice %arg14[%dma_wait3A_376] : memref<10x!tpu.dma_semaphore, #tpu.memory_space<semaphore_mem>> -> memref<1x!tpu.dma_semaphore, #tpu.memory_space<semaphore_mem>>
    %dma_wait3A_378 = tpu.memref_squeeze %dma_wait3A_377 : memref<1x!tpu.dma_semaphore, #tpu.memory_space<semaphore_mem>> -> memref<!tpu.dma_semaphore, #tpu.memory_space<semaphore_mem>>
    %dma_wait3A_379 = arith.constant 12896 : i32
    %dma_wait3A_380 = arith.constant 0 : i32
    %dma_wait3A_381 = tpu.memref_slice %arg2[%dma_wait3A_379, %dma_wait3A_380] : memref<65536x128xf32, #tpu.memory_space<hbm>> -> memref<2048x128xf32, #tpu.memory_space<hbm>>
    %dma_wait3A_382 = arith.constant 0 : i32
    %dma_wait3A_383 = arith.constant 0 : i32
    %dma_wait3A_384 = tpu.memref_slice %arg10[%dma_wait3A_382, %dma_wait3A_383] : memref<2048x128xf32, #tpu.memory_space<vmem>> -> memref<2048x128xf32, #tpu.memory_space<vmem>>
    tpu.wait_dma2 semaphore(%dma_wait3A_378 : memref<!tpu.dma_semaphore, #tpu.memory_space<semaphore_mem>>) src(%dma_wait3A_384 : memref<2048x128xf32, #tpu.memory_space<vmem>>) dst(%dma_wait3A_381 : memref<2048x128xf32, #tpu.memory_space<hbm>>)
    %dma_start3A_385 = arith.constant 7 : i32
    %dma_start3A_386 = tpu.memref_slice %arg13[%dma_start3A_385] : memref<10x!tpu.dma_semaphore, #tpu.memory_space<semaphore_mem>> -> memref<1x!tpu.dma_semaphore, #tpu.memory_space<semaphore_mem>>
    %dma_start3A_387 = tpu.memref_squeeze %dma_start3A_386 : memref<1x!tpu.dma_semaphore, #tpu.memory_space<semaphore_mem>> -> memref<!tpu.dma_semaphore, #tpu.memory_space<semaphore_mem>>
    %dma_start3A_388 = arith.constant 0 : i32
    %dma_start3A_389 = arith.constant 0 : i32
    %dma_start3A_390 = tpu.memref_slice %arg10[%dma_start3A_388, %dma_start3A_389] : memref<2048x128xf32, #tpu.memory_space<vmem>> -> memref<2048x128xf32, #tpu.memory_space<vmem>>
    %dma_start3A_391 = arith.constant 33376 : i32
    %dma_start3A_392 = arith.constant 0 : i32
    %dma_start3A_393 = tpu.memref_slice %arg1[%dma_start3A_391, %dma_start3A_392] : memref<65536x128xf32, #tpu.memory_space<hbm>> -> memref<2048x128xf32, #tpu.memory_space<hbm>>
    tpu.enqueue_dma source(%dma_start3A_393 : memref<2048x128xf32, #tpu.memory_space<hbm>>) target(%dma_start3A_390 : memref<2048x128xf32, #tpu.memory_space<vmem>>) target_semaphore(%dma_start3A_387 : memref<!tpu.dma_semaphore, #tpu.memory_space<semaphore_mem>>)
    %dma_wait3A_394 = arith.constant 9 : i32
    %dma_wait3A_395 = tpu.memref_slice %arg13[%dma_wait3A_394] : memref<10x!tpu.dma_semaphore, #tpu.memory_space<semaphore_mem>> -> memref<1x!tpu.dma_semaphore, #tpu.memory_space<semaphore_mem>>
    %dma_wait3A_396 = tpu.memref_squeeze %dma_wait3A_395 : memref<1x!tpu.dma_semaphore, #tpu.memory_space<semaphore_mem>> -> memref<!tpu.dma_semaphore, #tpu.memory_space<semaphore_mem>>
    %dma_wait3A_397 = arith.constant 0 : i32
    %dma_wait3A_398 = arith.constant 0 : i32
    %dma_wait3A_399 = tpu.memref_slice %arg12[%dma_wait3A_397, %dma_wait3A_398] : memref<2048x128xf32, #tpu.memory_space<vmem>> -> memref<2048x128xf32, #tpu.memory_space<vmem>>
    %dma_wait3A_400 = arith.constant 16992 : i32
    %dma_wait3A_401 = arith.constant 0 : i32
    %dma_wait3A_402 = tpu.memref_slice %arg1[%dma_wait3A_400, %dma_wait3A_401] : memref<65536x128xf32, #tpu.memory_space<hbm>> -> memref<2048x128xf32, #tpu.memory_space<hbm>>
    tpu.wait_dma2 semaphore(%dma_wait3A_396 : memref<!tpu.dma_semaphore, #tpu.memory_space<semaphore_mem>>) src(%dma_wait3A_402 : memref<2048x128xf32, #tpu.memory_space<hbm>>) dst(%dma_wait3A_399 : memref<2048x128xf32, #tpu.memory_space<vmem>>)
    %dma_start3A_403 = arith.constant 9 : i32
    %dma_start3A_404 = tpu.memref_slice %arg14[%dma_start3A_403] : memref<10x!tpu.dma_semaphore, #tpu.memory_space<semaphore_mem>> -> memref<1x!tpu.dma_semaphore, #tpu.memory_space<semaphore_mem>>
    %dma_start3A_405 = tpu.memref_squeeze %dma_start3A_404 : memref<1x!tpu.dma_semaphore, #tpu.memory_space<semaphore_mem>> -> memref<!tpu.dma_semaphore, #tpu.memory_space<semaphore_mem>>
    %dma_start3A_406 = arith.constant 16992 : i32
    %dma_start3A_407 = arith.constant 0 : i32
    %dma_start3A_408 = tpu.memref_slice %arg2[%dma_start3A_406, %dma_start3A_407] : memref<65536x128xf32, #tpu.memory_space<hbm>> -> memref<2048x128xf32, #tpu.memory_space<hbm>>
    %dma_start3A_409 = arith.constant 0 : i32
    %dma_start3A_410 = arith.constant 0 : i32
    %dma_start3A_411 = tpu.memref_slice %arg12[%dma_start3A_409, %dma_start3A_410] : memref<2048x128xf32, #tpu.memory_space<vmem>> -> memref<2048x128xf32, #tpu.memory_space<vmem>>
    tpu.enqueue_dma source(%dma_start3A_411 : memref<2048x128xf32, #tpu.memory_space<vmem>>) target(%dma_start3A_408 : memref<2048x128xf32, #tpu.memory_space<hbm>>) target_semaphore(%dma_start3A_405 : memref<!tpu.dma_semaphore, #tpu.memory_space<semaphore_mem>>)
    %dma_wait3A_412 = arith.constant 8 : i32
    %dma_wait3A_413 = tpu.memref_slice %arg14[%dma_wait3A_412] : memref<10x!tpu.dma_semaphore, #tpu.memory_space<semaphore_mem>> -> memref<1x!tpu.dma_semaphore, #tpu.memory_space<semaphore_mem>>
    %dma_wait3A_414 = tpu.memref_squeeze %dma_wait3A_413 : memref<1x!tpu.dma_semaphore, #tpu.memory_space<semaphore_mem>> -> memref<!tpu.dma_semaphore, #tpu.memory_space<semaphore_mem>>
    %dma_wait3A_415 = arith.constant 14944 : i32
    %dma_wait3A_416 = arith.constant 0 : i32
    %dma_wait3A_417 = tpu.memref_slice %arg2[%dma_wait3A_415, %dma_wait3A_416] : memref<65536x128xf32, #tpu.memory_space<hbm>> -> memref<2048x128xf32, #tpu.memory_space<hbm>>
    %dma_wait3A_418 = arith.constant 0 : i32
    %dma_wait3A_419 = arith.constant 0 : i32
    %dma_wait3A_420 = tpu.memref_slice %arg11[%dma_wait3A_418, %dma_wait3A_419] : memref<2048x128xf32, #tpu.memory_space<vmem>> -> memref<2048x128xf32, #tpu.memory_space<vmem>>
    tpu.wait_dma2 semaphore(%dma_wait3A_414 : memref<!tpu.dma_semaphore, #tpu.memory_space<semaphore_mem>>) src(%dma_wait3A_420 : memref<2048x128xf32, #tpu.memory_space<vmem>>) dst(%dma_wait3A_417 : memref<2048x128xf32, #tpu.memory_space<hbm>>)
    %dma_start3A_421 = arith.constant 8 : i32
    %dma_start3A_422 = tpu.memref_slice %arg13[%dma_start3A_421] : memref<10x!tpu.dma_semaphore, #tpu.memory_space<semaphore_mem>> -> memref<1x!tpu.dma_semaphore, #tpu.memory_space<semaphore_mem>>
    %dma_start3A_423 = tpu.memref_squeeze %dma_start3A_422 : memref<1x!tpu.dma_semaphore, #tpu.memory_space<semaphore_mem>> -> memref<!tpu.dma_semaphore, #tpu.memory_space<semaphore_mem>>
    %dma_start3A_424 = arith.constant 0 : i32
    %dma_start3A_425 = arith.constant 0 : i32
    %dma_start3A_426 = tpu.memref_slice %arg11[%dma_start3A_424, %dma_start3A_425] : memref<2048x128xf32, #tpu.memory_space<vmem>> -> memref<2048x128xf32, #tpu.memory_space<vmem>>
    %dma_start3A_427 = arith.constant 35424 : i32
    %dma_start3A_428 = arith.constant 0 : i32
    %dma_start3A_429 = tpu.memref_slice %arg1[%dma_start3A_427, %dma_start3A_428] : memref<65536x128xf32, #tpu.memory_space<hbm>> -> memref<2048x128xf32, #tpu.memory_space<hbm>>
    tpu.enqueue_dma source(%dma_start3A_429 : memref<2048x128xf32, #tpu.memory_space<hbm>>) target(%dma_start3A_426 : memref<2048x128xf32, #tpu.memory_space<vmem>>) target_semaphore(%dma_start3A_423 : memref<!tpu.dma_semaphore, #tpu.memory_space<semaphore_mem>>)
    %dma_wait3A_430 = arith.constant 0 : i32
    %dma_wait3A_431 = tpu.memref_slice %arg13[%dma_wait3A_430] : memref<10x!tpu.dma_semaphore, #tpu.memory_space<semaphore_mem>> -> memref<1x!tpu.dma_semaphore, #tpu.memory_space<semaphore_mem>>
    %dma_wait3A_432 = tpu.memref_squeeze %dma_wait3A_431 : memref<1x!tpu.dma_semaphore, #tpu.memory_space<semaphore_mem>> -> memref<!tpu.dma_semaphore, #tpu.memory_space<semaphore_mem>>
    %dma_wait3A_433 = arith.constant 0 : i32
    %dma_wait3A_434 = arith.constant 0 : i32
    %dma_wait3A_435 = tpu.memref_slice %arg3[%dma_wait3A_433, %dma_wait3A_434] : memref<2048x128xf32, #tpu.memory_space<vmem>> -> memref<2048x128xf32, #tpu.memory_space<vmem>>
    %dma_wait3A_436 = arith.constant 19040 : i32
    %dma_wait3A_437 = arith.constant 0 : i32
    %dma_wait3A_438 = tpu.memref_slice %arg1[%dma_wait3A_436, %dma_wait3A_437] : memref<65536x128xf32, #tpu.memory_space<hbm>> -> memref<2048x128xf32, #tpu.memory_space<hbm>>
    tpu.wait_dma2 semaphore(%dma_wait3A_432 : memref<!tpu.dma_semaphore, #tpu.memory_space<semaphore_mem>>) src(%dma_wait3A_438 : memref<2048x128xf32, #tpu.memory_space<hbm>>) dst(%dma_wait3A_435 : memref<2048x128xf32, #tpu.memory_space<vmem>>)
    %dma_start3A_439 = arith.constant 0 : i32
    %dma_start3A_440 = tpu.memref_slice %arg14[%dma_start3A_439] : memref<10x!tpu.dma_semaphore, #tpu.memory_space<semaphore_mem>> -> memref<1x!tpu.dma_semaphore, #tpu.memory_space<semaphore_mem>>
    %dma_start3A_441 = tpu.memref_squeeze %dma_start3A_440 : memref<1x!tpu.dma_semaphore, #tpu.memory_space<semaphore_mem>> -> memref<!tpu.dma_semaphore, #tpu.memory_space<semaphore_mem>>
    %dma_start3A_442 = arith.constant 19040 : i32
    %dma_start3A_443 = arith.constant 0 : i32
    %dma_start3A_444 = tpu.memref_slice %arg2[%dma_start3A_442, %dma_start3A_443] : memref<65536x128xf32, #tpu.memory_space<hbm>> -> memref<2048x128xf32, #tpu.memory_space<hbm>>
    %dma_start3A_445 = arith.constant 0 : i32
    %dma_start3A_446 = arith.constant 0 : i32
    %dma_start3A_447 = tpu.memref_slice %arg3[%dma_start3A_445, %dma_start3A_446] : memref<2048x128xf32, #tpu.memory_space<vmem>> -> memref<2048x128xf32, #tpu.memory_space<vmem>>
    tpu.enqueue_dma source(%dma_start3A_447 : memref<2048x128xf32, #tpu.memory_space<vmem>>) target(%dma_start3A_444 : memref<2048x128xf32, #tpu.memory_space<hbm>>) target_semaphore(%dma_start3A_441 : memref<!tpu.dma_semaphore, #tpu.memory_space<semaphore_mem>>)
    %dma_wait3A_448 = arith.constant 9 : i32
    %dma_wait3A_449 = tpu.memref_slice %arg14[%dma_wait3A_448] : memref<10x!tpu.dma_semaphore, #tpu.memory_space<semaphore_mem>> -> memref<1x!tpu.dma_semaphore, #tpu.memory_space<semaphore_mem>>
    %dma_wait3A_450 = tpu.memref_squeeze %dma_wait3A_449 : memref<1x!tpu.dma_semaphore, #tpu.memory_space<semaphore_mem>> -> memref<!tpu.dma_semaphore, #tpu.memory_space<semaphore_mem>>
    %dma_wait3A_451 = arith.constant 16992 : i32
    %dma_wait3A_452 = arith.constant 0 : i32
    %dma_wait3A_453 = tpu.memref_slice %arg2[%dma_wait3A_451, %dma_wait3A_452] : memref<65536x128xf32, #tpu.memory_space<hbm>> -> memref<2048x128xf32, #tpu.memory_space<hbm>>
    %dma_wait3A_454 = arith.constant 0 : i32
    %dma_wait3A_455 = arith.constant 0 : i32
    %dma_wait3A_456 = tpu.memref_slice %arg12[%dma_wait3A_454, %dma_wait3A_455] : memref<2048x128xf32, #tpu.memory_space<vmem>> -> memref<2048x128xf32, #tpu.memory_space<vmem>>
    tpu.wait_dma2 semaphore(%dma_wait3A_450 : memref<!tpu.dma_semaphore, #tpu.memory_space<semaphore_mem>>) src(%dma_wait3A_456 : memref<2048x128xf32, #tpu.memory_space<vmem>>) dst(%dma_wait3A_453 : memref<2048x128xf32, #tpu.memory_space<hbm>>)
    %dma_start3A_457 = arith.constant 9 : i32
    %dma_start3A_458 = tpu.memref_slice %arg13[%dma_start3A_457] : memref<10x!tpu.dma_semaphore, #tpu.memory_space<semaphore_mem>> -> memref<1x!tpu.dma_semaphore, #tpu.memory_space<semaphore_mem>>
    %dma_start3A_459 = tpu.memref_squeeze %dma_start3A_458 : memref<1x!tpu.dma_semaphore, #tpu.memory_space<semaphore_mem>> -> memref<!tpu.dma_semaphore, #tpu.memory_space<semaphore_mem>>
    %dma_start3A_460 = arith.constant 0 : i32
    %dma_start3A_461 = arith.constant 0 : i32
    %dma_start3A_462 = tpu.memref_slice %arg12[%dma_start3A_460, %dma_start3A_461] : memref<2048x128xf32, #tpu.memory_space<vmem>> -> memref<2048x128xf32, #tpu.memory_space<vmem>>
    %dma_start3A_463 = arith.constant 37472 : i32
    %dma_start3A_464 = arith.constant 0 : i32
    %dma_start3A_465 = tpu.memref_slice %arg1[%dma_start3A_463, %dma_start3A_464] : memref<65536x128xf32, #tpu.memory_space<hbm>> -> memref<2048x128xf32, #tpu.memory_space<hbm>>
    tpu.enqueue_dma source(%dma_start3A_465 : memref<2048x128xf32, #tpu.memory_space<hbm>>) target(%dma_start3A_462 : memref<2048x128xf32, #tpu.memory_space<vmem>>) target_semaphore(%dma_start3A_459 : memref<!tpu.dma_semaphore, #tpu.memory_space<semaphore_mem>>)
    %dma_wait3A_466 = arith.constant 1 : i32
    %dma_wait3A_467 = tpu.memref_slice %arg13[%dma_wait3A_466] : memref<10x!tpu.dma_semaphore, #tpu.memory_space<semaphore_mem>> -> memref<1x!tpu.dma_semaphore, #tpu.memory_space<semaphore_mem>>
    %dma_wait3A_468 = tpu.memref_squeeze %dma_wait3A_467 : memref<1x!tpu.dma_semaphore, #tpu.memory_space<semaphore_mem>> -> memref<!tpu.dma_semaphore, #tpu.memory_space<semaphore_mem>>
    %dma_wait3A_469 = arith.constant 0 : i32
    %dma_wait3A_470 = arith.constant 0 : i32
    %dma_wait3A_471 = tpu.memref_slice %arg4[%dma_wait3A_469, %dma_wait3A_470] : memref<2048x128xf32, #tpu.memory_space<vmem>> -> memref<2048x128xf32, #tpu.memory_space<vmem>>
    %dma_wait3A_472 = arith.constant 21088 : i32
    %dma_wait3A_473 = arith.constant 0 : i32
    %dma_wait3A_474 = tpu.memref_slice %arg1[%dma_wait3A_472, %dma_wait3A_473] : memref<65536x128xf32, #tpu.memory_space<hbm>> -> memref<2048x128xf32, #tpu.memory_space<hbm>>
    tpu.wait_dma2 semaphore(%dma_wait3A_468 : memref<!tpu.dma_semaphore, #tpu.memory_space<semaphore_mem>>) src(%dma_wait3A_474 : memref<2048x128xf32, #tpu.memory_space<hbm>>) dst(%dma_wait3A_471 : memref<2048x128xf32, #tpu.memory_space<vmem>>)
    %dma_start3A_475 = arith.constant 1 : i32
    %dma_start3A_476 = tpu.memref_slice %arg14[%dma_start3A_475] : memref<10x!tpu.dma_semaphore, #tpu.memory_space<semaphore_mem>> -> memref<1x!tpu.dma_semaphore, #tpu.memory_space<semaphore_mem>>
    %dma_start3A_477 = tpu.memref_squeeze %dma_start3A_476 : memref<1x!tpu.dma_semaphore, #tpu.memory_space<semaphore_mem>> -> memref<!tpu.dma_semaphore, #tpu.memory_space<semaphore_mem>>
    %dma_start3A_478 = arith.constant 21088 : i32
    %dma_start3A_479 = arith.constant 0 : i32
    %dma_start3A_480 = tpu.memref_slice %arg2[%dma_start3A_478, %dma_start3A_479] : memref<65536x128xf32, #tpu.memory_space<hbm>> -> memref<2048x128xf32, #tpu.memory_space<hbm>>
    %dma_start3A_481 = arith.constant 0 : i32
    %dma_start3A_482 = arith.constant 0 : i32
    %dma_start3A_483 = tpu.memref_slice %arg4[%dma_start3A_481, %dma_start3A_482] : memref<2048x128xf32, #tpu.memory_space<vmem>> -> memref<2048x128xf32, #tpu.memory_space<vmem>>
    tpu.enqueue_dma source(%dma_start3A_483 : memref<2048x128xf32, #tpu.memory_space<vmem>>) target(%dma_start3A_480 : memref<2048x128xf32, #tpu.memory_space<hbm>>) target_semaphore(%dma_start3A_477 : memref<!tpu.dma_semaphore, #tpu.memory_space<semaphore_mem>>)
    %dma_wait3A_484 = arith.constant 0 : i32
    %dma_wait3A_485 = tpu.memref_slice %arg14[%dma_wait3A_484] : memref<10x!tpu.dma_semaphore, #tpu.memory_space<semaphore_mem>> -> memref<1x!tpu.dma_semaphore, #tpu.memory_space<semaphore_mem>>
    %dma_wait3A_486 = tpu.memref_squeeze %dma_wait3A_485 : memref<1x!tpu.dma_semaphore, #tpu.memory_space<semaphore_mem>> -> memref<!tpu.dma_semaphore, #tpu.memory_space<semaphore_mem>>
    %dma_wait3A_487 = arith.constant 19040 : i32
    %dma_wait3A_488 = arith.constant 0 : i32
    %dma_wait3A_489 = tpu.memref_slice %arg2[%dma_wait3A_487, %dma_wait3A_488] : memref<65536x128xf32, #tpu.memory_space<hbm>> -> memref<2048x128xf32, #tpu.memory_space<hbm>>
    %dma_wait3A_490 = arith.constant 0 : i32
    %dma_wait3A_491 = arith.constant 0 : i32
    %dma_wait3A_492 = tpu.memref_slice %arg3[%dma_wait3A_490, %dma_wait3A_491] : memref<2048x128xf32, #tpu.memory_space<vmem>> -> memref<2048x128xf32, #tpu.memory_space<vmem>>
    tpu.wait_dma2 semaphore(%dma_wait3A_486 : memref<!tpu.dma_semaphore, #tpu.memory_space<semaphore_mem>>) src(%dma_wait3A_492 : memref<2048x128xf32, #tpu.memory_space<vmem>>) dst(%dma_wait3A_489 : memref<2048x128xf32, #tpu.memory_space<hbm>>)
    %dma_start3A_493 = arith.constant 0 : i32
    %dma_start3A_494 = tpu.memref_slice %arg13[%dma_start3A_493] : memref<10x!tpu.dma_semaphore, #tpu.memory_space<semaphore_mem>> -> memref<1x!tpu.dma_semaphore, #tpu.memory_space<semaphore_mem>>
    %dma_start3A_495 = tpu.memref_squeeze %dma_start3A_494 : memref<1x!tpu.dma_semaphore, #tpu.memory_space<semaphore_mem>> -> memref<!tpu.dma_semaphore, #tpu.memory_space<semaphore_mem>>
    %dma_start3A_496 = arith.constant 0 : i32
    %dma_start3A_497 = arith.constant 0 : i32
    %dma_start3A_498 = tpu.memref_slice %arg3[%dma_start3A_496, %dma_start3A_497] : memref<2048x128xf32, #tpu.memory_space<vmem>> -> memref<2048x128xf32, #tpu.memory_space<vmem>>
    %dma_start3A_499 = arith.constant 39520 : i32
    %dma_start3A_500 = arith.constant 0 : i32
    %dma_start3A_501 = tpu.memref_slice %arg1[%dma_start3A_499, %dma_start3A_500] : memref<65536x128xf32, #tpu.memory_space<hbm>> -> memref<2048x128xf32, #tpu.memory_space<hbm>>
    tpu.enqueue_dma source(%dma_start3A_501 : memref<2048x128xf32, #tpu.memory_space<hbm>>) target(%dma_start3A_498 : memref<2048x128xf32, #tpu.memory_space<vmem>>) target_semaphore(%dma_start3A_495 : memref<!tpu.dma_semaphore, #tpu.memory_space<semaphore_mem>>)
    %dma_wait3A_502 = arith.constant 2 : i32
    %dma_wait3A_503 = tpu.memref_slice %arg13[%dma_wait3A_502] : memref<10x!tpu.dma_semaphore, #tpu.memory_space<semaphore_mem>> -> memref<1x!tpu.dma_semaphore, #tpu.memory_space<semaphore_mem>>
    %dma_wait3A_504 = tpu.memref_squeeze %dma_wait3A_503 : memref<1x!tpu.dma_semaphore, #tpu.memory_space<semaphore_mem>> -> memref<!tpu.dma_semaphore, #tpu.memory_space<semaphore_mem>>
    %dma_wait3A_505 = arith.constant 0 : i32
    %dma_wait3A_506 = arith.constant 0 : i32
    %dma_wait3A_507 = tpu.memref_slice %arg5[%dma_wait3A_505, %dma_wait3A_506] : memref<2048x128xf32, #tpu.memory_space<vmem>> -> memref<2048x128xf32, #tpu.memory_space<vmem>>
    %dma_wait3A_508 = arith.constant 23136 : i32
    %dma_wait3A_509 = arith.constant 0 : i32
    %dma_wait3A_510 = tpu.memref_slice %arg1[%dma_wait3A_508, %dma_wait3A_509] : memref<65536x128xf32, #tpu.memory_space<hbm>> -> memref<2048x128xf32, #tpu.memory_space<hbm>>
    tpu.wait_dma2 semaphore(%dma_wait3A_504 : memref<!tpu.dma_semaphore, #tpu.memory_space<semaphore_mem>>) src(%dma_wait3A_510 : memref<2048x128xf32, #tpu.memory_space<hbm>>) dst(%dma_wait3A_507 : memref<2048x128xf32, #tpu.memory_space<vmem>>)
    %dma_start3A_511 = arith.constant 2 : i32
    %dma_start3A_512 = tpu.memref_slice %arg14[%dma_start3A_511] : memref<10x!tpu.dma_semaphore, #tpu.memory_space<semaphore_mem>> -> memref<1x!tpu.dma_semaphore, #tpu.memory_space<semaphore_mem>>
    %dma_start3A_513 = tpu.memref_squeeze %dma_start3A_512 : memref<1x!tpu.dma_semaphore, #tpu.memory_space<semaphore_mem>> -> memref<!tpu.dma_semaphore, #tpu.memory_space<semaphore_mem>>
    %dma_start3A_514 = arith.constant 23136 : i32
    %dma_start3A_515 = arith.constant 0 : i32
    %dma_start3A_516 = tpu.memref_slice %arg2[%dma_start3A_514, %dma_start3A_515] : memref<65536x128xf32, #tpu.memory_space<hbm>> -> memref<2048x128xf32, #tpu.memory_space<hbm>>
    %dma_start3A_517 = arith.constant 0 : i32
    %dma_start3A_518 = arith.constant 0 : i32
    %dma_start3A_519 = tpu.memref_slice %arg5[%dma_start3A_517, %dma_start3A_518] : memref<2048x128xf32, #tpu.memory_space<vmem>> -> memref<2048x128xf32, #tpu.memory_space<vmem>>
    tpu.enqueue_dma source(%dma_start3A_519 : memref<2048x128xf32, #tpu.memory_space<vmem>>) target(%dma_start3A_516 : memref<2048x128xf32, #tpu.memory_space<hbm>>) target_semaphore(%dma_start3A_513 : memref<!tpu.dma_semaphore, #tpu.memory_space<semaphore_mem>>)
    %dma_wait3A_520 = arith.constant 1 : i32
    %dma_wait3A_521 = tpu.memref_slice %arg14[%dma_wait3A_520] : memref<10x!tpu.dma_semaphore, #tpu.memory_space<semaphore_mem>> -> memref<1x!tpu.dma_semaphore, #tpu.memory_space<semaphore_mem>>
    %dma_wait3A_522 = tpu.memref_squeeze %dma_wait3A_521 : memref<1x!tpu.dma_semaphore, #tpu.memory_space<semaphore_mem>> -> memref<!tpu.dma_semaphore, #tpu.memory_space<semaphore_mem>>
    %dma_wait3A_523 = arith.constant 21088 : i32
    %dma_wait3A_524 = arith.constant 0 : i32
    %dma_wait3A_525 = tpu.memref_slice %arg2[%dma_wait3A_523, %dma_wait3A_524] : memref<65536x128xf32, #tpu.memory_space<hbm>> -> memref<2048x128xf32, #tpu.memory_space<hbm>>
    %dma_wait3A_526 = arith.constant 0 : i32
    %dma_wait3A_527 = arith.constant 0 : i32
    %dma_wait3A_528 = tpu.memref_slice %arg4[%dma_wait3A_526, %dma_wait3A_527] : memref<2048x128xf32, #tpu.memory_space<vmem>> -> memref<2048x128xf32, #tpu.memory_space<vmem>>
    tpu.wait_dma2 semaphore(%dma_wait3A_522 : memref<!tpu.dma_semaphore, #tpu.memory_space<semaphore_mem>>) src(%dma_wait3A_528 : memref<2048x128xf32, #tpu.memory_space<vmem>>) dst(%dma_wait3A_525 : memref<2048x128xf32, #tpu.memory_space<hbm>>)
    %dma_start3A_529 = arith.constant 1 : i32
    %dma_start3A_530 = tpu.memref_slice %arg13[%dma_start3A_529] : memref<10x!tpu.dma_semaphore, #tpu.memory_space<semaphore_mem>> -> memref<1x!tpu.dma_semaphore, #tpu.memory_space<semaphore_mem>>
    %dma_start3A_531 = tpu.memref_squeeze %dma_start3A_530 : memref<1x!tpu.dma_semaphore, #tpu.memory_space<semaphore_mem>> -> memref<!tpu.dma_semaphore, #tpu.memory_space<semaphore_mem>>
    %dma_start3A_532 = arith.constant 0 : i32
    %dma_start3A_533 = arith.constant 0 : i32
    %dma_start3A_534 = tpu.memref_slice %arg4[%dma_start3A_532, %dma_start3A_533] : memref<2048x128xf32, #tpu.memory_space<vmem>> -> memref<2048x128xf32, #tpu.memory_space<vmem>>
    %dma_start3A_535 = arith.constant 41568 : i32
    %dma_start3A_536 = arith.constant 0 : i32
    %dma_start3A_537 = tpu.memref_slice %arg1[%dma_start3A_535, %dma_start3A_536] : memref<65536x128xf32, #tpu.memory_space<hbm>> -> memref<2048x128xf32, #tpu.memory_space<hbm>>
    tpu.enqueue_dma source(%dma_start3A_537 : memref<2048x128xf32, #tpu.memory_space<hbm>>) target(%dma_start3A_534 : memref<2048x128xf32, #tpu.memory_space<vmem>>) target_semaphore(%dma_start3A_531 : memref<!tpu.dma_semaphore, #tpu.memory_space<semaphore_mem>>)
    %dma_wait3A_538 = arith.constant 3 : i32
    %dma_wait3A_539 = tpu.memref_slice %arg13[%dma_wait3A_538] : memref<10x!tpu.dma_semaphore, #tpu.memory_space<semaphore_mem>> -> memref<1x!tpu.dma_semaphore, #tpu.memory_space<semaphore_mem>>
    %dma_wait3A_540 = tpu.memref_squeeze %dma_wait3A_539 : memref<1x!tpu.dma_semaphore, #tpu.memory_space<semaphore_mem>> -> memref<!tpu.dma_semaphore, #tpu.memory_space<semaphore_mem>>
    %dma_wait3A_541 = arith.constant 0 : i32
    %dma_wait3A_542 = arith.constant 0 : i32
    %dma_wait3A_543 = tpu.memref_slice %arg6[%dma_wait3A_541, %dma_wait3A_542] : memref<2048x128xf32, #tpu.memory_space<vmem>> -> memref<2048x128xf32, #tpu.memory_space<vmem>>
    %dma_wait3A_544 = arith.constant 25184 : i32
    %dma_wait3A_545 = arith.constant 0 : i32
    %dma_wait3A_546 = tpu.memref_slice %arg1[%dma_wait3A_544, %dma_wait3A_545] : memref<65536x128xf32, #tpu.memory_space<hbm>> -> memref<2048x128xf32, #tpu.memory_space<hbm>>
    tpu.wait_dma2 semaphore(%dma_wait3A_540 : memref<!tpu.dma_semaphore, #tpu.memory_space<semaphore_mem>>) src(%dma_wait3A_546 : memref<2048x128xf32, #tpu.memory_space<hbm>>) dst(%dma_wait3A_543 : memref<2048x128xf32, #tpu.memory_space<vmem>>)
    %dma_start3A_547 = arith.constant 3 : i32
    %dma_start3A_548 = tpu.memref_slice %arg14[%dma_start3A_547] : memref<10x!tpu.dma_semaphore, #tpu.memory_space<semaphore_mem>> -> memref<1x!tpu.dma_semaphore, #tpu.memory_space<semaphore_mem>>
    %dma_start3A_549 = tpu.memref_squeeze %dma_start3A_548 : memref<1x!tpu.dma_semaphore, #tpu.memory_space<semaphore_mem>> -> memref<!tpu.dma_semaphore, #tpu.memory_space<semaphore_mem>>
    %dma_start3A_550 = arith.constant 25184 : i32
    %dma_start3A_551 = arith.constant 0 : i32
    %dma_start3A_552 = tpu.memref_slice %arg2[%dma_start3A_550, %dma_start3A_551] : memref<65536x128xf32, #tpu.memory_space<hbm>> -> memref<2048x128xf32, #tpu.memory_space<hbm>>
    %dma_start3A_553 = arith.constant 0 : i32
    %dma_start3A_554 = arith.constant 0 : i32
    %dma_start3A_555 = tpu.memref_slice %arg6[%dma_start3A_553, %dma_start3A_554] : memref<2048x128xf32, #tpu.memory_space<vmem>> -> memref<2048x128xf32, #tpu.memory_space<vmem>>
    tpu.enqueue_dma source(%dma_start3A_555 : memref<2048x128xf32, #tpu.memory_space<vmem>>) target(%dma_start3A_552 : memref<2048x128xf32, #tpu.memory_space<hbm>>) target_semaphore(%dma_start3A_549 : memref<!tpu.dma_semaphore, #tpu.memory_space<semaphore_mem>>)
    %dma_wait3A_556 = arith.constant 2 : i32
    %dma_wait3A_557 = tpu.memref_slice %arg14[%dma_wait3A_556] : memref<10x!tpu.dma_semaphore, #tpu.memory_space<semaphore_mem>> -> memref<1x!tpu.dma_semaphore, #tpu.memory_space<semaphore_mem>>
    %dma_wait3A_558 = tpu.memref_squeeze %dma_wait3A_557 : memref<1x!tpu.dma_semaphore, #tpu.memory_space<semaphore_mem>> -> memref<!tpu.dma_semaphore, #tpu.memory_space<semaphore_mem>>
    %dma_wait3A_559 = arith.constant 23136 : i32
    %dma_wait3A_560 = arith.constant 0 : i32
    %dma_wait3A_561 = tpu.memref_slice %arg2[%dma_wait3A_559, %dma_wait3A_560] : memref<65536x128xf32, #tpu.memory_space<hbm>> -> memref<2048x128xf32, #tpu.memory_space<hbm>>
    %dma_wait3A_562 = arith.constant 0 : i32
    %dma_wait3A_563 = arith.constant 0 : i32
    %dma_wait3A_564 = tpu.memref_slice %arg5[%dma_wait3A_562, %dma_wait3A_563] : memref<2048x128xf32, #tpu.memory_space<vmem>> -> memref<2048x128xf32, #tpu.memory_space<vmem>>
    tpu.wait_dma2 semaphore(%dma_wait3A_558 : memref<!tpu.dma_semaphore, #tpu.memory_space<semaphore_mem>>) src(%dma_wait3A_564 : memref<2048x128xf32, #tpu.memory_space<vmem>>) dst(%dma_wait3A_561 : memref<2048x128xf32, #tpu.memory_space<hbm>>)
    %dma_start3A_565 = arith.constant 2 : i32
    %dma_start3A_566 = tpu.memref_slice %arg13[%dma_start3A_565] : memref<10x!tpu.dma_semaphore, #tpu.memory_space<semaphore_mem>> -> memref<1x!tpu.dma_semaphore, #tpu.memory_space<semaphore_mem>>
    %dma_start3A_567 = tpu.memref_squeeze %dma_start3A_566 : memref<1x!tpu.dma_semaphore, #tpu.memory_space<semaphore_mem>> -> memref<!tpu.dma_semaphore, #tpu.memory_space<semaphore_mem>>
    %dma_start3A_568 = arith.constant 0 : i32
    %dma_start3A_569 = arith.constant 0 : i32
    %dma_start3A_570 = tpu.memref_slice %arg5[%dma_start3A_568, %dma_start3A_569] : memref<2048x128xf32, #tpu.memory_space<vmem>> -> memref<2048x128xf32, #tpu.memory_space<vmem>>
    %dma_start3A_571 = arith.constant 43616 : i32
    %dma_start3A_572 = arith.constant 0 : i32
    %dma_start3A_573 = tpu.memref_slice %arg1[%dma_start3A_571, %dma_start3A_572] : memref<65536x128xf32, #tpu.memory_space<hbm>> -> memref<2048x128xf32, #tpu.memory_space<hbm>>
    tpu.enqueue_dma source(%dma_start3A_573 : memref<2048x128xf32, #tpu.memory_space<hbm>>) target(%dma_start3A_570 : memref<2048x128xf32, #tpu.memory_space<vmem>>) target_semaphore(%dma_start3A_567 : memref<!tpu.dma_semaphore, #tpu.memory_space<semaphore_mem>>)
    %dma_wait3A_574 = arith.constant 4 : i32
    %dma_wait3A_575 = tpu.memref_slice %arg13[%dma_wait3A_574] : memref<10x!tpu.dma_semaphore, #tpu.memory_space<semaphore_mem>> -> memref<1x!tpu.dma_semaphore, #tpu.memory_space<semaphore_mem>>
    %dma_wait3A_576 = tpu.memref_squeeze %dma_wait3A_575 : memref<1x!tpu.dma_semaphore, #tpu.memory_space<semaphore_mem>> -> memref<!tpu.dma_semaphore, #tpu.memory_space<semaphore_mem>>
    %dma_wait3A_577 = arith.constant 0 : i32
    %dma_wait3A_578 = arith.constant 0 : i32
    %dma_wait3A_579 = tpu.memref_slice %arg7[%dma_wait3A_577, %dma_wait3A_578] : memref<2048x128xf32, #tpu.memory_space<vmem>> -> memref<2048x128xf32, #tpu.memory_space<vmem>>
    %dma_wait3A_580 = arith.constant 27232 : i32
    %dma_wait3A_581 = arith.constant 0 : i32
    %dma_wait3A_582 = tpu.memref_slice %arg1[%dma_wait3A_580, %dma_wait3A_581] : memref<65536x128xf32, #tpu.memory_space<hbm>> -> memref<2048x128xf32, #tpu.memory_space<hbm>>
    tpu.wait_dma2 semaphore(%dma_wait3A_576 : memref<!tpu.dma_semaphore, #tpu.memory_space<semaphore_mem>>) src(%dma_wait3A_582 : memref<2048x128xf32, #tpu.memory_space<hbm>>) dst(%dma_wait3A_579 : memref<2048x128xf32, #tpu.memory_space<vmem>>)
    %dma_start3A_583 = arith.constant 4 : i32
    %dma_start3A_584 = tpu.memref_slice %arg14[%dma_start3A_583] : memref<10x!tpu.dma_semaphore, #tpu.memory_space<semaphore_mem>> -> memref<1x!tpu.dma_semaphore, #tpu.memory_space<semaphore_mem>>
    %dma_start3A_585 = tpu.memref_squeeze %dma_start3A_584 : memref<1x!tpu.dma_semaphore, #tpu.memory_space<semaphore_mem>> -> memref<!tpu.dma_semaphore, #tpu.memory_space<semaphore_mem>>
    %dma_start3A_586 = arith.constant 27232 : i32
    %dma_start3A_587 = arith.constant 0 : i32
    %dma_start3A_588 = tpu.memref_slice %arg2[%dma_start3A_586, %dma_start3A_587] : memref<65536x128xf32, #tpu.memory_space<hbm>> -> memref<2048x128xf32, #tpu.memory_space<hbm>>
    %dma_start3A_589 = arith.constant 0 : i32
    %dma_start3A_590 = arith.constant 0 : i32
    %dma_start3A_591 = tpu.memref_slice %arg7[%dma_start3A_589, %dma_start3A_590] : memref<2048x128xf32, #tpu.memory_space<vmem>> -> memref<2048x128xf32, #tpu.memory_space<vmem>>
    tpu.enqueue_dma source(%dma_start3A_591 : memref<2048x128xf32, #tpu.memory_space<vmem>>) target(%dma_start3A_588 : memref<2048x128xf32, #tpu.memory_space<hbm>>) target_semaphore(%dma_start3A_585 : memref<!tpu.dma_semaphore, #tpu.memory_space<semaphore_mem>>)
    %dma_wait3A_592 = arith.constant 3 : i32
    %dma_wait3A_593 = tpu.memref_slice %arg14[%dma_wait3A_592] : memref<10x!tpu.dma_semaphore, #tpu.memory_space<semaphore_mem>> -> memref<1x!tpu.dma_semaphore, #tpu.memory_space<semaphore_mem>>
    %dma_wait3A_594 = tpu.memref_squeeze %dma_wait3A_593 : memref<1x!tpu.dma_semaphore, #tpu.memory_space<semaphore_mem>> -> memref<!tpu.dma_semaphore, #tpu.memory_space<semaphore_mem>>
    %dma_wait3A_595 = arith.constant 25184 : i32
    %dma_wait3A_596 = arith.constant 0 : i32
    %dma_wait3A_597 = tpu.memref_slice %arg2[%dma_wait3A_595, %dma_wait3A_596] : memref<65536x128xf32, #tpu.memory_space<hbm>> -> memref<2048x128xf32, #tpu.memory_space<hbm>>
    %dma_wait3A_598 = arith.constant 0 : i32
    %dma_wait3A_599 = arith.constant 0 : i32
    %dma_wait3A_600 = tpu.memref_slice %arg6[%dma_wait3A_598, %dma_wait3A_599] : memref<2048x128xf32, #tpu.memory_space<vmem>> -> memref<2048x128xf32, #tpu.memory_space<vmem>>
    tpu.wait_dma2 semaphore(%dma_wait3A_594 : memref<!tpu.dma_semaphore, #tpu.memory_space<semaphore_mem>>) src(%dma_wait3A_600 : memref<2048x128xf32, #tpu.memory_space<vmem>>) dst(%dma_wait3A_597 : memref<2048x128xf32, #tpu.memory_space<hbm>>)
    %dma_start3A_601 = arith.constant 3 : i32
    %dma_start3A_602 = tpu.memref_slice %arg13[%dma_start3A_601] : memref<10x!tpu.dma_semaphore, #tpu.memory_space<semaphore_mem>> -> memref<1x!tpu.dma_semaphore, #tpu.memory_space<semaphore_mem>>
    %dma_start3A_603 = tpu.memref_squeeze %dma_start3A_602 : memref<1x!tpu.dma_semaphore, #tpu.memory_space<semaphore_mem>> -> memref<!tpu.dma_semaphore, #tpu.memory_space<semaphore_mem>>
    %dma_start3A_604 = arith.constant 0 : i32
    %dma_start3A_605 = arith.constant 0 : i32
    %dma_start3A_606 = tpu.memref_slice %arg6[%dma_start3A_604, %dma_start3A_605] : memref<2048x128xf32, #tpu.memory_space<vmem>> -> memref<2048x128xf32, #tpu.memory_space<vmem>>
    %dma_start3A_607 = arith.constant 45664 : i32
    %dma_start3A_608 = arith.constant 0 : i32
    %dma_start3A_609 = tpu.memref_slice %arg1[%dma_start3A_607, %dma_start3A_608] : memref<65536x128xf32, #tpu.memory_space<hbm>> -> memref<2048x128xf32, #tpu.memory_space<hbm>>
    tpu.enqueue_dma source(%dma_start3A_609 : memref<2048x128xf32, #tpu.memory_space<hbm>>) target(%dma_start3A_606 : memref<2048x128xf32, #tpu.memory_space<vmem>>) target_semaphore(%dma_start3A_603 : memref<!tpu.dma_semaphore, #tpu.memory_space<semaphore_mem>>)
    %dma_wait3A_610 = arith.constant 5 : i32
    %dma_wait3A_611 = tpu.memref_slice %arg13[%dma_wait3A_610] : memref<10x!tpu.dma_semaphore, #tpu.memory_space<semaphore_mem>> -> memref<1x!tpu.dma_semaphore, #tpu.memory_space<semaphore_mem>>
    %dma_wait3A_612 = tpu.memref_squeeze %dma_wait3A_611 : memref<1x!tpu.dma_semaphore, #tpu.memory_space<semaphore_mem>> -> memref<!tpu.dma_semaphore, #tpu.memory_space<semaphore_mem>>
    %dma_wait3A_613 = arith.constant 0 : i32
    %dma_wait3A_614 = arith.constant 0 : i32
    %dma_wait3A_615 = tpu.memref_slice %arg8[%dma_wait3A_613, %dma_wait3A_614] : memref<2048x128xf32, #tpu.memory_space<vmem>> -> memref<2048x128xf32, #tpu.memory_space<vmem>>
    %dma_wait3A_616 = arith.constant 29280 : i32
    %dma_wait3A_617 = arith.constant 0 : i32
    %dma_wait3A_618 = tpu.memref_slice %arg1[%dma_wait3A_616, %dma_wait3A_617] : memref<65536x128xf32, #tpu.memory_space<hbm>> -> memref<2048x128xf32, #tpu.memory_space<hbm>>
    tpu.wait_dma2 semaphore(%dma_wait3A_612 : memref<!tpu.dma_semaphore, #tpu.memory_space<semaphore_mem>>) src(%dma_wait3A_618 : memref<2048x128xf32, #tpu.memory_space<hbm>>) dst(%dma_wait3A_615 : memref<2048x128xf32, #tpu.memory_space<vmem>>)
    %dma_start3A_619 = arith.constant 5 : i32
    %dma_start3A_620 = tpu.memref_slice %arg14[%dma_start3A_619] : memref<10x!tpu.dma_semaphore, #tpu.memory_space<semaphore_mem>> -> memref<1x!tpu.dma_semaphore, #tpu.memory_space<semaphore_mem>>
    %dma_start3A_621 = tpu.memref_squeeze %dma_start3A_620 : memref<1x!tpu.dma_semaphore, #tpu.memory_space<semaphore_mem>> -> memref<!tpu.dma_semaphore, #tpu.memory_space<semaphore_mem>>
    %dma_start3A_622 = arith.constant 29280 : i32
    %dma_start3A_623 = arith.constant 0 : i32
    %dma_start3A_624 = tpu.memref_slice %arg2[%dma_start3A_622, %dma_start3A_623] : memref<65536x128xf32, #tpu.memory_space<hbm>> -> memref<2048x128xf32, #tpu.memory_space<hbm>>
    %dma_start3A_625 = arith.constant 0 : i32
    %dma_start3A_626 = arith.constant 0 : i32
    %dma_start3A_627 = tpu.memref_slice %arg8[%dma_start3A_625, %dma_start3A_626] : memref<2048x128xf32, #tpu.memory_space<vmem>> -> memref<2048x128xf32, #tpu.memory_space<vmem>>
    tpu.enqueue_dma source(%dma_start3A_627 : memref<2048x128xf32, #tpu.memory_space<vmem>>) target(%dma_start3A_624 : memref<2048x128xf32, #tpu.memory_space<hbm>>) target_semaphore(%dma_start3A_621 : memref<!tpu.dma_semaphore, #tpu.memory_space<semaphore_mem>>)
    %dma_wait3A_628 = arith.constant 4 : i32
    %dma_wait3A_629 = tpu.memref_slice %arg14[%dma_wait3A_628] : memref<10x!tpu.dma_semaphore, #tpu.memory_space<semaphore_mem>> -> memref<1x!tpu.dma_semaphore, #tpu.memory_space<semaphore_mem>>
    %dma_wait3A_630 = tpu.memref_squeeze %dma_wait3A_629 : memref<1x!tpu.dma_semaphore, #tpu.memory_space<semaphore_mem>> -> memref<!tpu.dma_semaphore, #tpu.memory_space<semaphore_mem>>
    %dma_wait3A_631 = arith.constant 27232 : i32
    %dma_wait3A_632 = arith.constant 0 : i32
    %dma_wait3A_633 = tpu.memref_slice %arg2[%dma_wait3A_631, %dma_wait3A_632] : memref<65536x128xf32, #tpu.memory_space<hbm>> -> memref<2048x128xf32, #tpu.memory_space<hbm>>
    %dma_wait3A_634 = arith.constant 0 : i32
    %dma_wait3A_635 = arith.constant 0 : i32
    %dma_wait3A_636 = tpu.memref_slice %arg7[%dma_wait3A_634, %dma_wait3A_635] : memref<2048x128xf32, #tpu.memory_space<vmem>> -> memref<2048x128xf32, #tpu.memory_space<vmem>>
    tpu.wait_dma2 semaphore(%dma_wait3A_630 : memref<!tpu.dma_semaphore, #tpu.memory_space<semaphore_mem>>) src(%dma_wait3A_636 : memref<2048x128xf32, #tpu.memory_space<vmem>>) dst(%dma_wait3A_633 : memref<2048x128xf32, #tpu.memory_space<hbm>>)
    %dma_start3A_637 = arith.constant 4 : i32
    %dma_start3A_638 = tpu.memref_slice %arg13[%dma_start3A_637] : memref<10x!tpu.dma_semaphore, #tpu.memory_space<semaphore_mem>> -> memref<1x!tpu.dma_semaphore, #tpu.memory_space<semaphore_mem>>
    %dma_start3A_639 = tpu.memref_squeeze %dma_start3A_638 : memref<1x!tpu.dma_semaphore, #tpu.memory_space<semaphore_mem>> -> memref<!tpu.dma_semaphore, #tpu.memory_space<semaphore_mem>>
    %dma_start3A_640 = arith.constant 0 : i32
    %dma_start3A_641 = arith.constant 0 : i32
    %dma_start3A_642 = tpu.memref_slice %arg7[%dma_start3A_640, %dma_start3A_641] : memref<2048x128xf32, #tpu.memory_space<vmem>> -> memref<2048x128xf32, #tpu.memory_space<vmem>>
    %dma_start3A_643 = arith.constant 47712 : i32
    %dma_start3A_644 = arith.constant 0 : i32
    %dma_start3A_645 = tpu.memref_slice %arg1[%dma_start3A_643, %dma_start3A_644] : memref<65536x128xf32, #tpu.memory_space<hbm>> -> memref<2048x128xf32, #tpu.memory_space<hbm>>
    tpu.enqueue_dma source(%dma_start3A_645 : memref<2048x128xf32, #tpu.memory_space<hbm>>) target(%dma_start3A_642 : memref<2048x128xf32, #tpu.memory_space<vmem>>) target_semaphore(%dma_start3A_639 : memref<!tpu.dma_semaphore, #tpu.memory_space<semaphore_mem>>)
    %dma_wait3A_646 = arith.constant 6 : i32
    %dma_wait3A_647 = tpu.memref_slice %arg13[%dma_wait3A_646] : memref<10x!tpu.dma_semaphore, #tpu.memory_space<semaphore_mem>> -> memref<1x!tpu.dma_semaphore, #tpu.memory_space<semaphore_mem>>
    %dma_wait3A_648 = tpu.memref_squeeze %dma_wait3A_647 : memref<1x!tpu.dma_semaphore, #tpu.memory_space<semaphore_mem>> -> memref<!tpu.dma_semaphore, #tpu.memory_space<semaphore_mem>>
    %dma_wait3A_649 = arith.constant 0 : i32
    %dma_wait3A_650 = arith.constant 0 : i32
    %dma_wait3A_651 = tpu.memref_slice %arg9[%dma_wait3A_649, %dma_wait3A_650] : memref<2048x128xf32, #tpu.memory_space<vmem>> -> memref<2048x128xf32, #tpu.memory_space<vmem>>
    %dma_wait3A_652 = arith.constant 31328 : i32
    %dma_wait3A_653 = arith.constant 0 : i32
    %dma_wait3A_654 = tpu.memref_slice %arg1[%dma_wait3A_652, %dma_wait3A_653] : memref<65536x128xf32, #tpu.memory_space<hbm>> -> memref<2048x128xf32, #tpu.memory_space<hbm>>
    tpu.wait_dma2 semaphore(%dma_wait3A_648 : memref<!tpu.dma_semaphore, #tpu.memory_space<semaphore_mem>>) src(%dma_wait3A_654 : memref<2048x128xf32, #tpu.memory_space<hbm>>) dst(%dma_wait3A_651 : memref<2048x128xf32, #tpu.memory_space<vmem>>)
    %dma_start3A_655 = arith.constant 6 : i32
    %dma_start3A_656 = tpu.memref_slice %arg14[%dma_start3A_655] : memref<10x!tpu.dma_semaphore, #tpu.memory_space<semaphore_mem>> -> memref<1x!tpu.dma_semaphore, #tpu.memory_space<semaphore_mem>>
    %dma_start3A_657 = tpu.memref_squeeze %dma_start3A_656 : memref<1x!tpu.dma_semaphore, #tpu.memory_space<semaphore_mem>> -> memref<!tpu.dma_semaphore, #tpu.memory_space<semaphore_mem>>
    %dma_start3A_658 = arith.constant 31328 : i32
    %dma_start3A_659 = arith.constant 0 : i32
    %dma_start3A_660 = tpu.memref_slice %arg2[%dma_start3A_658, %dma_start3A_659] : memref<65536x128xf32, #tpu.memory_space<hbm>> -> memref<2048x128xf32, #tpu.memory_space<hbm>>
    %dma_start3A_661 = arith.constant 0 : i32
    %dma_start3A_662 = arith.constant 0 : i32
    %dma_start3A_663 = tpu.memref_slice %arg9[%dma_start3A_661, %dma_start3A_662] : memref<2048x128xf32, #tpu.memory_space<vmem>> -> memref<2048x128xf32, #tpu.memory_space<vmem>>
    tpu.enqueue_dma source(%dma_start3A_663 : memref<2048x128xf32, #tpu.memory_space<vmem>>) target(%dma_start3A_660 : memref<2048x128xf32, #tpu.memory_space<hbm>>) target_semaphore(%dma_start3A_657 : memref<!tpu.dma_semaphore, #tpu.memory_space<semaphore_mem>>)
    %dma_wait3A_664 = arith.constant 5 : i32
    %dma_wait3A_665 = tpu.memref_slice %arg14[%dma_wait3A_664] : memref<10x!tpu.dma_semaphore, #tpu.memory_space<semaphore_mem>> -> memref<1x!tpu.dma_semaphore, #tpu.memory_space<semaphore_mem>>
    %dma_wait3A_666 = tpu.memref_squeeze %dma_wait3A_665 : memref<1x!tpu.dma_semaphore, #tpu.memory_space<semaphore_mem>> -> memref<!tpu.dma_semaphore, #tpu.memory_space<semaphore_mem>>
    %dma_wait3A_667 = arith.constant 29280 : i32
    %dma_wait3A_668 = arith.constant 0 : i32
    %dma_wait3A_669 = tpu.memref_slice %arg2[%dma_wait3A_667, %dma_wait3A_668] : memref<65536x128xf32, #tpu.memory_space<hbm>> -> memref<2048x128xf32, #tpu.memory_space<hbm>>
    %dma_wait3A_670 = arith.constant 0 : i32
    %dma_wait3A_671 = arith.constant 0 : i32
    %dma_wait3A_672 = tpu.memref_slice %arg8[%dma_wait3A_670, %dma_wait3A_671] : memref<2048x128xf32, #tpu.memory_space<vmem>> -> memref<2048x128xf32, #tpu.memory_space<vmem>>
    tpu.wait_dma2 semaphore(%dma_wait3A_666 : memref<!tpu.dma_semaphore, #tpu.memory_space<semaphore_mem>>) src(%dma_wait3A_672 : memref<2048x128xf32, #tpu.memory_space<vmem>>) dst(%dma_wait3A_669 : memref<2048x128xf32, #tpu.memory_space<hbm>>)
    %dma_start3A_673 = arith.constant 5 : i32
    %dma_start3A_674 = tpu.memref_slice %arg13[%dma_start3A_673] : memref<10x!tpu.dma_semaphore, #tpu.memory_space<semaphore_mem>> -> memref<1x!tpu.dma_semaphore, #tpu.memory_space<semaphore_mem>>
    %dma_start3A_675 = tpu.memref_squeeze %dma_start3A_674 : memref<1x!tpu.dma_semaphore, #tpu.memory_space<semaphore_mem>> -> memref<!tpu.dma_semaphore, #tpu.memory_space<semaphore_mem>>
    %dma_start3A_676 = arith.constant 0 : i32
    %dma_start3A_677 = arith.constant 0 : i32
    %dma_start3A_678 = tpu.memref_slice %arg8[%dma_start3A_676, %dma_start3A_677] : memref<2048x128xf32, #tpu.memory_space<vmem>> -> memref<2048x128xf32, #tpu.memory_space<vmem>>
    %dma_start3A_679 = arith.constant 49760 : i32
    %dma_start3A_680 = arith.constant 0 : i32
    %dma_start3A_681 = tpu.memref_slice %arg1[%dma_start3A_679, %dma_start3A_680] : memref<65536x128xf32, #tpu.memory_space<hbm>> -> memref<2048x128xf32, #tpu.memory_space<hbm>>
    tpu.enqueue_dma source(%dma_start3A_681 : memref<2048x128xf32, #tpu.memory_space<hbm>>) target(%dma_start3A_678 : memref<2048x128xf32, #tpu.memory_space<vmem>>) target_semaphore(%dma_start3A_675 : memref<!tpu.dma_semaphore, #tpu.memory_space<semaphore_mem>>)
    %dma_wait3A_682 = arith.constant 7 : i32
    %dma_wait3A_683 = tpu.memref_slice %arg13[%dma_wait3A_682] : memref<10x!tpu.dma_semaphore, #tpu.memory_space<semaphore_mem>> -> memref<1x!tpu.dma_semaphore, #tpu.memory_space<semaphore_mem>>
    %dma_wait3A_684 = tpu.memref_squeeze %dma_wait3A_683 : memref<1x!tpu.dma_semaphore, #tpu.memory_space<semaphore_mem>> -> memref<!tpu.dma_semaphore, #tpu.memory_space<semaphore_mem>>
    %dma_wait3A_685 = arith.constant 0 : i32
    %dma_wait3A_686 = arith.constant 0 : i32
    %dma_wait3A_687 = tpu.memref_slice %arg10[%dma_wait3A_685, %dma_wait3A_686] : memref<2048x128xf32, #tpu.memory_space<vmem>> -> memref<2048x128xf32, #tpu.memory_space<vmem>>
    %dma_wait3A_688 = arith.constant 33376 : i32
    %dma_wait3A_689 = arith.constant 0 : i32
    %dma_wait3A_690 = tpu.memref_slice %arg1[%dma_wait3A_688, %dma_wait3A_689] : memref<65536x128xf32, #tpu.memory_space<hbm>> -> memref<2048x128xf32, #tpu.memory_space<hbm>>
    tpu.wait_dma2 semaphore(%dma_wait3A_684 : memref<!tpu.dma_semaphore, #tpu.memory_space<semaphore_mem>>) src(%dma_wait3A_690 : memref<2048x128xf32, #tpu.memory_space<hbm>>) dst(%dma_wait3A_687 : memref<2048x128xf32, #tpu.memory_space<vmem>>)
    %dma_start3A_691 = arith.constant 7 : i32
    %dma_start3A_692 = tpu.memref_slice %arg14[%dma_start3A_691] : memref<10x!tpu.dma_semaphore, #tpu.memory_space<semaphore_mem>> -> memref<1x!tpu.dma_semaphore, #tpu.memory_space<semaphore_mem>>
    %dma_start3A_693 = tpu.memref_squeeze %dma_start3A_692 : memref<1x!tpu.dma_semaphore, #tpu.memory_space<semaphore_mem>> -> memref<!tpu.dma_semaphore, #tpu.memory_space<semaphore_mem>>
    %dma_start3A_694 = arith.constant 33376 : i32
    %dma_start3A_695 = arith.constant 0 : i32
    %dma_start3A_696 = tpu.memref_slice %arg2[%dma_start3A_694, %dma_start3A_695] : memref<65536x128xf32, #tpu.memory_space<hbm>> -> memref<2048x128xf32, #tpu.memory_space<hbm>>
    %dma_start3A_697 = arith.constant 0 : i32
    %dma_start3A_698 = arith.constant 0 : i32
    %dma_start3A_699 = tpu.memref_slice %arg10[%dma_start3A_697, %dma_start3A_698] : memref<2048x128xf32, #tpu.memory_space<vmem>> -> memref<2048x128xf32, #tpu.memory_space<vmem>>
    tpu.enqueue_dma source(%dma_start3A_699 : memref<2048x128xf32, #tpu.memory_space<vmem>>) target(%dma_start3A_696 : memref<2048x128xf32, #tpu.memory_space<hbm>>) target_semaphore(%dma_start3A_693 : memref<!tpu.dma_semaphore, #tpu.memory_space<semaphore_mem>>)
    %dma_wait3A_700 = arith.constant 6 : i32
    %dma_wait3A_701 = tpu.memref_slice %arg14[%dma_wait3A_700] : memref<10x!tpu.dma_semaphore, #tpu.memory_space<semaphore_mem>> -> memref<1x!tpu.dma_semaphore, #tpu.memory_space<semaphore_mem>>
    %dma_wait3A_702 = tpu.memref_squeeze %dma_wait3A_701 : memref<1x!tpu.dma_semaphore, #tpu.memory_space<semaphore_mem>> -> memref<!tpu.dma_semaphore, #tpu.memory_space<semaphore_mem>>
    %dma_wait3A_703 = arith.constant 31328 : i32
    %dma_wait3A_704 = arith.constant 0 : i32
    %dma_wait3A_705 = tpu.memref_slice %arg2[%dma_wait3A_703, %dma_wait3A_704] : memref<65536x128xf32, #tpu.memory_space<hbm>> -> memref<2048x128xf32, #tpu.memory_space<hbm>>
    %dma_wait3A_706 = arith.constant 0 : i32
    %dma_wait3A_707 = arith.constant 0 : i32
    %dma_wait3A_708 = tpu.memref_slice %arg9[%dma_wait3A_706, %dma_wait3A_707] : memref<2048x128xf32, #tpu.memory_space<vmem>> -> memref<2048x128xf32, #tpu.memory_space<vmem>>
    tpu.wait_dma2 semaphore(%dma_wait3A_702 : memref<!tpu.dma_semaphore, #tpu.memory_space<semaphore_mem>>) src(%dma_wait3A_708 : memref<2048x128xf32, #tpu.memory_space<vmem>>) dst(%dma_wait3A_705 : memref<2048x128xf32, #tpu.memory_space<hbm>>)
    %dma_start3A_709 = arith.constant 6 : i32
    %dma_start3A_710 = tpu.memref_slice %arg13[%dma_start3A_709] : memref<10x!tpu.dma_semaphore, #tpu.memory_space<semaphore_mem>> -> memref<1x!tpu.dma_semaphore, #tpu.memory_space<semaphore_mem>>
    %dma_start3A_711 = tpu.memref_squeeze %dma_start3A_710 : memref<1x!tpu.dma_semaphore, #tpu.memory_space<semaphore_mem>> -> memref<!tpu.dma_semaphore, #tpu.memory_space<semaphore_mem>>
    %dma_start3A_712 = arith.constant 0 : i32
    %dma_start3A_713 = arith.constant 0 : i32
    %dma_start3A_714 = tpu.memref_slice %arg9[%dma_start3A_712, %dma_start3A_713] : memref<2048x128xf32, #tpu.memory_space<vmem>> -> memref<2048x128xf32, #tpu.memory_space<vmem>>
    %dma_start3A_715 = arith.constant 51808 : i32
    %dma_start3A_716 = arith.constant 0 : i32
    %dma_start3A_717 = tpu.memref_slice %arg1[%dma_start3A_715, %dma_start3A_716] : memref<65536x128xf32, #tpu.memory_space<hbm>> -> memref<2048x128xf32, #tpu.memory_space<hbm>>
    tpu.enqueue_dma source(%dma_start3A_717 : memref<2048x128xf32, #tpu.memory_space<hbm>>) target(%dma_start3A_714 : memref<2048x128xf32, #tpu.memory_space<vmem>>) target_semaphore(%dma_start3A_711 : memref<!tpu.dma_semaphore, #tpu.memory_space<semaphore_mem>>)
    %dma_wait3A_718 = arith.constant 8 : i32
    %dma_wait3A_719 = tpu.memref_slice %arg13[%dma_wait3A_718] : memref<10x!tpu.dma_semaphore, #tpu.memory_space<semaphore_mem>> -> memref<1x!tpu.dma_semaphore, #tpu.memory_space<semaphore_mem>>
    %dma_wait3A_720 = tpu.memref_squeeze %dma_wait3A_719 : memref<1x!tpu.dma_semaphore, #tpu.memory_space<semaphore_mem>> -> memref<!tpu.dma_semaphore, #tpu.memory_space<semaphore_mem>>
    %dma_wait3A_721 = arith.constant 0 : i32
    %dma_wait3A_722 = arith.constant 0 : i32
    %dma_wait3A_723 = tpu.memref_slice %arg11[%dma_wait3A_721, %dma_wait3A_722] : memref<2048x128xf32, #tpu.memory_space<vmem>> -> memref<2048x128xf32, #tpu.memory_space<vmem>>
    %dma_wait3A_724 = arith.constant 35424 : i32
    %dma_wait3A_725 = arith.constant 0 : i32
    %dma_wait3A_726 = tpu.memref_slice %arg1[%dma_wait3A_724, %dma_wait3A_725] : memref<65536x128xf32, #tpu.memory_space<hbm>> -> memref<2048x128xf32, #tpu.memory_space<hbm>>
    tpu.wait_dma2 semaphore(%dma_wait3A_720 : memref<!tpu.dma_semaphore, #tpu.memory_space<semaphore_mem>>) src(%dma_wait3A_726 : memref<2048x128xf32, #tpu.memory_space<hbm>>) dst(%dma_wait3A_723 : memref<2048x128xf32, #tpu.memory_space<vmem>>)
    %dma_start3A_727 = arith.constant 8 : i32
    %dma_start3A_728 = tpu.memref_slice %arg14[%dma_start3A_727] : memref<10x!tpu.dma_semaphore, #tpu.memory_space<semaphore_mem>> -> memref<1x!tpu.dma_semaphore, #tpu.memory_space<semaphore_mem>>
    %dma_start3A_729 = tpu.memref_squeeze %dma_start3A_728 : memref<1x!tpu.dma_semaphore, #tpu.memory_space<semaphore_mem>> -> memref<!tpu.dma_semaphore, #tpu.memory_space<semaphore_mem>>
    %dma_start3A_730 = arith.constant 35424 : i32
    %dma_start3A_731 = arith.constant 0 : i32
    %dma_start3A_732 = tpu.memref_slice %arg2[%dma_start3A_730, %dma_start3A_731] : memref<65536x128xf32, #tpu.memory_space<hbm>> -> memref<2048x128xf32, #tpu.memory_space<hbm>>
    %dma_start3A_733 = arith.constant 0 : i32
    %dma_start3A_734 = arith.constant 0 : i32
    %dma_start3A_735 = tpu.memref_slice %arg11[%dma_start3A_733, %dma_start3A_734] : memref<2048x128xf32, #tpu.memory_space<vmem>> -> memref<2048x128xf32, #tpu.memory_space<vmem>>
    tpu.enqueue_dma source(%dma_start3A_735 : memref<2048x128xf32, #tpu.memory_space<vmem>>) target(%dma_start3A_732 : memref<2048x128xf32, #tpu.memory_space<hbm>>) target_semaphore(%dma_start3A_729 : memref<!tpu.dma_semaphore, #tpu.memory_space<semaphore_mem>>)
    %dma_wait3A_736 = arith.constant 7 : i32
    %dma_wait3A_737 = tpu.memref_slice %arg14[%dma_wait3A_736] : memref<10x!tpu.dma_semaphore, #tpu.memory_space<semaphore_mem>> -> memref<1x!tpu.dma_semaphore, #tpu.memory_space<semaphore_mem>>
    %dma_wait3A_738 = tpu.memref_squeeze %dma_wait3A_737 : memref<1x!tpu.dma_semaphore, #tpu.memory_space<semaphore_mem>> -> memref<!tpu.dma_semaphore, #tpu.memory_space<semaphore_mem>>
    %dma_wait3A_739 = arith.constant 33376 : i32
    %dma_wait3A_740 = arith.constant 0 : i32
    %dma_wait3A_741 = tpu.memref_slice %arg2[%dma_wait3A_739, %dma_wait3A_740] : memref<65536x128xf32, #tpu.memory_space<hbm>> -> memref<2048x128xf32, #tpu.memory_space<hbm>>
    %dma_wait3A_742 = arith.constant 0 : i32
    %dma_wait3A_743 = arith.constant 0 : i32
    %dma_wait3A_744 = tpu.memref_slice %arg10[%dma_wait3A_742, %dma_wait3A_743] : memref<2048x128xf32, #tpu.memory_space<vmem>> -> memref<2048x128xf32, #tpu.memory_space<vmem>>
    tpu.wait_dma2 semaphore(%dma_wait3A_738 : memref<!tpu.dma_semaphore, #tpu.memory_space<semaphore_mem>>) src(%dma_wait3A_744 : memref<2048x128xf32, #tpu.memory_space<vmem>>) dst(%dma_wait3A_741 : memref<2048x128xf32, #tpu.memory_space<hbm>>)
    %dma_start3A_745 = arith.constant 7 : i32
    %dma_start3A_746 = tpu.memref_slice %arg13[%dma_start3A_745] : memref<10x!tpu.dma_semaphore, #tpu.memory_space<semaphore_mem>> -> memref<1x!tpu.dma_semaphore, #tpu.memory_space<semaphore_mem>>
    %dma_start3A_747 = tpu.memref_squeeze %dma_start3A_746 : memref<1x!tpu.dma_semaphore, #tpu.memory_space<semaphore_mem>> -> memref<!tpu.dma_semaphore, #tpu.memory_space<semaphore_mem>>
    %dma_start3A_748 = arith.constant 0 : i32
    %dma_start3A_749 = arith.constant 0 : i32
    %dma_start3A_750 = tpu.memref_slice %arg10[%dma_start3A_748, %dma_start3A_749] : memref<2048x128xf32, #tpu.memory_space<vmem>> -> memref<2048x128xf32, #tpu.memory_space<vmem>>
    %dma_start3A_751 = arith.constant 53856 : i32
    %dma_start3A_752 = arith.constant 0 : i32
    %dma_start3A_753 = tpu.memref_slice %arg1[%dma_start3A_751, %dma_start3A_752] : memref<65536x128xf32, #tpu.memory_space<hbm>> -> memref<2048x128xf32, #tpu.memory_space<hbm>>
    tpu.enqueue_dma source(%dma_start3A_753 : memref<2048x128xf32, #tpu.memory_space<hbm>>) target(%dma_start3A_750 : memref<2048x128xf32, #tpu.memory_space<vmem>>) target_semaphore(%dma_start3A_747 : memref<!tpu.dma_semaphore, #tpu.memory_space<semaphore_mem>>)
    %dma_wait3A_754 = arith.constant 9 : i32
    %dma_wait3A_755 = tpu.memref_slice %arg13[%dma_wait3A_754] : memref<10x!tpu.dma_semaphore, #tpu.memory_space<semaphore_mem>> -> memref<1x!tpu.dma_semaphore, #tpu.memory_space<semaphore_mem>>
    %dma_wait3A_756 = tpu.memref_squeeze %dma_wait3A_755 : memref<1x!tpu.dma_semaphore, #tpu.memory_space<semaphore_mem>> -> memref<!tpu.dma_semaphore, #tpu.memory_space<semaphore_mem>>
    %dma_wait3A_757 = arith.constant 0 : i32
    %dma_wait3A_758 = arith.constant 0 : i32
    %dma_wait3A_759 = tpu.memref_slice %arg12[%dma_wait3A_757, %dma_wait3A_758] : memref<2048x128xf32, #tpu.memory_space<vmem>> -> memref<2048x128xf32, #tpu.memory_space<vmem>>
    %dma_wait3A_760 = arith.constant 37472 : i32
    %dma_wait3A_761 = arith.constant 0 : i32
    %dma_wait3A_762 = tpu.memref_slice %arg1[%dma_wait3A_760, %dma_wait3A_761] : memref<65536x128xf32, #tpu.memory_space<hbm>> -> memref<2048x128xf32, #tpu.memory_space<hbm>>
    tpu.wait_dma2 semaphore(%dma_wait3A_756 : memref<!tpu.dma_semaphore, #tpu.memory_space<semaphore_mem>>) src(%dma_wait3A_762 : memref<2048x128xf32, #tpu.memory_space<hbm>>) dst(%dma_wait3A_759 : memref<2048x128xf32, #tpu.memory_space<vmem>>)
    %dma_start3A_763 = arith.constant 9 : i32
    %dma_start3A_764 = tpu.memref_slice %arg14[%dma_start3A_763] : memref<10x!tpu.dma_semaphore, #tpu.memory_space<semaphore_mem>> -> memref<1x!tpu.dma_semaphore, #tpu.memory_space<semaphore_mem>>
    %dma_start3A_765 = tpu.memref_squeeze %dma_start3A_764 : memref<1x!tpu.dma_semaphore, #tpu.memory_space<semaphore_mem>> -> memref<!tpu.dma_semaphore, #tpu.memory_space<semaphore_mem>>
    %dma_start3A_766 = arith.constant 37472 : i32
    %dma_start3A_767 = arith.constant 0 : i32
    %dma_start3A_768 = tpu.memref_slice %arg2[%dma_start3A_766, %dma_start3A_767] : memref<65536x128xf32, #tpu.memory_space<hbm>> -> memref<2048x128xf32, #tpu.memory_space<hbm>>
    %dma_start3A_769 = arith.constant 0 : i32
    %dma_start3A_770 = arith.constant 0 : i32
    %dma_start3A_771 = tpu.memref_slice %arg12[%dma_start3A_769, %dma_start3A_770] : memref<2048x128xf32, #tpu.memory_space<vmem>> -> memref<2048x128xf32, #tpu.memory_space<vmem>>
    tpu.enqueue_dma source(%dma_start3A_771 : memref<2048x128xf32, #tpu.memory_space<vmem>>) target(%dma_start3A_768 : memref<2048x128xf32, #tpu.memory_space<hbm>>) target_semaphore(%dma_start3A_765 : memref<!tpu.dma_semaphore, #tpu.memory_space<semaphore_mem>>)
    %dma_wait3A_772 = arith.constant 8 : i32
    %dma_wait3A_773 = tpu.memref_slice %arg14[%dma_wait3A_772] : memref<10x!tpu.dma_semaphore, #tpu.memory_space<semaphore_mem>> -> memref<1x!tpu.dma_semaphore, #tpu.memory_space<semaphore_mem>>
    %dma_wait3A_774 = tpu.memref_squeeze %dma_wait3A_773 : memref<1x!tpu.dma_semaphore, #tpu.memory_space<semaphore_mem>> -> memref<!tpu.dma_semaphore, #tpu.memory_space<semaphore_mem>>
    %dma_wait3A_775 = arith.constant 35424 : i32
    %dma_wait3A_776 = arith.constant 0 : i32
    %dma_wait3A_777 = tpu.memref_slice %arg2[%dma_wait3A_775, %dma_wait3A_776] : memref<65536x128xf32, #tpu.memory_space<hbm>> -> memref<2048x128xf32, #tpu.memory_space<hbm>>
    %dma_wait3A_778 = arith.constant 0 : i32
    %dma_wait3A_779 = arith.constant 0 : i32
    %dma_wait3A_780 = tpu.memref_slice %arg11[%dma_wait3A_778, %dma_wait3A_779] : memref<2048x128xf32, #tpu.memory_space<vmem>> -> memref<2048x128xf32, #tpu.memory_space<vmem>>
    tpu.wait_dma2 semaphore(%dma_wait3A_774 : memref<!tpu.dma_semaphore, #tpu.memory_space<semaphore_mem>>) src(%dma_wait3A_780 : memref<2048x128xf32, #tpu.memory_space<vmem>>) dst(%dma_wait3A_777 : memref<2048x128xf32, #tpu.memory_space<hbm>>)
    %dma_start3A_781 = arith.constant 8 : i32
    %dma_start3A_782 = tpu.memref_slice %arg13[%dma_start3A_781] : memref<10x!tpu.dma_semaphore, #tpu.memory_space<semaphore_mem>> -> memref<1x!tpu.dma_semaphore, #tpu.memory_space<semaphore_mem>>
    %dma_start3A_783 = tpu.memref_squeeze %dma_start3A_782 : memref<1x!tpu.dma_semaphore, #tpu.memory_space<semaphore_mem>> -> memref<!tpu.dma_semaphore, #tpu.memory_space<semaphore_mem>>
    %dma_start3A_784 = arith.constant 0 : i32
    %dma_start3A_785 = arith.constant 0 : i32
    %dma_start3A_786 = tpu.memref_slice %arg11[%dma_start3A_784, %dma_start3A_785] : memref<2048x128xf32, #tpu.memory_space<vmem>> -> memref<2048x128xf32, #tpu.memory_space<vmem>>
    %dma_start3A_787 = arith.constant 55904 : i32
    %dma_start3A_788 = arith.constant 0 : i32
    %dma_start3A_789 = tpu.memref_slice %arg1[%dma_start3A_787, %dma_start3A_788] : memref<65536x128xf32, #tpu.memory_space<hbm>> -> memref<2048x128xf32, #tpu.memory_space<hbm>>
    tpu.enqueue_dma source(%dma_start3A_789 : memref<2048x128xf32, #tpu.memory_space<hbm>>) target(%dma_start3A_786 : memref<2048x128xf32, #tpu.memory_space<vmem>>) target_semaphore(%dma_start3A_783 : memref<!tpu.dma_semaphore, #tpu.memory_space<semaphore_mem>>)
    %dma_wait3A_790 = arith.constant 0 : i32
    %dma_wait3A_791 = tpu.memref_slice %arg13[%dma_wait3A_790] : memref<10x!tpu.dma_semaphore, #tpu.memory_space<semaphore_mem>> -> memref<1x!tpu.dma_semaphore, #tpu.memory_space<semaphore_mem>>
    %dma_wait3A_792 = tpu.memref_squeeze %dma_wait3A_791 : memref<1x!tpu.dma_semaphore, #tpu.memory_space<semaphore_mem>> -> memref<!tpu.dma_semaphore, #tpu.memory_space<semaphore_mem>>
    %dma_wait3A_793 = arith.constant 0 : i32
    %dma_wait3A_794 = arith.constant 0 : i32
    %dma_wait3A_795 = tpu.memref_slice %arg3[%dma_wait3A_793, %dma_wait3A_794] : memref<2048x128xf32, #tpu.memory_space<vmem>> -> memref<2048x128xf32, #tpu.memory_space<vmem>>
    %dma_wait3A_796 = arith.constant 39520 : i32
    %dma_wait3A_797 = arith.constant 0 : i32
    %dma_wait3A_798 = tpu.memref_slice %arg1[%dma_wait3A_796, %dma_wait3A_797] : memref<65536x128xf32, #tpu.memory_space<hbm>> -> memref<2048x128xf32, #tpu.memory_space<hbm>>
    tpu.wait_dma2 semaphore(%dma_wait3A_792 : memref<!tpu.dma_semaphore, #tpu.memory_space<semaphore_mem>>) src(%dma_wait3A_798 : memref<2048x128xf32, #tpu.memory_space<hbm>>) dst(%dma_wait3A_795 : memref<2048x128xf32, #tpu.memory_space<vmem>>)
    %dma_start3A_799 = arith.constant 0 : i32
    %dma_start3A_800 = tpu.memref_slice %arg14[%dma_start3A_799] : memref<10x!tpu.dma_semaphore, #tpu.memory_space<semaphore_mem>> -> memref<1x!tpu.dma_semaphore, #tpu.memory_space<semaphore_mem>>
    %dma_start3A_801 = tpu.memref_squeeze %dma_start3A_800 : memref<1x!tpu.dma_semaphore, #tpu.memory_space<semaphore_mem>> -> memref<!tpu.dma_semaphore, #tpu.memory_space<semaphore_mem>>
    %dma_start3A_802 = arith.constant 39520 : i32
    %dma_start3A_803 = arith.constant 0 : i32
    %dma_start3A_804 = tpu.memref_slice %arg2[%dma_start3A_802, %dma_start3A_803] : memref<65536x128xf32, #tpu.memory_space<hbm>> -> memref<2048x128xf32, #tpu.memory_space<hbm>>
    %dma_start3A_805 = arith.constant 0 : i32
    %dma_start3A_806 = arith.constant 0 : i32
    %dma_start3A_807 = tpu.memref_slice %arg3[%dma_start3A_805, %dma_start3A_806] : memref<2048x128xf32, #tpu.memory_space<vmem>> -> memref<2048x128xf32, #tpu.memory_space<vmem>>
    tpu.enqueue_dma source(%dma_start3A_807 : memref<2048x128xf32, #tpu.memory_space<vmem>>) target(%dma_start3A_804 : memref<2048x128xf32, #tpu.memory_space<hbm>>) target_semaphore(%dma_start3A_801 : memref<!tpu.dma_semaphore, #tpu.memory_space<semaphore_mem>>)
    %dma_wait3A_808 = arith.constant 9 : i32
    %dma_wait3A_809 = tpu.memref_slice %arg14[%dma_wait3A_808] : memref<10x!tpu.dma_semaphore, #tpu.memory_space<semaphore_mem>> -> memref<1x!tpu.dma_semaphore, #tpu.memory_space<semaphore_mem>>
    %dma_wait3A_810 = tpu.memref_squeeze %dma_wait3A_809 : memref<1x!tpu.dma_semaphore, #tpu.memory_space<semaphore_mem>> -> memref<!tpu.dma_semaphore, #tpu.memory_space<semaphore_mem>>
    %dma_wait3A_811 = arith.constant 37472 : i32
    %dma_wait3A_812 = arith.constant 0 : i32
    %dma_wait3A_813 = tpu.memref_slice %arg2[%dma_wait3A_811, %dma_wait3A_812] : memref<65536x128xf32, #tpu.memory_space<hbm>> -> memref<2048x128xf32, #tpu.memory_space<hbm>>
    %dma_wait3A_814 = arith.constant 0 : i32
    %dma_wait3A_815 = arith.constant 0 : i32
    %dma_wait3A_816 = tpu.memref_slice %arg12[%dma_wait3A_814, %dma_wait3A_815] : memref<2048x128xf32, #tpu.memory_space<vmem>> -> memref<2048x128xf32, #tpu.memory_space<vmem>>
    tpu.wait_dma2 semaphore(%dma_wait3A_810 : memref<!tpu.dma_semaphore, #tpu.memory_space<semaphore_mem>>) src(%dma_wait3A_816 : memref<2048x128xf32, #tpu.memory_space<vmem>>) dst(%dma_wait3A_813 : memref<2048x128xf32, #tpu.memory_space<hbm>>)
    %dma_start3A_817 = arith.constant 9 : i32
    %dma_start3A_818 = tpu.memref_slice %arg13[%dma_start3A_817] : memref<10x!tpu.dma_semaphore, #tpu.memory_space<semaphore_mem>> -> memref<1x!tpu.dma_semaphore, #tpu.memory_space<semaphore_mem>>
    %dma_start3A_819 = tpu.memref_squeeze %dma_start3A_818 : memref<1x!tpu.dma_semaphore, #tpu.memory_space<semaphore_mem>> -> memref<!tpu.dma_semaphore, #tpu.memory_space<semaphore_mem>>
    %dma_start3A_820 = arith.constant 0 : i32
    %dma_start3A_821 = arith.constant 0 : i32
    %dma_start3A_822 = tpu.memref_slice %arg12[%dma_start3A_820, %dma_start3A_821] : memref<2048x128xf32, #tpu.memory_space<vmem>> -> memref<2048x128xf32, #tpu.memory_space<vmem>>
    %dma_start3A_823 = arith.constant 57952 : i32
    %dma_start3A_824 = arith.constant 0 : i32
    %dma_start3A_825 = tpu.memref_slice %arg1[%dma_start3A_823, %dma_start3A_824] : memref<65536x128xf32, #tpu.memory_space<hbm>> -> memref<2048x128xf32, #tpu.memory_space<hbm>>
    tpu.enqueue_dma source(%dma_start3A_825 : memref<2048x128xf32, #tpu.memory_space<hbm>>) target(%dma_start3A_822 : memref<2048x128xf32, #tpu.memory_space<vmem>>) target_semaphore(%dma_start3A_819 : memref<!tpu.dma_semaphore, #tpu.memory_space<semaphore_mem>>)
    %dma_wait3A_826 = arith.constant 1 : i32
    %dma_wait3A_827 = tpu.memref_slice %arg13[%dma_wait3A_826] : memref<10x!tpu.dma_semaphore, #tpu.memory_space<semaphore_mem>> -> memref<1x!tpu.dma_semaphore, #tpu.memory_space<semaphore_mem>>
    %dma_wait3A_828 = tpu.memref_squeeze %dma_wait3A_827 : memref<1x!tpu.dma_semaphore, #tpu.memory_space<semaphore_mem>> -> memref<!tpu.dma_semaphore, #tpu.memory_space<semaphore_mem>>
    %dma_wait3A_829 = arith.constant 0 : i32
    %dma_wait3A_830 = arith.constant 0 : i32
    %dma_wait3A_831 = tpu.memref_slice %arg4[%dma_wait3A_829, %dma_wait3A_830] : memref<2048x128xf32, #tpu.memory_space<vmem>> -> memref<2048x128xf32, #tpu.memory_space<vmem>>
    %dma_wait3A_832 = arith.constant 41568 : i32
    %dma_wait3A_833 = arith.constant 0 : i32
    %dma_wait3A_834 = tpu.memref_slice %arg1[%dma_wait3A_832, %dma_wait3A_833] : memref<65536x128xf32, #tpu.memory_space<hbm>> -> memref<2048x128xf32, #tpu.memory_space<hbm>>
    tpu.wait_dma2 semaphore(%dma_wait3A_828 : memref<!tpu.dma_semaphore, #tpu.memory_space<semaphore_mem>>) src(%dma_wait3A_834 : memref<2048x128xf32, #tpu.memory_space<hbm>>) dst(%dma_wait3A_831 : memref<2048x128xf32, #tpu.memory_space<vmem>>)
    %dma_start3A_835 = arith.constant 1 : i32
    %dma_start3A_836 = tpu.memref_slice %arg14[%dma_start3A_835] : memref<10x!tpu.dma_semaphore, #tpu.memory_space<semaphore_mem>> -> memref<1x!tpu.dma_semaphore, #tpu.memory_space<semaphore_mem>>
    %dma_start3A_837 = tpu.memref_squeeze %dma_start3A_836 : memref<1x!tpu.dma_semaphore, #tpu.memory_space<semaphore_mem>> -> memref<!tpu.dma_semaphore, #tpu.memory_space<semaphore_mem>>
    %dma_start3A_838 = arith.constant 41568 : i32
    %dma_start3A_839 = arith.constant 0 : i32
    %dma_start3A_840 = tpu.memref_slice %arg2[%dma_start3A_838, %dma_start3A_839] : memref<65536x128xf32, #tpu.memory_space<hbm>> -> memref<2048x128xf32, #tpu.memory_space<hbm>>
    %dma_start3A_841 = arith.constant 0 : i32
    %dma_start3A_842 = arith.constant 0 : i32
    %dma_start3A_843 = tpu.memref_slice %arg4[%dma_start3A_841, %dma_start3A_842] : memref<2048x128xf32, #tpu.memory_space<vmem>> -> memref<2048x128xf32, #tpu.memory_space<vmem>>
    tpu.enqueue_dma source(%dma_start3A_843 : memref<2048x128xf32, #tpu.memory_space<vmem>>) target(%dma_start3A_840 : memref<2048x128xf32, #tpu.memory_space<hbm>>) target_semaphore(%dma_start3A_837 : memref<!tpu.dma_semaphore, #tpu.memory_space<semaphore_mem>>)
    %dma_wait3A_844 = arith.constant 0 : i32
    %dma_wait3A_845 = tpu.memref_slice %arg14[%dma_wait3A_844] : memref<10x!tpu.dma_semaphore, #tpu.memory_space<semaphore_mem>> -> memref<1x!tpu.dma_semaphore, #tpu.memory_space<semaphore_mem>>
    %dma_wait3A_846 = tpu.memref_squeeze %dma_wait3A_845 : memref<1x!tpu.dma_semaphore, #tpu.memory_space<semaphore_mem>> -> memref<!tpu.dma_semaphore, #tpu.memory_space<semaphore_mem>>
    %dma_wait3A_847 = arith.constant 39520 : i32
    %dma_wait3A_848 = arith.constant 0 : i32
    %dma_wait3A_849 = tpu.memref_slice %arg2[%dma_wait3A_847, %dma_wait3A_848] : memref<65536x128xf32, #tpu.memory_space<hbm>> -> memref<2048x128xf32, #tpu.memory_space<hbm>>
    %dma_wait3A_850 = arith.constant 0 : i32
    %dma_wait3A_851 = arith.constant 0 : i32
    %dma_wait3A_852 = tpu.memref_slice %arg3[%dma_wait3A_850, %dma_wait3A_851] : memref<2048x128xf32, #tpu.memory_space<vmem>> -> memref<2048x128xf32, #tpu.memory_space<vmem>>
    tpu.wait_dma2 semaphore(%dma_wait3A_846 : memref<!tpu.dma_semaphore, #tpu.memory_space<semaphore_mem>>) src(%dma_wait3A_852 : memref<2048x128xf32, #tpu.memory_space<vmem>>) dst(%dma_wait3A_849 : memref<2048x128xf32, #tpu.memory_space<hbm>>)
    %dma_start3A_853 = arith.constant 0 : i32
    %dma_start3A_854 = tpu.memref_slice %arg13[%dma_start3A_853] : memref<10x!tpu.dma_semaphore, #tpu.memory_space<semaphore_mem>> -> memref<1x!tpu.dma_semaphore, #tpu.memory_space<semaphore_mem>>
    %dma_start3A_855 = tpu.memref_squeeze %dma_start3A_854 : memref<1x!tpu.dma_semaphore, #tpu.memory_space<semaphore_mem>> -> memref<!tpu.dma_semaphore, #tpu.memory_space<semaphore_mem>>
    %dma_start3A_856 = arith.constant 0 : i32
    %dma_start3A_857 = arith.constant 0 : i32
    %dma_start3A_858 = tpu.memref_slice %arg3[%dma_start3A_856, %dma_start3A_857] : memref<2048x128xf32, #tpu.memory_space<vmem>> -> memref<2048x128xf32, #tpu.memory_space<vmem>>
    %dma_start3A_859 = arith.constant 0 : i32
    %dma_start3A_860 = arith.constant 0 : i32
    %dma_start3A_861 = tpu.memref_slice %arg0[%dma_start3A_859, %dma_start3A_860] : memref<16384x128xf32, #tpu.memory_space<hbm>> -> memref<2048x128xf32, #tpu.memory_space<hbm>>
    tpu.enqueue_dma source(%dma_start3A_861 : memref<2048x128xf32, #tpu.memory_space<hbm>>) target(%dma_start3A_858 : memref<2048x128xf32, #tpu.memory_space<vmem>>) target_semaphore(%dma_start3A_855 : memref<!tpu.dma_semaphore, #tpu.memory_space<semaphore_mem>>)
    %dma_wait3A_862 = arith.constant 2 : i32
    %dma_wait3A_863 = tpu.memref_slice %arg13[%dma_wait3A_862] : memref<10x!tpu.dma_semaphore, #tpu.memory_space<semaphore_mem>> -> memref<1x!tpu.dma_semaphore, #tpu.memory_space<semaphore_mem>>
    %dma_wait3A_864 = tpu.memref_squeeze %dma_wait3A_863 : memref<1x!tpu.dma_semaphore, #tpu.memory_space<semaphore_mem>> -> memref<!tpu.dma_semaphore, #tpu.memory_space<semaphore_mem>>
    %dma_wait3A_865 = arith.constant 0 : i32
    %dma_wait3A_866 = arith.constant 0 : i32
    %dma_wait3A_867 = tpu.memref_slice %arg5[%dma_wait3A_865, %dma_wait3A_866] : memref<2048x128xf32, #tpu.memory_space<vmem>> -> memref<2048x128xf32, #tpu.memory_space<vmem>>
    %dma_wait3A_868 = arith.constant 43616 : i32
    %dma_wait3A_869 = arith.constant 0 : i32
    %dma_wait3A_870 = tpu.memref_slice %arg1[%dma_wait3A_868, %dma_wait3A_869] : memref<65536x128xf32, #tpu.memory_space<hbm>> -> memref<2048x128xf32, #tpu.memory_space<hbm>>
    tpu.wait_dma2 semaphore(%dma_wait3A_864 : memref<!tpu.dma_semaphore, #tpu.memory_space<semaphore_mem>>) src(%dma_wait3A_870 : memref<2048x128xf32, #tpu.memory_space<hbm>>) dst(%dma_wait3A_867 : memref<2048x128xf32, #tpu.memory_space<vmem>>)
    %dma_start3A_871 = arith.constant 2 : i32
    %dma_start3A_872 = tpu.memref_slice %arg14[%dma_start3A_871] : memref<10x!tpu.dma_semaphore, #tpu.memory_space<semaphore_mem>> -> memref<1x!tpu.dma_semaphore, #tpu.memory_space<semaphore_mem>>
    %dma_start3A_873 = tpu.memref_squeeze %dma_start3A_872 : memref<1x!tpu.dma_semaphore, #tpu.memory_space<semaphore_mem>> -> memref<!tpu.dma_semaphore, #tpu.memory_space<semaphore_mem>>
    %dma_start3A_874 = arith.constant 43616 : i32
    %dma_start3A_875 = arith.constant 0 : i32
    %dma_start3A_876 = tpu.memref_slice %arg2[%dma_start3A_874, %dma_start3A_875] : memref<65536x128xf32, #tpu.memory_space<hbm>> -> memref<2048x128xf32, #tpu.memory_space<hbm>>
    %dma_start3A_877 = arith.constant 0 : i32
    %dma_start3A_878 = arith.constant 0 : i32
    %dma_start3A_879 = tpu.memref_slice %arg5[%dma_start3A_877, %dma_start3A_878] : memref<2048x128xf32, #tpu.memory_space<vmem>> -> memref<2048x128xf32, #tpu.memory_space<vmem>>
    tpu.enqueue_dma source(%dma_start3A_879 : memref<2048x128xf32, #tpu.memory_space<vmem>>) target(%dma_start3A_876 : memref<2048x128xf32, #tpu.memory_space<hbm>>) target_semaphore(%dma_start3A_873 : memref<!tpu.dma_semaphore, #tpu.memory_space<semaphore_mem>>)
    %dma_wait3A_880 = arith.constant 1 : i32
    %dma_wait3A_881 = tpu.memref_slice %arg14[%dma_wait3A_880] : memref<10x!tpu.dma_semaphore, #tpu.memory_space<semaphore_mem>> -> memref<1x!tpu.dma_semaphore, #tpu.memory_space<semaphore_mem>>
    %dma_wait3A_882 = tpu.memref_squeeze %dma_wait3A_881 : memref<1x!tpu.dma_semaphore, #tpu.memory_space<semaphore_mem>> -> memref<!tpu.dma_semaphore, #tpu.memory_space<semaphore_mem>>
    %dma_wait3A_883 = arith.constant 41568 : i32
    %dma_wait3A_884 = arith.constant 0 : i32
    %dma_wait3A_885 = tpu.memref_slice %arg2[%dma_wait3A_883, %dma_wait3A_884] : memref<65536x128xf32, #tpu.memory_space<hbm>> -> memref<2048x128xf32, #tpu.memory_space<hbm>>
    %dma_wait3A_886 = arith.constant 0 : i32
    %dma_wait3A_887 = arith.constant 0 : i32
    %dma_wait3A_888 = tpu.memref_slice %arg4[%dma_wait3A_886, %dma_wait3A_887] : memref<2048x128xf32, #tpu.memory_space<vmem>> -> memref<2048x128xf32, #tpu.memory_space<vmem>>
    tpu.wait_dma2 semaphore(%dma_wait3A_882 : memref<!tpu.dma_semaphore, #tpu.memory_space<semaphore_mem>>) src(%dma_wait3A_888 : memref<2048x128xf32, #tpu.memory_space<vmem>>) dst(%dma_wait3A_885 : memref<2048x128xf32, #tpu.memory_space<hbm>>)
    %dma_start3A_889 = arith.constant 1 : i32
    %dma_start3A_890 = tpu.memref_slice %arg13[%dma_start3A_889] : memref<10x!tpu.dma_semaphore, #tpu.memory_space<semaphore_mem>> -> memref<1x!tpu.dma_semaphore, #tpu.memory_space<semaphore_mem>>
    %dma_start3A_891 = tpu.memref_squeeze %dma_start3A_890 : memref<1x!tpu.dma_semaphore, #tpu.memory_space<semaphore_mem>> -> memref<!tpu.dma_semaphore, #tpu.memory_space<semaphore_mem>>
    %dma_start3A_892 = arith.constant 0 : i32
    %dma_start3A_893 = arith.constant 0 : i32
    %dma_start3A_894 = tpu.memref_slice %arg4[%dma_start3A_892, %dma_start3A_893] : memref<2048x128xf32, #tpu.memory_space<vmem>> -> memref<2048x128xf32, #tpu.memory_space<vmem>>
    %dma_start3A_895 = arith.constant 2048 : i32
    %dma_start3A_896 = arith.constant 0 : i32
    %dma_start3A_897 = tpu.memref_slice %arg0[%dma_start3A_895, %dma_start3A_896] : memref<16384x128xf32, #tpu.memory_space<hbm>> -> memref<2048x128xf32, #tpu.memory_space<hbm>>
    tpu.enqueue_dma source(%dma_start3A_897 : memref<2048x128xf32, #tpu.memory_space<hbm>>) target(%dma_start3A_894 : memref<2048x128xf32, #tpu.memory_space<vmem>>) target_semaphore(%dma_start3A_891 : memref<!tpu.dma_semaphore, #tpu.memory_space<semaphore_mem>>)
    %dma_wait3A_898 = arith.constant 3 : i32
    %dma_wait3A_899 = tpu.memref_slice %arg13[%dma_wait3A_898] : memref<10x!tpu.dma_semaphore, #tpu.memory_space<semaphore_mem>> -> memref<1x!tpu.dma_semaphore, #tpu.memory_space<semaphore_mem>>
    %dma_wait3A_900 = tpu.memref_squeeze %dma_wait3A_899 : memref<1x!tpu.dma_semaphore, #tpu.memory_space<semaphore_mem>> -> memref<!tpu.dma_semaphore, #tpu.memory_space<semaphore_mem>>
    %dma_wait3A_901 = arith.constant 0 : i32
    %dma_wait3A_902 = arith.constant 0 : i32
    %dma_wait3A_903 = tpu.memref_slice %arg6[%dma_wait3A_901, %dma_wait3A_902] : memref<2048x128xf32, #tpu.memory_space<vmem>> -> memref<2048x128xf32, #tpu.memory_space<vmem>>
    %dma_wait3A_904 = arith.constant 45664 : i32
    %dma_wait3A_905 = arith.constant 0 : i32
    %dma_wait3A_906 = tpu.memref_slice %arg1[%dma_wait3A_904, %dma_wait3A_905] : memref<65536x128xf32, #tpu.memory_space<hbm>> -> memref<2048x128xf32, #tpu.memory_space<hbm>>
    tpu.wait_dma2 semaphore(%dma_wait3A_900 : memref<!tpu.dma_semaphore, #tpu.memory_space<semaphore_mem>>) src(%dma_wait3A_906 : memref<2048x128xf32, #tpu.memory_space<hbm>>) dst(%dma_wait3A_903 : memref<2048x128xf32, #tpu.memory_space<vmem>>)
    %dma_start3A_907 = arith.constant 3 : i32
    %dma_start3A_908 = tpu.memref_slice %arg14[%dma_start3A_907] : memref<10x!tpu.dma_semaphore, #tpu.memory_space<semaphore_mem>> -> memref<1x!tpu.dma_semaphore, #tpu.memory_space<semaphore_mem>>
    %dma_start3A_909 = tpu.memref_squeeze %dma_start3A_908 : memref<1x!tpu.dma_semaphore, #tpu.memory_space<semaphore_mem>> -> memref<!tpu.dma_semaphore, #tpu.memory_space<semaphore_mem>>
    %dma_start3A_910 = arith.constant 45664 : i32
    %dma_start3A_911 = arith.constant 0 : i32
    %dma_start3A_912 = tpu.memref_slice %arg2[%dma_start3A_910, %dma_start3A_911] : memref<65536x128xf32, #tpu.memory_space<hbm>> -> memref<2048x128xf32, #tpu.memory_space<hbm>>
    %dma_start3A_913 = arith.constant 0 : i32
    %dma_start3A_914 = arith.constant 0 : i32
    %dma_start3A_915 = tpu.memref_slice %arg6[%dma_start3A_913, %dma_start3A_914] : memref<2048x128xf32, #tpu.memory_space<vmem>> -> memref<2048x128xf32, #tpu.memory_space<vmem>>
    tpu.enqueue_dma source(%dma_start3A_915 : memref<2048x128xf32, #tpu.memory_space<vmem>>) target(%dma_start3A_912 : memref<2048x128xf32, #tpu.memory_space<hbm>>) target_semaphore(%dma_start3A_909 : memref<!tpu.dma_semaphore, #tpu.memory_space<semaphore_mem>>)
    %dma_wait3A_916 = arith.constant 2 : i32
    %dma_wait3A_917 = tpu.memref_slice %arg14[%dma_wait3A_916] : memref<10x!tpu.dma_semaphore, #tpu.memory_space<semaphore_mem>> -> memref<1x!tpu.dma_semaphore, #tpu.memory_space<semaphore_mem>>
    %dma_wait3A_918 = tpu.memref_squeeze %dma_wait3A_917 : memref<1x!tpu.dma_semaphore, #tpu.memory_space<semaphore_mem>> -> memref<!tpu.dma_semaphore, #tpu.memory_space<semaphore_mem>>
    %dma_wait3A_919 = arith.constant 43616 : i32
    %dma_wait3A_920 = arith.constant 0 : i32
    %dma_wait3A_921 = tpu.memref_slice %arg2[%dma_wait3A_919, %dma_wait3A_920] : memref<65536x128xf32, #tpu.memory_space<hbm>> -> memref<2048x128xf32, #tpu.memory_space<hbm>>
    %dma_wait3A_922 = arith.constant 0 : i32
    %dma_wait3A_923 = arith.constant 0 : i32
    %dma_wait3A_924 = tpu.memref_slice %arg5[%dma_wait3A_922, %dma_wait3A_923] : memref<2048x128xf32, #tpu.memory_space<vmem>> -> memref<2048x128xf32, #tpu.memory_space<vmem>>
    tpu.wait_dma2 semaphore(%dma_wait3A_918 : memref<!tpu.dma_semaphore, #tpu.memory_space<semaphore_mem>>) src(%dma_wait3A_924 : memref<2048x128xf32, #tpu.memory_space<vmem>>) dst(%dma_wait3A_921 : memref<2048x128xf32, #tpu.memory_space<hbm>>)
    %dma_start3A_925 = arith.constant 2 : i32
    %dma_start3A_926 = tpu.memref_slice %arg13[%dma_start3A_925] : memref<10x!tpu.dma_semaphore, #tpu.memory_space<semaphore_mem>> -> memref<1x!tpu.dma_semaphore, #tpu.memory_space<semaphore_mem>>
    %dma_start3A_927 = tpu.memref_squeeze %dma_start3A_926 : memref<1x!tpu.dma_semaphore, #tpu.memory_space<semaphore_mem>> -> memref<!tpu.dma_semaphore, #tpu.memory_space<semaphore_mem>>
    %dma_start3A_928 = arith.constant 0 : i32
    %dma_start3A_929 = arith.constant 0 : i32
    %dma_start3A_930 = tpu.memref_slice %arg5[%dma_start3A_928, %dma_start3A_929] : memref<2048x128xf32, #tpu.memory_space<vmem>> -> memref<1440x128xf32, #tpu.memory_space<vmem>>
    %dma_start3A_931 = arith.constant 4096 : i32
    %dma_start3A_932 = arith.constant 0 : i32
    %dma_start3A_933 = tpu.memref_slice %arg0[%dma_start3A_931, %dma_start3A_932] : memref<16384x128xf32, #tpu.memory_space<hbm>> -> memref<1440x128xf32, #tpu.memory_space<hbm>>
    tpu.enqueue_dma source(%dma_start3A_933 : memref<1440x128xf32, #tpu.memory_space<hbm>>) target(%dma_start3A_930 : memref<1440x128xf32, #tpu.memory_space<vmem>>) target_semaphore(%dma_start3A_927 : memref<!tpu.dma_semaphore, #tpu.memory_space<semaphore_mem>>)
    %dma_wait3A_934 = arith.constant 4 : i32
    %dma_wait3A_935 = tpu.memref_slice %arg13[%dma_wait3A_934] : memref<10x!tpu.dma_semaphore, #tpu.memory_space<semaphore_mem>> -> memref<1x!tpu.dma_semaphore, #tpu.memory_space<semaphore_mem>>
    %dma_wait3A_936 = tpu.memref_squeeze %dma_wait3A_935 : memref<1x!tpu.dma_semaphore, #tpu.memory_space<semaphore_mem>> -> memref<!tpu.dma_semaphore, #tpu.memory_space<semaphore_mem>>
    %dma_wait3A_937 = arith.constant 0 : i32
    %dma_wait3A_938 = arith.constant 0 : i32
    %dma_wait3A_939 = tpu.memref_slice %arg7[%dma_wait3A_937, %dma_wait3A_938] : memref<2048x128xf32, #tpu.memory_space<vmem>> -> memref<2048x128xf32, #tpu.memory_space<vmem>>
    %dma_wait3A_940 = arith.constant 47712 : i32
    %dma_wait3A_941 = arith.constant 0 : i32
    %dma_wait3A_942 = tpu.memref_slice %arg1[%dma_wait3A_940, %dma_wait3A_941] : memref<65536x128xf32, #tpu.memory_space<hbm>> -> memref<2048x128xf32, #tpu.memory_space<hbm>>
    tpu.wait_dma2 semaphore(%dma_wait3A_936 : memref<!tpu.dma_semaphore, #tpu.memory_space<semaphore_mem>>) src(%dma_wait3A_942 : memref<2048x128xf32, #tpu.memory_space<hbm>>) dst(%dma_wait3A_939 : memref<2048x128xf32, #tpu.memory_space<vmem>>)
    %dma_start3A_943 = arith.constant 4 : i32
    %dma_start3A_944 = tpu.memref_slice %arg14[%dma_start3A_943] : memref<10x!tpu.dma_semaphore, #tpu.memory_space<semaphore_mem>> -> memref<1x!tpu.dma_semaphore, #tpu.memory_space<semaphore_mem>>
    %dma_start3A_945 = tpu.memref_squeeze %dma_start3A_944 : memref<1x!tpu.dma_semaphore, #tpu.memory_space<semaphore_mem>> -> memref<!tpu.dma_semaphore, #tpu.memory_space<semaphore_mem>>
    %dma_start3A_946 = arith.constant 47712 : i32
    %dma_start3A_947 = arith.constant 0 : i32
    %dma_start3A_948 = tpu.memref_slice %arg2[%dma_start3A_946, %dma_start3A_947] : memref<65536x128xf32, #tpu.memory_space<hbm>> -> memref<2048x128xf32, #tpu.memory_space<hbm>>
    %dma_start3A_949 = arith.constant 0 : i32
    %dma_start3A_950 = arith.constant 0 : i32
    %dma_start3A_951 = tpu.memref_slice %arg7[%dma_start3A_949, %dma_start3A_950] : memref<2048x128xf32, #tpu.memory_space<vmem>> -> memref<2048x128xf32, #tpu.memory_space<vmem>>
    tpu.enqueue_dma source(%dma_start3A_951 : memref<2048x128xf32, #tpu.memory_space<vmem>>) target(%dma_start3A_948 : memref<2048x128xf32, #tpu.memory_space<hbm>>) target_semaphore(%dma_start3A_945 : memref<!tpu.dma_semaphore, #tpu.memory_space<semaphore_mem>>)
    %dma_wait3A_952 = arith.constant 5 : i32
    %dma_wait3A_953 = tpu.memref_slice %arg13[%dma_wait3A_952] : memref<10x!tpu.dma_semaphore, #tpu.memory_space<semaphore_mem>> -> memref<1x!tpu.dma_semaphore, #tpu.memory_space<semaphore_mem>>
    %dma_wait3A_954 = tpu.memref_squeeze %dma_wait3A_953 : memref<1x!tpu.dma_semaphore, #tpu.memory_space<semaphore_mem>> -> memref<!tpu.dma_semaphore, #tpu.memory_space<semaphore_mem>>
    %dma_wait3A_955 = arith.constant 0 : i32
    %dma_wait3A_956 = arith.constant 0 : i32
    %dma_wait3A_957 = tpu.memref_slice %arg8[%dma_wait3A_955, %dma_wait3A_956] : memref<2048x128xf32, #tpu.memory_space<vmem>> -> memref<2048x128xf32, #tpu.memory_space<vmem>>
    %dma_wait3A_958 = arith.constant 49760 : i32
    %dma_wait3A_959 = arith.constant 0 : i32
    %dma_wait3A_960 = tpu.memref_slice %arg1[%dma_wait3A_958, %dma_wait3A_959] : memref<65536x128xf32, #tpu.memory_space<hbm>> -> memref<2048x128xf32, #tpu.memory_space<hbm>>
    tpu.wait_dma2 semaphore(%dma_wait3A_954 : memref<!tpu.dma_semaphore, #tpu.memory_space<semaphore_mem>>) src(%dma_wait3A_960 : memref<2048x128xf32, #tpu.memory_space<hbm>>) dst(%dma_wait3A_957 : memref<2048x128xf32, #tpu.memory_space<vmem>>)
    %dma_start3A_961 = arith.constant 5 : i32
    %dma_start3A_962 = tpu.memref_slice %arg14[%dma_start3A_961] : memref<10x!tpu.dma_semaphore, #tpu.memory_space<semaphore_mem>> -> memref<1x!tpu.dma_semaphore, #tpu.memory_space<semaphore_mem>>
    %dma_start3A_963 = tpu.memref_squeeze %dma_start3A_962 : memref<1x!tpu.dma_semaphore, #tpu.memory_space<semaphore_mem>> -> memref<!tpu.dma_semaphore, #tpu.memory_space<semaphore_mem>>
    %dma_start3A_964 = arith.constant 49760 : i32
    %dma_start3A_965 = arith.constant 0 : i32
    %dma_start3A_966 = tpu.memref_slice %arg2[%dma_start3A_964, %dma_start3A_965] : memref<65536x128xf32, #tpu.memory_space<hbm>> -> memref<2048x128xf32, #tpu.memory_space<hbm>>
    %dma_start3A_967 = arith.constant 0 : i32
    %dma_start3A_968 = arith.constant 0 : i32
    %dma_start3A_969 = tpu.memref_slice %arg8[%dma_start3A_967, %dma_start3A_968] : memref<2048x128xf32, #tpu.memory_space<vmem>> -> memref<2048x128xf32, #tpu.memory_space<vmem>>
    tpu.enqueue_dma source(%dma_start3A_969 : memref<2048x128xf32, #tpu.memory_space<vmem>>) target(%dma_start3A_966 : memref<2048x128xf32, #tpu.memory_space<hbm>>) target_semaphore(%dma_start3A_963 : memref<!tpu.dma_semaphore, #tpu.memory_space<semaphore_mem>>)
    %dma_wait3A_970 = arith.constant 6 : i32
    %dma_wait3A_971 = tpu.memref_slice %arg13[%dma_wait3A_970] : memref<10x!tpu.dma_semaphore, #tpu.memory_space<semaphore_mem>> -> memref<1x!tpu.dma_semaphore, #tpu.memory_space<semaphore_mem>>
    %dma_wait3A_972 = tpu.memref_squeeze %dma_wait3A_971 : memref<1x!tpu.dma_semaphore, #tpu.memory_space<semaphore_mem>> -> memref<!tpu.dma_semaphore, #tpu.memory_space<semaphore_mem>>
    %dma_wait3A_973 = arith.constant 0 : i32
    %dma_wait3A_974 = arith.constant 0 : i32
    %dma_wait3A_975 = tpu.memref_slice %arg9[%dma_wait3A_973, %dma_wait3A_974] : memref<2048x128xf32, #tpu.memory_space<vmem>> -> memref<2048x128xf32, #tpu.memory_space<vmem>>
    %dma_wait3A_976 = arith.constant 51808 : i32
    %dma_wait3A_977 = arith.constant 0 : i32
    %dma_wait3A_978 = tpu.memref_slice %arg1[%dma_wait3A_976, %dma_wait3A_977] : memref<65536x128xf32, #tpu.memory_space<hbm>> -> memref<2048x128xf32, #tpu.memory_space<hbm>>
    tpu.wait_dma2 semaphore(%dma_wait3A_972 : memref<!tpu.dma_semaphore, #tpu.memory_space<semaphore_mem>>) src(%dma_wait3A_978 : memref<2048x128xf32, #tpu.memory_space<hbm>>) dst(%dma_wait3A_975 : memref<2048x128xf32, #tpu.memory_space<vmem>>)
    %dma_start3A_979 = arith.constant 6 : i32
    %dma_start3A_980 = tpu.memref_slice %arg14[%dma_start3A_979] : memref<10x!tpu.dma_semaphore, #tpu.memory_space<semaphore_mem>> -> memref<1x!tpu.dma_semaphore, #tpu.memory_space<semaphore_mem>>
    %dma_start3A_981 = tpu.memref_squeeze %dma_start3A_980 : memref<1x!tpu.dma_semaphore, #tpu.memory_space<semaphore_mem>> -> memref<!tpu.dma_semaphore, #tpu.memory_space<semaphore_mem>>
    %dma_start3A_982 = arith.constant 51808 : i32
    %dma_start3A_983 = arith.constant 0 : i32
    %dma_start3A_984 = tpu.memref_slice %arg2[%dma_start3A_982, %dma_start3A_983] : memref<65536x128xf32, #tpu.memory_space<hbm>> -> memref<2048x128xf32, #tpu.memory_space<hbm>>
    %dma_start3A_985 = arith.constant 0 : i32
    %dma_start3A_986 = arith.constant 0 : i32
    %dma_start3A_987 = tpu.memref_slice %arg9[%dma_start3A_985, %dma_start3A_986] : memref<2048x128xf32, #tpu.memory_space<vmem>> -> memref<2048x128xf32, #tpu.memory_space<vmem>>
    tpu.enqueue_dma source(%dma_start3A_987 : memref<2048x128xf32, #tpu.memory_space<vmem>>) target(%dma_start3A_984 : memref<2048x128xf32, #tpu.memory_space<hbm>>) target_semaphore(%dma_start3A_981 : memref<!tpu.dma_semaphore, #tpu.memory_space<semaphore_mem>>)
    %dma_wait3A_988 = arith.constant 7 : i32
    %dma_wait3A_989 = tpu.memref_slice %arg13[%dma_wait3A_988] : memref<10x!tpu.dma_semaphore, #tpu.memory_space<semaphore_mem>> -> memref<1x!tpu.dma_semaphore, #tpu.memory_space<semaphore_mem>>
    %dma_wait3A_990 = tpu.memref_squeeze %dma_wait3A_989 : memref<1x!tpu.dma_semaphore, #tpu.memory_space<semaphore_mem>> -> memref<!tpu.dma_semaphore, #tpu.memory_space<semaphore_mem>>
    %dma_wait3A_991 = arith.constant 0 : i32
    %dma_wait3A_992 = arith.constant 0 : i32
    %dma_wait3A_993 = tpu.memref_slice %arg10[%dma_wait3A_991, %dma_wait3A_992] : memref<2048x128xf32, #tpu.memory_space<vmem>> -> memref<2048x128xf32, #tpu.memory_space<vmem>>
    %dma_wait3A_994 = arith.constant 53856 : i32
    %dma_wait3A_995 = arith.constant 0 : i32
    %dma_wait3A_996 = tpu.memref_slice %arg1[%dma_wait3A_994, %dma_wait3A_995] : memref<65536x128xf32, #tpu.memory_space<hbm>> -> memref<2048x128xf32, #tpu.memory_space<hbm>>
    tpu.wait_dma2 semaphore(%dma_wait3A_990 : memref<!tpu.dma_semaphore, #tpu.memory_space<semaphore_mem>>) src(%dma_wait3A_996 : memref<2048x128xf32, #tpu.memory_space<hbm>>) dst(%dma_wait3A_993 : memref<2048x128xf32, #tpu.memory_space<vmem>>)
    %dma_start3A_997 = arith.constant 7 : i32
    %dma_start3A_998 = tpu.memref_slice %arg14[%dma_start3A_997] : memref<10x!tpu.dma_semaphore, #tpu.memory_space<semaphore_mem>> -> memref<1x!tpu.dma_semaphore, #tpu.memory_space<semaphore_mem>>
    %dma_start3A_999 = tpu.memref_squeeze %dma_start3A_998 : memref<1x!tpu.dma_semaphore, #tpu.memory_space<semaphore_mem>> -> memref<!tpu.dma_semaphore, #tpu.memory_space<semaphore_mem>>
    %dma_start3A_1000 = arith.constant 53856 : i32
    %dma_start3A_1001 = arith.constant 0 : i32
    %dma_start3A_1002 = tpu.memref_slice %arg2[%dma_start3A_1000, %dma_start3A_1001] : memref<65536x128xf32, #tpu.memory_space<hbm>> -> memref<2048x128xf32, #tpu.memory_space<hbm>>
    %dma_start3A_1003 = arith.constant 0 : i32
    %dma_start3A_1004 = arith.constant 0 : i32
    %dma_start3A_1005 = tpu.memref_slice %arg10[%dma_start3A_1003, %dma_start3A_1004] : memref<2048x128xf32, #tpu.memory_space<vmem>> -> memref<2048x128xf32, #tpu.memory_space<vmem>>
    tpu.enqueue_dma source(%dma_start3A_1005 : memref<2048x128xf32, #tpu.memory_space<vmem>>) target(%dma_start3A_1002 : memref<2048x128xf32, #tpu.memory_space<hbm>>) target_semaphore(%dma_start3A_999 : memref<!tpu.dma_semaphore, #tpu.memory_space<semaphore_mem>>)
    %dma_wait3A_1006 = arith.constant 8 : i32
    %dma_wait3A_1007 = tpu.memref_slice %arg13[%dma_wait3A_1006] : memref<10x!tpu.dma_semaphore, #tpu.memory_space<semaphore_mem>> -> memref<1x!tpu.dma_semaphore, #tpu.memory_space<semaphore_mem>>
    %dma_wait3A_1008 = tpu.memref_squeeze %dma_wait3A_1007 : memref<1x!tpu.dma_semaphore, #tpu.memory_space<semaphore_mem>> -> memref<!tpu.dma_semaphore, #tpu.memory_space<semaphore_mem>>
    %dma_wait3A_1009 = arith.constant 0 : i32
    %dma_wait3A_1010 = arith.constant 0 : i32
    %dma_wait3A_1011 = tpu.memref_slice %arg11[%dma_wait3A_1009, %dma_wait3A_1010] : memref<2048x128xf32, #tpu.memory_space<vmem>> -> memref<2048x128xf32, #tpu.memory_space<vmem>>
    %dma_wait3A_1012 = arith.constant 55904 : i32
    %dma_wait3A_1013 = arith.constant 0 : i32
    %dma_wait3A_1014 = tpu.memref_slice %arg1[%dma_wait3A_1012, %dma_wait3A_1013] : memref<65536x128xf32, #tpu.memory_space<hbm>> -> memref<2048x128xf32, #tpu.memory_space<hbm>>
    tpu.wait_dma2 semaphore(%dma_wait3A_1008 : memref<!tpu.dma_semaphore, #tpu.memory_space<semaphore_mem>>) src(%dma_wait3A_1014 : memref<2048x128xf32, #tpu.memory_space<hbm>>) dst(%dma_wait3A_1011 : memref<2048x128xf32, #tpu.memory_space<vmem>>)
    %dma_start3A_1015 = arith.constant 8 : i32
    %dma_start3A_1016 = tpu.memref_slice %arg14[%dma_start3A_1015] : memref<10x!tpu.dma_semaphore, #tpu.memory_space<semaphore_mem>> -> memref<1x!tpu.dma_semaphore, #tpu.memory_space<semaphore_mem>>
    %dma_start3A_1017 = tpu.memref_squeeze %dma_start3A_1016 : memref<1x!tpu.dma_semaphore, #tpu.memory_space<semaphore_mem>> -> memref<!tpu.dma_semaphore, #tpu.memory_space<semaphore_mem>>
    %dma_start3A_1018 = arith.constant 55904 : i32
    %dma_start3A_1019 = arith.constant 0 : i32
    %dma_start3A_1020 = tpu.memref_slice %arg2[%dma_start3A_1018, %dma_start3A_1019] : memref<65536x128xf32, #tpu.memory_space<hbm>> -> memref<2048x128xf32, #tpu.memory_space<hbm>>
    %dma_start3A_1021 = arith.constant 0 : i32
    %dma_start3A_1022 = arith.constant 0 : i32
    %dma_start3A_1023 = tpu.memref_slice %arg11[%dma_start3A_1021, %dma_start3A_1022] : memref<2048x128xf32, #tpu.memory_space<vmem>> -> memref<2048x128xf32, #tpu.memory_space<vmem>>
    tpu.enqueue_dma source(%dma_start3A_1023 : memref<2048x128xf32, #tpu.memory_space<vmem>>) target(%dma_start3A_1020 : memref<2048x128xf32, #tpu.memory_space<hbm>>) target_semaphore(%dma_start3A_1017 : memref<!tpu.dma_semaphore, #tpu.memory_space<semaphore_mem>>)
    %dma_wait3A_1024 = arith.constant 9 : i32
    %dma_wait3A_1025 = tpu.memref_slice %arg13[%dma_wait3A_1024] : memref<10x!tpu.dma_semaphore, #tpu.memory_space<semaphore_mem>> -> memref<1x!tpu.dma_semaphore, #tpu.memory_space<semaphore_mem>>
    %dma_wait3A_1026 = tpu.memref_squeeze %dma_wait3A_1025 : memref<1x!tpu.dma_semaphore, #tpu.memory_space<semaphore_mem>> -> memref<!tpu.dma_semaphore, #tpu.memory_space<semaphore_mem>>
    %dma_wait3A_1027 = arith.constant 0 : i32
    %dma_wait3A_1028 = arith.constant 0 : i32
    %dma_wait3A_1029 = tpu.memref_slice %arg12[%dma_wait3A_1027, %dma_wait3A_1028] : memref<2048x128xf32, #tpu.memory_space<vmem>> -> memref<2048x128xf32, #tpu.memory_space<vmem>>
    %dma_wait3A_1030 = arith.constant 57952 : i32
    %dma_wait3A_1031 = arith.constant 0 : i32
    %dma_wait3A_1032 = tpu.memref_slice %arg1[%dma_wait3A_1030, %dma_wait3A_1031] : memref<65536x128xf32, #tpu.memory_space<hbm>> -> memref<2048x128xf32, #tpu.memory_space<hbm>>
    tpu.wait_dma2 semaphore(%dma_wait3A_1026 : memref<!tpu.dma_semaphore, #tpu.memory_space<semaphore_mem>>) src(%dma_wait3A_1032 : memref<2048x128xf32, #tpu.memory_space<hbm>>) dst(%dma_wait3A_1029 : memref<2048x128xf32, #tpu.memory_space<vmem>>)
    %dma_start3A_1033 = arith.constant 9 : i32
    %dma_start3A_1034 = tpu.memref_slice %arg14[%dma_start3A_1033] : memref<10x!tpu.dma_semaphore, #tpu.memory_space<semaphore_mem>> -> memref<1x!tpu.dma_semaphore, #tpu.memory_space<semaphore_mem>>
    %dma_start3A_1035 = tpu.memref_squeeze %dma_start3A_1034 : memref<1x!tpu.dma_semaphore, #tpu.memory_space<semaphore_mem>> -> memref<!tpu.dma_semaphore, #tpu.memory_space<semaphore_mem>>
    %dma_start3A_1036 = arith.constant 57952 : i32
    %dma_start3A_1037 = arith.constant 0 : i32
    %dma_start3A_1038 = tpu.memref_slice %arg2[%dma_start3A_1036, %dma_start3A_1037] : memref<65536x128xf32, #tpu.memory_space<hbm>> -> memref<2048x128xf32, #tpu.memory_space<hbm>>
    %dma_start3A_1039 = arith.constant 0 : i32
    %dma_start3A_1040 = arith.constant 0 : i32
    %dma_start3A_1041 = tpu.memref_slice %arg12[%dma_start3A_1039, %dma_start3A_1040] : memref<2048x128xf32, #tpu.memory_space<vmem>> -> memref<2048x128xf32, #tpu.memory_space<vmem>>
    tpu.enqueue_dma source(%dma_start3A_1041 : memref<2048x128xf32, #tpu.memory_space<vmem>>) target(%dma_start3A_1038 : memref<2048x128xf32, #tpu.memory_space<hbm>>) target_semaphore(%dma_start3A_1035 : memref<!tpu.dma_semaphore, #tpu.memory_space<semaphore_mem>>)
    %dma_wait3A_1042 = arith.constant 0 : i32
    %dma_wait3A_1043 = tpu.memref_slice %arg13[%dma_wait3A_1042] : memref<10x!tpu.dma_semaphore, #tpu.memory_space<semaphore_mem>> -> memref<1x!tpu.dma_semaphore, #tpu.memory_space<semaphore_mem>>
    %dma_wait3A_1044 = tpu.memref_squeeze %dma_wait3A_1043 : memref<1x!tpu.dma_semaphore, #tpu.memory_space<semaphore_mem>> -> memref<!tpu.dma_semaphore, #tpu.memory_space<semaphore_mem>>
    %dma_wait3A_1045 = arith.constant 0 : i32
    %dma_wait3A_1046 = arith.constant 0 : i32
    %dma_wait3A_1047 = tpu.memref_slice %arg3[%dma_wait3A_1045, %dma_wait3A_1046] : memref<2048x128xf32, #tpu.memory_space<vmem>> -> memref<2048x128xf32, #tpu.memory_space<vmem>>
    %dma_wait3A_1048 = arith.constant 0 : i32
    %dma_wait3A_1049 = arith.constant 0 : i32
    %dma_wait3A_1050 = tpu.memref_slice %arg0[%dma_wait3A_1048, %dma_wait3A_1049] : memref<16384x128xf32, #tpu.memory_space<hbm>> -> memref<2048x128xf32, #tpu.memory_space<hbm>>
    tpu.wait_dma2 semaphore(%dma_wait3A_1044 : memref<!tpu.dma_semaphore, #tpu.memory_space<semaphore_mem>>) src(%dma_wait3A_1050 : memref<2048x128xf32, #tpu.memory_space<hbm>>) dst(%dma_wait3A_1047 : memref<2048x128xf32, #tpu.memory_space<vmem>>)
    %dma_start3A_1051 = arith.constant 0 : i32
    %dma_start3A_1052 = tpu.memref_slice %arg14[%dma_start3A_1051] : memref<10x!tpu.dma_semaphore, #tpu.memory_space<semaphore_mem>> -> memref<1x!tpu.dma_semaphore, #tpu.memory_space<semaphore_mem>>
    %dma_start3A_1053 = tpu.memref_squeeze %dma_start3A_1052 : memref<1x!tpu.dma_semaphore, #tpu.memory_space<semaphore_mem>> -> memref<!tpu.dma_semaphore, #tpu.memory_space<semaphore_mem>>
    %dma_start3A_1054 = arith.constant 60000 : i32
    %dma_start3A_1055 = arith.constant 0 : i32
    %dma_start3A_1056 = tpu.memref_slice %arg2[%dma_start3A_1054, %dma_start3A_1055] : memref<65536x128xf32, #tpu.memory_space<hbm>> -> memref<2048x128xf32, #tpu.memory_space<hbm>>
    %dma_start3A_1057 = arith.constant 0 : i32
    %dma_start3A_1058 = arith.constant 0 : i32
    %dma_start3A_1059 = tpu.memref_slice %arg3[%dma_start3A_1057, %dma_start3A_1058] : memref<2048x128xf32, #tpu.memory_space<vmem>> -> memref<2048x128xf32, #tpu.memory_space<vmem>>
    tpu.enqueue_dma source(%dma_start3A_1059 : memref<2048x128xf32, #tpu.memory_space<vmem>>) target(%dma_start3A_1056 : memref<2048x128xf32, #tpu.memory_space<hbm>>) target_semaphore(%dma_start3A_1053 : memref<!tpu.dma_semaphore, #tpu.memory_space<semaphore_mem>>)
    %dma_wait3A_1060 = arith.constant 1 : i32
    %dma_wait3A_1061 = tpu.memref_slice %arg13[%dma_wait3A_1060] : memref<10x!tpu.dma_semaphore, #tpu.memory_space<semaphore_mem>> -> memref<1x!tpu.dma_semaphore, #tpu.memory_space<semaphore_mem>>
    %dma_wait3A_1062 = tpu.memref_squeeze %dma_wait3A_1061 : memref<1x!tpu.dma_semaphore, #tpu.memory_space<semaphore_mem>> -> memref<!tpu.dma_semaphore, #tpu.memory_space<semaphore_mem>>
    %dma_wait3A_1063 = arith.constant 0 : i32
    %dma_wait3A_1064 = arith.constant 0 : i32
    %dma_wait3A_1065 = tpu.memref_slice %arg4[%dma_wait3A_1063, %dma_wait3A_1064] : memref<2048x128xf32, #tpu.memory_space<vmem>> -> memref<2048x128xf32, #tpu.memory_space<vmem>>
    %dma_wait3A_1066 = arith.constant 2048 : i32
    %dma_wait3A_1067 = arith.constant 0 : i32
    %dma_wait3A_1068 = tpu.memref_slice %arg0[%dma_wait3A_1066, %dma_wait3A_1067] : memref<16384x128xf32, #tpu.memory_space<hbm>> -> memref<2048x128xf32, #tpu.memory_space<hbm>>
    tpu.wait_dma2 semaphore(%dma_wait3A_1062 : memref<!tpu.dma_semaphore, #tpu.memory_space<semaphore_mem>>) src(%dma_wait3A_1068 : memref<2048x128xf32, #tpu.memory_space<hbm>>) dst(%dma_wait3A_1065 : memref<2048x128xf32, #tpu.memory_space<vmem>>)
    %dma_start3A_1069 = arith.constant 1 : i32
    %dma_start3A_1070 = tpu.memref_slice %arg14[%dma_start3A_1069] : memref<10x!tpu.dma_semaphore, #tpu.memory_space<semaphore_mem>> -> memref<1x!tpu.dma_semaphore, #tpu.memory_space<semaphore_mem>>
    %dma_start3A_1071 = tpu.memref_squeeze %dma_start3A_1070 : memref<1x!tpu.dma_semaphore, #tpu.memory_space<semaphore_mem>> -> memref<!tpu.dma_semaphore, #tpu.memory_space<semaphore_mem>>
    %dma_start3A_1072 = arith.constant 62048 : i32
    %dma_start3A_1073 = arith.constant 0 : i32
    %dma_start3A_1074 = tpu.memref_slice %arg2[%dma_start3A_1072, %dma_start3A_1073] : memref<65536x128xf32, #tpu.memory_space<hbm>> -> memref<2048x128xf32, #tpu.memory_space<hbm>>
    %dma_start3A_1075 = arith.constant 0 : i32
    %dma_start3A_1076 = arith.constant 0 : i32
    %dma_start3A_1077 = tpu.memref_slice %arg4[%dma_start3A_1075, %dma_start3A_1076] : memref<2048x128xf32, #tpu.memory_space<vmem>> -> memref<2048x128xf32, #tpu.memory_space<vmem>>
    tpu.enqueue_dma source(%dma_start3A_1077 : memref<2048x128xf32, #tpu.memory_space<vmem>>) target(%dma_start3A_1074 : memref<2048x128xf32, #tpu.memory_space<hbm>>) target_semaphore(%dma_start3A_1071 : memref<!tpu.dma_semaphore, #tpu.memory_space<semaphore_mem>>)
    %dma_wait3A_1078 = arith.constant 2 : i32
    %dma_wait3A_1079 = tpu.memref_slice %arg13[%dma_wait3A_1078] : memref<10x!tpu.dma_semaphore, #tpu.memory_space<semaphore_mem>> -> memref<1x!tpu.dma_semaphore, #tpu.memory_space<semaphore_mem>>
    %dma_wait3A_1080 = tpu.memref_squeeze %dma_wait3A_1079 : memref<1x!tpu.dma_semaphore, #tpu.memory_space<semaphore_mem>> -> memref<!tpu.dma_semaphore, #tpu.memory_space<semaphore_mem>>
    %dma_wait3A_1081 = arith.constant 0 : i32
    %dma_wait3A_1082 = arith.constant 0 : i32
    %dma_wait3A_1083 = tpu.memref_slice %arg5[%dma_wait3A_1081, %dma_wait3A_1082] : memref<2048x128xf32, #tpu.memory_space<vmem>> -> memref<1440x128xf32, #tpu.memory_space<vmem>>
    %dma_wait3A_1084 = arith.constant 4096 : i32
    %dma_wait3A_1085 = arith.constant 0 : i32
    %dma_wait3A_1086 = tpu.memref_slice %arg0[%dma_wait3A_1084, %dma_wait3A_1085] : memref<16384x128xf32, #tpu.memory_space<hbm>> -> memref<1440x128xf32, #tpu.memory_space<hbm>>
    tpu.wait_dma2 semaphore(%dma_wait3A_1080 : memref<!tpu.dma_semaphore, #tpu.memory_space<semaphore_mem>>) src(%dma_wait3A_1086 : memref<1440x128xf32, #tpu.memory_space<hbm>>) dst(%dma_wait3A_1083 : memref<1440x128xf32, #tpu.memory_space<vmem>>)
    %dma_start3A_1087 = arith.constant 2 : i32
    %dma_start3A_1088 = tpu.memref_slice %arg14[%dma_start3A_1087] : memref<10x!tpu.dma_semaphore, #tpu.memory_space<semaphore_mem>> -> memref<1x!tpu.dma_semaphore, #tpu.memory_space<semaphore_mem>>
    %dma_start3A_1089 = tpu.memref_squeeze %dma_start3A_1088 : memref<1x!tpu.dma_semaphore, #tpu.memory_space<semaphore_mem>> -> memref<!tpu.dma_semaphore, #tpu.memory_space<semaphore_mem>>
    %dma_start3A_1090 = arith.constant 64096 : i32
    %dma_start3A_1091 = arith.constant 0 : i32
    %dma_start3A_1092 = tpu.memref_slice %arg2[%dma_start3A_1090, %dma_start3A_1091] : memref<65536x128xf32, #tpu.memory_space<hbm>> -> memref<1440x128xf32, #tpu.memory_space<hbm>>
    %dma_start3A_1093 = arith.constant 0 : i32
    %dma_start3A_1094 = arith.constant 0 : i32
    %dma_start3A_1095 = tpu.memref_slice %arg5[%dma_start3A_1093, %dma_start3A_1094] : memref<2048x128xf32, #tpu.memory_space<vmem>> -> memref<1440x128xf32, #tpu.memory_space<vmem>>
    tpu.enqueue_dma source(%dma_start3A_1095 : memref<1440x128xf32, #tpu.memory_space<vmem>>) target(%dma_start3A_1092 : memref<1440x128xf32, #tpu.memory_space<hbm>>) target_semaphore(%dma_start3A_1089 : memref<!tpu.dma_semaphore, #tpu.memory_space<semaphore_mem>>)
    %dma_wait3A_1096 = arith.constant 3 : i32
    %dma_wait3A_1097 = tpu.memref_slice %arg14[%dma_wait3A_1096] : memref<10x!tpu.dma_semaphore, #tpu.memory_space<semaphore_mem>> -> memref<1x!tpu.dma_semaphore, #tpu.memory_space<semaphore_mem>>
    %dma_wait3A_1098 = tpu.memref_squeeze %dma_wait3A_1097 : memref<1x!tpu.dma_semaphore, #tpu.memory_space<semaphore_mem>> -> memref<!tpu.dma_semaphore, #tpu.memory_space<semaphore_mem>>
    %dma_wait3A_1099 = arith.constant 45664 : i32
    %dma_wait3A_1100 = arith.constant 0 : i32
    %dma_wait3A_1101 = tpu.memref_slice %arg2[%dma_wait3A_1099, %dma_wait3A_1100] : memref<65536x128xf32, #tpu.memory_space<hbm>> -> memref<2048x128xf32, #tpu.memory_space<hbm>>
    %dma_wait3A_1102 = arith.constant 0 : i32
    %dma_wait3A_1103 = arith.constant 0 : i32
    %dma_wait3A_1104 = tpu.memref_slice %arg6[%dma_wait3A_1102, %dma_wait3A_1103] : memref<2048x128xf32, #tpu.memory_space<vmem>> -> memref<2048x128xf32, #tpu.memory_space<vmem>>
    tpu.wait_dma2 semaphore(%dma_wait3A_1098 : memref<!tpu.dma_semaphore, #tpu.memory_space<semaphore_mem>>) src(%dma_wait3A_1104 : memref<2048x128xf32, #tpu.memory_space<vmem>>) dst(%dma_wait3A_1101 : memref<2048x128xf32, #tpu.memory_space<hbm>>)
    %dma_wait3A_1105 = arith.constant 4 : i32
    %dma_wait3A_1106 = tpu.memref_slice %arg14[%dma_wait3A_1105] : memref<10x!tpu.dma_semaphore, #tpu.memory_space<semaphore_mem>> -> memref<1x!tpu.dma_semaphore, #tpu.memory_space<semaphore_mem>>
    %dma_wait3A_1107 = tpu.memref_squeeze %dma_wait3A_1106 : memref<1x!tpu.dma_semaphore, #tpu.memory_space<semaphore_mem>> -> memref<!tpu.dma_semaphore, #tpu.memory_space<semaphore_mem>>
    %dma_wait3A_1108 = arith.constant 47712 : i32
    %dma_wait3A_1109 = arith.constant 0 : i32
    %dma_wait3A_1110 = tpu.memref_slice %arg2[%dma_wait3A_1108, %dma_wait3A_1109] : memref<65536x128xf32, #tpu.memory_space<hbm>> -> memref<2048x128xf32, #tpu.memory_space<hbm>>
    %dma_wait3A_1111 = arith.constant 0 : i32
    %dma_wait3A_1112 = arith.constant 0 : i32
    %dma_wait3A_1113 = tpu.memref_slice %arg7[%dma_wait3A_1111, %dma_wait3A_1112] : memref<2048x128xf32, #tpu.memory_space<vmem>> -> memref<2048x128xf32, #tpu.memory_space<vmem>>
    tpu.wait_dma2 semaphore(%dma_wait3A_1107 : memref<!tpu.dma_semaphore, #tpu.memory_space<semaphore_mem>>) src(%dma_wait3A_1113 : memref<2048x128xf32, #tpu.memory_space<vmem>>) dst(%dma_wait3A_1110 : memref<2048x128xf32, #tpu.memory_space<hbm>>)
    %dma_wait3A_1114 = arith.constant 5 : i32
    %dma_wait3A_1115 = tpu.memref_slice %arg14[%dma_wait3A_1114] : memref<10x!tpu.dma_semaphore, #tpu.memory_space<semaphore_mem>> -> memref<1x!tpu.dma_semaphore, #tpu.memory_space<semaphore_mem>>
    %dma_wait3A_1116 = tpu.memref_squeeze %dma_wait3A_1115 : memref<1x!tpu.dma_semaphore, #tpu.memory_space<semaphore_mem>> -> memref<!tpu.dma_semaphore, #tpu.memory_space<semaphore_mem>>
    %dma_wait3A_1117 = arith.constant 49760 : i32
    %dma_wait3A_1118 = arith.constant 0 : i32
    %dma_wait3A_1119 = tpu.memref_slice %arg2[%dma_wait3A_1117, %dma_wait3A_1118] : memref<65536x128xf32, #tpu.memory_space<hbm>> -> memref<2048x128xf32, #tpu.memory_space<hbm>>
    %dma_wait3A_1120 = arith.constant 0 : i32
    %dma_wait3A_1121 = arith.constant 0 : i32
    %dma_wait3A_1122 = tpu.memref_slice %arg8[%dma_wait3A_1120, %dma_wait3A_1121] : memref<2048x128xf32, #tpu.memory_space<vmem>> -> memref<2048x128xf32, #tpu.memory_space<vmem>>
    tpu.wait_dma2 semaphore(%dma_wait3A_1116 : memref<!tpu.dma_semaphore, #tpu.memory_space<semaphore_mem>>) src(%dma_wait3A_1122 : memref<2048x128xf32, #tpu.memory_space<vmem>>) dst(%dma_wait3A_1119 : memref<2048x128xf32, #tpu.memory_space<hbm>>)
    %dma_wait3A_1123 = arith.constant 6 : i32
    %dma_wait3A_1124 = tpu.memref_slice %arg14[%dma_wait3A_1123] : memref<10x!tpu.dma_semaphore, #tpu.memory_space<semaphore_mem>> -> memref<1x!tpu.dma_semaphore, #tpu.memory_space<semaphore_mem>>
    %dma_wait3A_1125 = tpu.memref_squeeze %dma_wait3A_1124 : memref<1x!tpu.dma_semaphore, #tpu.memory_space<semaphore_mem>> -> memref<!tpu.dma_semaphore, #tpu.memory_space<semaphore_mem>>
    %dma_wait3A_1126 = arith.constant 51808 : i32
    %dma_wait3A_1127 = arith.constant 0 : i32
    %dma_wait3A_1128 = tpu.memref_slice %arg2[%dma_wait3A_1126, %dma_wait3A_1127] : memref<65536x128xf32, #tpu.memory_space<hbm>> -> memref<2048x128xf32, #tpu.memory_space<hbm>>
    %dma_wait3A_1129 = arith.constant 0 : i32
    %dma_wait3A_1130 = arith.constant 0 : i32
    %dma_wait3A_1131 = tpu.memref_slice %arg9[%dma_wait3A_1129, %dma_wait3A_1130] : memref<2048x128xf32, #tpu.memory_space<vmem>> -> memref<2048x128xf32, #tpu.memory_space<vmem>>
    tpu.wait_dma2 semaphore(%dma_wait3A_1125 : memref<!tpu.dma_semaphore, #tpu.memory_space<semaphore_mem>>) src(%dma_wait3A_1131 : memref<2048x128xf32, #tpu.memory_space<vmem>>) dst(%dma_wait3A_1128 : memref<2048x128xf32, #tpu.memory_space<hbm>>)
    %dma_wait3A_1132 = arith.constant 7 : i32
    %dma_wait3A_1133 = tpu.memref_slice %arg14[%dma_wait3A_1132] : memref<10x!tpu.dma_semaphore, #tpu.memory_space<semaphore_mem>> -> memref<1x!tpu.dma_semaphore, #tpu.memory_space<semaphore_mem>>
    %dma_wait3A_1134 = tpu.memref_squeeze %dma_wait3A_1133 : memref<1x!tpu.dma_semaphore, #tpu.memory_space<semaphore_mem>> -> memref<!tpu.dma_semaphore, #tpu.memory_space<semaphore_mem>>
    %dma_wait3A_1135 = arith.constant 53856 : i32
    %dma_wait3A_1136 = arith.constant 0 : i32
    %dma_wait3A_1137 = tpu.memref_slice %arg2[%dma_wait3A_1135, %dma_wait3A_1136] : memref<65536x128xf32, #tpu.memory_space<hbm>> -> memref<2048x128xf32, #tpu.memory_space<hbm>>
    %dma_wait3A_1138 = arith.constant 0 : i32
    %dma_wait3A_1139 = arith.constant 0 : i32
    %dma_wait3A_1140 = tpu.memref_slice %arg10[%dma_wait3A_1138, %dma_wait3A_1139] : memref<2048x128xf32, #tpu.memory_space<vmem>> -> memref<2048x128xf32, #tpu.memory_space<vmem>>
    tpu.wait_dma2 semaphore(%dma_wait3A_1134 : memref<!tpu.dma_semaphore, #tpu.memory_space<semaphore_mem>>) src(%dma_wait3A_1140 : memref<2048x128xf32, #tpu.memory_space<vmem>>) dst(%dma_wait3A_1137 : memref<2048x128xf32, #tpu.memory_space<hbm>>)
    %dma_wait3A_1141 = arith.constant 8 : i32
    %dma_wait3A_1142 = tpu.memref_slice %arg14[%dma_wait3A_1141] : memref<10x!tpu.dma_semaphore, #tpu.memory_space<semaphore_mem>> -> memref<1x!tpu.dma_semaphore, #tpu.memory_space<semaphore_mem>>
    %dma_wait3A_1143 = tpu.memref_squeeze %dma_wait3A_1142 : memref<1x!tpu.dma_semaphore, #tpu.memory_space<semaphore_mem>> -> memref<!tpu.dma_semaphore, #tpu.memory_space<semaphore_mem>>
    %dma_wait3A_1144 = arith.constant 55904 : i32
    %dma_wait3A_1145 = arith.constant 0 : i32
    %dma_wait3A_1146 = tpu.memref_slice %arg2[%dma_wait3A_1144, %dma_wait3A_1145] : memref<65536x128xf32, #tpu.memory_space<hbm>> -> memref<2048x128xf32, #tpu.memory_space<hbm>>
    %dma_wait3A_1147 = arith.constant 0 : i32
    %dma_wait3A_1148 = arith.constant 0 : i32
    %dma_wait3A_1149 = tpu.memref_slice %arg11[%dma_wait3A_1147, %dma_wait3A_1148] : memref<2048x128xf32, #tpu.memory_space<vmem>> -> memref<2048x128xf32, #tpu.memory_space<vmem>>
    tpu.wait_dma2 semaphore(%dma_wait3A_1143 : memref<!tpu.dma_semaphore, #tpu.memory_space<semaphore_mem>>) src(%dma_wait3A_1149 : memref<2048x128xf32, #tpu.memory_space<vmem>>) dst(%dma_wait3A_1146 : memref<2048x128xf32, #tpu.memory_space<hbm>>)
    %dma_wait3A_1150 = arith.constant 9 : i32
    %dma_wait3A_1151 = tpu.memref_slice %arg14[%dma_wait3A_1150] : memref<10x!tpu.dma_semaphore, #tpu.memory_space<semaphore_mem>> -> memref<1x!tpu.dma_semaphore, #tpu.memory_space<semaphore_mem>>
    %dma_wait3A_1152 = tpu.memref_squeeze %dma_wait3A_1151 : memref<1x!tpu.dma_semaphore, #tpu.memory_space<semaphore_mem>> -> memref<!tpu.dma_semaphore, #tpu.memory_space<semaphore_mem>>
    %dma_wait3A_1153 = arith.constant 57952 : i32
    %dma_wait3A_1154 = arith.constant 0 : i32
    %dma_wait3A_1155 = tpu.memref_slice %arg2[%dma_wait3A_1153, %dma_wait3A_1154] : memref<65536x128xf32, #tpu.memory_space<hbm>> -> memref<2048x128xf32, #tpu.memory_space<hbm>>
    %dma_wait3A_1156 = arith.constant 0 : i32
    %dma_wait3A_1157 = arith.constant 0 : i32
    %dma_wait3A_1158 = tpu.memref_slice %arg12[%dma_wait3A_1156, %dma_wait3A_1157] : memref<2048x128xf32, #tpu.memory_space<vmem>> -> memref<2048x128xf32, #tpu.memory_space<vmem>>
    tpu.wait_dma2 semaphore(%dma_wait3A_1152 : memref<!tpu.dma_semaphore, #tpu.memory_space<semaphore_mem>>) src(%dma_wait3A_1158 : memref<2048x128xf32, #tpu.memory_space<vmem>>) dst(%dma_wait3A_1155 : memref<2048x128xf32, #tpu.memory_space<hbm>>)
    %dma_wait3A_1159 = arith.constant 0 : i32
    %dma_wait3A_1160 = tpu.memref_slice %arg14[%dma_wait3A_1159] : memref<10x!tpu.dma_semaphore, #tpu.memory_space<semaphore_mem>> -> memref<1x!tpu.dma_semaphore, #tpu.memory_space<semaphore_mem>>
    %dma_wait3A_1161 = tpu.memref_squeeze %dma_wait3A_1160 : memref<1x!tpu.dma_semaphore, #tpu.memory_space<semaphore_mem>> -> memref<!tpu.dma_semaphore, #tpu.memory_space<semaphore_mem>>
    %dma_wait3A_1162 = arith.constant 60000 : i32
    %dma_wait3A_1163 = arith.constant 0 : i32
    %dma_wait3A_1164 = tpu.memref_slice %arg2[%dma_wait3A_1162, %dma_wait3A_1163] : memref<65536x128xf32, #tpu.memory_space<hbm>> -> memref<2048x128xf32, #tpu.memory_space<hbm>>
    %dma_wait3A_1165 = arith.constant 0 : i32
    %dma_wait3A_1166 = arith.constant 0 : i32
    %dma_wait3A_1167 = tpu.memref_slice %arg3[%dma_wait3A_1165, %dma_wait3A_1166] : memref<2048x128xf32, #tpu.memory_space<vmem>> -> memref<2048x128xf32, #tpu.memory_space<vmem>>
    tpu.wait_dma2 semaphore(%dma_wait3A_1161 : memref<!tpu.dma_semaphore, #tpu.memory_space<semaphore_mem>>) src(%dma_wait3A_1167 : memref<2048x128xf32, #tpu.memory_space<vmem>>) dst(%dma_wait3A_1164 : memref<2048x128xf32, #tpu.memory_space<hbm>>)
    %dma_wait3A_1168 = arith.constant 1 : i32
    %dma_wait3A_1169 = tpu.memref_slice %arg14[%dma_wait3A_1168] : memref<10x!tpu.dma_semaphore, #tpu.memory_space<semaphore_mem>> -> memref<1x!tpu.dma_semaphore, #tpu.memory_space<semaphore_mem>>
    %dma_wait3A_1170 = tpu.memref_squeeze %dma_wait3A_1169 : memref<1x!tpu.dma_semaphore, #tpu.memory_space<semaphore_mem>> -> memref<!tpu.dma_semaphore, #tpu.memory_space<semaphore_mem>>
    %dma_wait3A_1171 = arith.constant 62048 : i32
    %dma_wait3A_1172 = arith.constant 0 : i32
    %dma_wait3A_1173 = tpu.memref_slice %arg2[%dma_wait3A_1171, %dma_wait3A_1172] : memref<65536x128xf32, #tpu.memory_space<hbm>> -> memref<2048x128xf32, #tpu.memory_space<hbm>>
    %dma_wait3A_1174 = arith.constant 0 : i32
    %dma_wait3A_1175 = arith.constant 0 : i32
    %dma_wait3A_1176 = tpu.memref_slice %arg4[%dma_wait3A_1174, %dma_wait3A_1175] : memref<2048x128xf32, #tpu.memory_space<vmem>> -> memref<2048x128xf32, #tpu.memory_space<vmem>>
    tpu.wait_dma2 semaphore(%dma_wait3A_1170 : memref<!tpu.dma_semaphore, #tpu.memory_space<semaphore_mem>>) src(%dma_wait3A_1176 : memref<2048x128xf32, #tpu.memory_space<vmem>>) dst(%dma_wait3A_1173 : memref<2048x128xf32, #tpu.memory_space<hbm>>)
    %dma_wait3A_1177 = arith.constant 2 : i32
    %dma_wait3A_1178 = tpu.memref_slice %arg14[%dma_wait3A_1177] : memref<10x!tpu.dma_semaphore, #tpu.memory_space<semaphore_mem>> -> memref<1x!tpu.dma_semaphore, #tpu.memory_space<semaphore_mem>>
    %dma_wait3A_1179 = tpu.memref_squeeze %dma_wait3A_1178 : memref<1x!tpu.dma_semaphore, #tpu.memory_space<semaphore_mem>> -> memref<!tpu.dma_semaphore, #tpu.memory_space<semaphore_mem>>
    %dma_wait3A_1180 = arith.constant 64096 : i32
    %dma_wait3A_1181 = arith.constant 0 : i32
    %dma_wait3A_1182 = tpu.memref_slice %arg2[%dma_wait3A_1180, %dma_wait3A_1181] : memref<65536x128xf32, #tpu.memory_space<hbm>> -> memref<1440x128xf32, #tpu.memory_space<hbm>>
    %dma_wait3A_1183 = arith.constant 0 : i32
    %dma_wait3A_1184 = arith.constant 0 : i32
    %dma_wait3A_1185 = tpu.memref_slice %arg5[%dma_wait3A_1183, %dma_wait3A_1184] : memref<2048x128xf32, #tpu.memory_space<vmem>> -> memref<1440x128xf32, #tpu.memory_space<vmem>>
    tpu.wait_dma2 semaphore(%dma_wait3A_1179 : memref<!tpu.dma_semaphore, #tpu.memory_space<semaphore_mem>>) src(%dma_wait3A_1185 : memref<1440x128xf32, #tpu.memory_space<vmem>>) dst(%dma_wait3A_1182 : memref<1440x128xf32, #tpu.memory_space<hbm>>)
    return
  }
}

</mosaic_0001>

<sc_bundles>
// kernel: kernel.4.cloned.1.call-start
scs
__scs_entry_jumppad:
0x0: {  	(pc) =	sbr.rel $0x88, $3  }
0x1: {  	(tag) =	ssettag $0x0;
	lr =	simm.s32 $0x1  }
0x2: {  	[smem:$0x3F99] =	sst lr;
	_ =	strace $0xD0000000  }
0x3: {  	_ = 	snop  }
0x4: {  	_ = 	snop  }
0x5: {  	_ = 	snop  }
0x6: {  	_ = 	snop  }
0x7: {  	_ = 	snop  }
__scs_overlays_trampoline_lowered:
0x8: {  	[smem:$0x3FA8] =	sst s0  }
0x9: {  	[smem:$0x3FA9] =	sst s1  }
0xa: {  	[smem:$0x3FAA] =	sst s2  }
0xb: {  	[smem:$0x3FAB] =	sst s3  }
0xc: {  	[smem:$0x3FAC] =	sst s4  }
0xd: {  	[smem:$0x3FAD] =	sst s5  }
0xe: {  	[smem:$0x3FAE] =	sst s6  }
0xf: {  	[smem:$0x3FAF] =	sst s7  }
0x10: {  	[smem:$0x3FB0] =	sst s8  }
0x11: {  	[smem:$0x3FB1] =	sst s9;
	s0 =	simm.s32 @!p0 $0x0  }
0x12: {  	s1 =	sld [smem:$0x3F97];
	s0 =	simm.s32 @p0 $0x1  }
0x13: {  	[smem:$0x3FB2] =	sst s0;
	s0 =	simm.s32 @!p1 $0x0  }
0x14: {  	s2 =	sld [smem:$0x3F96];
	s0 =	simm.s32 @p1 $0x1  }
0x15: {  	[smem:$0x3FB3] =	sst s0;
	s0 =	simm.s32 @!p2 $0x0  }
0x16: {  	s3 =	sld [smem:$0x3FDB];
	s0 =	simm.s32 @p2 $0x1  }
0x17: {  	s4 =	simm.s32 $0x1BF5;
	[smem:$0x3FB5] =	sst s0  }
0x18: {  	s0 =	sld [smem:$0x3F98];
	_ =	swait.ge [sflag:s4], $0x0  }
0x19: {  	s7 =	sld [smem:$0x3F99]  }
0x1a: {  	s8 =	sadd.s32 $0xFFFFE003, lr  }
0x1b: {  	s9 =	sadd.s32 $0xFFFFFEF7, lr;
	s5 =	simm.s32 $0xFFFFFFFF;
	p2 =	slt.u32 s8, $0xFFFFF086  }
0x1c: {  	p1 =	slt.u32 s9, $0xF7A;
	s5 =	simm.s32 @!p2 $0x0  }
0x1d: {  	s5 =	simm.s32 @p1 $0x1;
	p0 =	seq.s32 s7, s2  }
0x1e: {  	s7 =	smul.u32 @!p0 $0xF7A, s2;
	p2 =	seq.s32 @!p0 s5, $0x0  }
0x1f: {  	s9 =	smul.u32 $0xF7A, s1;
	s8 =	simm.s32 @!p0 $0x1BF5;
	p2 =	por !p2, p0  }
0x20: {  	[sflag:s8] =	ssyncset.s32 @!p0 $0xFFFFF086;
	s6 =	sadd.s32 @!p0 s3, s7;
	s7 =	simm.s32 @!p0 $0x108  }
0x21: {  	s3 =	sadd.s32 s3, s9;
	s6 =	sadd.s32 @!p0 $0x88, s6;
	s7 =	simm.s32 @p2 $0x1082  }
0x22: {  	[simem:s7], [sflag:s8] =	dma.local @!p0 [hbm:s6], $0xF7A  }
0x23: {  	s9 =	sor.u32 $0xD0000000, s2;
	s6 =	simm.s32 $0x108;
	_ =	swait.ge @!p0 [sflag:s8], $0x0  }
0x24: {  	s3 =	sadd.s32 $0x88, s3;
	s6 =	simm.s32 @!p1 $0x1082;
	[sflag:s4] =	ssyncset.s32 $0xFFFFF086  }
0x25: {  	[simem:s6], [sflag:s4] =	dma.local [hbm:s3], $0xF7A  }
0x26: {  	[smem:$0x3F99] =	sst s1;
	(tag) =	ssettag s2;
	_ =	strace s9  }
0x27: {  	s1 =	sld [smem:$0x3FA9]  }
0x28: {  	s2 =	sld [smem:$0x3FAA]  }
0x29: {  	s4 =	sld [smem:$0x3FAC]  }
0x2a: {  	p0 =	seq.s32 s5, $0x0;
	s5 =	sld [smem:$0x3FAD]  }
0x2b: {  	s6 =	sld [smem:$0x3FAE]  }
0x2c: {  	s7 =	sld [smem:$0x3FAF]  }
0x2d: {  	s3 =	simm.s32 $0x108;
	s8 =	sld [smem:$0x3FB0]  }
0x2e: {  	s3 =	simm.s32 @!p0 $0x1082;
	s9 =	sld [smem:$0x3FB1]  }
0x2f: {  	lr =	sadd.s32 s0, s3;
	s0 =	sld [smem:$0x3FA8]  }
0x30: {  	s3 =	sld [smem:$0x3FAB]  }
0x31: {  	[smem:$0x3FB4] =	sst s10  }
0x32: {  	s10 =	sld [smem:$0x3FB2];
	_ =	sdelay $0x3  }
0x33: {  	p0 =	seq.s32 s10, $0x1;
	s10 =	sld [smem:$0x3FB4];
	_ =	sdelay $0x3  }
0x34: {  	[smem:$0x3FB4] =	sst s10  }
0x35: {  	s10 =	sld [smem:$0x3FB3];
	_ =	sdelay $0x3  }
0x36: {  	p1 =	seq.s32 s10, $0x1;
	s10 =	sld [smem:$0x3FB4];
	_ =	sdelay $0x3  }
0x37: {  	[smem:$0x3FB4] =	sst s10  }
0x38: {  	s10 =	sld [smem:$0x3FB5]  }
0x39: {  	_ = 	snop;
	(pc) =	sbr.ind lr, $3  }
0x3a: {  	_ = 	snop  }
0x3b: {  	_ = 	snop  }
0x3c: {  	p2 =	seq.s32 s10, $0x1;
	s10 =	sld [smem:$0x3FB4]  }
0x3d: {  	_ =	shalt  }
0x3e: {  	_ =	shalt  }
0x3f: {  	_ =	shalt  }
0x40: {  	_ =	shalt  }
0x41: {  	_ =	shalt  }
0x42: {  	_ =	shalt  }
0x43: {  	_ =	shalt  }
0x44: {  	_ =	shalt  }
0x45: {  	_ =	shalt  }
0x46: {  	_ =	shalt  }
0x47: {  	_ =	shalt  }
0x48: {  	_ =	shalt  }
0x49: {  	_ =	shalt  }
0x4a: {  	_ =	shalt  }
0x4b: {  	_ =	shalt  }
0x4c: {  	_ =	shalt  }
0x4d: {  	_ =	shalt  }
0x4e: {  	_ =	shalt  }
0x4f: {  	_ =	shalt  }
0x50: {  	_ =	shalt  }
0x51: {  	_ =	shalt  }
0x52: {  	_ =	shalt  }
0x53: {  	_ =	shalt  }
0x54: {  	_ =	shalt  }
0x55: {  	_ =	shalt  }
0x56: {  	_ =	shalt  }
0x57: {  	_ =	shalt  }
0x58: {  	_ =	shalt  }
0x59: {  	_ =	shalt  }
0x5a: {  	_ =	shalt  }
0x5b: {  	_ =	shalt  }
0x5c: {  	_ =	shalt  }
0x5d: {  	_ =	shalt  }
0x5e: {  	_ =	shalt  }
0x5f: {  	_ =	shalt  }
0x60: {  	_ =	shalt  }
0x61: {  	_ =	shalt  }
0x62: {  	_ =	shalt  }
0x63: {  	_ =	shalt  }
0x64: {  	_ =	shalt  }
0x65: {  	_ =	shalt  }
0x66: {  	_ =	shalt  }
0x67: {  	_ =	shalt  }
0x68: {  	_ =	shalt  }
0x69: {  	_ =	shalt  }
0x6a: {  	_ =	shalt  }
0x6b: {  	_ =	shalt  }
0x6c: {  	_ =	shalt  }
0x6d: {  	_ =	shalt  }
0x6e: {  	_ =	shalt  }
0x6f: {  	_ =	shalt  }
0x70: {  	_ =	shalt  }
0x71: {  	_ =	shalt  }
0x72: {  	_ =	shalt  }
0x73: {  	_ =	shalt  }
0x74: {  	_ =	shalt  }
0x75: {  	_ =	shalt  }
0x76: {  	_ =	shalt  }
0x77: {  	_ =	shalt  }
0x78: {  	_ =	shalt  }
0x79: {  	_ =	shalt  }
0x7a: {  	_ =	shalt  }
0x7b: {  	_ =	shalt  }
0x7c: {  	_ =	shalt  }
0x7d: {  	_ =	shalt  }
0x7e: {  	_ =	shalt  }
0x7f: {  	_ =	shalt  }
0x80: {  	_ =	shalt  }
0x81: {  	_ =	shalt  }
0x82: {  	_ =	shalt  }
0x83: {  	_ =	shalt  }
0x84: {  	_ =	shalt  }
0x85: {  	_ =	shalt  }
0x86: {  	_ =	shalt  }
0x87: {  	_ =	shalt  }
.Lfunc_end0:
.L_simem_size_0:
called_computation_lowered:
.L_overlay_start_0:
0x88: {  	s0 =	sld [smem:$0x3FD9]  }
0x89: {  	s1 =	sld [smem:$0x3FFE];
	_ =	sdelay $0x3  }
0x8a: {  	s0 =	sadd.s32 s1, s0  }
0x8b: {  	[smem:$0x3FC0] =	sst s0  }
0x8c: {  	_ = 	snop  }
0x8d: {  	s0 =	sld [smem:$0x3FC8]  }
0x8e: {  	s14 =	sld [smem:$0x3FC7]  }
0x8f: {  	s2 =	sld [smem:$0x3FC6]  }
0x90: {  	s3 =	sld [smem:$0x3FD0]  }
0x91: {  	s4 =	sld [smem:$0x3FC4]  }
0x92: {  	s5 =	sld [smem:$0x3FC3]  }
0x93: {  	s7 =	simm.s32 $0xA;
	s8 =	simm.s32 $0x10;
	s6 =	sld [smem:$0x3FC2]  }
0x94: {  	[smem:s8], [sflag:s7] =	dma.local [hbm:s3], $0x1  }
0x95: {  	_ =	swait.eq [sflag:s7], $0x1  }
0x96: {  	s15 =	sld [smem:$0x11];
	[sflag:s7] =	ssyncset.done $0x0  }
0x97: {  	s16 =	sld [smem:$0x12];
	[sflag:s7] =	ssyncadd.s32 $0xFFFFFFFF  }
0x98: {  	s17 =	sld [smem:$0x13];
	(tm) =	ssettm $0x1  }
0x99: {  	s9 =	sld [smem:$0x3FFB];
	_ =	sdelay $0x3  }
0x9a: {  	_ =	strace s9  }
0x9b: {  	s9 =	sld [smem:$0x3FFC];
	_ =	sdelay $0x3  }
0x9c: {  	_ =	strace s9  }
0x9d: {  	s9 =	sld [smem:$0x3FFD];
	_ =	sdelay $0x3  }
0x9e: {  	_ =	strace s9  }
0x9f: {  	_ =	strace $0x8FFFFFFF  }
0xa0: {  	s18 =	sld [smem:$0x3FDB];
	_ =	sdelay $0x1  }
0xa1: {  	s10 =	simm.s32 $_scs_section_size  }
0xa2: {  	s11 =	simm.s32 $_size__tile_overlayer_lowered;
	s12 =	simm.s32 $_tile_overlayer_lowered  }
0xa3: {  	s21 =	simm.s32 $0x1BFF;
	s20 =	sshll.u32 s12, $0x1;
	s9 =	sadd.s32 s10, s18  }
0xa4: {  	s13 =	simm.s32 $0x0;
	s19 =	sshll.u32 s11, $0x1;
	s11 =	sadd.s32 s20, s9  }
0xa5: {  	[timem:s13], [sflag:s21] =	dma.local [hbm:s11], s19  }
0xa6: {  	_ =	swait.ge [sflag:s21], s19  }
0xa7: {  	s10 =	ssub.s32 $0x0, s19;
	[sflag:s21] =	ssyncset.done $0x0  }
0xa8: {  	[sflag:s21] =	ssyncadd.s32 s10;
	_ =	sdelay $0x1  }
0xa9: {  	s22 =	simm.s32 $0x1B8B  }
0xaa: {  	_ =	swait.ge [sflag:s22], $0x1  }
0xab: {  	[sflag:s22] =	ssyncset.done $0x0  }
0xac: {  	s23 =	simm.s32 $0x1B8E;
	[sflag:s22] =	ssyncadd.s32 $0xFFFFFFFF  }
0xad: {  	s24 =	simm.s32 $execute0_lowered;
	[smem:$0x3FD2] =	sst s23  }
0xae: {  	s10 =	sshll.u32 s24, $0x1;
	_ =	strace $0x80000046;
	[dreg:$0x1] =	wrdreg $0xFFFFFFFF  }
0xaf: {  	s25 =	simm.s32 $_size_execute0_lowered;
	s9 =	sadd.s32 s9, s10;
	[dreg:$0x0] =	wrdreg $0x0  }
0xb0: {  	s10 =	sshll.u32 s25, $0x1;
	[dreg:$0x2] =	wrdreg s9  }
0xb1: {  	[dreg:$0x3] =	wrdreg s10  }
0xb2: {  	[dreg:$0x4] =	wrdreg $0xC0  }
0xb3: {  	_ =	task [dreg:s13], $0x5FFFF  }
0xb4: {  	[dreg:$0x1] =	wrdreg $0xFFFFFFFF  }
0xb5: {  	[dreg:$0x0] =	wrdreg $0x60  }
0xb6: {  	[dreg:$0x2] =	wrdreg s0  }
0xb7: {  	[dreg:$0x3] =	wrdreg s14  }
0xb8: {  	[dreg:$0x4] =	wrdreg s2  }
0xb9: {  	[dreg:$0x5] =	wrdreg s4  }
0xba: {  	[dreg:$0x6] =	wrdreg s5  }
0xbb: {  	[dreg:$0x7] =	wrdreg s6  }
0xbc: {  	[dreg:$0x8] =	wrdreg s15  }
0xbd: {  	[dreg:$0x9] =	wrdreg s16  }
0xbe: {  	[dreg:$0xa] =	wrdreg s17  }
0xbf: {  	[dreg:$0xb] =	wrdreg $0x9  }
0xc0: {  	_ =	task.clear_ibuf [dreg:s13], $0xCFFFF;
	_ =	strace $0x90000046  }
0xc1: {  	s26 =	simm.s32 $0x9;
	_ =	strace $0x80000048  }
0xc2: {  	_ =	swait.ge [sflag:s26], $0x1  }
0xc3: {  	[sflag:s26] =	ssyncadd.s32 $0xFFFFFFFF  }
0xc4: {  	_ =	strace $0x90000048  }
0xc5: {  	_ =	sfence  }
0xc6: {  	s28 =	sld [smem:$0x0];
	_ =	sdelay $0x1  }
0xc7: {  	s29 =	srdreg.scid  }
0xc8: {  	s30 =	sshll.u32 s29, $0xD;
	s31 =	sshrl.u32 s29, $0x2  }
0xc9: {  	s1 =	sand.u32 $0x1, s29;
	s2 =	sand.u32 $0x4000, s30;
	s0 =	sadd.s32 s31, s28  }
0xca: {  	s1 =	sor.u32 s2, s1;
	s0 =	sshll.u32 s0, $0x11  }
0xcb: {  	s0 =	sor.u32 s0, s1  }
0xcc: {  	s0 =	sadd.s32 $0x8F2B, s0  }
0xcd: {  	[sflag:s0] =	ssyncadd.remote.s32 $0x1  }
0xce: {  	_ =	sfence.sel $0xFFFF  }
0xcf: {  	[dreg:$0x0] =	wrdreg $0xFFFFFFFF;
	(pc) =	sbr.abs _section_cstart, $3  }
0xd0: {  	[dreg:$0x1] =	wrdreg $0xFFFFFFFF  }
0xd1: {  	_ =	task.clear_ibuf [dreg:s13], $0x2FFFF;
	_ =	strace $0x9FFFFFFF  }
0xd2: {  	(tm) =	ssettm $0x7FFFFFFF  }
0xd3: {  	_ =	shalt  }
tec
execute0_lowered:
.L_overlay_start_1:
0x0: {  	(tag) =	ssettag $0x1  }
0x1: {  	s8 =	rddreg [dreg:$0x0]  }
0x2: {  	s6 =	rddreg [dreg:$0x1]  }
0x3: {  	s10 =	rddreg [dreg:$0x2]  }
0x4: {  	s9 =	rddreg [dreg:$0x3]  }
0x5: {  	s7 =	rddreg [dreg:$0x4];
	s1 =	stileid.u32  }
0x6: {  	s5 =	rddreg [dreg:$0x5];
	p0 =	sgt.s32 s1, $0x7  }
.Ltmp0:
0x7: {  	s3 =	rddreg [dreg:$0x6];
	(pc) =	sbr.rel @p0 .LBB2_4-.Ltmp0, $4  }
0x8: {  	s4 =	rddreg [dreg:$0x7]  }
0x9: {  	s2 =	rddreg [dreg:$0x8];
	s11 =	simm.s32 $0x0  }
0xa: {  	[smem:$0x7FF] =	sst s11  }
0xb: {  	s0 =	rddreg [dreg:$0x9];
	_ =	strace $0x80000047  }
0xc: {  	p0 =	sgt.s32 s1, $0x3  }
.Ltmp1:
0xd: {  	_ = 	snop;
	(pc) =	sbr.rel @p0 .LBB2_3-.Ltmp1, $1  }
0xe: {  	_ =	sdelay $0x3  }
0xf: {  	p0 =	sgt.s32 s1, $0x1  }
0x10: {  	p1 =	seq.s32 @p0 s1, $0x2  }
0x11: {  	p2 =	por !p1, !p0  }
0x12: {  	s5 =	sadd.s32 @!p2 $0x54C, s9;
	s11 =	simm.s32 @!p2 $0x0  }
0x13: {  	[tilespmem:s11], [sflag:$0x1] =	stream.linear.gather @!p2 [hbm4b:s5+s11], $0x2000, $0x38;
	[tilespmem:$0x4000] =	vst v63  }
0x14: {  	s5 =	simm.s32 @!p2 $0x1  }
0x15: {  	_ =	swait.ge @!p2 [sflag:s5], $0x2000  }
0x16: {  	[sflag:s5] =	ssyncset.done @!p2 $0x0  }
0x17: {  	s12 =	sadd.s32 @!p2 $0x54C, s3;
	[sflag:s5] =	ssyncadd.s32 @!p2 $0xFFFFE000  }
0x18: {  	[hbm4b:s12+s11] =	stream.linear.scatter @!p2 [tilespmem:s11], [sflag:$0x1], $0x2000, $0x38;
	[tilespmem:$0x4000] =	vst v63  }
0x19: {  	_ =	swait.ge @!p2 [sflag:s5], $0x2000  }
0x1a: {  	[sflag:s5] =	ssyncset.done @!p2 $0x0  }
0x1b: {  	s13 =	simm.s32 @!p2 $0x2000;
	s12 =	sadd.s32 @!p2 $0x2B4, s10;
	[sflag:s5] =	ssyncadd.s32 @!p2 $0xFFFFE000  }
0x1c: {  	[tilespmem:s13], [sflag:$0x1] =	stream.linear.gather @!p2 [hbm4b:s12+s11], $0x2000, $0x38;
	[tilespmem:$0x4000] =	vst v63  }
0x1d: {  	_ =	swait.ge @!p2 [sflag:s5], $0x2000  }
0x1e: {  	[sflag:s5] =	ssyncset.done @!p2 $0x0  }
0x1f: {  	[sflag:s5] =	ssyncadd.s32 @!p2 $0xFFFFE000  }
0x20: {  	[hbm4b:s2+s11] =	stream.linear.scatter @!p2 [tilespmem:s13], [sflag:$0x1], $0x2000, $0x38;
	[tilespmem:$0x4000] =	vst v63  }
0x21: {  	_ =	swait.ge @!p2 [sflag:s5], $0x2000  }
0x22: {  	p1 =	por p1, !p0;
	[sflag:s5] =	ssyncset.done @!p2 $0x0  }
0x23: {  	[sflag:s5] =	ssyncadd.s32 @!p2 $0xFFFFE000;
	s5 =	sadd.s32 @!p1 $0x94C, s9;
	s9 =	simm.s32 @!p1 $0x0  }
0x24: {  	[tilespmem:s9], [sflag:$0x1] =	stream.linear.gather @!p1 [hbm4b:s5+s9], $0x2000, $0x38;
	[tilespmem:$0x4000] =	vst v63  }
0x25: {  	s5 =	simm.s32 @!p1 $0x1  }
0x26: {  	_ =	swait.ge @!p1 [sflag:s5], $0x2000  }
0x27: {  	[sflag:s5] =	ssyncset.done @!p1 $0x0  }
0x28: {  	s11 =	sadd.s32 @!p1 $0x94C, s3;
	[sflag:s5] =	ssyncadd.s32 @!p1 $0xFFFFE000  }
0x29: {  	[hbm4b:s11+s9] =	stream.linear.scatter @!p1 [tilespmem:s9], [sflag:$0x1], $0x2000, $0x38;
	[tilespmem:$0x4000] =	vst v63  }
0x2a: {  	_ =	swait.ge @!p1 [sflag:s5], $0x2000  }
0x2b: {  	[sflag:s5] =	ssyncset.done @!p1 $0x0  }
0x2c: {  	s10 =	sadd.s32 @!p1 $0x6B4, s10;
	s11 =	simm.s32 @!p1 $0x2000;
	[sflag:s5] =	ssyncadd.s32 @!p1 $0xFFFFE000  }
0x2d: {  	[tilespmem:s11], [sflag:$0x1] =	stream.linear.gather @!p1 [hbm4b:s10+s9], $0xA60, $0x38;
	[tilespmem:$0x4000] =	vst v63  }
0x2e: {  	_ =	swait.ge @!p1 [sflag:s5], $0xA60  }
0x2f: {  	[sflag:s5] =	ssyncset.done @!p1 $0x0  }
0x30: {  	s2 =	sadd.s32 @!p1 $0x400, s2;
	[sflag:s5] =	ssyncadd.s32 @!p1 $0xFFFFF5A0  }
0x31: {  	[hbm4b:s2+s9] =	stream.linear.scatter @!p1 [tilespmem:s11], [sflag:$0x1], $0xA60, $0x38;
	[tilespmem:$0x4000] =	vst v63  }
0x32: {  	p2 =	seq.s32 @!p0 s1, $0x0;
	_ =	swait.ge @!p1 [sflag:s5], $0xA60  }
0x33: {  	p3 =	por !p2, p0;
	[sflag:s5] =	ssyncset.done @!p1 $0x0  }
0x34: {  	s2 =	sadd.s32 @!p3 $0x2B4, s8;
	[sflag:s5] =	ssyncadd.s32 @!p1 $0xFFFFF5A0;
	s5 =	simm.s32 @!p3 $0x0  }
0x35: {  	[tilespmem:s5], [sflag:$0x1] =	stream.linear.gather @!p3 [hbm4b:s2+s5], $0x2000, $0x38;
	[tilespmem:$0x4000] =	vst v63  }
0x36: {  	s2 =	simm.s32 @!p3 $0x1  }
0x37: {  	_ =	swait.ge @!p3 [sflag:s2], $0x2000  }
0x38: {  	[sflag:s2] =	ssyncset.done @!p3 $0x0  }
0x39: {  	[sflag:s2] =	ssyncadd.s32 @!p3 $0xFFFFE000  }
0x3a: {  	[hbm4b:s3+s5] =	stream.linear.scatter @!p3 [tilespmem:s5], [sflag:$0x1], $0x2000, $0x38;
	[tilespmem:$0x4000] =	vst v63  }
0x3b: {  	_ =	swait.ge @!p3 [sflag:s2], $0x2000  }
0x3c: {  	[sflag:s2] =	ssyncset.done @!p3 $0x0  }
0x3d: {  	s7 =	sadd.s32 @!p3 $0x194C, s7;
	[sflag:s2] =	ssyncadd.s32 @!p3 $0xFFFFE000  }
0x3e: {  	[tilespmem:s5], [sflag:$0x1] =	stream.linear.gather @!p3 [hbm4b:s7+s5], $0x2000, $0x38;
	[tilespmem:$0x4000] =	vst v63  }
0x3f: {  	_ =	swait.ge @!p3 [sflag:s2], $0x2000  }
0x40: {  	[sflag:s2] =	ssyncset.done @!p3 $0x0  }
0x41: {  	s7 =	sadd.s32 @!p3 $0x194C, s4;
	[sflag:s2] =	ssyncadd.s32 @!p3 $0xFFFFE000  }
0x42: {  	[hbm4b:s7+s5] =	stream.linear.scatter @!p3 [tilespmem:s5], [sflag:$0x1], $0x2000, $0x38;
	[tilespmem:$0x4000] =	vst v63  }
0x43: {  	_ =	swait.ge @!p3 [sflag:s2], $0x2000  }
0x44: {  	p0 =	por p2, p0;
	[sflag:s2] =	ssyncset.done @!p3 $0x0  }
0x45: {  	s5 =	simm.s32 @!p0 $0x0;
	[sflag:s2] =	ssyncadd.s32 @!p3 $0xFFFFE000;
	s2 =	sadd.s32 @!p0 $0x6B4, s8  }
0x46: {  	[tilespmem:s5], [sflag:$0x1] =	stream.linear.gather @!p0 [hbm4b:s2+s5], $0xA60, $0x38;
	[tilespmem:$0x4000] =	vst v63  }
0x47: {  	s2 =	simm.s32 @!p0 $0x1  }
0x48: {  	_ =	swait.ge @!p0 [sflag:s2], $0xA60  }
0x49: {  	[sflag:s2] =	ssyncset.done @!p0 $0x0  }
0x4a: {  	s3 =	sadd.s32 @!p0 $0x400, s3;
	[sflag:s2] =	ssyncadd.s32 @!p0 $0xFFFFF5A0  }
0x4b: {  	[hbm4b:s3+s5] =	stream.linear.scatter @!p0 [tilespmem:s5], [sflag:$0x1], $0xA60, $0x38;
	[tilespmem:$0x4000] =	vst v63  }
0x4c: {  	_ =	swait.ge @!p0 [sflag:s2], $0xA60  }
0x4d: {  	[sflag:s2] =	ssyncset.done @!p0 $0x0  }
0x4e: {  	[sflag:s2] =	ssyncadd.s32 @!p0 $0xFFFFF5A0  }
0x4f: {  	[tilespmem:s5], [sflag:$0x1] =	stream.linear.gather @!p0 [hbm4b:s6+s5], $0x15A0, $0x38;
	[tilespmem:$0x4000] =	vst v63  }
0x50: {  	_ =	swait.ge @!p0 [sflag:s2], $0x15A0  }
0x51: {  	[sflag:s2] =	ssyncset.done @!p0 $0x0  }
.Ltmp2:
0x52: {  	s3 =	sadd.s32 @!p0 $0x1D4C, s4;
	[sflag:s2] =	ssyncadd.s32 @!p0 $0xFFFFEA60;
	(pc) =	sbr.rel .LBB2_7-.Ltmp2, $4  }
0x53: {  	[hbm4b:s3+s5] =	stream.linear.scatter @!p0 [tilespmem:s5], [sflag:$0x1], $0x15A0, $0x38;
	[tilespmem:$0x4000] =	vst v63  }
0x54: {  	_ =	swait.ge @!p0 [sflag:s2], $0x15A0  }
0x55: {  	[sflag:s2] =	ssyncset.done @!p0 $0x0  }
0x56: {  	[sflag:s2] =	ssyncadd.s32 @!p0 $0xFFFFEA60  }
.LBB2_4:
0x57: {  	p0 =	sgt.s32 s1, $0xB  }
.Ltmp3:
0x58: {  	_ = 	snop;
	(pc) =	sbr.rel @p0 .LBB2_6-.Ltmp3, $1  }
0x59: {  	_ =	sdelay $0x3  }
0x5a: {  	p0 =	sgt.s32 s1, $0x9  }
0x5b: {  	p1 =	seq.s32 @p0 s1, $0xA  }
0x5c: {  	p2 =	por !p1, !p0  }
0x5d: {  	s9 =	sadd.s32 @!p2 $0x6B4, s6;
	s11 =	simm.s32 @!p2 $0x0  }
0x5e: {  	[tilespmem:s11], [sflag:$0x1] =	stream.linear.gather @!p2 [hbm4b:s9+s11], $0xA60, $0x38;
	[tilespmem:$0x4000] =	vst v63  }
0x5f: {  	s9 =	simm.s32 @!p2 $0x1  }
0x60: {  	_ =	swait.ge @!p2 [sflag:s9], $0xA60  }
0x61: {  	[sflag:s9] =	ssyncset.done @!p2 $0x0  }
0x62: {  	s12 =	sadd.s32 @!p2 $0x400, s4;
	[sflag:s9] =	ssyncadd.s32 @!p2 $0xFFFFF5A0  }
0x63: {  	[hbm4b:s12+s11] =	stream.linear.scatter @!p2 [tilespmem:s11], [sflag:$0x1], $0xA60, $0x38;
	[tilespmem:$0x4000] =	vst v63  }
0x64: {  	_ =	swait.ge @!p2 [sflag:s9], $0xA60  }
0x65: {  	[sflag:s9] =	ssyncset.done @!p2 $0x0  }
0x66: {  	s12 =	simm.s32 @!p2 $0x2000;
	[sflag:s9] =	ssyncadd.s32 @!p2 $0xFFFFF5A0  }
0x67: {  	[tilespmem:s12], [sflag:$0x1] =	stream.linear.gather @!p2 [hbm4b:s10+s11], $0x15A0, $0x38;
	[tilespmem:$0x4000] =	vst v63  }
0x68: {  	_ =	swait.ge @!p2 [sflag:s9], $0x15A0  }
0x69: {  	[sflag:s9] =	ssyncset.done @!p2 $0x0  }
0x6a: {  	s10 =	sadd.s32 @!p2 $0x1D4C, s2;
	[sflag:s9] =	ssyncadd.s32 @!p2 $0xFFFFEA60  }
0x6b: {  	[hbm4b:s10+s11] =	stream.linear.scatter @!p2 [tilespmem:s12], [sflag:$0x1], $0x15A0, $0x38;
	[tilespmem:$0x4000] =	vst v63  }
0x6c: {  	_ =	swait.ge @!p2 [sflag:s9], $0x15A0  }
0x6d: {  	p3 =	por p1, !p0;
	[sflag:s9] =	ssyncset.done @!p2 $0x0  }
0x6e: {  	s7 =	sadd.s32 @!p3 $0x54C, s7;
	[sflag:s9] =	ssyncadd.s32 @!p2 $0xFFFFEA60;
	s9 =	simm.s32 @!p3 $0x0  }
0x6f: {  	[tilespmem:s9], [sflag:$0x1] =	stream.linear.gather @!p3 [hbm4b:s7+s9], $0x2000, $0x38;
	[tilespmem:$0x4000] =	vst v63  }
0x70: {  	s7 =	simm.s32 @!p3 $0x1  }
0x71: {  	_ =	swait.ge @!p3 [sflag:s7], $0x2000  }
0x72: {  	[sflag:s7] =	ssyncset.done @!p3 $0x0  }
0x73: {  	s10 =	sadd.s32 @!p3 $0x54C, s4;
	[sflag:s7] =	ssyncadd.s32 @!p3 $0xFFFFE000  }
0x74: {  	[hbm4b:s10+s9] =	stream.linear.scatter @!p3 [tilespmem:s9], [sflag:$0x1], $0x2000, $0x38;
	[tilespmem:$0x4000] =	vst v63  }
0x75: {  	p1 =	seq.s32 @!p0 s1, $0x8;
	_ =	swait.ge @!p3 [sflag:s7], $0x2000  }
0x76: {  	p2 =	por !p1, p0;
	[sflag:s7] =	ssyncset.done @!p3 $0x0  }
0x77: {  	[sflag:s7] =	ssyncadd.s32 @!p3 $0xFFFFE000;
	s7 =	simm.s32 @!p2 $0x0  }
0x78: {  	[tilespmem:s7], [sflag:$0x1] =	stream.linear.gather @!p2 [hbm4b:s8+s7], $0x15A0, $0x38;
	[tilespmem:$0x4000] =	vst v63  }
0x79: {  	s8 =	simm.s32 @!p2 $0x1  }
0x7a: {  	_ =	swait.ge @!p2 [sflag:s8], $0x15A0  }
0x7b: {  	[sflag:s8] =	ssyncset.done @!p2 $0x0  }
0x7c: {  	s3 =	sadd.s32 @!p2 $0x1D4C, s3;
	[sflag:s8] =	ssyncadd.s32 @!p2 $0xFFFFEA60  }
0x7d: {  	[hbm4b:s3+s7] =	stream.linear.scatter @!p2 [tilespmem:s7], [sflag:$0x1], $0x15A0, $0x38;
	[tilespmem:$0x4000] =	vst v63  }
0x7e: {  	_ =	swait.ge @!p2 [sflag:s8], $0x15A0  }
0x7f: {  	[sflag:s8] =	ssyncset.done @!p2 $0x0  }
0x80: {  	s9 =	simm.s32 @!p2 $0x2000;
	s3 =	sadd.s32 @!p2 $0x154C, s5;
	[sflag:s8] =	ssyncadd.s32 @!p2 $0xFFFFEA60  }
0x81: {  	[tilespmem:s9], [sflag:$0x1] =	stream.linear.gather @!p2 [hbm4b:s3+s7], $0x2000, $0x38;
	[tilespmem:$0x4000] =	vst v63  }
0x82: {  	_ =	swait.ge @!p2 [sflag:s8], $0x2000  }
0x83: {  	[sflag:s8] =	ssyncset.done @!p2 $0x0  }
0x84: {  	s3 =	sadd.s32 @!p2 $0x154C, s2;
	[sflag:s8] =	ssyncadd.s32 @!p2 $0xFFFFE000  }
0x85: {  	[hbm4b:s3+s7] =	stream.linear.scatter @!p2 [tilespmem:s9], [sflag:$0x1], $0x2000, $0x38;
	[tilespmem:$0x4000] =	vst v63  }
0x86: {  	_ =	swait.ge @!p2 [sflag:s8], $0x2000  }
0x87: {  	p0 =	por p1, p0;
	[sflag:s8] =	ssyncset.done @!p2 $0x0  }
0x88: {  	s3 =	sadd.s32 @!p0 $0x2B4, s6;
	s6 =	simm.s32 @!p0 $0x0;
	[sflag:s8] =	ssyncadd.s32 @!p2 $0xFFFFE000  }
0x89: {  	[tilespmem:s6], [sflag:$0x1] =	stream.linear.gather @!p0 [hbm4b:s3+s6], $0x2000, $0x38;
	[tilespmem:$0x4000] =	vst v63  }
0x8a: {  	s3 =	simm.s32 @!p0 $0x1  }
0x8b: {  	_ =	swait.ge @!p0 [sflag:s3], $0x2000  }
0x8c: {  	[sflag:s3] =	ssyncset.done @!p0 $0x0  }
0x8d: {  	[sflag:s3] =	ssyncadd.s32 @!p0 $0xFFFFE000  }
0x8e: {  	[hbm4b:s4+s6] =	stream.linear.scatter @!p0 [tilespmem:s6], [sflag:$0x1], $0x2000, $0x38;
	[tilespmem:$0x4000] =	vst v63  }
0x8f: {  	_ =	swait.ge @!p0 [sflag:s3], $0x2000  }
0x90: {  	[sflag:s3] =	ssyncset.done @!p0 $0x0  }
0x91: {  	s4 =	sadd.s32 @!p0 $0x194C, s5;
	s5 =	simm.s32 @!p0 $0x2000;
	[sflag:s3] =	ssyncadd.s32 @!p0 $0xFFFFE000  }
0x92: {  	[tilespmem:s5], [sflag:$0x1] =	stream.linear.gather @!p0 [hbm4b:s4+s6], $0x2000, $0x38;
	[tilespmem:$0x4000] =	vst v63  }
0x93: {  	_ =	swait.ge @!p0 [sflag:s3], $0x2000  }
0x94: {  	[sflag:s3] =	ssyncset.done @!p0 $0x0  }
.Ltmp4:
0x95: {  	s2 =	sadd.s32 @!p0 $0x194C, s2;
	[sflag:s3] =	ssyncadd.s32 @!p0 $0xFFFFE000;
	(pc) =	sbr.rel .LBB2_7-.Ltmp4, $4  }
0x96: {  	[hbm4b:s2+s6] =	stream.linear.scatter @!p0 [tilespmem:s5], [sflag:$0x1], $0x2000, $0x38;
	[tilespmem:$0x4000] =	vst v63  }
0x97: {  	_ =	swait.ge @!p0 [sflag:s3], $0x2000  }
0x98: {  	[sflag:s3] =	ssyncset.done @!p0 $0x0  }
0x99: {  	[sflag:s3] =	ssyncadd.s32 @!p0 $0xFFFFE000  }
.LBB2_3:
0x9a: {  	p0 =	sgt.s32 s1, $0x5  }
0x9b: {  	p1 =	seq.s32 @p0 s1, $0x6  }
0x9c: {  	p3 =	por !p1, !p0  }
0x9d: {  	s4 =	sadd.s32 @!p3 $0x154C, s9;
	s6 =	simm.s32 @!p3 $0x0  }
0x9e: {  	[tilespmem:s6], [sflag:$0x1] =	stream.linear.gather @!p3 [hbm4b:s4+s6], $0x2000, $0x38;
	[tilespmem:$0x4000] =	vst v63  }
0x9f: {  	s4 =	simm.s32 @!p3 $0x1  }
0xa0: {  	_ =	swait.ge @!p3 [sflag:s4], $0x2000  }
0xa1: {  	[sflag:s4] =	ssyncset.done @!p3 $0x0  }
0xa2: {  	s7 =	sadd.s32 @!p3 $0x154C, s3;
	[sflag:s4] =	ssyncadd.s32 @!p3 $0xFFFFE000  }
0xa3: {  	[hbm4b:s7+s6] =	stream.linear.scatter @!p3 [tilespmem:s6], [sflag:$0x1], $0x2000, $0x38;
	[tilespmem:$0x4000] =	vst v63  }
0xa4: {  	_ =	swait.ge @!p3 [sflag:s4], $0x2000  }
0xa5: {  	[sflag:s4] =	ssyncset.done @!p3 $0x0  }
0xa6: {  	s8 =	simm.s32 @!p3 $0x2000;
	s7 =	sadd.s32 @!p3 $0xD4C, s5;
	[sflag:s4] =	ssyncadd.s32 @!p3 $0xFFFFE000  }
0xa7: {  	[tilespmem:s8], [sflag:$0x1] =	stream.linear.gather @!p3 [hbm4b:s7+s6], $0x2000, $0x38;
	[tilespmem:$0x4000] =	vst v63  }
0xa8: {  	_ =	swait.ge @!p3 [sflag:s4], $0x2000  }
0xa9: {  	[sflag:s4] =	ssyncset.done @!p3 $0x0  }
0xaa: {  	s7 =	sadd.s32 @!p3 $0xD4C, s2;
	[sflag:s4] =	ssyncadd.s32 @!p3 $0xFFFFE000  }
0xab: {  	[hbm4b:s7+s6] =	stream.linear.scatter @!p3 [tilespmem:s8], [sflag:$0x1], $0x2000, $0x38;
	[tilespmem:$0x4000] =	vst v63  }
0xac: {  	_ =	swait.ge @!p3 [sflag:s4], $0x2000  }
0xad: {  	p2 =	por p1, !p0;
	[sflag:s4] =	ssyncset.done @!p3 $0x0  }
0xae: {  	s6 =	simm.s32 @!p2 $0x0;
	[sflag:s4] =	ssyncadd.s32 @!p3 $0xFFFFE000;
	s4 =	sadd.s32 @!p2 $0x194C, s9  }
0xaf: {  	[tilespmem:s6], [sflag:$0x1] =	stream.linear.gather @!p2 [hbm4b:s4+s6], $0x2000, $0x38;
	[tilespmem:$0x4000] =	vst v63  }
0xb0: {  	s4 =	simm.s32 @!p2 $0x1  }
0xb1: {  	_ =	swait.ge @!p2 [sflag:s4], $0x2000  }
0xb2: {  	[sflag:s4] =	ssyncset.done @!p2 $0x0  }
0xb3: {  	s7 =	sadd.s32 @!p2 $0x194C, s3;
	[sflag:s4] =	ssyncadd.s32 @!p2 $0xFFFFE000  }
0xb4: {  	[hbm4b:s7+s6] =	stream.linear.scatter @!p2 [tilespmem:s6], [sflag:$0x1], $0x2000, $0x38;
	[tilespmem:$0x4000] =	vst v63  }
0xb5: {  	_ =	swait.ge @!p2 [sflag:s4], $0x2000  }
0xb6: {  	[sflag:s4] =	ssyncset.done @!p2 $0x0  }
0xb7: {  	s8 =	simm.s32 @!p2 $0x2000;
	s7 =	sadd.s32 @!p2 $0x114C, s5;
	[sflag:s4] =	ssyncadd.s32 @!p2 $0xFFFFE000  }
0xb8: {  	[tilespmem:s8], [sflag:$0x1] =	stream.linear.gather @!p2 [hbm4b:s7+s6], $0x2000, $0x38;
	[tilespmem:$0x4000] =	vst v63  }
0xb9: {  	_ =	swait.ge @!p2 [sflag:s4], $0x2000  }
0xba: {  	[sflag:s4] =	ssyncset.done @!p2 $0x0  }
0xbb: {  	s7 =	sadd.s32 @!p2 $0x114C, s2;
	[sflag:s4] =	ssyncadd.s32 @!p2 $0xFFFFE000  }
0xbc: {  	[hbm4b:s7+s6] =	stream.linear.scatter @!p2 [tilespmem:s8], [sflag:$0x1], $0x2000, $0x38;
	[tilespmem:$0x4000] =	vst v63  }
0xbd: {  	p1 =	seq.s32 @!p0 s1, $0x4;
	_ =	swait.ge @!p2 [sflag:s4], $0x2000  }
0xbe: {  	p3 =	por !p1, p0;
	[sflag:s4] =	ssyncset.done @!p2 $0x0  }
0xbf: {  	s6 =	simm.s32 @!p3 $0x0;
	[sflag:s4] =	ssyncadd.s32 @!p2 $0xFFFFE000;
	s4 =	sadd.s32 @!p3 $0xD4C, s9  }
0xc0: {  	[tilespmem:s6], [sflag:$0x1] =	stream.linear.gather @!p3 [hbm4b:s4+s6], $0x2000, $0x38;
	[tilespmem:$0x4000] =	vst v63  }
0xc1: {  	s4 =	simm.s32 @!p3 $0x1  }
0xc2: {  	_ =	swait.ge @!p3 [sflag:s4], $0x2000  }
0xc3: {  	[sflag:s4] =	ssyncset.done @!p3 $0x0  }
0xc4: {  	s7 =	sadd.s32 @!p3 $0xD4C, s3;
	[sflag:s4] =	ssyncadd.s32 @!p3 $0xFFFFE000  }
0xc5: {  	[hbm4b:s7+s6] =	stream.linear.scatter @!p3 [tilespmem:s6], [sflag:$0x1], $0x2000, $0x38;
	[tilespmem:$0x4000] =	vst v63  }
0xc6: {  	_ =	swait.ge @!p3 [sflag:s4], $0x2000  }
0xc7: {  	[sflag:s4] =	ssyncset.done @!p3 $0x0  }
0xc8: {  	s8 =	simm.s32 @!p3 $0x2000;
	s7 =	sadd.s32 @!p3 $0x54C, s5;
	[sflag:s4] =	ssyncadd.s32 @!p3 $0xFFFFE000  }
0xc9: {  	[tilespmem:s8], [sflag:$0x1] =	stream.linear.gather @!p3 [hbm4b:s7+s6], $0x2000, $0x38;
	[tilespmem:$0x4000] =	vst v63  }
0xca: {  	_ =	swait.ge @!p3 [sflag:s4], $0x2000  }
0xcb: {  	[sflag:s4] =	ssyncset.done @!p3 $0x0  }
0xcc: {  	s7 =	sadd.s32 @!p3 $0x54C, s2;
	[sflag:s4] =	ssyncadd.s32 @!p3 $0xFFFFE000  }
0xcd: {  	[hbm4b:s7+s6] =	stream.linear.scatter @!p3 [tilespmem:s8], [sflag:$0x1], $0x2000, $0x38;
	[tilespmem:$0x4000] =	vst v63  }
0xce: {  	_ =	swait.ge @!p3 [sflag:s4], $0x2000  }
0xcf: {  	p0 =	por p1, p0;
	[sflag:s4] =	ssyncset.done @!p3 $0x0  }
0xd0: {  	s6 =	simm.s32 @!p0 $0x0;
	[sflag:s4] =	ssyncadd.s32 @!p3 $0xFFFFE000;
	s4 =	sadd.s32 @!p0 $0x114C, s9  }
0xd1: {  	[tilespmem:s6], [sflag:$0x1] =	stream.linear.gather @!p0 [hbm4b:s4+s6], $0x2000, $0x38;
	[tilespmem:$0x4000] =	vst v63  }
0xd2: {  	s4 =	simm.s32 @!p0 $0x1  }
0xd3: {  	_ =	swait.ge @!p0 [sflag:s4], $0x2000  }
0xd4: {  	[sflag:s4] =	ssyncset.done @!p0 $0x0  }
0xd5: {  	s3 =	sadd.s32 @!p0 $0x114C, s3;
	[sflag:s4] =	ssyncadd.s32 @!p0 $0xFFFFE000  }
0xd6: {  	[hbm4b:s3+s6] =	stream.linear.scatter @!p0 [tilespmem:s6], [sflag:$0x1], $0x2000, $0x38;
	[tilespmem:$0x4000] =	vst v63  }
0xd7: {  	_ =	swait.ge @!p0 [sflag:s4], $0x2000  }
0xd8: {  	[sflag:s4] =	ssyncset.done @!p0 $0x0  }
0xd9: {  	s3 =	sadd.s32 @!p0 $0x94C, s5;
	s5 =	simm.s32 @!p0 $0x2000;
	[sflag:s4] =	ssyncadd.s32 @!p0 $0xFFFFE000  }
0xda: {  	[tilespmem:s5], [sflag:$0x1] =	stream.linear.gather @!p0 [hbm4b:s3+s6], $0x2000, $0x38;
	[tilespmem:$0x4000] =	vst v63  }
0xdb: {  	_ =	swait.ge @!p0 [sflag:s4], $0x2000  }
0xdc: {  	[sflag:s4] =	ssyncset.done @!p0 $0x0  }
.Ltmp5:
0xdd: {  	s2 =	sadd.s32 @!p0 $0x94C, s2;
	[sflag:s4] =	ssyncadd.s32 @!p0 $0xFFFFE000;
	(pc) =	sbr.rel .LBB2_7-.Ltmp5, $4  }
0xde: {  	[hbm4b:s2+s6] =	stream.linear.scatter @!p0 [tilespmem:s5], [sflag:$0x1], $0x2000, $0x38;
	[tilespmem:$0x4000] =	vst v63  }
0xdf: {  	_ =	swait.ge @!p0 [sflag:s4], $0x2000  }
0xe0: {  	[sflag:s4] =	ssyncset.done @!p0 $0x0  }
0xe1: {  	[sflag:s4] =	ssyncadd.s32 @!p0 $0xFFFFE000  }
.LBB2_6:
0xe2: {  	p0 =	sgt.s32 s1, $0xD  }
0xe3: {  	p1 =	seq.s32 @p0 s1, $0xE  }
0xe4: {  	p3 =	por !p1, !p0  }
0xe5: {  	s2 =	sadd.s32 @!p3 $0x114C, s7;
	s3 =	simm.s32 @!p3 $0x0  }
0xe6: {  	[tilespmem:s3], [sflag:$0x1] =	stream.linear.gather @!p3 [hbm4b:s2+s3], $0x2000, $0x38;
	[tilespmem:$0x4000] =	vst v63  }
0xe7: {  	s2 =	simm.s32 @!p3 $0x1  }
0xe8: {  	_ =	swait.ge @!p3 [sflag:s2], $0x2000  }
0xe9: {  	[sflag:s2] =	ssyncset.done @!p3 $0x0  }
0xea: {  	s5 =	sadd.s32 @!p3 $0x114C, s4;
	[sflag:s2] =	ssyncadd.s32 @!p3 $0xFFFFE000  }
0xeb: {  	[hbm4b:s5+s3] =	stream.linear.scatter @!p3 [tilespmem:s3], [sflag:$0x1], $0x2000, $0x38;
	[tilespmem:$0x4000] =	vst v63  }
0xec: {  	_ =	swait.ge @!p3 [sflag:s2], $0x2000  }
0xed: {  	p2 =	por p1, !p0;
	[sflag:s2] =	ssyncset.done @!p3 $0x0  }
0xee: {  	s3 =	simm.s32 @!p2 $0x0;
	[sflag:s2] =	ssyncadd.s32 @!p3 $0xFFFFE000;
	s2 =	sadd.s32 @!p2 $0x154C, s7  }
0xef: {  	[tilespmem:s3], [sflag:$0x1] =	stream.linear.gather @!p2 [hbm4b:s2+s3], $0x2000, $0x38;
	[tilespmem:$0x4000] =	vst v63  }
0xf0: {  	s2 =	simm.s32 @!p2 $0x1  }
0xf1: {  	_ =	swait.ge @!p2 [sflag:s2], $0x2000  }
0xf2: {  	[sflag:s2] =	ssyncset.done @!p2 $0x0  }
0xf3: {  	s5 =	sadd.s32 @!p2 $0x154C, s4;
	[sflag:s2] =	ssyncadd.s32 @!p2 $0xFFFFE000  }
0xf4: {  	[hbm4b:s5+s3] =	stream.linear.scatter @!p2 [tilespmem:s3], [sflag:$0x1], $0x2000, $0x38;
	[tilespmem:$0x4000] =	vst v63  }
0xf5: {  	p1 =	seq.s32 @!p0 s1, $0xC;
	_ =	swait.ge @!p2 [sflag:s2], $0x2000  }
0xf6: {  	p3 =	por !p1, p0;
	[sflag:s2] =	ssyncset.done @!p2 $0x0  }
0xf7: {  	s3 =	simm.s32 @!p3 $0x0;
	[sflag:s2] =	ssyncadd.s32 @!p2 $0xFFFFE000;
	s2 =	sadd.s32 @!p3 $0x94C, s7  }
0xf8: {  	[tilespmem:s3], [sflag:$0x1] =	stream.linear.gather @!p3 [hbm4b:s2+s3], $0x2000, $0x38;
	[tilespmem:$0x4000] =	vst v63  }
0xf9: {  	s2 =	simm.s32 @!p3 $0x1  }
0xfa: {  	_ =	swait.ge @!p3 [sflag:s2], $0x2000  }
0xfb: {  	[sflag:s2] =	ssyncset.done @!p3 $0x0  }
0xfc: {  	s5 =	sadd.s32 @!p3 $0x94C, s4;
	[sflag:s2] =	ssyncadd.s32 @!p3 $0xFFFFE000  }
0xfd: {  	[hbm4b:s5+s3] =	stream.linear.scatter @!p3 [tilespmem:s3], [sflag:$0x1], $0x2000, $0x38;
	[tilespmem:$0x4000] =	vst v63  }
0xfe: {  	_ =	swait.ge @!p3 [sflag:s2], $0x2000  }
0xff: {  	p0 =	por p1, p0;
	[sflag:s2] =	ssyncset.done @!p3 $0x0  }
0x100: {  	s3 =	simm.s32 @!p0 $0x0;
	[sflag:s2] =	ssyncadd.s32 @!p3 $0xFFFFE000;
	s2 =	sadd.s32 @!p0 $0xD4C, s7  }
0x101: {  	[tilespmem:s3], [sflag:$0x1] =	stream.linear.gather @!p0 [hbm4b:s2+s3], $0x2000, $0x38;
	[tilespmem:$0x4000] =	vst v63  }
0x102: {  	s2 =	simm.s32 @!p0 $0x1  }
0x103: {  	_ =	swait.ge @!p0 [sflag:s2], $0x2000  }
0x104: {  	[sflag:s2] =	ssyncset.done @!p0 $0x0  }
0x105: {  	s4 =	sadd.s32 @!p0 $0xD4C, s4;
	[sflag:s2] =	ssyncadd.s32 @!p0 $0xFFFFE000  }
0x106: {  	[hbm4b:s4+s3] =	stream.linear.scatter @!p0 [tilespmem:s3], [sflag:$0x1], $0x2000, $0x38;
	[tilespmem:$0x4000] =	vst v63  }
0x107: {  	_ =	swait.ge @!p0 [sflag:s2], $0x2000  }
0x108: {  	[sflag:s2] =	ssyncset.done @!p0 $0x0  }
0x109: {  	[sflag:s2] =	ssyncadd.s32 @!p0 $0xFFFFE000  }
.LBB2_7:
0x10a: {  	_ =	sfence.sel $0x180000  }
0x10b: {  	[bflag:$0x0] =	sbarrier.arrive $0xFFFF  }
0x10c: {  	p0 =	sne.s32 s1, $0x0;
	_ =	strace $0x90000047  }
0x10d: {  	s0 =	sadd.s32 @!p0 $0x100000, s0;
	[bflag:$0x2] =	sbarrier.arrive $0xFFFF  }
0x10e: {  	[sflag:s0] =	ssyncadd.tile.s32 @!p0 $0x1;
	_ =	shalt  }
.Lfunc_end2:
_tile_overlayer_lowered:
.L_overlay_start_2:
0x10f: {  	(tag) =	ssettag $0x2  }
0x110: {  	s0 =	rddreg [dreg:$0x0];
	s2 =	stileid.u32  }
0x111: {  	s1 =	rddreg [dreg:$0x1];
	p0 =	sne.s32 s2, $0x0  }
0x112: {  	s3 =	rddreg [dreg:$0x2];
	[bflag:$0x3] =	sbarrier.arrive $0xFFFF;
	s2 =	simm.s32 @!p0 $0x1C02  }
0x113: {  	[timem:s3], [sflag:s2] =	dma.local @!p0 [hbm:s0], s1  }
0x114: {  	s0 =	simm.s32 @!p0 $0x2  }
0x115: {  	_ =	swait.ge @!p0 [sflag:s0], s1  }
0x116: {  	s1 =	ssub.s32 @!p0 $0x0, s1;
	[sflag:s0] =	ssyncset.done @!p0 $0x0  }
0x117: {  	[sflag:s0] =	ssyncadd.s32 @!p0 s1  }
0x118: {  	[bflag:$0x3] =	sbarrier.arrive $0xFFFF  }
0x119: {  	_ =	shalt  }

</sc_bundles>
